<compile_context>
chip_gen: v7x
topology: tpu7x:2x2x1
jax: 0.10.2.dev20260603
libtpu: 0.0.44.dev20260713+nightly
codegen_flags: <defaults>
</compile_context>

<pallas_src>
import functools

import jax
import jax.numpy as jnp
from jax import lax
from jax.experimental import pallas as pl
from jax.experimental.pallas import tpu as pltpu
from jax.experimental.pallas import tpu_sc as plsc

N_NODES = 10000
N_EDGES = 320000
D = 128

NC = 2
NS = 16
NW = NC * NS
EPW = N_EDGES // NW
CHUNK = 80
NCHUNK = EPW // CHUNK
N_PAD = 10240
SROWS = N_PAD // NS
ZROWS = 8
IDX_SHIFT = 14


def _sc_edge_kernel(feature, ei):
    mesh = plsc.VectorSubcoreMesh(
        core_axis_name="c", subcore_axis_name="s", num_cores=NC, num_subcores=NS
    )

    @functools.partial(
        pl.kernel,
        mesh=mesh,
        compiler_params=pltpu.CompilerParams(use_tc_tiling_on_sc=False, needs_layout_passes=False),
        out_type=(
            jax.ShapeDtypeStruct((NC, N_PAD, D), jnp.float32),
            jax.ShapeDtypeStruct((NW, N_PAD), jnp.float32),
        ),
        scratch_types=[
            pltpu.VMEM_SHARED((N_PAD, D), jnp.float32),
            pltpu.VMEM((8, CHUNK), jnp.int32),
            pltpu.VMEM((8, CHUNK), jnp.int32),
            pltpu.VMEM((CHUNK, D), jnp.float32),
            pltpu.VMEM((CHUNK, D), jnp.float32),
            pltpu.VMEM((CHUNK, D), jnp.float32),
            pltpu.VMEM((ZROWS, D), jnp.float32),
            pltpu.VMEM((N_PAD,), jnp.float32),
            pltpu.SemaphoreType.DMA,
            pltpu.SemaphoreType.DMA,
            pltpu.SemaphoreType.DMA,
            pltpu.SemaphoreType.DMA,
            pltpu.SemaphoreType.DMA,
            pltpu.SemaphoreType.DMA,
            pltpu.SemaphoreType.DMA,
            pltpu.SemaphoreType.DMA,
        ],
    )
    def k(feat_hbm, ei_hbm, out_hbm, deg_hbm,
          acc, sb, db, b0, b1, b2, zbuf, degp,
          g0, g1, g2, s0, s1, s2, semi1, semi2):
        c = lax.axis_index("c")
        s = lax.axis_index("s")
        wid = c * NS + s

        zv = jnp.zeros((16,), jnp.float32)

        def fill_z(r, _):
            for t in range(D // 16):
                zbuf[r, pl.ds(t * 16, 16)] = zv
            return 0
        lax.fori_loop(0, ZROWS, fill_z, 0)

        def fill_dz(r, _):
            degp[pl.ds(r * 16, 16)] = zv
            return 0
        lax.fori_loop(0, N_PAD // 16, fill_dz, 0)

        base = s * SROWS
        for kk in range(SROWS // ZROWS):
            pltpu.sync_copy(zbuf, acc.at[pl.ds(base + kk * ZROWS, ZROWS)])
        plsc.subcore_barrier()

        onev = jnp.full((16,), 1.0, jnp.float32)
        ebase = wid * EPW

        def idx_start(j):
            cj = jnp.minimum(j, NCHUNK - 1)
            off = ebase + cj * CHUNK
            slot = cj & 7
            pltpu.async_copy(ei_hbm.at[0, pl.ds(off, CHUNK)], sb.at[slot], semi1)
            pltpu.async_copy(ei_hbm.at[1, pl.ds(off, CHUNK)], db.at[slot], semi2)

        def idx_wait(j):
            slot = j & 7
            pltpu.make_async_copy(ei_hbm.at[0, pl.ds(0, CHUNK)], sb.at[slot], semi1).wait()
            pltpu.make_async_copy(ei_hbm.at[1, pl.ds(0, CHUNK)], db.at[slot], semi2).wait()

        def scatter_deg(slot):
            for t in range(CHUNK // 16):
                plsc.addupdate_scatter(degp, [db[slot, pl.ds(t * 16, 16)]], onev)

        H = CHUNK // 2

        def gather_start(j, buf, gsem):
            slot = j & 7
            pltpu.async_copy(feat_hbm.at[sb.at[slot, pl.ds(0, H)]],
                             buf.at[pl.ds(0, H)], gsem)
            pltpu.async_copy(feat_hbm.at[sb.at[slot, pl.ds(H, H)]],
                             buf.at[pl.ds(H, H)], gsem)

        def gather_wait(j, buf, gsem):
            slot = j & 7
            pltpu.make_async_copy(feat_hbm.at[sb.at[slot, pl.ds(0, H)]],
                                  buf.at[pl.ds(0, H)], gsem).wait()
            pltpu.make_async_copy(feat_hbm.at[sb.at[slot, pl.ds(H, H)]],
                                  buf.at[pl.ds(H, H)], gsem).wait()

        def scat_start(j, buf, ssem):
            pltpu.async_copy(buf, acc.at[db.at[j & 7]], ssem, add=True)

        def scat_wait(j, buf, ssem):
            pltpu.make_async_copy(buf, acc.at[db.at[j & 7]], ssem).wait()

        def step(j, bj, gj, sj, bp, gp, sp, wait_scat):
            idx_wait(j)
            if wait_scat:
                scat_wait(j - 3, bj, sj)
            gather_start(j, bj, gj)
            gather_wait(j - 2, bp, gp)
            scatter_deg((j - 2) & 7)
            scat_start(j - 2, bp, sp)
            idx_start(j + 4)

        for jj in range(6):
            idx_start(jj)
        idx_wait(0)
        gather_start(0, b0, g0)
        idx_wait(1)
        gather_start(1, b1, g1)

        step(2, b2, g2, s2, b0, g0, s0, False)
        step(3, b0, g0, s0, b1, g1, s1, True)
        step(4, b1, g1, s1, b2, g2, s2, True)

        def triple(i, _):
            j = 5 + 3 * i
            step(j, b2, g2, s2, b0, g0, s0, True)
            step(j + 1, b0, g0, s0, b1, g1, s1, True)
            step(j + 2, b1, g1, s1, b2, g2, s2, True)
            return 0
        lax.fori_loop(0, (NCHUNK - 5) // 3, triple, 0)

        gather_wait(NCHUNK - 2, b0, g0)
        scatter_deg((NCHUNK - 2) & 7)
        scat_start(NCHUNK - 2, b0, s0)
        gather_wait(NCHUNK - 1, b1, g1)
        scatter_deg((NCHUNK - 1) & 7)
        scat_start(NCHUNK - 1, b1, s1)
        scat_wait(NCHUNK - 3, b2, s2)
        scat_wait(NCHUNK - 2, b0, s0)
        scat_wait(NCHUNK - 1, b1, s1)
        for _ in range(4):
            idx_wait(0)

        plsc.subcore_barrier()

        pltpu.sync_copy(acc.at[pl.ds(base, SROWS)],
                        out_hbm.at[c, pl.ds(base, SROWS)])
        pltpu.sync_copy(degp, deg_hbm.at[wid])

    return k(feature, ei)


def _tc_finish_kernel(parts, degp, feature, wt, b2):
    R = 1024

    def body(p_ref, d_ref, f_ref, wt_ref, b_ref, o_ref):
        ssum = p_ref[0] + p_ref[1]
        dsum = jnp.sum(d_ref[...], axis=0)[:, None]
        x = (f_ref[...] * ssum) / jnp.maximum(dsum, 1.0)
        o_ref[...] = (
            jnp.dot(x, wt_ref[...], preferred_element_type=jnp.float32) + b_ref[...]
        )

    return pl.pallas_call(
        body,
        grid=((N_NODES + R - 1) // R,),
        in_specs=[
            pl.BlockSpec((NC, R, D), lambda i: (0, i, 0)),
            pl.BlockSpec((NW, R), lambda i: (0, i)),
            pl.BlockSpec((R, D), lambda i: (i, 0)),
            pl.BlockSpec((D, D), lambda i: (0, 0)),
            pl.BlockSpec((1, D), lambda i: (0, 0)),
        ],
        out_specs=pl.BlockSpec((R, D), lambda i: (i, 0)),
        out_shape=jax.ShapeDtypeStruct((N_NODES, D), jnp.float32),
    )(parts, degp, feature, wt, b2)


def kernel(feature, edge_index, W, b):
    ei = edge_index.astype(jnp.int32)
    parts, degp = _sc_edge_kernel(feature, ei)
    return _tc_finish_kernel(parts, degp, feature, W.T, b.reshape(1, D))

# --- scband reference (transcript-rebuilt; emitter-appended) ---
"""Pipeline reference for scband-gcnlayer-89988154785839 (READ-ONLY COPY).

The authoritative reference and input builder live on the scoring server;
editing this copy changes nothing except your own understanding.
"""

import jax, jax.numpy as jnp
import numpy as np

N_NODES = 10000
N_EDGES = 320000
IN_FEATS = 128
OUT_FEATS = 128


def setup_inputs(seed: int = 0) -> dict:
    key = jax.random.key(seed)
    k1, k2, k3, k4 = jax.random.split(key, 4)
    feature = jax.random.normal(k1, (N_NODES, IN_FEATS), dtype=jnp.float32)
    edge_index = jax.random.randint(k2, (2, N_EDGES), 0, N_NODES, dtype=jnp.int64)
    # nn.Linear(in_feats, out_feats): weight [out, in], bias [out]
    bound = 1.0 / np.sqrt(IN_FEATS)
    W = jax.random.uniform(k3, (OUT_FEATS, IN_FEATS), minval=-bound, maxval=bound, dtype=jnp.float32)
    b = jax.random.uniform(k4, (OUT_FEATS,), minval=-bound, maxval=bound, dtype=jnp.float32)
    return {"feature": feature, "edge_index": edge_index, "W": W, "b": b}


def reference(feature, edge_index, W, b):
    # DGL: g.update_all(fn.u_mul_v('x','x','m'), fn.mean('m','x'))
    src = edge_index[0]
    dst = edge_index[1]
    # message on each edge: elementwise product of src and dst features (gather)
    m = jnp.take(feature, src, axis=0) * jnp.take(feature, dst, axis=0)
    # mean-reduce messages onto destination nodes (scatter-add + degree normalize)
    summed = jax.ops.segment_sum(m, dst, num_segments=N_NODES)
    deg = jax.ops.segment_sum(jnp.ones((m.shape[0],), dtype=jnp.float32), dst, num_segments=N_NODES)
    x = summed / jnp.maximum(deg, 1.0)[:, None]  # zero-in-degree nodes -> 0 (DGL semantics)
    # self.linear(x)
    return x @ W.T + b

if __name__ == "__main__":
    import jax
    _d = setup_inputs()
    print(jax.jit(kernel)(*tuple(_d.values())))

</pallas_src>

<mosaic_0001>
#map = affine_map<(d0, d1) -> (0, 0)>
#map1 = affine_map<(d0, d1) -> (0, 0, 0)>
module attributes {stable_mosaic.version = 14 : i64} {
  func.func @k(%arg0: i32, %arg1: i32, %arg2: memref<10000x128xf32, #tpu.memory_space<hbm>>, %arg3: memref<2x320000xi32, #tpu.memory_space<hbm>>, %arg4: memref<2x10240x128xf32, #tpu.memory_space<hbm>>, %arg5: memref<32x10240xf32, #tpu.memory_space<hbm>>, %arg6: memref<10240x128xf32, #tpu.memory_space<vmem_shared>>, %arg7: memref<8x80xi32, #tpu.memory_space<vmem>>, %arg8: memref<8x80xi32, #tpu.memory_space<vmem>>, %arg9: memref<80x128xf32, #tpu.memory_space<vmem>>, %arg10: memref<80x128xf32, #tpu.memory_space<vmem>>, %arg11: memref<80x128xf32, #tpu.memory_space<vmem>>, %arg12: memref<8x128xf32, #tpu.memory_space<vmem>>, %arg13: memref<10240xf32, #tpu.memory_space<vmem>>, %arg14: memref<!tpu.dma_semaphore, #tpu.memory_space<semaphore_mem>>, %arg15: memref<!tpu.dma_semaphore, #tpu.memory_space<semaphore_mem>>, %arg16: memref<!tpu.dma_semaphore, #tpu.memory_space<semaphore_mem>>, %arg17: memref<!tpu.dma_semaphore, #tpu.memory_space<semaphore_mem>>, %arg18: memref<!tpu.dma_semaphore, #tpu.memory_space<semaphore_mem>>, %arg19: memref<!tpu.dma_semaphore, #tpu.memory_space<semaphore_mem>>, %arg20: memref<!tpu.dma_semaphore, #tpu.memory_space<semaphore_mem>>, %arg21: memref<!tpu.dma_semaphore, #tpu.memory_space<semaphore_mem>>) attributes {dimension_semantics = [#tpu.dimension_semantics<core_parallel>, #tpu.dimension_semantics<subcore_parallel>], iteration_bounds = array<i64: 2, 16>, scalar_prefetch = 0 : i64, scratch_operands = 16 : i64, tpu.core_type = #tpu.core_type<sc_vector_subcore>, window_params = [{transform_indices = #map}, {transform_indices = #map}, {transform_indices = #map1}, {transform_indices = #map}]} {
    %mul3A = arith.constant 16 : i32
    %mul3A_0 = arith.muli %arg0, %mul3A : i32
    %add3A = arith.addi %mul3A_0, %arg1 : i32
    %broadcast_in_dim3A = arith.constant 0.000000e+00 : f32
    %broadcast_in_dim3A_1 = vector.broadcast %broadcast_in_dim3A : f32 to vector<16xf32>
    %scan3A = arith.constant 0 : i32
    %scan3A_2 = arith.constant 0 : i32
    %scan3A_3 = arith.constant 8 : i32
    %scan3A_4 = arith.addi %scan3A_2, %scan3A_3 : i32
    %scan3A_5 = arith.constant 1 : i32
    %scan3A_6 = scf.for %scan3A_1076 = %scan3A_2 to %scan3A_4 step %scan3A_5 iter_args(%scan3A_1077 = %scan3A) -> (i32)  : i32 {
      %swap3A = arith.index_cast %scan3A_1076 : i32 to index
      %swap3A_1078 = arith.constant 0 : index
      %swap3A_1079 = tpu.vector_load %arg12[%swap3A, %swap3A_1078] {strides = array<i32>} : memref<8x128xf32, #tpu.memory_space<vmem>>, vector<16xf32>,
      tpu.vector_store %arg12[%swap3A, %swap3A_1078], %broadcast_in_dim3A_1 {strides = array<i32>} : memref<8x128xf32, #tpu.memory_space<vmem>>, vector<16xf32>,
      %swap3A_1080 = arith.index_cast %scan3A_1076 : i32 to index
      %swap3A_1081 = arith.constant 16 : index
      %swap3A_1082 = tpu.vector_load %arg12[%swap3A_1080, %swap3A_1081] {strides = array<i32>} : memref<8x128xf32, #tpu.memory_space<vmem>>, vector<16xf32>,
      tpu.vector_store %arg12[%swap3A_1080, %swap3A_1081], %broadcast_in_dim3A_1 {strides = array<i32>} : memref<8x128xf32, #tpu.memory_space<vmem>>, vector<16xf32>,
      %swap3A_1083 = arith.index_cast %scan3A_1076 : i32 to index
      %swap3A_1084 = arith.constant 32 : index
      %swap3A_1085 = tpu.vector_load %arg12[%swap3A_1083, %swap3A_1084] {strides = array<i32>} : memref<8x128xf32, #tpu.memory_space<vmem>>, vector<16xf32>,
      tpu.vector_store %arg12[%swap3A_1083, %swap3A_1084], %broadcast_in_dim3A_1 {strides = array<i32>} : memref<8x128xf32, #tpu.memory_space<vmem>>, vector<16xf32>,
      %swap3A_1086 = arith.index_cast %scan3A_1076 : i32 to index
      %swap3A_1087 = arith.constant 48 : index
      %swap3A_1088 = tpu.vector_load %arg12[%swap3A_1086, %swap3A_1087] {strides = array<i32>} : memref<8x128xf32, #tpu.memory_space<vmem>>, vector<16xf32>,
      tpu.vector_store %arg12[%swap3A_1086, %swap3A_1087], %broadcast_in_dim3A_1 {strides = array<i32>} : memref<8x128xf32, #tpu.memory_space<vmem>>, vector<16xf32>,
      %swap3A_1089 = arith.index_cast %scan3A_1076 : i32 to index
      %swap3A_1090 = arith.constant 64 : index
      %swap3A_1091 = tpu.vector_load %arg12[%swap3A_1089, %swap3A_1090] {strides = array<i32>} : memref<8x128xf32, #tpu.memory_space<vmem>>, vector<16xf32>,
      tpu.vector_store %arg12[%swap3A_1089, %swap3A_1090], %broadcast_in_dim3A_1 {strides = array<i32>} : memref<8x128xf32, #tpu.memory_space<vmem>>, vector<16xf32>,
      %swap3A_1092 = arith.index_cast %scan3A_1076 : i32 to index
      %swap3A_1093 = arith.constant 80 : index
      %swap3A_1094 = tpu.vector_load %arg12[%swap3A_1092, %swap3A_1093] {strides = array<i32>} : memref<8x128xf32, #tpu.memory_space<vmem>>, vector<16xf32>,
      tpu.vector_store %arg12[%swap3A_1092, %swap3A_1093], %broadcast_in_dim3A_1 {strides = array<i32>} : memref<8x128xf32, #tpu.memory_space<vmem>>, vector<16xf32>,
      %swap3A_1095 = arith.index_cast %scan3A_1076 : i32 to index
      %swap3A_1096 = arith.constant 96 : index
      %swap3A_1097 = tpu.vector_load %arg12[%swap3A_1095, %swap3A_1096] {strides = array<i32>} : memref<8x128xf32, #tpu.memory_space<vmem>>, vector<16xf32>,
      tpu.vector_store %arg12[%swap3A_1095, %swap3A_1096], %broadcast_in_dim3A_1 {strides = array<i32>} : memref<8x128xf32, #tpu.memory_space<vmem>>, vector<16xf32>,
      %swap3A_1098 = arith.index_cast %scan3A_1076 : i32 to index
      %swap3A_1099 = arith.constant 112 : index
      %swap3A_1100 = tpu.vector_load %arg12[%swap3A_1098, %swap3A_1099] {strides = array<i32>} : memref<8x128xf32, #tpu.memory_space<vmem>>, vector<16xf32>,
      tpu.vector_store %arg12[%swap3A_1098, %swap3A_1099], %broadcast_in_dim3A_1 {strides = array<i32>} : memref<8x128xf32, #tpu.memory_space<vmem>>, vector<16xf32>,
      %scan3A_1101 = arith.constant 0 : i32
      scf.yield %scan3A_1101 : i32
    }
    %scan3A_7 = arith.constant 8 : i32
    %scan3A_8 = arith.constant 0 : i32
    %scan3A_9 = arith.constant 0 : i32
    %scan3A_10 = arith.constant 640 : i32
    %scan3A_11 = arith.addi %scan3A_9, %scan3A_10 : i32
    %scan3A_12 = arith.constant 1 : i32
    %scan3A_13 = scf.for %scan3A_1076 = %scan3A_9 to %scan3A_11 step %scan3A_12 iter_args(%scan3A_1077 = %scan3A_8) -> (i32)  : i32 {
      %mul3A_1078 = arith.constant 16 : i32
      %mul3A_1079 = arith.muli %scan3A_1076, %mul3A_1078 : i32
      %swap3A = arith.index_cast %mul3A_1079 : i32 to index
      %swap3A_1080 = tpu.vector_load %arg13[%swap3A] {strides = array<i32>} : memref<10240xf32, #tpu.memory_space<vmem>>, vector<16xf32>,
      tpu.vector_store %arg13[%swap3A], %broadcast_in_dim3A_1 {strides = array<i32>} : memref<10240xf32, #tpu.memory_space<vmem>>, vector<16xf32>,
      %scan3A_1081 = arith.constant 0 : i32
      scf.yield %scan3A_1081 : i32
    }
    %scan3A_14 = arith.constant 640 : i32
    %mul3A_15 = arith.constant 640 : i32
    %mul3A_16 = arith.muli %arg1, %mul3A_15 : i32
    %add3A_17 = arith.constant 0 : i32
    %add3A_18 = arith.addi %mul3A_16, %add3A_17 : i32
    "tpu.region"() ({
      %run_scoped3A = tpu.sem_alloc : memref<!tpu.dma_semaphore, #tpu.memory_space<semaphore_mem>>
      %dma_start3A_1076 = arith.constant 0 : i32
      %dma_start3A_1077 = tpu.memref_slice %arg6[%add3A_18, %dma_start3A_1076] : memref<10240x128xf32, #tpu.memory_space<vmem_shared>> -> memref<8x128xf32, #tpu.memory_space<vmem_shared>>
      %dma_start3A_1078 = arith.constant 0 : i32
      %dma_start3A_1079 = tpu.memref_slice %arg6[%add3A_18, %dma_start3A_1078] : memref<10240x128xf32, #tpu.memory_space<vmem_shared>> -> memref<8x128xf32, #tpu.memory_space<vmem_shared>>
      tpu.enqueue_dma source(%arg12 : memref<8x128xf32, #tpu.memory_space<vmem>>) target(%dma_start3A_1079 : memref<8x128xf32, #tpu.memory_space<vmem_shared>>) target_semaphore(%run_scoped3A : memref<!tpu.dma_semaphore, #tpu.memory_space<semaphore_mem>>)
      %dma_wait3A_1080 = arith.constant 0 : i32
      %dma_wait3A_1081 = tpu.memref_slice %arg6[%add3A_18, %dma_wait3A_1080] : memref<10240x128xf32, #tpu.memory_space<vmem_shared>> -> memref<8x128xf32, #tpu.memory_space<vmem_shared>>
      %dma_wait3A_1082 = arith.constant 0 : i32
      %dma_wait3A_1083 = tpu.memref_slice %arg6[%add3A_18, %dma_wait3A_1082] : memref<10240x128xf32, #tpu.memory_space<vmem_shared>> -> memref<8x128xf32, #tpu.memory_space<vmem_shared>>
      tpu.wait_dma2 semaphore(%run_scoped3A : memref<!tpu.dma_semaphore, #tpu.memory_space<semaphore_mem>>) src(%arg12 : memref<8x128xf32, #tpu.memory_space<vmem>>) dst(%dma_wait3A_1083 : memref<8x128xf32, #tpu.memory_space<vmem_shared>>)
      tpu.yield
    }) : () -> ()
    %add3A_19 = arith.constant 8 : i32
    %add3A_20 = arith.addi %mul3A_16, %add3A_19 : i32
    "tpu.region"() ({
      %run_scoped3A = tpu.sem_alloc : memref<!tpu.dma_semaphore, #tpu.memory_space<semaphore_mem>>
      %dma_start3A_1076 = arith.constant 0 : i32
      %dma_start3A_1077 = tpu.memref_slice %arg6[%add3A_20, %dma_start3A_1076] : memref<10240x128xf32, #tpu.memory_space<vmem_shared>> -> memref<8x128xf32, #tpu.memory_space<vmem_shared>>
      %dma_start3A_1078 = arith.constant 0 : i32
      %dma_start3A_1079 = tpu.memref_slice %arg6[%add3A_20, %dma_start3A_1078] : memref<10240x128xf32, #tpu.memory_space<vmem_shared>> -> memref<8x128xf32, #tpu.memory_space<vmem_shared>>
      tpu.enqueue_dma source(%arg12 : memref<8x128xf32, #tpu.memory_space<vmem>>) target(%dma_start3A_1079 : memref<8x128xf32, #tpu.memory_space<vmem_shared>>) target_semaphore(%run_scoped3A : memref<!tpu.dma_semaphore, #tpu.memory_space<semaphore_mem>>)
      %dma_wait3A_1080 = arith.constant 0 : i32
      %dma_wait3A_1081 = tpu.memref_slice %arg6[%add3A_20, %dma_wait3A_1080] : memref<10240x128xf32, #tpu.memory_space<vmem_shared>> -> memref<8x128xf32, #tpu.memory_space<vmem_shared>>
      %dma_wait3A_1082 = arith.constant 0 : i32
      %dma_wait3A_1083 = tpu.memref_slice %arg6[%add3A_20, %dma_wait3A_1082] : memref<10240x128xf32, #tpu.memory_space<vmem_shared>> -> memref<8x128xf32, #tpu.memory_space<vmem_shared>>
      tpu.wait_dma2 semaphore(%run_scoped3A : memref<!tpu.dma_semaphore, #tpu.memory_space<semaphore_mem>>) src(%arg12 : memref<8x128xf32, #tpu.memory_space<vmem>>) dst(%dma_wait3A_1083 : memref<8x128xf32, #tpu.memory_space<vmem_shared>>)
      tpu.yield
    }) : () -> ()
    %add3A_21 = arith.constant 16 : i32
    %add3A_22 = arith.addi %mul3A_16, %add3A_21 : i32
    "tpu.region"() ({
      %run_scoped3A = tpu.sem_alloc : memref<!tpu.dma_semaphore, #tpu.memory_space<semaphore_mem>>
      %dma_start3A_1076 = arith.constant 0 : i32
      %dma_start3A_1077 = tpu.memref_slice %arg6[%add3A_22, %dma_start3A_1076] : memref<10240x128xf32, #tpu.memory_space<vmem_shared>> -> memref<8x128xf32, #tpu.memory_space<vmem_shared>>
      %dma_start3A_1078 = arith.constant 0 : i32
      %dma_start3A_1079 = tpu.memref_slice %arg6[%add3A_22, %dma_start3A_1078] : memref<10240x128xf32, #tpu.memory_space<vmem_shared>> -> memref<8x128xf32, #tpu.memory_space<vmem_shared>>
      tpu.enqueue_dma source(%arg12 : memref<8x128xf32, #tpu.memory_space<vmem>>) target(%dma_start3A_1079 : memref<8x128xf32, #tpu.memory_space<vmem_shared>>) target_semaphore(%run_scoped3A : memref<!tpu.dma_semaphore, #tpu.memory_space<semaphore_mem>>)
      %dma_wait3A_1080 = arith.constant 0 : i32
      %dma_wait3A_1081 = tpu.memref_slice %arg6[%add3A_22, %dma_wait3A_1080] : memref<10240x128xf32, #tpu.memory_space<vmem_shared>> -> memref<8x128xf32, #tpu.memory_space<vmem_shared>>
      %dma_wait3A_1082 = arith.constant 0 : i32
      %dma_wait3A_1083 = tpu.memref_slice %arg6[%add3A_22, %dma_wait3A_1082] : memref<10240x128xf32, #tpu.memory_space<vmem_shared>> -> memref<8x128xf32, #tpu.memory_space<vmem_shared>>
      tpu.wait_dma2 semaphore(%run_scoped3A : memref<!tpu.dma_semaphore, #tpu.memory_space<semaphore_mem>>) src(%arg12 : memref<8x128xf32, #tpu.memory_space<vmem>>) dst(%dma_wait3A_1083 : memref<8x128xf32, #tpu.memory_space<vmem_shared>>)
      tpu.yield
    }) : () -> ()
    %add3A_23 = arith.constant 24 : i32
    %add3A_24 = arith.addi %mul3A_16, %add3A_23 : i32
    "tpu.region"() ({
      %run_scoped3A = tpu.sem_alloc : memref<!tpu.dma_semaphore, #tpu.memory_space<semaphore_mem>>
      %dma_start3A_1076 = arith.constant 0 : i32
      %dma_start3A_1077 = tpu.memref_slice %arg6[%add3A_24, %dma_start3A_1076] : memref<10240x128xf32, #tpu.memory_space<vmem_shared>> -> memref<8x128xf32, #tpu.memory_space<vmem_shared>>
      %dma_start3A_1078 = arith.constant 0 : i32
      %dma_start3A_1079 = tpu.memref_slice %arg6[%add3A_24, %dma_start3A_1078] : memref<10240x128xf32, #tpu.memory_space<vmem_shared>> -> memref<8x128xf32, #tpu.memory_space<vmem_shared>>
      tpu.enqueue_dma source(%arg12 : memref<8x128xf32, #tpu.memory_space<vmem>>) target(%dma_start3A_1079 : memref<8x128xf32, #tpu.memory_space<vmem_shared>>) target_semaphore(%run_scoped3A : memref<!tpu.dma_semaphore, #tpu.memory_space<semaphore_mem>>)
      %dma_wait3A_1080 = arith.constant 0 : i32
      %dma_wait3A_1081 = tpu.memref_slice %arg6[%add3A_24, %dma_wait3A_1080] : memref<10240x128xf32, #tpu.memory_space<vmem_shared>> -> memref<8x128xf32, #tpu.memory_space<vmem_shared>>
      %dma_wait3A_1082 = arith.constant 0 : i32
      %dma_wait3A_1083 = tpu.memref_slice %arg6[%add3A_24, %dma_wait3A_1082] : memref<10240x128xf32, #tpu.memory_space<vmem_shared>> -> memref<8x128xf32, #tpu.memory_space<vmem_shared>>
      tpu.wait_dma2 semaphore(%run_scoped3A : memref<!tpu.dma_semaphore, #tpu.memory_space<semaphore_mem>>) src(%arg12 : memref<8x128xf32, #tpu.memory_space<vmem>>) dst(%dma_wait3A_1083 : memref<8x128xf32, #tpu.memory_space<vmem_shared>>)
      tpu.yield
    }) : () -> ()
    %add3A_25 = arith.constant 32 : i32
    %add3A_26 = arith.addi %mul3A_16, %add3A_25 : i32
    "tpu.region"() ({
      %run_scoped3A = tpu.sem_alloc : memref<!tpu.dma_semaphore, #tpu.memory_space<semaphore_mem>>
      %dma_start3A_1076 = arith.constant 0 : i32
      %dma_start3A_1077 = tpu.memref_slice %arg6[%add3A_26, %dma_start3A_1076] : memref<10240x128xf32, #tpu.memory_space<vmem_shared>> -> memref<8x128xf32, #tpu.memory_space<vmem_shared>>
      %dma_start3A_1078 = arith.constant 0 : i32
      %dma_start3A_1079 = tpu.memref_slice %arg6[%add3A_26, %dma_start3A_1078] : memref<10240x128xf32, #tpu.memory_space<vmem_shared>> -> memref<8x128xf32, #tpu.memory_space<vmem_shared>>
      tpu.enqueue_dma source(%arg12 : memref<8x128xf32, #tpu.memory_space<vmem>>) target(%dma_start3A_1079 : memref<8x128xf32, #tpu.memory_space<vmem_shared>>) target_semaphore(%run_scoped3A : memref<!tpu.dma_semaphore, #tpu.memory_space<semaphore_mem>>)
      %dma_wait3A_1080 = arith.constant 0 : i32
      %dma_wait3A_1081 = tpu.memref_slice %arg6[%add3A_26, %dma_wait3A_1080] : memref<10240x128xf32, #tpu.memory_space<vmem_shared>> -> memref<8x128xf32, #tpu.memory_space<vmem_shared>>
      %dma_wait3A_1082 = arith.constant 0 : i32
      %dma_wait3A_1083 = tpu.memref_slice %arg6[%add3A_26, %dma_wait3A_1082] : memref<10240x128xf32, #tpu.memory_space<vmem_shared>> -> memref<8x128xf32, #tpu.memory_space<vmem_shared>>
      tpu.wait_dma2 semaphore(%run_scoped3A : memref<!tpu.dma_semaphore, #tpu.memory_space<semaphore_mem>>) src(%arg12 : memref<8x128xf32, #tpu.memory_space<vmem>>) dst(%dma_wait3A_1083 : memref<8x128xf32, #tpu.memory_space<vmem_shared>>)
      tpu.yield
    }) : () -> ()
    %add3A_27 = arith.constant 40 : i32
    %add3A_28 = arith.addi %mul3A_16, %add3A_27 : i32
    "tpu.region"() ({
      %run_scoped3A = tpu.sem_alloc : memref<!tpu.dma_semaphore, #tpu.memory_space<semaphore_mem>>
      %dma_start3A_1076 = arith.constant 0 : i32
      %dma_start3A_1077 = tpu.memref_slice %arg6[%add3A_28, %dma_start3A_1076] : memref<10240x128xf32, #tpu.memory_space<vmem_shared>> -> memref<8x128xf32, #tpu.memory_space<vmem_shared>>
      %dma_start3A_1078 = arith.constant 0 : i32
      %dma_start3A_1079 = tpu.memref_slice %arg6[%add3A_28, %dma_start3A_1078] : memref<10240x128xf32, #tpu.memory_space<vmem_shared>> -> memref<8x128xf32, #tpu.memory_space<vmem_shared>>
      tpu.enqueue_dma source(%arg12 : memref<8x128xf32, #tpu.memory_space<vmem>>) target(%dma_start3A_1079 : memref<8x128xf32, #tpu.memory_space<vmem_shared>>) target_semaphore(%run_scoped3A : memref<!tpu.dma_semaphore, #tpu.memory_space<semaphore_mem>>)
      %dma_wait3A_1080 = arith.constant 0 : i32
      %dma_wait3A_1081 = tpu.memref_slice %arg6[%add3A_28, %dma_wait3A_1080] : memref<10240x128xf32, #tpu.memory_space<vmem_shared>> -> memref<8x128xf32, #tpu.memory_space<vmem_shared>>
      %dma_wait3A_1082 = arith.constant 0 : i32
      %dma_wait3A_1083 = tpu.memref_slice %arg6[%add3A_28, %dma_wait3A_1082] : memref<10240x128xf32, #tpu.memory_space<vmem_shared>> -> memref<8x128xf32, #tpu.memory_space<vmem_shared>>
      tpu.wait_dma2 semaphore(%run_scoped3A : memref<!tpu.dma_semaphore, #tpu.memory_space<semaphore_mem>>) src(%arg12 : memref<8x128xf32, #tpu.memory_space<vmem>>) dst(%dma_wait3A_1083 : memref<8x128xf32, #tpu.memory_space<vmem_shared>>)
      tpu.yield
    }) : () -> ()
    %add3A_29 = arith.constant 48 : i32
    %add3A_30 = arith.addi %mul3A_16, %add3A_29 : i32
    "tpu.region"() ({
      %run_scoped3A = tpu.sem_alloc : memref<!tpu.dma_semaphore, #tpu.memory_space<semaphore_mem>>
      %dma_start3A_1076 = arith.constant 0 : i32
      %dma_start3A_1077 = tpu.memref_slice %arg6[%add3A_30, %dma_start3A_1076] : memref<10240x128xf32, #tpu.memory_space<vmem_shared>> -> memref<8x128xf32, #tpu.memory_space<vmem_shared>>
      %dma_start3A_1078 = arith.constant 0 : i32
      %dma_start3A_1079 = tpu.memref_slice %arg6[%add3A_30, %dma_start3A_1078] : memref<10240x128xf32, #tpu.memory_space<vmem_shared>> -> memref<8x128xf32, #tpu.memory_space<vmem_shared>>
      tpu.enqueue_dma source(%arg12 : memref<8x128xf32, #tpu.memory_space<vmem>>) target(%dma_start3A_1079 : memref<8x128xf32, #tpu.memory_space<vmem_shared>>) target_semaphore(%run_scoped3A : memref<!tpu.dma_semaphore, #tpu.memory_space<semaphore_mem>>)
      %dma_wait3A_1080 = arith.constant 0 : i32
      %dma_wait3A_1081 = tpu.memref_slice %arg6[%add3A_30, %dma_wait3A_1080] : memref<10240x128xf32, #tpu.memory_space<vmem_shared>> -> memref<8x128xf32, #tpu.memory_space<vmem_shared>>
      %dma_wait3A_1082 = arith.constant 0 : i32
      %dma_wait3A_1083 = tpu.memref_slice %arg6[%add3A_30, %dma_wait3A_1082] : memref<10240x128xf32, #tpu.memory_space<vmem_shared>> -> memref<8x128xf32, #tpu.memory_space<vmem_shared>>
      tpu.wait_dma2 semaphore(%run_scoped3A : memref<!tpu.dma_semaphore, #tpu.memory_space<semaphore_mem>>) src(%arg12 : memref<8x128xf32, #tpu.memory_space<vmem>>) dst(%dma_wait3A_1083 : memref<8x128xf32, #tpu.memory_space<vmem_shared>>)
      tpu.yield
    }) : () -> ()
    %add3A_31 = arith.constant 56 : i32
    %add3A_32 = arith.addi %mul3A_16, %add3A_31 : i32
    "tpu.region"() ({
      %run_scoped3A = tpu.sem_alloc : memref<!tpu.dma_semaphore, #tpu.memory_space<semaphore_mem>>
      %dma_start3A_1076 = arith.constant 0 : i32
      %dma_start3A_1077 = tpu.memref_slice %arg6[%add3A_32, %dma_start3A_1076] : memref<10240x128xf32, #tpu.memory_space<vmem_shared>> -> memref<8x128xf32, #tpu.memory_space<vmem_shared>>
      %dma_start3A_1078 = arith.constant 0 : i32
      %dma_start3A_1079 = tpu.memref_slice %arg6[%add3A_32, %dma_start3A_1078] : memref<10240x128xf32, #tpu.memory_space<vmem_shared>> -> memref<8x128xf32, #tpu.memory_space<vmem_shared>>
      tpu.enqueue_dma source(%arg12 : memref<8x128xf32, #tpu.memory_space<vmem>>) target(%dma_start3A_1079 : memref<8x128xf32, #tpu.memory_space<vmem_shared>>) target_semaphore(%run_scoped3A : memref<!tpu.dma_semaphore, #tpu.memory_space<semaphore_mem>>)
      %dma_wait3A_1080 = arith.constant 0 : i32
      %dma_wait3A_1081 = tpu.memref_slice %arg6[%add3A_32, %dma_wait3A_1080] : memref<10240x128xf32, #tpu.memory_space<vmem_shared>> -> memref<8x128xf32, #tpu.memory_space<vmem_shared>>
      %dma_wait3A_1082 = arith.constant 0 : i32
      %dma_wait3A_1083 = tpu.memref_slice %arg6[%add3A_32, %dma_wait3A_1082] : memref<10240x128xf32, #tpu.memory_space<vmem_shared>> -> memref<8x128xf32, #tpu.memory_space<vmem_shared>>
      tpu.wait_dma2 semaphore(%run_scoped3A : memref<!tpu.dma_semaphore, #tpu.memory_space<semaphore_mem>>) src(%arg12 : memref<8x128xf32, #tpu.memory_space<vmem>>) dst(%dma_wait3A_1083 : memref<8x128xf32, #tpu.memory_space<vmem_shared>>)
      tpu.yield
    }) : () -> ()
    %add3A_33 = arith.constant 64 : i32
    %add3A_34 = arith.addi %mul3A_16, %add3A_33 : i32
    "tpu.region"() ({
      %run_scoped3A = tpu.sem_alloc : memref<!tpu.dma_semaphore, #tpu.memory_space<semaphore_mem>>
      %dma_start3A_1076 = arith.constant 0 : i32
      %dma_start3A_1077 = tpu.memref_slice %arg6[%add3A_34, %dma_start3A_1076] : memref<10240x128xf32, #tpu.memory_space<vmem_shared>> -> memref<8x128xf32, #tpu.memory_space<vmem_shared>>
      %dma_start3A_1078 = arith.constant 0 : i32
      %dma_start3A_1079 = tpu.memref_slice %arg6[%add3A_34, %dma_start3A_1078] : memref<10240x128xf32, #tpu.memory_space<vmem_shared>> -> memref<8x128xf32, #tpu.memory_space<vmem_shared>>
      tpu.enqueue_dma source(%arg12 : memref<8x128xf32, #tpu.memory_space<vmem>>) target(%dma_start3A_1079 : memref<8x128xf32, #tpu.memory_space<vmem_shared>>) target_semaphore(%run_scoped3A : memref<!tpu.dma_semaphore, #tpu.memory_space<semaphore_mem>>)
      %dma_wait3A_1080 = arith.constant 0 : i32
      %dma_wait3A_1081 = tpu.memref_slice %arg6[%add3A_34, %dma_wait3A_1080] : memref<10240x128xf32, #tpu.memory_space<vmem_shared>> -> memref<8x128xf32, #tpu.memory_space<vmem_shared>>
      %dma_wait3A_1082 = arith.constant 0 : i32
      %dma_wait3A_1083 = tpu.memref_slice %arg6[%add3A_34, %dma_wait3A_1082] : memref<10240x128xf32, #tpu.memory_space<vmem_shared>> -> memref<8x128xf32, #tpu.memory_space<vmem_shared>>
      tpu.wait_dma2 semaphore(%run_scoped3A : memref<!tpu.dma_semaphore, #tpu.memory_space<semaphore_mem>>) src(%arg12 : memref<8x128xf32, #tpu.memory_space<vmem>>) dst(%dma_wait3A_1083 : memref<8x128xf32, #tpu.memory_space<vmem_shared>>)
      tpu.yield
    }) : () -> ()
    %add3A_35 = arith.constant 72 : i32
    %add3A_36 = arith.addi %mul3A_16, %add3A_35 : i32
    "tpu.region"() ({
      %run_scoped3A = tpu.sem_alloc : memref<!tpu.dma_semaphore, #tpu.memory_space<semaphore_mem>>
      %dma_start3A_1076 = arith.constant 0 : i32
      %dma_start3A_1077 = tpu.memref_slice %arg6[%add3A_36, %dma_start3A_1076] : memref<10240x128xf32, #tpu.memory_space<vmem_shared>> -> memref<8x128xf32, #tpu.memory_space<vmem_shared>>
      %dma_start3A_1078 = arith.constant 0 : i32
      %dma_start3A_1079 = tpu.memref_slice %arg6[%add3A_36, %dma_start3A_1078] : memref<10240x128xf32, #tpu.memory_space<vmem_shared>> -> memref<8x128xf32, #tpu.memory_space<vmem_shared>>
      tpu.enqueue_dma source(%arg12 : memref<8x128xf32, #tpu.memory_space<vmem>>) target(%dma_start3A_1079 : memref<8x128xf32, #tpu.memory_space<vmem_shared>>) target_semaphore(%run_scoped3A : memref<!tpu.dma_semaphore, #tpu.memory_space<semaphore_mem>>)
      %dma_wait3A_1080 = arith.constant 0 : i32
      %dma_wait3A_1081 = tpu.memref_slice %arg6[%add3A_36, %dma_wait3A_1080] : memref<10240x128xf32, #tpu.memory_space<vmem_shared>> -> memref<8x128xf32, #tpu.memory_space<vmem_shared>>
      %dma_wait3A_1082 = arith.constant 0 : i32
      %dma_wait3A_1083 = tpu.memref_slice %arg6[%add3A_36, %dma_wait3A_1082] : memref<10240x128xf32, #tpu.memory_space<vmem_shared>> -> memref<8x128xf32, #tpu.memory_space<vmem_shared>>
      tpu.wait_dma2 semaphore(%run_scoped3A : memref<!tpu.dma_semaphore, #tpu.memory_space<semaphore_mem>>) src(%arg12 : memref<8x128xf32, #tpu.memory_space<vmem>>) dst(%dma_wait3A_1083 : memref<8x128xf32, #tpu.memory_space<vmem_shared>>)
      tpu.yield
    }) : () -> ()
    %add3A_37 = arith.constant 80 : i32
    %add3A_38 = arith.addi %mul3A_16, %add3A_37 : i32
    "tpu.region"() ({
      %run_scoped3A = tpu.sem_alloc : memref<!tpu.dma_semaphore, #tpu.memory_space<semaphore_mem>>
      %dma_start3A_1076 = arith.constant 0 : i32
      %dma_start3A_1077 = tpu.memref_slice %arg6[%add3A_38, %dma_start3A_1076] : memref<10240x128xf32, #tpu.memory_space<vmem_shared>> -> memref<8x128xf32, #tpu.memory_space<vmem_shared>>
      %dma_start3A_1078 = arith.constant 0 : i32
      %dma_start3A_1079 = tpu.memref_slice %arg6[%add3A_38, %dma_start3A_1078] : memref<10240x128xf32, #tpu.memory_space<vmem_shared>> -> memref<8x128xf32, #tpu.memory_space<vmem_shared>>
      tpu.enqueue_dma source(%arg12 : memref<8x128xf32, #tpu.memory_space<vmem>>) target(%dma_start3A_1079 : memref<8x128xf32, #tpu.memory_space<vmem_shared>>) target_semaphore(%run_scoped3A : memref<!tpu.dma_semaphore, #tpu.memory_space<semaphore_mem>>)
      %dma_wait3A_1080 = arith.constant 0 : i32
      %dma_wait3A_1081 = tpu.memref_slice %arg6[%add3A_38, %dma_wait3A_1080] : memref<10240x128xf32, #tpu.memory_space<vmem_shared>> -> memref<8x128xf32, #tpu.memory_space<vmem_shared>>
      %dma_wait3A_1082 = arith.constant 0 : i32
      %dma_wait3A_1083 = tpu.memref_slice %arg6[%add3A_38, %dma_wait3A_1082] : memref<10240x128xf32, #tpu.memory_space<vmem_shared>> -> memref<8x128xf32, #tpu.memory_space<vmem_shared>>
      tpu.wait_dma2 semaphore(%run_scoped3A : memref<!tpu.dma_semaphore, #tpu.memory_space<semaphore_mem>>) src(%arg12 : memref<8x128xf32, #tpu.memory_space<vmem>>) dst(%dma_wait3A_1083 : memref<8x128xf32, #tpu.memory_space<vmem_shared>>)
      tpu.yield
    }) : () -> ()
    %add3A_39 = arith.constant 88 : i32
    %add3A_40 = arith.addi %mul3A_16, %add3A_39 : i32
    "tpu.region"() ({
      %run_scoped3A = tpu.sem_alloc : memref<!tpu.dma_semaphore, #tpu.memory_space<semaphore_mem>>
      %dma_start3A_1076 = arith.constant 0 : i32
      %dma_start3A_1077 = tpu.memref_slice %arg6[%add3A_40, %dma_start3A_1076] : memref<10240x128xf32, #tpu.memory_space<vmem_shared>> -> memref<8x128xf32, #tpu.memory_space<vmem_shared>>
      %dma_start3A_1078 = arith.constant 0 : i32
      %dma_start3A_1079 = tpu.memref_slice %arg6[%add3A_40, %dma_start3A_1078] : memref<10240x128xf32, #tpu.memory_space<vmem_shared>> -> memref<8x128xf32, #tpu.memory_space<vmem_shared>>
      tpu.enqueue_dma source(%arg12 : memref<8x128xf32, #tpu.memory_space<vmem>>) target(%dma_start3A_1079 : memref<8x128xf32, #tpu.memory_space<vmem_shared>>) target_semaphore(%run_scoped3A : memref<!tpu.dma_semaphore, #tpu.memory_space<semaphore_mem>>)
      %dma_wait3A_1080 = arith.constant 0 : i32
      %dma_wait3A_1081 = tpu.memref_slice %arg6[%add3A_40, %dma_wait3A_1080] : memref<10240x128xf32, #tpu.memory_space<vmem_shared>> -> memref<8x128xf32, #tpu.memory_space<vmem_shared>>
      %dma_wait3A_1082 = arith.constant 0 : i32
      %dma_wait3A_1083 = tpu.memref_slice %arg6[%add3A_40, %dma_wait3A_1082] : memref<10240x128xf32, #tpu.memory_space<vmem_shared>> -> memref<8x128xf32, #tpu.memory_space<vmem_shared>>
      tpu.wait_dma2 semaphore(%run_scoped3A : memref<!tpu.dma_semaphore, #tpu.memory_space<semaphore_mem>>) src(%arg12 : memref<8x128xf32, #tpu.memory_space<vmem>>) dst(%dma_wait3A_1083 : memref<8x128xf32, #tpu.memory_space<vmem_shared>>)
      tpu.yield
    }) : () -> ()
    %add3A_41 = arith.constant 96 : i32
    %add3A_42 = arith.addi %mul3A_16, %add3A_41 : i32
    "tpu.region"() ({
      %run_scoped3A = tpu.sem_alloc : memref<!tpu.dma_semaphore, #tpu.memory_space<semaphore_mem>>
      %dma_start3A_1076 = arith.constant 0 : i32
      %dma_start3A_1077 = tpu.memref_slice %arg6[%add3A_42, %dma_start3A_1076] : memref<10240x128xf32, #tpu.memory_space<vmem_shared>> -> memref<8x128xf32, #tpu.memory_space<vmem_shared>>
      %dma_start3A_1078 = arith.constant 0 : i32
      %dma_start3A_1079 = tpu.memref_slice %arg6[%add3A_42, %dma_start3A_1078] : memref<10240x128xf32, #tpu.memory_space<vmem_shared>> -> memref<8x128xf32, #tpu.memory_space<vmem_shared>>
      tpu.enqueue_dma source(%arg12 : memref<8x128xf32, #tpu.memory_space<vmem>>) target(%dma_start3A_1079 : memref<8x128xf32, #tpu.memory_space<vmem_shared>>) target_semaphore(%run_scoped3A : memref<!tpu.dma_semaphore, #tpu.memory_space<semaphore_mem>>)
      %dma_wait3A_1080 = arith.constant 0 : i32
      %dma_wait3A_1081 = tpu.memref_slice %arg6[%add3A_42, %dma_wait3A_1080] : memref<10240x128xf32, #tpu.memory_space<vmem_shared>> -> memref<8x128xf32, #tpu.memory_space<vmem_shared>>
      %dma_wait3A_1082 = arith.constant 0 : i32
      %dma_wait3A_1083 = tpu.memref_slice %arg6[%add3A_42, %dma_wait3A_1082] : memref<10240x128xf32, #tpu.memory_space<vmem_shared>> -> memref<8x128xf32, #tpu.memory_space<vmem_shared>>
      tpu.wait_dma2 semaphore(%run_scoped3A : memref<!tpu.dma_semaphore, #tpu.memory_space<semaphore_mem>>) src(%arg12 : memref<8x128xf32, #tpu.memory_space<vmem>>) dst(%dma_wait3A_1083 : memref<8x128xf32, #tpu.memory_space<vmem_shared>>)
      tpu.yield
    }) : () -> ()
    %add3A_43 = arith.constant 104 : i32
    %add3A_44 = arith.addi %mul3A_16, %add3A_43 : i32
    "tpu.region"() ({
      %run_scoped3A = tpu.sem_alloc : memref<!tpu.dma_semaphore, #tpu.memory_space<semaphore_mem>>
      %dma_start3A_1076 = arith.constant 0 : i32
      %dma_start3A_1077 = tpu.memref_slice %arg6[%add3A_44, %dma_start3A_1076] : memref<10240x128xf32, #tpu.memory_space<vmem_shared>> -> memref<8x128xf32, #tpu.memory_space<vmem_shared>>
      %dma_start3A_1078 = arith.constant 0 : i32
      %dma_start3A_1079 = tpu.memref_slice %arg6[%add3A_44, %dma_start3A_1078] : memref<10240x128xf32, #tpu.memory_space<vmem_shared>> -> memref<8x128xf32, #tpu.memory_space<vmem_shared>>
      tpu.enqueue_dma source(%arg12 : memref<8x128xf32, #tpu.memory_space<vmem>>) target(%dma_start3A_1079 : memref<8x128xf32, #tpu.memory_space<vmem_shared>>) target_semaphore(%run_scoped3A : memref<!tpu.dma_semaphore, #tpu.memory_space<semaphore_mem>>)
      %dma_wait3A_1080 = arith.constant 0 : i32
      %dma_wait3A_1081 = tpu.memref_slice %arg6[%add3A_44, %dma_wait3A_1080] : memref<10240x128xf32, #tpu.memory_space<vmem_shared>> -> memref<8x128xf32, #tpu.memory_space<vmem_shared>>
      %dma_wait3A_1082 = arith.constant 0 : i32
      %dma_wait3A_1083 = tpu.memref_slice %arg6[%add3A_44, %dma_wait3A_1082] : memref<10240x128xf32, #tpu.memory_space<vmem_shared>> -> memref<8x128xf32, #tpu.memory_space<vmem_shared>>
      tpu.wait_dma2 semaphore(%run_scoped3A : memref<!tpu.dma_semaphore, #tpu.memory_space<semaphore_mem>>) src(%arg12 : memref<8x128xf32, #tpu.memory_space<vmem>>) dst(%dma_wait3A_1083 : memref<8x128xf32, #tpu.memory_space<vmem_shared>>)
      tpu.yield
    }) : () -> ()
    %add3A_45 = arith.constant 112 : i32
    %add3A_46 = arith.addi %mul3A_16, %add3A_45 : i32
    "tpu.region"() ({
      %run_scoped3A = tpu.sem_alloc : memref<!tpu.dma_semaphore, #tpu.memory_space<semaphore_mem>>
      %dma_start3A_1076 = arith.constant 0 : i32
      %dma_start3A_1077 = tpu.memref_slice %arg6[%add3A_46, %dma_start3A_1076] : memref<10240x128xf32, #tpu.memory_space<vmem_shared>> -> memref<8x128xf32, #tpu.memory_space<vmem_shared>>
      %dma_start3A_1078 = arith.constant 0 : i32
      %dma_start3A_1079 = tpu.memref_slice %arg6[%add3A_46, %dma_start3A_1078] : memref<10240x128xf32, #tpu.memory_space<vmem_shared>> -> memref<8x128xf32, #tpu.memory_space<vmem_shared>>
      tpu.enqueue_dma source(%arg12 : memref<8x128xf32, #tpu.memory_space<vmem>>) target(%dma_start3A_1079 : memref<8x128xf32, #tpu.memory_space<vmem_shared>>) target_semaphore(%run_scoped3A : memref<!tpu.dma_semaphore, #tpu.memory_space<semaphore_mem>>)
      %dma_wait3A_1080 = arith.constant 0 : i32
      %dma_wait3A_1081 = tpu.memref_slice %arg6[%add3A_46, %dma_wait3A_1080] : memref<10240x128xf32, #tpu.memory_space<vmem_shared>> -> memref<8x128xf32, #tpu.memory_space<vmem_shared>>
      %dma_wait3A_1082 = arith.constant 0 : i32
      %dma_wait3A_1083 = tpu.memref_slice %arg6[%add3A_46, %dma_wait3A_1082] : memref<10240x128xf32, #tpu.memory_space<vmem_shared>> -> memref<8x128xf32, #tpu.memory_space<vmem_shared>>
      tpu.wait_dma2 semaphore(%run_scoped3A : memref<!tpu.dma_semaphore, #tpu.memory_space<semaphore_mem>>) src(%arg12 : memref<8x128xf32, #tpu.memory_space<vmem>>) dst(%dma_wait3A_1083 : memref<8x128xf32, #tpu.memory_space<vmem_shared>>)
      tpu.yield
    }) : () -> ()
    %add3A_47 = arith.constant 120 : i32
    %add3A_48 = arith.addi %mul3A_16, %add3A_47 : i32
    "tpu.region"() ({
      %run_scoped3A = tpu.sem_alloc : memref<!tpu.dma_semaphore, #tpu.memory_space<semaphore_mem>>
      %dma_start3A_1076 = arith.constant 0 : i32
      %dma_start3A_1077 = tpu.memref_slice %arg6[%add3A_48, %dma_start3A_1076] : memref<10240x128xf32, #tpu.memory_space<vmem_shared>> -> memref<8x128xf32, #tpu.memory_space<vmem_shared>>
      %dma_start3A_1078 = arith.constant 0 : i32
      %dma_start3A_1079 = tpu.memref_slice %arg6[%add3A_48, %dma_start3A_1078] : memref<10240x128xf32, #tpu.memory_space<vmem_shared>> -> memref<8x128xf32, #tpu.memory_space<vmem_shared>>
      tpu.enqueue_dma source(%arg12 : memref<8x128xf32, #tpu.memory_space<vmem>>) target(%dma_start3A_1079 : memref<8x128xf32, #tpu.memory_space<vmem_shared>>) target_semaphore(%run_scoped3A : memref<!tpu.dma_semaphore, #tpu.memory_space<semaphore_mem>>)
      %dma_wait3A_1080 = arith.constant 0 : i32
      %dma_wait3A_1081 = tpu.memref_slice %arg6[%add3A_48, %dma_wait3A_1080] : memref<10240x128xf32, #tpu.memory_space<vmem_shared>> -> memref<8x128xf32, #tpu.memory_space<vmem_shared>>
      %dma_wait3A_1082 = arith.constant 0 : i32
      %dma_wait3A_1083 = tpu.memref_slice %arg6[%add3A_48, %dma_wait3A_1082] : memref<10240x128xf32, #tpu.memory_space<vmem_shared>> -> memref<8x128xf32, #tpu.memory_space<vmem_shared>>
      tpu.wait_dma2 semaphore(%run_scoped3A : memref<!tpu.dma_semaphore, #tpu.memory_space<semaphore_mem>>) src(%arg12 : memref<8x128xf32, #tpu.memory_space<vmem>>) dst(%dma_wait3A_1083 : memref<8x128xf32, #tpu.memory_space<vmem_shared>>)
      tpu.yield
    }) : () -> ()
    %add3A_49 = arith.constant 128 : i32
    %add3A_50 = arith.addi %mul3A_16, %add3A_49 : i32
    "tpu.region"() ({
      %run_scoped3A = tpu.sem_alloc : memref<!tpu.dma_semaphore, #tpu.memory_space<semaphore_mem>>
      %dma_start3A_1076 = arith.constant 0 : i32
      %dma_start3A_1077 = tpu.memref_slice %arg6[%add3A_50, %dma_start3A_1076] : memref<10240x128xf32, #tpu.memory_space<vmem_shared>> -> memref<8x128xf32, #tpu.memory_space<vmem_shared>>
      %dma_start3A_1078 = arith.constant 0 : i32
      %dma_start3A_1079 = tpu.memref_slice %arg6[%add3A_50, %dma_start3A_1078] : memref<10240x128xf32, #tpu.memory_space<vmem_shared>> -> memref<8x128xf32, #tpu.memory_space<vmem_shared>>
      tpu.enqueue_dma source(%arg12 : memref<8x128xf32, #tpu.memory_space<vmem>>) target(%dma_start3A_1079 : memref<8x128xf32, #tpu.memory_space<vmem_shared>>) target_semaphore(%run_scoped3A : memref<!tpu.dma_semaphore, #tpu.memory_space<semaphore_mem>>)
      %dma_wait3A_1080 = arith.constant 0 : i32
      %dma_wait3A_1081 = tpu.memref_slice %arg6[%add3A_50, %dma_wait3A_1080] : memref<10240x128xf32, #tpu.memory_space<vmem_shared>> -> memref<8x128xf32, #tpu.memory_space<vmem_shared>>
      %dma_wait3A_1082 = arith.constant 0 : i32
      %dma_wait3A_1083 = tpu.memref_slice %arg6[%add3A_50, %dma_wait3A_1082] : memref<10240x128xf32, #tpu.memory_space<vmem_shared>> -> memref<8x128xf32, #tpu.memory_space<vmem_shared>>
      tpu.wait_dma2 semaphore(%run_scoped3A : memref<!tpu.dma_semaphore, #tpu.memory_space<semaphore_mem>>) src(%arg12 : memref<8x128xf32, #tpu.memory_space<vmem>>) dst(%dma_wait3A_1083 : memref<8x128xf32, #tpu.memory_space<vmem_shared>>)
      tpu.yield
    }) : () -> ()
    %add3A_51 = arith.constant 136 : i32
    %add3A_52 = arith.addi %mul3A_16, %add3A_51 : i32
    "tpu.region"() ({
      %run_scoped3A = tpu.sem_alloc : memref<!tpu.dma_semaphore, #tpu.memory_space<semaphore_mem>>
      %dma_start3A_1076 = arith.constant 0 : i32
      %dma_start3A_1077 = tpu.memref_slice %arg6[%add3A_52, %dma_start3A_1076] : memref<10240x128xf32, #tpu.memory_space<vmem_shared>> -> memref<8x128xf32, #tpu.memory_space<vmem_shared>>
      %dma_start3A_1078 = arith.constant 0 : i32
      %dma_start3A_1079 = tpu.memref_slice %arg6[%add3A_52, %dma_start3A_1078] : memref<10240x128xf32, #tpu.memory_space<vmem_shared>> -> memref<8x128xf32, #tpu.memory_space<vmem_shared>>
      tpu.enqueue_dma source(%arg12 : memref<8x128xf32, #tpu.memory_space<vmem>>) target(%dma_start3A_1079 : memref<8x128xf32, #tpu.memory_space<vmem_shared>>) target_semaphore(%run_scoped3A : memref<!tpu.dma_semaphore, #tpu.memory_space<semaphore_mem>>)
      %dma_wait3A_1080 = arith.constant 0 : i32
      %dma_wait3A_1081 = tpu.memref_slice %arg6[%add3A_52, %dma_wait3A_1080] : memref<10240x128xf32, #tpu.memory_space<vmem_shared>> -> memref<8x128xf32, #tpu.memory_space<vmem_shared>>
      %dma_wait3A_1082 = arith.constant 0 : i32
      %dma_wait3A_1083 = tpu.memref_slice %arg6[%add3A_52, %dma_wait3A_1082] : memref<10240x128xf32, #tpu.memory_space<vmem_shared>> -> memref<8x128xf32, #tpu.memory_space<vmem_shared>>
      tpu.wait_dma2 semaphore(%run_scoped3A : memref<!tpu.dma_semaphore, #tpu.memory_space<semaphore_mem>>) src(%arg12 : memref<8x128xf32, #tpu.memory_space<vmem>>) dst(%dma_wait3A_1083 : memref<8x128xf32, #tpu.memory_space<vmem_shared>>)
      tpu.yield
    }) : () -> ()
    %add3A_53 = arith.constant 144 : i32
    %add3A_54 = arith.addi %mul3A_16, %add3A_53 : i32
    "tpu.region"() ({
      %run_scoped3A = tpu.sem_alloc : memref<!tpu.dma_semaphore, #tpu.memory_space<semaphore_mem>>
      %dma_start3A_1076 = arith.constant 0 : i32
      %dma_start3A_1077 = tpu.memref_slice %arg6[%add3A_54, %dma_start3A_1076] : memref<10240x128xf32, #tpu.memory_space<vmem_shared>> -> memref<8x128xf32, #tpu.memory_space<vmem_shared>>
      %dma_start3A_1078 = arith.constant 0 : i32
      %dma_start3A_1079 = tpu.memref_slice %arg6[%add3A_54, %dma_start3A_1078] : memref<10240x128xf32, #tpu.memory_space<vmem_shared>> -> memref<8x128xf32, #tpu.memory_space<vmem_shared>>
      tpu.enqueue_dma source(%arg12 : memref<8x128xf32, #tpu.memory_space<vmem>>) target(%dma_start3A_1079 : memref<8x128xf32, #tpu.memory_space<vmem_shared>>) target_semaphore(%run_scoped3A : memref<!tpu.dma_semaphore, #tpu.memory_space<semaphore_mem>>)
      %dma_wait3A_1080 = arith.constant 0 : i32
      %dma_wait3A_1081 = tpu.memref_slice %arg6[%add3A_54, %dma_wait3A_1080] : memref<10240x128xf32, #tpu.memory_space<vmem_shared>> -> memref<8x128xf32, #tpu.memory_space<vmem_shared>>
      %dma_wait3A_1082 = arith.constant 0 : i32
      %dma_wait3A_1083 = tpu.memref_slice %arg6[%add3A_54, %dma_wait3A_1082] : memref<10240x128xf32, #tpu.memory_space<vmem_shared>> -> memref<8x128xf32, #tpu.memory_space<vmem_shared>>
      tpu.wait_dma2 semaphore(%run_scoped3A : memref<!tpu.dma_semaphore, #tpu.memory_space<semaphore_mem>>) src(%arg12 : memref<8x128xf32, #tpu.memory_space<vmem>>) dst(%dma_wait3A_1083 : memref<8x128xf32, #tpu.memory_space<vmem_shared>>)
      tpu.yield
    }) : () -> ()
    %add3A_55 = arith.constant 152 : i32
    %add3A_56 = arith.addi %mul3A_16, %add3A_55 : i32
    "tpu.region"() ({
      %run_scoped3A = tpu.sem_alloc : memref<!tpu.dma_semaphore, #tpu.memory_space<semaphore_mem>>
      %dma_start3A_1076 = arith.constant 0 : i32
      %dma_start3A_1077 = tpu.memref_slice %arg6[%add3A_56, %dma_start3A_1076] : memref<10240x128xf32, #tpu.memory_space<vmem_shared>> -> memref<8x128xf32, #tpu.memory_space<vmem_shared>>
      %dma_start3A_1078 = arith.constant 0 : i32
      %dma_start3A_1079 = tpu.memref_slice %arg6[%add3A_56, %dma_start3A_1078] : memref<10240x128xf32, #tpu.memory_space<vmem_shared>> -> memref<8x128xf32, #tpu.memory_space<vmem_shared>>
      tpu.enqueue_dma source(%arg12 : memref<8x128xf32, #tpu.memory_space<vmem>>) target(%dma_start3A_1079 : memref<8x128xf32, #tpu.memory_space<vmem_shared>>) target_semaphore(%run_scoped3A : memref<!tpu.dma_semaphore, #tpu.memory_space<semaphore_mem>>)
      %dma_wait3A_1080 = arith.constant 0 : i32
      %dma_wait3A_1081 = tpu.memref_slice %arg6[%add3A_56, %dma_wait3A_1080] : memref<10240x128xf32, #tpu.memory_space<vmem_shared>> -> memref<8x128xf32, #tpu.memory_space<vmem_shared>>
      %dma_wait3A_1082 = arith.constant 0 : i32
      %dma_wait3A_1083 = tpu.memref_slice %arg6[%add3A_56, %dma_wait3A_1082] : memref<10240x128xf32, #tpu.memory_space<vmem_shared>> -> memref<8x128xf32, #tpu.memory_space<vmem_shared>>
      tpu.wait_dma2 semaphore(%run_scoped3A : memref<!tpu.dma_semaphore, #tpu.memory_space<semaphore_mem>>) src(%arg12 : memref<8x128xf32, #tpu.memory_space<vmem>>) dst(%dma_wait3A_1083 : memref<8x128xf32, #tpu.memory_space<vmem_shared>>)
      tpu.yield
    }) : () -> ()
    %add3A_57 = arith.constant 160 : i32
    %add3A_58 = arith.addi %mul3A_16, %add3A_57 : i32
    "tpu.region"() ({
      %run_scoped3A = tpu.sem_alloc : memref<!tpu.dma_semaphore, #tpu.memory_space<semaphore_mem>>
      %dma_start3A_1076 = arith.constant 0 : i32
      %dma_start3A_1077 = tpu.memref_slice %arg6[%add3A_58, %dma_start3A_1076] : memref<10240x128xf32, #tpu.memory_space<vmem_shared>> -> memref<8x128xf32, #tpu.memory_space<vmem_shared>>
      %dma_start3A_1078 = arith.constant 0 : i32
      %dma_start3A_1079 = tpu.memref_slice %arg6[%add3A_58, %dma_start3A_1078] : memref<10240x128xf32, #tpu.memory_space<vmem_shared>> -> memref<8x128xf32, #tpu.memory_space<vmem_shared>>
      tpu.enqueue_dma source(%arg12 : memref<8x128xf32, #tpu.memory_space<vmem>>) target(%dma_start3A_1079 : memref<8x128xf32, #tpu.memory_space<vmem_shared>>) target_semaphore(%run_scoped3A : memref<!tpu.dma_semaphore, #tpu.memory_space<semaphore_mem>>)
      %dma_wait3A_1080 = arith.constant 0 : i32
      %dma_wait3A_1081 = tpu.memref_slice %arg6[%add3A_58, %dma_wait3A_1080] : memref<10240x128xf32, #tpu.memory_space<vmem_shared>> -> memref<8x128xf32, #tpu.memory_space<vmem_shared>>
      %dma_wait3A_1082 = arith.constant 0 : i32
      %dma_wait3A_1083 = tpu.memref_slice %arg6[%add3A_58, %dma_wait3A_1082] : memref<10240x128xf32, #tpu.memory_space<vmem_shared>> -> memref<8x128xf32, #tpu.memory_space<vmem_shared>>
      tpu.wait_dma2 semaphore(%run_scoped3A : memref<!tpu.dma_semaphore, #tpu.memory_space<semaphore_mem>>) src(%arg12 : memref<8x128xf32, #tpu.memory_space<vmem>>) dst(%dma_wait3A_1083 : memref<8x128xf32, #tpu.memory_space<vmem_shared>>)
      tpu.yield
    }) : () -> ()
    %add3A_59 = arith.constant 168 : i32
    %add3A_60 = arith.addi %mul3A_16, %add3A_59 : i32
    "tpu.region"() ({
      %run_scoped3A = tpu.sem_alloc : memref<!tpu.dma_semaphore, #tpu.memory_space<semaphore_mem>>
      %dma_start3A_1076 = arith.constant 0 : i32
      %dma_start3A_1077 = tpu.memref_slice %arg6[%add3A_60, %dma_start3A_1076] : memref<10240x128xf32, #tpu.memory_space<vmem_shared>> -> memref<8x128xf32, #tpu.memory_space<vmem_shared>>
      %dma_start3A_1078 = arith.constant 0 : i32
      %dma_start3A_1079 = tpu.memref_slice %arg6[%add3A_60, %dma_start3A_1078] : memref<10240x128xf32, #tpu.memory_space<vmem_shared>> -> memref<8x128xf32, #tpu.memory_space<vmem_shared>>
      tpu.enqueue_dma source(%arg12 : memref<8x128xf32, #tpu.memory_space<vmem>>) target(%dma_start3A_1079 : memref<8x128xf32, #tpu.memory_space<vmem_shared>>) target_semaphore(%run_scoped3A : memref<!tpu.dma_semaphore, #tpu.memory_space<semaphore_mem>>)
      %dma_wait3A_1080 = arith.constant 0 : i32
      %dma_wait3A_1081 = tpu.memref_slice %arg6[%add3A_60, %dma_wait3A_1080] : memref<10240x128xf32, #tpu.memory_space<vmem_shared>> -> memref<8x128xf32, #tpu.memory_space<vmem_shared>>
      %dma_wait3A_1082 = arith.constant 0 : i32
      %dma_wait3A_1083 = tpu.memref_slice %arg6[%add3A_60, %dma_wait3A_1082] : memref<10240x128xf32, #tpu.memory_space<vmem_shared>> -> memref<8x128xf32, #tpu.memory_space<vmem_shared>>
      tpu.wait_dma2 semaphore(%run_scoped3A : memref<!tpu.dma_semaphore, #tpu.memory_space<semaphore_mem>>) src(%arg12 : memref<8x128xf32, #tpu.memory_space<vmem>>) dst(%dma_wait3A_1083 : memref<8x128xf32, #tpu.memory_space<vmem_shared>>)
      tpu.yield
    }) : () -> ()
    %add3A_61 = arith.constant 176 : i32
    %add3A_62 = arith.addi %mul3A_16, %add3A_61 : i32
    "tpu.region"() ({
      %run_scoped3A = tpu.sem_alloc : memref<!tpu.dma_semaphore, #tpu.memory_space<semaphore_mem>>
      %dma_start3A_1076 = arith.constant 0 : i32
      %dma_start3A_1077 = tpu.memref_slice %arg6[%add3A_62, %dma_start3A_1076] : memref<10240x128xf32, #tpu.memory_space<vmem_shared>> -> memref<8x128xf32, #tpu.memory_space<vmem_shared>>
      %dma_start3A_1078 = arith.constant 0 : i32
      %dma_start3A_1079 = tpu.memref_slice %arg6[%add3A_62, %dma_start3A_1078] : memref<10240x128xf32, #tpu.memory_space<vmem_shared>> -> memref<8x128xf32, #tpu.memory_space<vmem_shared>>
      tpu.enqueue_dma source(%arg12 : memref<8x128xf32, #tpu.memory_space<vmem>>) target(%dma_start3A_1079 : memref<8x128xf32, #tpu.memory_space<vmem_shared>>) target_semaphore(%run_scoped3A : memref<!tpu.dma_semaphore, #tpu.memory_space<semaphore_mem>>)
      %dma_wait3A_1080 = arith.constant 0 : i32
      %dma_wait3A_1081 = tpu.memref_slice %arg6[%add3A_62, %dma_wait3A_1080] : memref<10240x128xf32, #tpu.memory_space<vmem_shared>> -> memref<8x128xf32, #tpu.memory_space<vmem_shared>>
      %dma_wait3A_1082 = arith.constant 0 : i32
      %dma_wait3A_1083 = tpu.memref_slice %arg6[%add3A_62, %dma_wait3A_1082] : memref<10240x128xf32, #tpu.memory_space<vmem_shared>> -> memref<8x128xf32, #tpu.memory_space<vmem_shared>>
      tpu.wait_dma2 semaphore(%run_scoped3A : memref<!tpu.dma_semaphore, #tpu.memory_space<semaphore_mem>>) src(%arg12 : memref<8x128xf32, #tpu.memory_space<vmem>>) dst(%dma_wait3A_1083 : memref<8x128xf32, #tpu.memory_space<vmem_shared>>)
      tpu.yield
    }) : () -> ()
    %add3A_63 = arith.constant 184 : i32
    %add3A_64 = arith.addi %mul3A_16, %add3A_63 : i32
    "tpu.region"() ({
      %run_scoped3A = tpu.sem_alloc : memref<!tpu.dma_semaphore, #tpu.memory_space<semaphore_mem>>
      %dma_start3A_1076 = arith.constant 0 : i32
      %dma_start3A_1077 = tpu.memref_slice %arg6[%add3A_64, %dma_start3A_1076] : memref<10240x128xf32, #tpu.memory_space<vmem_shared>> -> memref<8x128xf32, #tpu.memory_space<vmem_shared>>
      %dma_start3A_1078 = arith.constant 0 : i32
      %dma_start3A_1079 = tpu.memref_slice %arg6[%add3A_64, %dma_start3A_1078] : memref<10240x128xf32, #tpu.memory_space<vmem_shared>> -> memref<8x128xf32, #tpu.memory_space<vmem_shared>>
      tpu.enqueue_dma source(%arg12 : memref<8x128xf32, #tpu.memory_space<vmem>>) target(%dma_start3A_1079 : memref<8x128xf32, #tpu.memory_space<vmem_shared>>) target_semaphore(%run_scoped3A : memref<!tpu.dma_semaphore, #tpu.memory_space<semaphore_mem>>)
      %dma_wait3A_1080 = arith.constant 0 : i32
      %dma_wait3A_1081 = tpu.memref_slice %arg6[%add3A_64, %dma_wait3A_1080] : memref<10240x128xf32, #tpu.memory_space<vmem_shared>> -> memref<8x128xf32, #tpu.memory_space<vmem_shared>>
      %dma_wait3A_1082 = arith.constant 0 : i32
      %dma_wait3A_1083 = tpu.memref_slice %arg6[%add3A_64, %dma_wait3A_1082] : memref<10240x128xf32, #tpu.memory_space<vmem_shared>> -> memref<8x128xf32, #tpu.memory_space<vmem_shared>>
      tpu.wait_dma2 semaphore(%run_scoped3A : memref<!tpu.dma_semaphore, #tpu.memory_space<semaphore_mem>>) src(%arg12 : memref<8x128xf32, #tpu.memory_space<vmem>>) dst(%dma_wait3A_1083 : memref<8x128xf32, #tpu.memory_space<vmem_shared>>)
      tpu.yield
    }) : () -> ()
    %add3A_65 = arith.constant 192 : i32
    %add3A_66 = arith.addi %mul3A_16, %add3A_65 : i32
    "tpu.region"() ({
      %run_scoped3A = tpu.sem_alloc : memref<!tpu.dma_semaphore, #tpu.memory_space<semaphore_mem>>
      %dma_start3A_1076 = arith.constant 0 : i32
      %dma_start3A_1077 = tpu.memref_slice %arg6[%add3A_66, %dma_start3A_1076] : memref<10240x128xf32, #tpu.memory_space<vmem_shared>> -> memref<8x128xf32, #tpu.memory_space<vmem_shared>>
      %dma_start3A_1078 = arith.constant 0 : i32
      %dma_start3A_1079 = tpu.memref_slice %arg6[%add3A_66, %dma_start3A_1078] : memref<10240x128xf32, #tpu.memory_space<vmem_shared>> -> memref<8x128xf32, #tpu.memory_space<vmem_shared>>
      tpu.enqueue_dma source(%arg12 : memref<8x128xf32, #tpu.memory_space<vmem>>) target(%dma_start3A_1079 : memref<8x128xf32, #tpu.memory_space<vmem_shared>>) target_semaphore(%run_scoped3A : memref<!tpu.dma_semaphore, #tpu.memory_space<semaphore_mem>>)
      %dma_wait3A_1080 = arith.constant 0 : i32
      %dma_wait3A_1081 = tpu.memref_slice %arg6[%add3A_66, %dma_wait3A_1080] : memref<10240x128xf32, #tpu.memory_space<vmem_shared>> -> memref<8x128xf32, #tpu.memory_space<vmem_shared>>
      %dma_wait3A_1082 = arith.constant 0 : i32
      %dma_wait3A_1083 = tpu.memref_slice %arg6[%add3A_66, %dma_wait3A_1082] : memref<10240x128xf32, #tpu.memory_space<vmem_shared>> -> memref<8x128xf32, #tpu.memory_space<vmem_shared>>
      tpu.wait_dma2 semaphore(%run_scoped3A : memref<!tpu.dma_semaphore, #tpu.memory_space<semaphore_mem>>) src(%arg12 : memref<8x128xf32, #tpu.memory_space<vmem>>) dst(%dma_wait3A_1083 : memref<8x128xf32, #tpu.memory_space<vmem_shared>>)
      tpu.yield
    }) : () -> ()
    %add3A_67 = arith.constant 200 : i32
    %add3A_68 = arith.addi %mul3A_16, %add3A_67 : i32
    "tpu.region"() ({
      %run_scoped3A = tpu.sem_alloc : memref<!tpu.dma_semaphore, #tpu.memory_space<semaphore_mem>>
      %dma_start3A_1076 = arith.constant 0 : i32
      %dma_start3A_1077 = tpu.memref_slice %arg6[%add3A_68, %dma_start3A_1076] : memref<10240x128xf32, #tpu.memory_space<vmem_shared>> -> memref<8x128xf32, #tpu.memory_space<vmem_shared>>
      %dma_start3A_1078 = arith.constant 0 : i32
      %dma_start3A_1079 = tpu.memref_slice %arg6[%add3A_68, %dma_start3A_1078] : memref<10240x128xf32, #tpu.memory_space<vmem_shared>> -> memref<8x128xf32, #tpu.memory_space<vmem_shared>>
      tpu.enqueue_dma source(%arg12 : memref<8x128xf32, #tpu.memory_space<vmem>>) target(%dma_start3A_1079 : memref<8x128xf32, #tpu.memory_space<vmem_shared>>) target_semaphore(%run_scoped3A : memref<!tpu.dma_semaphore, #tpu.memory_space<semaphore_mem>>)
      %dma_wait3A_1080 = arith.constant 0 : i32
      %dma_wait3A_1081 = tpu.memref_slice %arg6[%add3A_68, %dma_wait3A_1080] : memref<10240x128xf32, #tpu.memory_space<vmem_shared>> -> memref<8x128xf32, #tpu.memory_space<vmem_shared>>
      %dma_wait3A_1082 = arith.constant 0 : i32
      %dma_wait3A_1083 = tpu.memref_slice %arg6[%add3A_68, %dma_wait3A_1082] : memref<10240x128xf32, #tpu.memory_space<vmem_shared>> -> memref<8x128xf32, #tpu.memory_space<vmem_shared>>
      tpu.wait_dma2 semaphore(%run_scoped3A : memref<!tpu.dma_semaphore, #tpu.memory_space<semaphore_mem>>) src(%arg12 : memref<8x128xf32, #tpu.memory_space<vmem>>) dst(%dma_wait3A_1083 : memref<8x128xf32, #tpu.memory_space<vmem_shared>>)
      tpu.yield
    }) : () -> ()
    %add3A_69 = arith.constant 208 : i32
    %add3A_70 = arith.addi %mul3A_16, %add3A_69 : i32
    "tpu.region"() ({
      %run_scoped3A = tpu.sem_alloc : memref<!tpu.dma_semaphore, #tpu.memory_space<semaphore_mem>>
      %dma_start3A_1076 = arith.constant 0 : i32
      %dma_start3A_1077 = tpu.memref_slice %arg6[%add3A_70, %dma_start3A_1076] : memref<10240x128xf32, #tpu.memory_space<vmem_shared>> -> memref<8x128xf32, #tpu.memory_space<vmem_shared>>
      %dma_start3A_1078 = arith.constant 0 : i32
      %dma_start3A_1079 = tpu.memref_slice %arg6[%add3A_70, %dma_start3A_1078] : memref<10240x128xf32, #tpu.memory_space<vmem_shared>> -> memref<8x128xf32, #tpu.memory_space<vmem_shared>>
      tpu.enqueue_dma source(%arg12 : memref<8x128xf32, #tpu.memory_space<vmem>>) target(%dma_start3A_1079 : memref<8x128xf32, #tpu.memory_space<vmem_shared>>) target_semaphore(%run_scoped3A : memref<!tpu.dma_semaphore, #tpu.memory_space<semaphore_mem>>)
      %dma_wait3A_1080 = arith.constant 0 : i32
      %dma_wait3A_1081 = tpu.memref_slice %arg6[%add3A_70, %dma_wait3A_1080] : memref<10240x128xf32, #tpu.memory_space<vmem_shared>> -> memref<8x128xf32, #tpu.memory_space<vmem_shared>>
      %dma_wait3A_1082 = arith.constant 0 : i32
      %dma_wait3A_1083 = tpu.memref_slice %arg6[%add3A_70, %dma_wait3A_1082] : memref<10240x128xf32, #tpu.memory_space<vmem_shared>> -> memref<8x128xf32, #tpu.memory_space<vmem_shared>>
      tpu.wait_dma2 semaphore(%run_scoped3A : memref<!tpu.dma_semaphore, #tpu.memory_space<semaphore_mem>>) src(%arg12 : memref<8x128xf32, #tpu.memory_space<vmem>>) dst(%dma_wait3A_1083 : memref<8x128xf32, #tpu.memory_space<vmem_shared>>)
      tpu.yield
    }) : () -> ()
    %add3A_71 = arith.constant 216 : i32
    %add3A_72 = arith.addi %mul3A_16, %add3A_71 : i32
    "tpu.region"() ({
      %run_scoped3A = tpu.sem_alloc : memref<!tpu.dma_semaphore, #tpu.memory_space<semaphore_mem>>
      %dma_start3A_1076 = arith.constant 0 : i32
      %dma_start3A_1077 = tpu.memref_slice %arg6[%add3A_72, %dma_start3A_1076] : memref<10240x128xf32, #tpu.memory_space<vmem_shared>> -> memref<8x128xf32, #tpu.memory_space<vmem_shared>>
      %dma_start3A_1078 = arith.constant 0 : i32
      %dma_start3A_1079 = tpu.memref_slice %arg6[%add3A_72, %dma_start3A_1078] : memref<10240x128xf32, #tpu.memory_space<vmem_shared>> -> memref<8x128xf32, #tpu.memory_space<vmem_shared>>
      tpu.enqueue_dma source(%arg12 : memref<8x128xf32, #tpu.memory_space<vmem>>) target(%dma_start3A_1079 : memref<8x128xf32, #tpu.memory_space<vmem_shared>>) target_semaphore(%run_scoped3A : memref<!tpu.dma_semaphore, #tpu.memory_space<semaphore_mem>>)
      %dma_wait3A_1080 = arith.constant 0 : i32
      %dma_wait3A_1081 = tpu.memref_slice %arg6[%add3A_72, %dma_wait3A_1080] : memref<10240x128xf32, #tpu.memory_space<vmem_shared>> -> memref<8x128xf32, #tpu.memory_space<vmem_shared>>
      %dma_wait3A_1082 = arith.constant 0 : i32
      %dma_wait3A_1083 = tpu.memref_slice %arg6[%add3A_72, %dma_wait3A_1082] : memref<10240x128xf32, #tpu.memory_space<vmem_shared>> -> memref<8x128xf32, #tpu.memory_space<vmem_shared>>
      tpu.wait_dma2 semaphore(%run_scoped3A : memref<!tpu.dma_semaphore, #tpu.memory_space<semaphore_mem>>) src(%arg12 : memref<8x128xf32, #tpu.memory_space<vmem>>) dst(%dma_wait3A_1083 : memref<8x128xf32, #tpu.memory_space<vmem_shared>>)
      tpu.yield
    }) : () -> ()
    %add3A_73 = arith.constant 224 : i32
    %add3A_74 = arith.addi %mul3A_16, %add3A_73 : i32
    "tpu.region"() ({
      %run_scoped3A = tpu.sem_alloc : memref<!tpu.dma_semaphore, #tpu.memory_space<semaphore_mem>>
      %dma_start3A_1076 = arith.constant 0 : i32
      %dma_start3A_1077 = tpu.memref_slice %arg6[%add3A_74, %dma_start3A_1076] : memref<10240x128xf32, #tpu.memory_space<vmem_shared>> -> memref<8x128xf32, #tpu.memory_space<vmem_shared>>
      %dma_start3A_1078 = arith.constant 0 : i32
      %dma_start3A_1079 = tpu.memref_slice %arg6[%add3A_74, %dma_start3A_1078] : memref<10240x128xf32, #tpu.memory_space<vmem_shared>> -> memref<8x128xf32, #tpu.memory_space<vmem_shared>>
      tpu.enqueue_dma source(%arg12 : memref<8x128xf32, #tpu.memory_space<vmem>>) target(%dma_start3A_1079 : memref<8x128xf32, #tpu.memory_space<vmem_shared>>) target_semaphore(%run_scoped3A : memref<!tpu.dma_semaphore, #tpu.memory_space<semaphore_mem>>)
      %dma_wait3A_1080 = arith.constant 0 : i32
      %dma_wait3A_1081 = tpu.memref_slice %arg6[%add3A_74, %dma_wait3A_1080] : memref<10240x128xf32, #tpu.memory_space<vmem_shared>> -> memref<8x128xf32, #tpu.memory_space<vmem_shared>>
      %dma_wait3A_1082 = arith.constant 0 : i32
      %dma_wait3A_1083 = tpu.memref_slice %arg6[%add3A_74, %dma_wait3A_1082] : memref<10240x128xf32, #tpu.memory_space<vmem_shared>> -> memref<8x128xf32, #tpu.memory_space<vmem_shared>>
      tpu.wait_dma2 semaphore(%run_scoped3A : memref<!tpu.dma_semaphore, #tpu.memory_space<semaphore_mem>>) src(%arg12 : memref<8x128xf32, #tpu.memory_space<vmem>>) dst(%dma_wait3A_1083 : memref<8x128xf32, #tpu.memory_space<vmem_shared>>)
      tpu.yield
    }) : () -> ()
    %add3A_75 = arith.constant 232 : i32
    %add3A_76 = arith.addi %mul3A_16, %add3A_75 : i32
    "tpu.region"() ({
      %run_scoped3A = tpu.sem_alloc : memref<!tpu.dma_semaphore, #tpu.memory_space<semaphore_mem>>
      %dma_start3A_1076 = arith.constant 0 : i32
      %dma_start3A_1077 = tpu.memref_slice %arg6[%add3A_76, %dma_start3A_1076] : memref<10240x128xf32, #tpu.memory_space<vmem_shared>> -> memref<8x128xf32, #tpu.memory_space<vmem_shared>>
      %dma_start3A_1078 = arith.constant 0 : i32
      %dma_start3A_1079 = tpu.memref_slice %arg6[%add3A_76, %dma_start3A_1078] : memref<10240x128xf32, #tpu.memory_space<vmem_shared>> -> memref<8x128xf32, #tpu.memory_space<vmem_shared>>
      tpu.enqueue_dma source(%arg12 : memref<8x128xf32, #tpu.memory_space<vmem>>) target(%dma_start3A_1079 : memref<8x128xf32, #tpu.memory_space<vmem_shared>>) target_semaphore(%run_scoped3A : memref<!tpu.dma_semaphore, #tpu.memory_space<semaphore_mem>>)
      %dma_wait3A_1080 = arith.constant 0 : i32
      %dma_wait3A_1081 = tpu.memref_slice %arg6[%add3A_76, %dma_wait3A_1080] : memref<10240x128xf32, #tpu.memory_space<vmem_shared>> -> memref<8x128xf32, #tpu.memory_space<vmem_shared>>
      %dma_wait3A_1082 = arith.constant 0 : i32
      %dma_wait3A_1083 = tpu.memref_slice %arg6[%add3A_76, %dma_wait3A_1082] : memref<10240x128xf32, #tpu.memory_space<vmem_shared>> -> memref<8x128xf32, #tpu.memory_space<vmem_shared>>
      tpu.wait_dma2 semaphore(%run_scoped3A : memref<!tpu.dma_semaphore, #tpu.memory_space<semaphore_mem>>) src(%arg12 : memref<8x128xf32, #tpu.memory_space<vmem>>) dst(%dma_wait3A_1083 : memref<8x128xf32, #tpu.memory_space<vmem_shared>>)
      tpu.yield
    }) : () -> ()
    %add3A_77 = arith.constant 240 : i32
    %add3A_78 = arith.addi %mul3A_16, %add3A_77 : i32
    "tpu.region"() ({
      %run_scoped3A = tpu.sem_alloc : memref<!tpu.dma_semaphore, #tpu.memory_space<semaphore_mem>>
      %dma_start3A_1076 = arith.constant 0 : i32
      %dma_start3A_1077 = tpu.memref_slice %arg6[%add3A_78, %dma_start3A_1076] : memref<10240x128xf32, #tpu.memory_space<vmem_shared>> -> memref<8x128xf32, #tpu.memory_space<vmem_shared>>
      %dma_start3A_1078 = arith.constant 0 : i32
      %dma_start3A_1079 = tpu.memref_slice %arg6[%add3A_78, %dma_start3A_1078] : memref<10240x128xf32, #tpu.memory_space<vmem_shared>> -> memref<8x128xf32, #tpu.memory_space<vmem_shared>>
      tpu.enqueue_dma source(%arg12 : memref<8x128xf32, #tpu.memory_space<vmem>>) target(%dma_start3A_1079 : memref<8x128xf32, #tpu.memory_space<vmem_shared>>) target_semaphore(%run_scoped3A : memref<!tpu.dma_semaphore, #tpu.memory_space<semaphore_mem>>)
      %dma_wait3A_1080 = arith.constant 0 : i32
      %dma_wait3A_1081 = tpu.memref_slice %arg6[%add3A_78, %dma_wait3A_1080] : memref<10240x128xf32, #tpu.memory_space<vmem_shared>> -> memref<8x128xf32, #tpu.memory_space<vmem_shared>>
      %dma_wait3A_1082 = arith.constant 0 : i32
      %dma_wait3A_1083 = tpu.memref_slice %arg6[%add3A_78, %dma_wait3A_1082] : memref<10240x128xf32, #tpu.memory_space<vmem_shared>> -> memref<8x128xf32, #tpu.memory_space<vmem_shared>>
      tpu.wait_dma2 semaphore(%run_scoped3A : memref<!tpu.dma_semaphore, #tpu.memory_space<semaphore_mem>>) src(%arg12 : memref<8x128xf32, #tpu.memory_space<vmem>>) dst(%dma_wait3A_1083 : memref<8x128xf32, #tpu.memory_space<vmem_shared>>)
      tpu.yield
    }) : () -> ()
    %add3A_79 = arith.constant 248 : i32
    %add3A_80 = arith.addi %mul3A_16, %add3A_79 : i32
    "tpu.region"() ({
      %run_scoped3A = tpu.sem_alloc : memref<!tpu.dma_semaphore, #tpu.memory_space<semaphore_mem>>
      %dma_start3A_1076 = arith.constant 0 : i32
      %dma_start3A_1077 = tpu.memref_slice %arg6[%add3A_80, %dma_start3A_1076] : memref<10240x128xf32, #tpu.memory_space<vmem_shared>> -> memref<8x128xf32, #tpu.memory_space<vmem_shared>>
      %dma_start3A_1078 = arith.constant 0 : i32
      %dma_start3A_1079 = tpu.memref_slice %arg6[%add3A_80, %dma_start3A_1078] : memref<10240x128xf32, #tpu.memory_space<vmem_shared>> -> memref<8x128xf32, #tpu.memory_space<vmem_shared>>
      tpu.enqueue_dma source(%arg12 : memref<8x128xf32, #tpu.memory_space<vmem>>) target(%dma_start3A_1079 : memref<8x128xf32, #tpu.memory_space<vmem_shared>>) target_semaphore(%run_scoped3A : memref<!tpu.dma_semaphore, #tpu.memory_space<semaphore_mem>>)
      %dma_wait3A_1080 = arith.constant 0 : i32
      %dma_wait3A_1081 = tpu.memref_slice %arg6[%add3A_80, %dma_wait3A_1080] : memref<10240x128xf32, #tpu.memory_space<vmem_shared>> -> memref<8x128xf32, #tpu.memory_space<vmem_shared>>
      %dma_wait3A_1082 = arith.constant 0 : i32
      %dma_wait3A_1083 = tpu.memref_slice %arg6[%add3A_80, %dma_wait3A_1082] : memref<10240x128xf32, #tpu.memory_space<vmem_shared>> -> memref<8x128xf32, #tpu.memory_space<vmem_shared>>
      tpu.wait_dma2 semaphore(%run_scoped3A : memref<!tpu.dma_semaphore, #tpu.memory_space<semaphore_mem>>) src(%arg12 : memref<8x128xf32, #tpu.memory_space<vmem>>) dst(%dma_wait3A_1083 : memref<8x128xf32, #tpu.memory_space<vmem_shared>>)
      tpu.yield
    }) : () -> ()
    %add3A_81 = arith.constant 256 : i32
    %add3A_82 = arith.addi %mul3A_16, %add3A_81 : i32
    "tpu.region"() ({
      %run_scoped3A = tpu.sem_alloc : memref<!tpu.dma_semaphore, #tpu.memory_space<semaphore_mem>>
      %dma_start3A_1076 = arith.constant 0 : i32
      %dma_start3A_1077 = tpu.memref_slice %arg6[%add3A_82, %dma_start3A_1076] : memref<10240x128xf32, #tpu.memory_space<vmem_shared>> -> memref<8x128xf32, #tpu.memory_space<vmem_shared>>
      %dma_start3A_1078 = arith.constant 0 : i32
      %dma_start3A_1079 = tpu.memref_slice %arg6[%add3A_82, %dma_start3A_1078] : memref<10240x128xf32, #tpu.memory_space<vmem_shared>> -> memref<8x128xf32, #tpu.memory_space<vmem_shared>>
      tpu.enqueue_dma source(%arg12 : memref<8x128xf32, #tpu.memory_space<vmem>>) target(%dma_start3A_1079 : memref<8x128xf32, #tpu.memory_space<vmem_shared>>) target_semaphore(%run_scoped3A : memref<!tpu.dma_semaphore, #tpu.memory_space<semaphore_mem>>)
      %dma_wait3A_1080 = arith.constant 0 : i32
      %dma_wait3A_1081 = tpu.memref_slice %arg6[%add3A_82, %dma_wait3A_1080] : memref<10240x128xf32, #tpu.memory_space<vmem_shared>> -> memref<8x128xf32, #tpu.memory_space<vmem_shared>>
      %dma_wait3A_1082 = arith.constant 0 : i32
      %dma_wait3A_1083 = tpu.memref_slice %arg6[%add3A_82, %dma_wait3A_1082] : memref<10240x128xf32, #tpu.memory_space<vmem_shared>> -> memref<8x128xf32, #tpu.memory_space<vmem_shared>>
      tpu.wait_dma2 semaphore(%run_scoped3A : memref<!tpu.dma_semaphore, #tpu.memory_space<semaphore_mem>>) src(%arg12 : memref<8x128xf32, #tpu.memory_space<vmem>>) dst(%dma_wait3A_1083 : memref<8x128xf32, #tpu.memory_space<vmem_shared>>)
      tpu.yield
    }) : () -> ()
    %add3A_83 = arith.constant 264 : i32
    %add3A_84 = arith.addi %mul3A_16, %add3A_83 : i32
    "tpu.region"() ({
      %run_scoped3A = tpu.sem_alloc : memref<!tpu.dma_semaphore, #tpu.memory_space<semaphore_mem>>
      %dma_start3A_1076 = arith.constant 0 : i32
      %dma_start3A_1077 = tpu.memref_slice %arg6[%add3A_84, %dma_start3A_1076] : memref<10240x128xf32, #tpu.memory_space<vmem_shared>> -> memref<8x128xf32, #tpu.memory_space<vmem_shared>>
      %dma_start3A_1078 = arith.constant 0 : i32
      %dma_start3A_1079 = tpu.memref_slice %arg6[%add3A_84, %dma_start3A_1078] : memref<10240x128xf32, #tpu.memory_space<vmem_shared>> -> memref<8x128xf32, #tpu.memory_space<vmem_shared>>
      tpu.enqueue_dma source(%arg12 : memref<8x128xf32, #tpu.memory_space<vmem>>) target(%dma_start3A_1079 : memref<8x128xf32, #tpu.memory_space<vmem_shared>>) target_semaphore(%run_scoped3A : memref<!tpu.dma_semaphore, #tpu.memory_space<semaphore_mem>>)
      %dma_wait3A_1080 = arith.constant 0 : i32
      %dma_wait3A_1081 = tpu.memref_slice %arg6[%add3A_84, %dma_wait3A_1080] : memref<10240x128xf32, #tpu.memory_space<vmem_shared>> -> memref<8x128xf32, #tpu.memory_space<vmem_shared>>
      %dma_wait3A_1082 = arith.constant 0 : i32
      %dma_wait3A_1083 = tpu.memref_slice %arg6[%add3A_84, %dma_wait3A_1082] : memref<10240x128xf32, #tpu.memory_space<vmem_shared>> -> memref<8x128xf32, #tpu.memory_space<vmem_shared>>
      tpu.wait_dma2 semaphore(%run_scoped3A : memref<!tpu.dma_semaphore, #tpu.memory_space<semaphore_mem>>) src(%arg12 : memref<8x128xf32, #tpu.memory_space<vmem>>) dst(%dma_wait3A_1083 : memref<8x128xf32, #tpu.memory_space<vmem_shared>>)
      tpu.yield
    }) : () -> ()
    %add3A_85 = arith.constant 272 : i32
    %add3A_86 = arith.addi %mul3A_16, %add3A_85 : i32
    "tpu.region"() ({
      %run_scoped3A = tpu.sem_alloc : memref<!tpu.dma_semaphore, #tpu.memory_space<semaphore_mem>>
      %dma_start3A_1076 = arith.constant 0 : i32
      %dma_start3A_1077 = tpu.memref_slice %arg6[%add3A_86, %dma_start3A_1076] : memref<10240x128xf32, #tpu.memory_space<vmem_shared>> -> memref<8x128xf32, #tpu.memory_space<vmem_shared>>
      %dma_start3A_1078 = arith.constant 0 : i32
      %dma_start3A_1079 = tpu.memref_slice %arg6[%add3A_86, %dma_start3A_1078] : memref<10240x128xf32, #tpu.memory_space<vmem_shared>> -> memref<8x128xf32, #tpu.memory_space<vmem_shared>>
      tpu.enqueue_dma source(%arg12 : memref<8x128xf32, #tpu.memory_space<vmem>>) target(%dma_start3A_1079 : memref<8x128xf32, #tpu.memory_space<vmem_shared>>) target_semaphore(%run_scoped3A : memref<!tpu.dma_semaphore, #tpu.memory_space<semaphore_mem>>)
      %dma_wait3A_1080 = arith.constant 0 : i32
      %dma_wait3A_1081 = tpu.memref_slice %arg6[%add3A_86, %dma_wait3A_1080] : memref<10240x128xf32, #tpu.memory_space<vmem_shared>> -> memref<8x128xf32, #tpu.memory_space<vmem_shared>>
      %dma_wait3A_1082 = arith.constant 0 : i32
      %dma_wait3A_1083 = tpu.memref_slice %arg6[%add3A_86, %dma_wait3A_1082] : memref<10240x128xf32, #tpu.memory_space<vmem_shared>> -> memref<8x128xf32, #tpu.memory_space<vmem_shared>>
      tpu.wait_dma2 semaphore(%run_scoped3A : memref<!tpu.dma_semaphore, #tpu.memory_space<semaphore_mem>>) src(%arg12 : memref<8x128xf32, #tpu.memory_space<vmem>>) dst(%dma_wait3A_1083 : memref<8x128xf32, #tpu.memory_space<vmem_shared>>)
      tpu.yield
    }) : () -> ()
    %add3A_87 = arith.constant 280 : i32
    %add3A_88 = arith.addi %mul3A_16, %add3A_87 : i32
    "tpu.region"() ({
      %run_scoped3A = tpu.sem_alloc : memref<!tpu.dma_semaphore, #tpu.memory_space<semaphore_mem>>
      %dma_start3A_1076 = arith.constant 0 : i32
      %dma_start3A_1077 = tpu.memref_slice %arg6[%add3A_88, %dma_start3A_1076] : memref<10240x128xf32, #tpu.memory_space<vmem_shared>> -> memref<8x128xf32, #tpu.memory_space<vmem_shared>>
      %dma_start3A_1078 = arith.constant 0 : i32
      %dma_start3A_1079 = tpu.memref_slice %arg6[%add3A_88, %dma_start3A_1078] : memref<10240x128xf32, #tpu.memory_space<vmem_shared>> -> memref<8x128xf32, #tpu.memory_space<vmem_shared>>
      tpu.enqueue_dma source(%arg12 : memref<8x128xf32, #tpu.memory_space<vmem>>) target(%dma_start3A_1079 : memref<8x128xf32, #tpu.memory_space<vmem_shared>>) target_semaphore(%run_scoped3A : memref<!tpu.dma_semaphore, #tpu.memory_space<semaphore_mem>>)
      %dma_wait3A_1080 = arith.constant 0 : i32
      %dma_wait3A_1081 = tpu.memref_slice %arg6[%add3A_88, %dma_wait3A_1080] : memref<10240x128xf32, #tpu.memory_space<vmem_shared>> -> memref<8x128xf32, #tpu.memory_space<vmem_shared>>
      %dma_wait3A_1082 = arith.constant 0 : i32
      %dma_wait3A_1083 = tpu.memref_slice %arg6[%add3A_88, %dma_wait3A_1082] : memref<10240x128xf32, #tpu.memory_space<vmem_shared>> -> memref<8x128xf32, #tpu.memory_space<vmem_shared>>
      tpu.wait_dma2 semaphore(%run_scoped3A : memref<!tpu.dma_semaphore, #tpu.memory_space<semaphore_mem>>) src(%arg12 : memref<8x128xf32, #tpu.memory_space<vmem>>) dst(%dma_wait3A_1083 : memref<8x128xf32, #tpu.memory_space<vmem_shared>>)
      tpu.yield
    }) : () -> ()
    %add3A_89 = arith.constant 288 : i32
    %add3A_90 = arith.addi %mul3A_16, %add3A_89 : i32
    "tpu.region"() ({
      %run_scoped3A = tpu.sem_alloc : memref<!tpu.dma_semaphore, #tpu.memory_space<semaphore_mem>>
      %dma_start3A_1076 = arith.constant 0 : i32
      %dma_start3A_1077 = tpu.memref_slice %arg6[%add3A_90, %dma_start3A_1076] : memref<10240x128xf32, #tpu.memory_space<vmem_shared>> -> memref<8x128xf32, #tpu.memory_space<vmem_shared>>
      %dma_start3A_1078 = arith.constant 0 : i32
      %dma_start3A_1079 = tpu.memref_slice %arg6[%add3A_90, %dma_start3A_1078] : memref<10240x128xf32, #tpu.memory_space<vmem_shared>> -> memref<8x128xf32, #tpu.memory_space<vmem_shared>>
      tpu.enqueue_dma source(%arg12 : memref<8x128xf32, #tpu.memory_space<vmem>>) target(%dma_start3A_1079 : memref<8x128xf32, #tpu.memory_space<vmem_shared>>) target_semaphore(%run_scoped3A : memref<!tpu.dma_semaphore, #tpu.memory_space<semaphore_mem>>)
      %dma_wait3A_1080 = arith.constant 0 : i32
      %dma_wait3A_1081 = tpu.memref_slice %arg6[%add3A_90, %dma_wait3A_1080] : memref<10240x128xf32, #tpu.memory_space<vmem_shared>> -> memref<8x128xf32, #tpu.memory_space<vmem_shared>>
      %dma_wait3A_1082 = arith.constant 0 : i32
      %dma_wait3A_1083 = tpu.memref_slice %arg6[%add3A_90, %dma_wait3A_1082] : memref<10240x128xf32, #tpu.memory_space<vmem_shared>> -> memref<8x128xf32, #tpu.memory_space<vmem_shared>>
      tpu.wait_dma2 semaphore(%run_scoped3A : memref<!tpu.dma_semaphore, #tpu.memory_space<semaphore_mem>>) src(%arg12 : memref<8x128xf32, #tpu.memory_space<vmem>>) dst(%dma_wait3A_1083 : memref<8x128xf32, #tpu.memory_space<vmem_shared>>)
      tpu.yield
    }) : () -> ()
    %add3A_91 = arith.constant 296 : i32
    %add3A_92 = arith.addi %mul3A_16, %add3A_91 : i32
    "tpu.region"() ({
      %run_scoped3A = tpu.sem_alloc : memref<!tpu.dma_semaphore, #tpu.memory_space<semaphore_mem>>
      %dma_start3A_1076 = arith.constant 0 : i32
      %dma_start3A_1077 = tpu.memref_slice %arg6[%add3A_92, %dma_start3A_1076] : memref<10240x128xf32, #tpu.memory_space<vmem_shared>> -> memref<8x128xf32, #tpu.memory_space<vmem_shared>>
      %dma_start3A_1078 = arith.constant 0 : i32
      %dma_start3A_1079 = tpu.memref_slice %arg6[%add3A_92, %dma_start3A_1078] : memref<10240x128xf32, #tpu.memory_space<vmem_shared>> -> memref<8x128xf32, #tpu.memory_space<vmem_shared>>
      tpu.enqueue_dma source(%arg12 : memref<8x128xf32, #tpu.memory_space<vmem>>) target(%dma_start3A_1079 : memref<8x128xf32, #tpu.memory_space<vmem_shared>>) target_semaphore(%run_scoped3A : memref<!tpu.dma_semaphore, #tpu.memory_space<semaphore_mem>>)
      %dma_wait3A_1080 = arith.constant 0 : i32
      %dma_wait3A_1081 = tpu.memref_slice %arg6[%add3A_92, %dma_wait3A_1080] : memref<10240x128xf32, #tpu.memory_space<vmem_shared>> -> memref<8x128xf32, #tpu.memory_space<vmem_shared>>
      %dma_wait3A_1082 = arith.constant 0 : i32
      %dma_wait3A_1083 = tpu.memref_slice %arg6[%add3A_92, %dma_wait3A_1082] : memref<10240x128xf32, #tpu.memory_space<vmem_shared>> -> memref<8x128xf32, #tpu.memory_space<vmem_shared>>
      tpu.wait_dma2 semaphore(%run_scoped3A : memref<!tpu.dma_semaphore, #tpu.memory_space<semaphore_mem>>) src(%arg12 : memref<8x128xf32, #tpu.memory_space<vmem>>) dst(%dma_wait3A_1083 : memref<8x128xf32, #tpu.memory_space<vmem_shared>>)
      tpu.yield
    }) : () -> ()
    %add3A_93 = arith.constant 304 : i32
    %add3A_94 = arith.addi %mul3A_16, %add3A_93 : i32
    "tpu.region"() ({
      %run_scoped3A = tpu.sem_alloc : memref<!tpu.dma_semaphore, #tpu.memory_space<semaphore_mem>>
      %dma_start3A_1076 = arith.constant 0 : i32
      %dma_start3A_1077 = tpu.memref_slice %arg6[%add3A_94, %dma_start3A_1076] : memref<10240x128xf32, #tpu.memory_space<vmem_shared>> -> memref<8x128xf32, #tpu.memory_space<vmem_shared>>
      %dma_start3A_1078 = arith.constant 0 : i32
      %dma_start3A_1079 = tpu.memref_slice %arg6[%add3A_94, %dma_start3A_1078] : memref<10240x128xf32, #tpu.memory_space<vmem_shared>> -> memref<8x128xf32, #tpu.memory_space<vmem_shared>>
      tpu.enqueue_dma source(%arg12 : memref<8x128xf32, #tpu.memory_space<vmem>>) target(%dma_start3A_1079 : memref<8x128xf32, #tpu.memory_space<vmem_shared>>) target_semaphore(%run_scoped3A : memref<!tpu.dma_semaphore, #tpu.memory_space<semaphore_mem>>)
      %dma_wait3A_1080 = arith.constant 0 : i32
      %dma_wait3A_1081 = tpu.memref_slice %arg6[%add3A_94, %dma_wait3A_1080] : memref<10240x128xf32, #tpu.memory_space<vmem_shared>> -> memref<8x128xf32, #tpu.memory_space<vmem_shared>>
      %dma_wait3A_1082 = arith.constant 0 : i32
      %dma_wait3A_1083 = tpu.memref_slice %arg6[%add3A_94, %dma_wait3A_1082] : memref<10240x128xf32, #tpu.memory_space<vmem_shared>> -> memref<8x128xf32, #tpu.memory_space<vmem_shared>>
      tpu.wait_dma2 semaphore(%run_scoped3A : memref<!tpu.dma_semaphore, #tpu.memory_space<semaphore_mem>>) src(%arg12 : memref<8x128xf32, #tpu.memory_space<vmem>>) dst(%dma_wait3A_1083 : memref<8x128xf32, #tpu.memory_space<vmem_shared>>)
      tpu.yield
    }) : () -> ()
    %add3A_95 = arith.constant 312 : i32
    %add3A_96 = arith.addi %mul3A_16, %add3A_95 : i32
    "tpu.region"() ({
      %run_scoped3A = tpu.sem_alloc : memref<!tpu.dma_semaphore, #tpu.memory_space<semaphore_mem>>
      %dma_start3A_1076 = arith.constant 0 : i32
      %dma_start3A_1077 = tpu.memref_slice %arg6[%add3A_96, %dma_start3A_1076] : memref<10240x128xf32, #tpu.memory_space<vmem_shared>> -> memref<8x128xf32, #tpu.memory_space<vmem_shared>>
      %dma_start3A_1078 = arith.constant 0 : i32
      %dma_start3A_1079 = tpu.memref_slice %arg6[%add3A_96, %dma_start3A_1078] : memref<10240x128xf32, #tpu.memory_space<vmem_shared>> -> memref<8x128xf32, #tpu.memory_space<vmem_shared>>
      tpu.enqueue_dma source(%arg12 : memref<8x128xf32, #tpu.memory_space<vmem>>) target(%dma_start3A_1079 : memref<8x128xf32, #tpu.memory_space<vmem_shared>>) target_semaphore(%run_scoped3A : memref<!tpu.dma_semaphore, #tpu.memory_space<semaphore_mem>>)
      %dma_wait3A_1080 = arith.constant 0 : i32
      %dma_wait3A_1081 = tpu.memref_slice %arg6[%add3A_96, %dma_wait3A_1080] : memref<10240x128xf32, #tpu.memory_space<vmem_shared>> -> memref<8x128xf32, #tpu.memory_space<vmem_shared>>
      %dma_wait3A_1082 = arith.constant 0 : i32
      %dma_wait3A_1083 = tpu.memref_slice %arg6[%add3A_96, %dma_wait3A_1082] : memref<10240x128xf32, #tpu.memory_space<vmem_shared>> -> memref<8x128xf32, #tpu.memory_space<vmem_shared>>
      tpu.wait_dma2 semaphore(%run_scoped3A : memref<!tpu.dma_semaphore, #tpu.memory_space<semaphore_mem>>) src(%arg12 : memref<8x128xf32, #tpu.memory_space<vmem>>) dst(%dma_wait3A_1083 : memref<8x128xf32, #tpu.memory_space<vmem_shared>>)
      tpu.yield
    }) : () -> ()
    %add3A_97 = arith.constant 320 : i32
    %add3A_98 = arith.addi %mul3A_16, %add3A_97 : i32
    "tpu.region"() ({
      %run_scoped3A = tpu.sem_alloc : memref<!tpu.dma_semaphore, #tpu.memory_space<semaphore_mem>>
      %dma_start3A_1076 = arith.constant 0 : i32
      %dma_start3A_1077 = tpu.memref_slice %arg6[%add3A_98, %dma_start3A_1076] : memref<10240x128xf32, #tpu.memory_space<vmem_shared>> -> memref<8x128xf32, #tpu.memory_space<vmem_shared>>
      %dma_start3A_1078 = arith.constant 0 : i32
      %dma_start3A_1079 = tpu.memref_slice %arg6[%add3A_98, %dma_start3A_1078] : memref<10240x128xf32, #tpu.memory_space<vmem_shared>> -> memref<8x128xf32, #tpu.memory_space<vmem_shared>>
      tpu.enqueue_dma source(%arg12 : memref<8x128xf32, #tpu.memory_space<vmem>>) target(%dma_start3A_1079 : memref<8x128xf32, #tpu.memory_space<vmem_shared>>) target_semaphore(%run_scoped3A : memref<!tpu.dma_semaphore, #tpu.memory_space<semaphore_mem>>)
      %dma_wait3A_1080 = arith.constant 0 : i32
      %dma_wait3A_1081 = tpu.memref_slice %arg6[%add3A_98, %dma_wait3A_1080] : memref<10240x128xf32, #tpu.memory_space<vmem_shared>> -> memref<8x128xf32, #tpu.memory_space<vmem_shared>>
      %dma_wait3A_1082 = arith.constant 0 : i32
      %dma_wait3A_1083 = tpu.memref_slice %arg6[%add3A_98, %dma_wait3A_1082] : memref<10240x128xf32, #tpu.memory_space<vmem_shared>> -> memref<8x128xf32, #tpu.memory_space<vmem_shared>>
      tpu.wait_dma2 semaphore(%run_scoped3A : memref<!tpu.dma_semaphore, #tpu.memory_space<semaphore_mem>>) src(%arg12 : memref<8x128xf32, #tpu.memory_space<vmem>>) dst(%dma_wait3A_1083 : memref<8x128xf32, #tpu.memory_space<vmem_shared>>)
      tpu.yield
    }) : () -> ()
    %add3A_99 = arith.constant 328 : i32
    %add3A_100 = arith.addi %mul3A_16, %add3A_99 : i32
    "tpu.region"() ({
      %run_scoped3A = tpu.sem_alloc : memref<!tpu.dma_semaphore, #tpu.memory_space<semaphore_mem>>
      %dma_start3A_1076 = arith.constant 0 : i32
      %dma_start3A_1077 = tpu.memref_slice %arg6[%add3A_100, %dma_start3A_1076] : memref<10240x128xf32, #tpu.memory_space<vmem_shared>> -> memref<8x128xf32, #tpu.memory_space<vmem_shared>>
      %dma_start3A_1078 = arith.constant 0 : i32
      %dma_start3A_1079 = tpu.memref_slice %arg6[%add3A_100, %dma_start3A_1078] : memref<10240x128xf32, #tpu.memory_space<vmem_shared>> -> memref<8x128xf32, #tpu.memory_space<vmem_shared>>
      tpu.enqueue_dma source(%arg12 : memref<8x128xf32, #tpu.memory_space<vmem>>) target(%dma_start3A_1079 : memref<8x128xf32, #tpu.memory_space<vmem_shared>>) target_semaphore(%run_scoped3A : memref<!tpu.dma_semaphore, #tpu.memory_space<semaphore_mem>>)
      %dma_wait3A_1080 = arith.constant 0 : i32
      %dma_wait3A_1081 = tpu.memref_slice %arg6[%add3A_100, %dma_wait3A_1080] : memref<10240x128xf32, #tpu.memory_space<vmem_shared>> -> memref<8x128xf32, #tpu.memory_space<vmem_shared>>
      %dma_wait3A_1082 = arith.constant 0 : i32
      %dma_wait3A_1083 = tpu.memref_slice %arg6[%add3A_100, %dma_wait3A_1082] : memref<10240x128xf32, #tpu.memory_space<vmem_shared>> -> memref<8x128xf32, #tpu.memory_space<vmem_shared>>
      tpu.wait_dma2 semaphore(%run_scoped3A : memref<!tpu.dma_semaphore, #tpu.memory_space<semaphore_mem>>) src(%arg12 : memref<8x128xf32, #tpu.memory_space<vmem>>) dst(%dma_wait3A_1083 : memref<8x128xf32, #tpu.memory_space<vmem_shared>>)
      tpu.yield
    }) : () -> ()
    %add3A_101 = arith.constant 336 : i32
    %add3A_102 = arith.addi %mul3A_16, %add3A_101 : i32
    "tpu.region"() ({
      %run_scoped3A = tpu.sem_alloc : memref<!tpu.dma_semaphore, #tpu.memory_space<semaphore_mem>>
      %dma_start3A_1076 = arith.constant 0 : i32
      %dma_start3A_1077 = tpu.memref_slice %arg6[%add3A_102, %dma_start3A_1076] : memref<10240x128xf32, #tpu.memory_space<vmem_shared>> -> memref<8x128xf32, #tpu.memory_space<vmem_shared>>
      %dma_start3A_1078 = arith.constant 0 : i32
      %dma_start3A_1079 = tpu.memref_slice %arg6[%add3A_102, %dma_start3A_1078] : memref<10240x128xf32, #tpu.memory_space<vmem_shared>> -> memref<8x128xf32, #tpu.memory_space<vmem_shared>>
      tpu.enqueue_dma source(%arg12 : memref<8x128xf32, #tpu.memory_space<vmem>>) target(%dma_start3A_1079 : memref<8x128xf32, #tpu.memory_space<vmem_shared>>) target_semaphore(%run_scoped3A : memref<!tpu.dma_semaphore, #tpu.memory_space<semaphore_mem>>)
      %dma_wait3A_1080 = arith.constant 0 : i32
      %dma_wait3A_1081 = tpu.memref_slice %arg6[%add3A_102, %dma_wait3A_1080] : memref<10240x128xf32, #tpu.memory_space<vmem_shared>> -> memref<8x128xf32, #tpu.memory_space<vmem_shared>>
      %dma_wait3A_1082 = arith.constant 0 : i32
      %dma_wait3A_1083 = tpu.memref_slice %arg6[%add3A_102, %dma_wait3A_1082] : memref<10240x128xf32, #tpu.memory_space<vmem_shared>> -> memref<8x128xf32, #tpu.memory_space<vmem_shared>>
      tpu.wait_dma2 semaphore(%run_scoped3A : memref<!tpu.dma_semaphore, #tpu.memory_space<semaphore_mem>>) src(%arg12 : memref<8x128xf32, #tpu.memory_space<vmem>>) dst(%dma_wait3A_1083 : memref<8x128xf32, #tpu.memory_space<vmem_shared>>)
      tpu.yield
    }) : () -> ()
    %add3A_103 = arith.constant 344 : i32
    %add3A_104 = arith.addi %mul3A_16, %add3A_103 : i32
    "tpu.region"() ({
      %run_scoped3A = tpu.sem_alloc : memref<!tpu.dma_semaphore, #tpu.memory_space<semaphore_mem>>
      %dma_start3A_1076 = arith.constant 0 : i32
      %dma_start3A_1077 = tpu.memref_slice %arg6[%add3A_104, %dma_start3A_1076] : memref<10240x128xf32, #tpu.memory_space<vmem_shared>> -> memref<8x128xf32, #tpu.memory_space<vmem_shared>>
      %dma_start3A_1078 = arith.constant 0 : i32
      %dma_start3A_1079 = tpu.memref_slice %arg6[%add3A_104, %dma_start3A_1078] : memref<10240x128xf32, #tpu.memory_space<vmem_shared>> -> memref<8x128xf32, #tpu.memory_space<vmem_shared>>
      tpu.enqueue_dma source(%arg12 : memref<8x128xf32, #tpu.memory_space<vmem>>) target(%dma_start3A_1079 : memref<8x128xf32, #tpu.memory_space<vmem_shared>>) target_semaphore(%run_scoped3A : memref<!tpu.dma_semaphore, #tpu.memory_space<semaphore_mem>>)
      %dma_wait3A_1080 = arith.constant 0 : i32
      %dma_wait3A_1081 = tpu.memref_slice %arg6[%add3A_104, %dma_wait3A_1080] : memref<10240x128xf32, #tpu.memory_space<vmem_shared>> -> memref<8x128xf32, #tpu.memory_space<vmem_shared>>
      %dma_wait3A_1082 = arith.constant 0 : i32
      %dma_wait3A_1083 = tpu.memref_slice %arg6[%add3A_104, %dma_wait3A_1082] : memref<10240x128xf32, #tpu.memory_space<vmem_shared>> -> memref<8x128xf32, #tpu.memory_space<vmem_shared>>
      tpu.wait_dma2 semaphore(%run_scoped3A : memref<!tpu.dma_semaphore, #tpu.memory_space<semaphore_mem>>) src(%arg12 : memref<8x128xf32, #tpu.memory_space<vmem>>) dst(%dma_wait3A_1083 : memref<8x128xf32, #tpu.memory_space<vmem_shared>>)
      tpu.yield
    }) : () -> ()
    %add3A_105 = arith.constant 352 : i32
    %add3A_106 = arith.addi %mul3A_16, %add3A_105 : i32
    "tpu.region"() ({
      %run_scoped3A = tpu.sem_alloc : memref<!tpu.dma_semaphore, #tpu.memory_space<semaphore_mem>>
      %dma_start3A_1076 = arith.constant 0 : i32
      %dma_start3A_1077 = tpu.memref_slice %arg6[%add3A_106, %dma_start3A_1076] : memref<10240x128xf32, #tpu.memory_space<vmem_shared>> -> memref<8x128xf32, #tpu.memory_space<vmem_shared>>
      %dma_start3A_1078 = arith.constant 0 : i32
      %dma_start3A_1079 = tpu.memref_slice %arg6[%add3A_106, %dma_start3A_1078] : memref<10240x128xf32, #tpu.memory_space<vmem_shared>> -> memref<8x128xf32, #tpu.memory_space<vmem_shared>>
      tpu.enqueue_dma source(%arg12 : memref<8x128xf32, #tpu.memory_space<vmem>>) target(%dma_start3A_1079 : memref<8x128xf32, #tpu.memory_space<vmem_shared>>) target_semaphore(%run_scoped3A : memref<!tpu.dma_semaphore, #tpu.memory_space<semaphore_mem>>)
      %dma_wait3A_1080 = arith.constant 0 : i32
      %dma_wait3A_1081 = tpu.memref_slice %arg6[%add3A_106, %dma_wait3A_1080] : memref<10240x128xf32, #tpu.memory_space<vmem_shared>> -> memref<8x128xf32, #tpu.memory_space<vmem_shared>>
      %dma_wait3A_1082 = arith.constant 0 : i32
      %dma_wait3A_1083 = tpu.memref_slice %arg6[%add3A_106, %dma_wait3A_1082] : memref<10240x128xf32, #tpu.memory_space<vmem_shared>> -> memref<8x128xf32, #tpu.memory_space<vmem_shared>>
      tpu.wait_dma2 semaphore(%run_scoped3A : memref<!tpu.dma_semaphore, #tpu.memory_space<semaphore_mem>>) src(%arg12 : memref<8x128xf32, #tpu.memory_space<vmem>>) dst(%dma_wait3A_1083 : memref<8x128xf32, #tpu.memory_space<vmem_shared>>)
      tpu.yield
    }) : () -> ()
    %add3A_107 = arith.constant 360 : i32
    %add3A_108 = arith.addi %mul3A_16, %add3A_107 : i32
    "tpu.region"() ({
      %run_scoped3A = tpu.sem_alloc : memref<!tpu.dma_semaphore, #tpu.memory_space<semaphore_mem>>
      %dma_start3A_1076 = arith.constant 0 : i32
      %dma_start3A_1077 = tpu.memref_slice %arg6[%add3A_108, %dma_start3A_1076] : memref<10240x128xf32, #tpu.memory_space<vmem_shared>> -> memref<8x128xf32, #tpu.memory_space<vmem_shared>>
      %dma_start3A_1078 = arith.constant 0 : i32
      %dma_start3A_1079 = tpu.memref_slice %arg6[%add3A_108, %dma_start3A_1078] : memref<10240x128xf32, #tpu.memory_space<vmem_shared>> -> memref<8x128xf32, #tpu.memory_space<vmem_shared>>
      tpu.enqueue_dma source(%arg12 : memref<8x128xf32, #tpu.memory_space<vmem>>) target(%dma_start3A_1079 : memref<8x128xf32, #tpu.memory_space<vmem_shared>>) target_semaphore(%run_scoped3A : memref<!tpu.dma_semaphore, #tpu.memory_space<semaphore_mem>>)
      %dma_wait3A_1080 = arith.constant 0 : i32
      %dma_wait3A_1081 = tpu.memref_slice %arg6[%add3A_108, %dma_wait3A_1080] : memref<10240x128xf32, #tpu.memory_space<vmem_shared>> -> memref<8x128xf32, #tpu.memory_space<vmem_shared>>
      %dma_wait3A_1082 = arith.constant 0 : i32
      %dma_wait3A_1083 = tpu.memref_slice %arg6[%add3A_108, %dma_wait3A_1082] : memref<10240x128xf32, #tpu.memory_space<vmem_shared>> -> memref<8x128xf32, #tpu.memory_space<vmem_shared>>
      tpu.wait_dma2 semaphore(%run_scoped3A : memref<!tpu.dma_semaphore, #tpu.memory_space<semaphore_mem>>) src(%arg12 : memref<8x128xf32, #tpu.memory_space<vmem>>) dst(%dma_wait3A_1083 : memref<8x128xf32, #tpu.memory_space<vmem_shared>>)
      tpu.yield
    }) : () -> ()
    %add3A_109 = arith.constant 368 : i32
    %add3A_110 = arith.addi %mul3A_16, %add3A_109 : i32
    "tpu.region"() ({
      %run_scoped3A = tpu.sem_alloc : memref<!tpu.dma_semaphore, #tpu.memory_space<semaphore_mem>>
      %dma_start3A_1076 = arith.constant 0 : i32
      %dma_start3A_1077 = tpu.memref_slice %arg6[%add3A_110, %dma_start3A_1076] : memref<10240x128xf32, #tpu.memory_space<vmem_shared>> -> memref<8x128xf32, #tpu.memory_space<vmem_shared>>
      %dma_start3A_1078 = arith.constant 0 : i32
      %dma_start3A_1079 = tpu.memref_slice %arg6[%add3A_110, %dma_start3A_1078] : memref<10240x128xf32, #tpu.memory_space<vmem_shared>> -> memref<8x128xf32, #tpu.memory_space<vmem_shared>>
      tpu.enqueue_dma source(%arg12 : memref<8x128xf32, #tpu.memory_space<vmem>>) target(%dma_start3A_1079 : memref<8x128xf32, #tpu.memory_space<vmem_shared>>) target_semaphore(%run_scoped3A : memref<!tpu.dma_semaphore, #tpu.memory_space<semaphore_mem>>)
      %dma_wait3A_1080 = arith.constant 0 : i32
      %dma_wait3A_1081 = tpu.memref_slice %arg6[%add3A_110, %dma_wait3A_1080] : memref<10240x128xf32, #tpu.memory_space<vmem_shared>> -> memref<8x128xf32, #tpu.memory_space<vmem_shared>>
      %dma_wait3A_1082 = arith.constant 0 : i32
      %dma_wait3A_1083 = tpu.memref_slice %arg6[%add3A_110, %dma_wait3A_1082] : memref<10240x128xf32, #tpu.memory_space<vmem_shared>> -> memref<8x128xf32, #tpu.memory_space<vmem_shared>>
      tpu.wait_dma2 semaphore(%run_scoped3A : memref<!tpu.dma_semaphore, #tpu.memory_space<semaphore_mem>>) src(%arg12 : memref<8x128xf32, #tpu.memory_space<vmem>>) dst(%dma_wait3A_1083 : memref<8x128xf32, #tpu.memory_space<vmem_shared>>)
      tpu.yield
    }) : () -> ()
    %add3A_111 = arith.constant 376 : i32
    %add3A_112 = arith.addi %mul3A_16, %add3A_111 : i32
    "tpu.region"() ({
      %run_scoped3A = tpu.sem_alloc : memref<!tpu.dma_semaphore, #tpu.memory_space<semaphore_mem>>
      %dma_start3A_1076 = arith.constant 0 : i32
      %dma_start3A_1077 = tpu.memref_slice %arg6[%add3A_112, %dma_start3A_1076] : memref<10240x128xf32, #tpu.memory_space<vmem_shared>> -> memref<8x128xf32, #tpu.memory_space<vmem_shared>>
      %dma_start3A_1078 = arith.constant 0 : i32
      %dma_start3A_1079 = tpu.memref_slice %arg6[%add3A_112, %dma_start3A_1078] : memref<10240x128xf32, #tpu.memory_space<vmem_shared>> -> memref<8x128xf32, #tpu.memory_space<vmem_shared>>
      tpu.enqueue_dma source(%arg12 : memref<8x128xf32, #tpu.memory_space<vmem>>) target(%dma_start3A_1079 : memref<8x128xf32, #tpu.memory_space<vmem_shared>>) target_semaphore(%run_scoped3A : memref<!tpu.dma_semaphore, #tpu.memory_space<semaphore_mem>>)
      %dma_wait3A_1080 = arith.constant 0 : i32
      %dma_wait3A_1081 = tpu.memref_slice %arg6[%add3A_112, %dma_wait3A_1080] : memref<10240x128xf32, #tpu.memory_space<vmem_shared>> -> memref<8x128xf32, #tpu.memory_space<vmem_shared>>
      %dma_wait3A_1082 = arith.constant 0 : i32
      %dma_wait3A_1083 = tpu.memref_slice %arg6[%add3A_112, %dma_wait3A_1082] : memref<10240x128xf32, #tpu.memory_space<vmem_shared>> -> memref<8x128xf32, #tpu.memory_space<vmem_shared>>
      tpu.wait_dma2 semaphore(%run_scoped3A : memref<!tpu.dma_semaphore, #tpu.memory_space<semaphore_mem>>) src(%arg12 : memref<8x128xf32, #tpu.memory_space<vmem>>) dst(%dma_wait3A_1083 : memref<8x128xf32, #tpu.memory_space<vmem_shared>>)
      tpu.yield
    }) : () -> ()
    %add3A_113 = arith.constant 384 : i32
    %add3A_114 = arith.addi %mul3A_16, %add3A_113 : i32
    "tpu.region"() ({
      %run_scoped3A = tpu.sem_alloc : memref<!tpu.dma_semaphore, #tpu.memory_space<semaphore_mem>>
      %dma_start3A_1076 = arith.constant 0 : i32
      %dma_start3A_1077 = tpu.memref_slice %arg6[%add3A_114, %dma_start3A_1076] : memref<10240x128xf32, #tpu.memory_space<vmem_shared>> -> memref<8x128xf32, #tpu.memory_space<vmem_shared>>
      %dma_start3A_1078 = arith.constant 0 : i32
      %dma_start3A_1079 = tpu.memref_slice %arg6[%add3A_114, %dma_start3A_1078] : memref<10240x128xf32, #tpu.memory_space<vmem_shared>> -> memref<8x128xf32, #tpu.memory_space<vmem_shared>>
      tpu.enqueue_dma source(%arg12 : memref<8x128xf32, #tpu.memory_space<vmem>>) target(%dma_start3A_1079 : memref<8x128xf32, #tpu.memory_space<vmem_shared>>) target_semaphore(%run_scoped3A : memref<!tpu.dma_semaphore, #tpu.memory_space<semaphore_mem>>)
      %dma_wait3A_1080 = arith.constant 0 : i32
      %dma_wait3A_1081 = tpu.memref_slice %arg6[%add3A_114, %dma_wait3A_1080] : memref<10240x128xf32, #tpu.memory_space<vmem_shared>> -> memref<8x128xf32, #tpu.memory_space<vmem_shared>>
      %dma_wait3A_1082 = arith.constant 0 : i32
      %dma_wait3A_1083 = tpu.memref_slice %arg6[%add3A_114, %dma_wait3A_1082] : memref<10240x128xf32, #tpu.memory_space<vmem_shared>> -> memref<8x128xf32, #tpu.memory_space<vmem_shared>>
      tpu.wait_dma2 semaphore(%run_scoped3A : memref<!tpu.dma_semaphore, #tpu.memory_space<semaphore_mem>>) src(%arg12 : memref<8x128xf32, #tpu.memory_space<vmem>>) dst(%dma_wait3A_1083 : memref<8x128xf32, #tpu.memory_space<vmem_shared>>)
      tpu.yield
    }) : () -> ()
    %add3A_115 = arith.constant 392 : i32
    %add3A_116 = arith.addi %mul3A_16, %add3A_115 : i32
    "tpu.region"() ({
      %run_scoped3A = tpu.sem_alloc : memref<!tpu.dma_semaphore, #tpu.memory_space<semaphore_mem>>
      %dma_start3A_1076 = arith.constant 0 : i32
      %dma_start3A_1077 = tpu.memref_slice %arg6[%add3A_116, %dma_start3A_1076] : memref<10240x128xf32, #tpu.memory_space<vmem_shared>> -> memref<8x128xf32, #tpu.memory_space<vmem_shared>>
      %dma_start3A_1078 = arith.constant 0 : i32
      %dma_start3A_1079 = tpu.memref_slice %arg6[%add3A_116, %dma_start3A_1078] : memref<10240x128xf32, #tpu.memory_space<vmem_shared>> -> memref<8x128xf32, #tpu.memory_space<vmem_shared>>
      tpu.enqueue_dma source(%arg12 : memref<8x128xf32, #tpu.memory_space<vmem>>) target(%dma_start3A_1079 : memref<8x128xf32, #tpu.memory_space<vmem_shared>>) target_semaphore(%run_scoped3A : memref<!tpu.dma_semaphore, #tpu.memory_space<semaphore_mem>>)
      %dma_wait3A_1080 = arith.constant 0 : i32
      %dma_wait3A_1081 = tpu.memref_slice %arg6[%add3A_116, %dma_wait3A_1080] : memref<10240x128xf32, #tpu.memory_space<vmem_shared>> -> memref<8x128xf32, #tpu.memory_space<vmem_shared>>
      %dma_wait3A_1082 = arith.constant 0 : i32
      %dma_wait3A_1083 = tpu.memref_slice %arg6[%add3A_116, %dma_wait3A_1082] : memref<10240x128xf32, #tpu.memory_space<vmem_shared>> -> memref<8x128xf32, #tpu.memory_space<vmem_shared>>
      tpu.wait_dma2 semaphore(%run_scoped3A : memref<!tpu.dma_semaphore, #tpu.memory_space<semaphore_mem>>) src(%arg12 : memref<8x128xf32, #tpu.memory_space<vmem>>) dst(%dma_wait3A_1083 : memref<8x128xf32, #tpu.memory_space<vmem_shared>>)
      tpu.yield
    }) : () -> ()
    %add3A_117 = arith.constant 400 : i32
    %add3A_118 = arith.addi %mul3A_16, %add3A_117 : i32
    "tpu.region"() ({
      %run_scoped3A = tpu.sem_alloc : memref<!tpu.dma_semaphore, #tpu.memory_space<semaphore_mem>>
      %dma_start3A_1076 = arith.constant 0 : i32
      %dma_start3A_1077 = tpu.memref_slice %arg6[%add3A_118, %dma_start3A_1076] : memref<10240x128xf32, #tpu.memory_space<vmem_shared>> -> memref<8x128xf32, #tpu.memory_space<vmem_shared>>
      %dma_start3A_1078 = arith.constant 0 : i32
      %dma_start3A_1079 = tpu.memref_slice %arg6[%add3A_118, %dma_start3A_1078] : memref<10240x128xf32, #tpu.memory_space<vmem_shared>> -> memref<8x128xf32, #tpu.memory_space<vmem_shared>>
      tpu.enqueue_dma source(%arg12 : memref<8x128xf32, #tpu.memory_space<vmem>>) target(%dma_start3A_1079 : memref<8x128xf32, #tpu.memory_space<vmem_shared>>) target_semaphore(%run_scoped3A : memref<!tpu.dma_semaphore, #tpu.memory_space<semaphore_mem>>)
      %dma_wait3A_1080 = arith.constant 0 : i32
      %dma_wait3A_1081 = tpu.memref_slice %arg6[%add3A_118, %dma_wait3A_1080] : memref<10240x128xf32, #tpu.memory_space<vmem_shared>> -> memref<8x128xf32, #tpu.memory_space<vmem_shared>>
      %dma_wait3A_1082 = arith.constant 0 : i32
      %dma_wait3A_1083 = tpu.memref_slice %arg6[%add3A_118, %dma_wait3A_1082] : memref<10240x128xf32, #tpu.memory_space<vmem_shared>> -> memref<8x128xf32, #tpu.memory_space<vmem_shared>>
      tpu.wait_dma2 semaphore(%run_scoped3A : memref<!tpu.dma_semaphore, #tpu.memory_space<semaphore_mem>>) src(%arg12 : memref<8x128xf32, #tpu.memory_space<vmem>>) dst(%dma_wait3A_1083 : memref<8x128xf32, #tpu.memory_space<vmem_shared>>)
      tpu.yield
    }) : () -> ()
    %add3A_119 = arith.constant 408 : i32
    %add3A_120 = arith.addi %mul3A_16, %add3A_119 : i32
    "tpu.region"() ({
      %run_scoped3A = tpu.sem_alloc : memref<!tpu.dma_semaphore, #tpu.memory_space<semaphore_mem>>
      %dma_start3A_1076 = arith.constant 0 : i32
      %dma_start3A_1077 = tpu.memref_slice %arg6[%add3A_120, %dma_start3A_1076] : memref<10240x128xf32, #tpu.memory_space<vmem_shared>> -> memref<8x128xf32, #tpu.memory_space<vmem_shared>>
      %dma_start3A_1078 = arith.constant 0 : i32
      %dma_start3A_1079 = tpu.memref_slice %arg6[%add3A_120, %dma_start3A_1078] : memref<10240x128xf32, #tpu.memory_space<vmem_shared>> -> memref<8x128xf32, #tpu.memory_space<vmem_shared>>
      tpu.enqueue_dma source(%arg12 : memref<8x128xf32, #tpu.memory_space<vmem>>) target(%dma_start3A_1079 : memref<8x128xf32, #tpu.memory_space<vmem_shared>>) target_semaphore(%run_scoped3A : memref<!tpu.dma_semaphore, #tpu.memory_space<semaphore_mem>>)
      %dma_wait3A_1080 = arith.constant 0 : i32
      %dma_wait3A_1081 = tpu.memref_slice %arg6[%add3A_120, %dma_wait3A_1080] : memref<10240x128xf32, #tpu.memory_space<vmem_shared>> -> memref<8x128xf32, #tpu.memory_space<vmem_shared>>
      %dma_wait3A_1082 = arith.constant 0 : i32
      %dma_wait3A_1083 = tpu.memref_slice %arg6[%add3A_120, %dma_wait3A_1082] : memref<10240x128xf32, #tpu.memory_space<vmem_shared>> -> memref<8x128xf32, #tpu.memory_space<vmem_shared>>
      tpu.wait_dma2 semaphore(%run_scoped3A : memref<!tpu.dma_semaphore, #tpu.memory_space<semaphore_mem>>) src(%arg12 : memref<8x128xf32, #tpu.memory_space<vmem>>) dst(%dma_wait3A_1083 : memref<8x128xf32, #tpu.memory_space<vmem_shared>>)
      tpu.yield
    }) : () -> ()
    %add3A_121 = arith.constant 416 : i32
    %add3A_122 = arith.addi %mul3A_16, %add3A_121 : i32
    "tpu.region"() ({
      %run_scoped3A = tpu.sem_alloc : memref<!tpu.dma_semaphore, #tpu.memory_space<semaphore_mem>>
      %dma_start3A_1076 = arith.constant 0 : i32
      %dma_start3A_1077 = tpu.memref_slice %arg6[%add3A_122, %dma_start3A_1076] : memref<10240x128xf32, #tpu.memory_space<vmem_shared>> -> memref<8x128xf32, #tpu.memory_space<vmem_shared>>
      %dma_start3A_1078 = arith.constant 0 : i32
      %dma_start3A_1079 = tpu.memref_slice %arg6[%add3A_122, %dma_start3A_1078] : memref<10240x128xf32, #tpu.memory_space<vmem_shared>> -> memref<8x128xf32, #tpu.memory_space<vmem_shared>>
      tpu.enqueue_dma source(%arg12 : memref<8x128xf32, #tpu.memory_space<vmem>>) target(%dma_start3A_1079 : memref<8x128xf32, #tpu.memory_space<vmem_shared>>) target_semaphore(%run_scoped3A : memref<!tpu.dma_semaphore, #tpu.memory_space<semaphore_mem>>)
      %dma_wait3A_1080 = arith.constant 0 : i32
      %dma_wait3A_1081 = tpu.memref_slice %arg6[%add3A_122, %dma_wait3A_1080] : memref<10240x128xf32, #tpu.memory_space<vmem_shared>> -> memref<8x128xf32, #tpu.memory_space<vmem_shared>>
      %dma_wait3A_1082 = arith.constant 0 : i32
      %dma_wait3A_1083 = tpu.memref_slice %arg6[%add3A_122, %dma_wait3A_1082] : memref<10240x128xf32, #tpu.memory_space<vmem_shared>> -> memref<8x128xf32, #tpu.memory_space<vmem_shared>>
      tpu.wait_dma2 semaphore(%run_scoped3A : memref<!tpu.dma_semaphore, #tpu.memory_space<semaphore_mem>>) src(%arg12 : memref<8x128xf32, #tpu.memory_space<vmem>>) dst(%dma_wait3A_1083 : memref<8x128xf32, #tpu.memory_space<vmem_shared>>)
      tpu.yield
    }) : () -> ()
    %add3A_123 = arith.constant 424 : i32
    %add3A_124 = arith.addi %mul3A_16, %add3A_123 : i32
    "tpu.region"() ({
      %run_scoped3A = tpu.sem_alloc : memref<!tpu.dma_semaphore, #tpu.memory_space<semaphore_mem>>
      %dma_start3A_1076 = arith.constant 0 : i32
      %dma_start3A_1077 = tpu.memref_slice %arg6[%add3A_124, %dma_start3A_1076] : memref<10240x128xf32, #tpu.memory_space<vmem_shared>> -> memref<8x128xf32, #tpu.memory_space<vmem_shared>>
      %dma_start3A_1078 = arith.constant 0 : i32
      %dma_start3A_1079 = tpu.memref_slice %arg6[%add3A_124, %dma_start3A_1078] : memref<10240x128xf32, #tpu.memory_space<vmem_shared>> -> memref<8x128xf32, #tpu.memory_space<vmem_shared>>
      tpu.enqueue_dma source(%arg12 : memref<8x128xf32, #tpu.memory_space<vmem>>) target(%dma_start3A_1079 : memref<8x128xf32, #tpu.memory_space<vmem_shared>>) target_semaphore(%run_scoped3A : memref<!tpu.dma_semaphore, #tpu.memory_space<semaphore_mem>>)
      %dma_wait3A_1080 = arith.constant 0 : i32
      %dma_wait3A_1081 = tpu.memref_slice %arg6[%add3A_124, %dma_wait3A_1080] : memref<10240x128xf32, #tpu.memory_space<vmem_shared>> -> memref<8x128xf32, #tpu.memory_space<vmem_shared>>
      %dma_wait3A_1082 = arith.constant 0 : i32
      %dma_wait3A_1083 = tpu.memref_slice %arg6[%add3A_124, %dma_wait3A_1082] : memref<10240x128xf32, #tpu.memory_space<vmem_shared>> -> memref<8x128xf32, #tpu.memory_space<vmem_shared>>
      tpu.wait_dma2 semaphore(%run_scoped3A : memref<!tpu.dma_semaphore, #tpu.memory_space<semaphore_mem>>) src(%arg12 : memref<8x128xf32, #tpu.memory_space<vmem>>) dst(%dma_wait3A_1083 : memref<8x128xf32, #tpu.memory_space<vmem_shared>>)
      tpu.yield
    }) : () -> ()
    %add3A_125 = arith.constant 432 : i32
    %add3A_126 = arith.addi %mul3A_16, %add3A_125 : i32
    "tpu.region"() ({
      %run_scoped3A = tpu.sem_alloc : memref<!tpu.dma_semaphore, #tpu.memory_space<semaphore_mem>>
      %dma_start3A_1076 = arith.constant 0 : i32
      %dma_start3A_1077 = tpu.memref_slice %arg6[%add3A_126, %dma_start3A_1076] : memref<10240x128xf32, #tpu.memory_space<vmem_shared>> -> memref<8x128xf32, #tpu.memory_space<vmem_shared>>
      %dma_start3A_1078 = arith.constant 0 : i32
      %dma_start3A_1079 = tpu.memref_slice %arg6[%add3A_126, %dma_start3A_1078] : memref<10240x128xf32, #tpu.memory_space<vmem_shared>> -> memref<8x128xf32, #tpu.memory_space<vmem_shared>>
      tpu.enqueue_dma source(%arg12 : memref<8x128xf32, #tpu.memory_space<vmem>>) target(%dma_start3A_1079 : memref<8x128xf32, #tpu.memory_space<vmem_shared>>) target_semaphore(%run_scoped3A : memref<!tpu.dma_semaphore, #tpu.memory_space<semaphore_mem>>)
      %dma_wait3A_1080 = arith.constant 0 : i32
      %dma_wait3A_1081 = tpu.memref_slice %arg6[%add3A_126, %dma_wait3A_1080] : memref<10240x128xf32, #tpu.memory_space<vmem_shared>> -> memref<8x128xf32, #tpu.memory_space<vmem_shared>>
      %dma_wait3A_1082 = arith.constant 0 : i32
      %dma_wait3A_1083 = tpu.memref_slice %arg6[%add3A_126, %dma_wait3A_1082] : memref<10240x128xf32, #tpu.memory_space<vmem_shared>> -> memref<8x128xf32, #tpu.memory_space<vmem_shared>>
      tpu.wait_dma2 semaphore(%run_scoped3A : memref<!tpu.dma_semaphore, #tpu.memory_space<semaphore_mem>>) src(%arg12 : memref<8x128xf32, #tpu.memory_space<vmem>>) dst(%dma_wait3A_1083 : memref<8x128xf32, #tpu.memory_space<vmem_shared>>)
      tpu.yield
    }) : () -> ()
    %add3A_127 = arith.constant 440 : i32
    %add3A_128 = arith.addi %mul3A_16, %add3A_127 : i32
    "tpu.region"() ({
      %run_scoped3A = tpu.sem_alloc : memref<!tpu.dma_semaphore, #tpu.memory_space<semaphore_mem>>
      %dma_start3A_1076 = arith.constant 0 : i32
      %dma_start3A_1077 = tpu.memref_slice %arg6[%add3A_128, %dma_start3A_1076] : memref<10240x128xf32, #tpu.memory_space<vmem_shared>> -> memref<8x128xf32, #tpu.memory_space<vmem_shared>>
      %dma_start3A_1078 = arith.constant 0 : i32
      %dma_start3A_1079 = tpu.memref_slice %arg6[%add3A_128, %dma_start3A_1078] : memref<10240x128xf32, #tpu.memory_space<vmem_shared>> -> memref<8x128xf32, #tpu.memory_space<vmem_shared>>
      tpu.enqueue_dma source(%arg12 : memref<8x128xf32, #tpu.memory_space<vmem>>) target(%dma_start3A_1079 : memref<8x128xf32, #tpu.memory_space<vmem_shared>>) target_semaphore(%run_scoped3A : memref<!tpu.dma_semaphore, #tpu.memory_space<semaphore_mem>>)
      %dma_wait3A_1080 = arith.constant 0 : i32
      %dma_wait3A_1081 = tpu.memref_slice %arg6[%add3A_128, %dma_wait3A_1080] : memref<10240x128xf32, #tpu.memory_space<vmem_shared>> -> memref<8x128xf32, #tpu.memory_space<vmem_shared>>
      %dma_wait3A_1082 = arith.constant 0 : i32
      %dma_wait3A_1083 = tpu.memref_slice %arg6[%add3A_128, %dma_wait3A_1082] : memref<10240x128xf32, #tpu.memory_space<vmem_shared>> -> memref<8x128xf32, #tpu.memory_space<vmem_shared>>
      tpu.wait_dma2 semaphore(%run_scoped3A : memref<!tpu.dma_semaphore, #tpu.memory_space<semaphore_mem>>) src(%arg12 : memref<8x128xf32, #tpu.memory_space<vmem>>) dst(%dma_wait3A_1083 : memref<8x128xf32, #tpu.memory_space<vmem_shared>>)
      tpu.yield
    }) : () -> ()
    %add3A_129 = arith.constant 448 : i32
    %add3A_130 = arith.addi %mul3A_16, %add3A_129 : i32
    "tpu.region"() ({
      %run_scoped3A = tpu.sem_alloc : memref<!tpu.dma_semaphore, #tpu.memory_space<semaphore_mem>>
      %dma_start3A_1076 = arith.constant 0 : i32
      %dma_start3A_1077 = tpu.memref_slice %arg6[%add3A_130, %dma_start3A_1076] : memref<10240x128xf32, #tpu.memory_space<vmem_shared>> -> memref<8x128xf32, #tpu.memory_space<vmem_shared>>
      %dma_start3A_1078 = arith.constant 0 : i32
      %dma_start3A_1079 = tpu.memref_slice %arg6[%add3A_130, %dma_start3A_1078] : memref<10240x128xf32, #tpu.memory_space<vmem_shared>> -> memref<8x128xf32, #tpu.memory_space<vmem_shared>>
      tpu.enqueue_dma source(%arg12 : memref<8x128xf32, #tpu.memory_space<vmem>>) target(%dma_start3A_1079 : memref<8x128xf32, #tpu.memory_space<vmem_shared>>) target_semaphore(%run_scoped3A : memref<!tpu.dma_semaphore, #tpu.memory_space<semaphore_mem>>)
      %dma_wait3A_1080 = arith.constant 0 : i32
      %dma_wait3A_1081 = tpu.memref_slice %arg6[%add3A_130, %dma_wait3A_1080] : memref<10240x128xf32, #tpu.memory_space<vmem_shared>> -> memref<8x128xf32, #tpu.memory_space<vmem_shared>>
      %dma_wait3A_1082 = arith.constant 0 : i32
      %dma_wait3A_1083 = tpu.memref_slice %arg6[%add3A_130, %dma_wait3A_1082] : memref<10240x128xf32, #tpu.memory_space<vmem_shared>> -> memref<8x128xf32, #tpu.memory_space<vmem_shared>>
      tpu.wait_dma2 semaphore(%run_scoped3A : memref<!tpu.dma_semaphore, #tpu.memory_space<semaphore_mem>>) src(%arg12 : memref<8x128xf32, #tpu.memory_space<vmem>>) dst(%dma_wait3A_1083 : memref<8x128xf32, #tpu.memory_space<vmem_shared>>)
      tpu.yield
    }) : () -> ()
    %add3A_131 = arith.constant 456 : i32
    %add3A_132 = arith.addi %mul3A_16, %add3A_131 : i32
    "tpu.region"() ({
      %run_scoped3A = tpu.sem_alloc : memref<!tpu.dma_semaphore, #tpu.memory_space<semaphore_mem>>
      %dma_start3A_1076 = arith.constant 0 : i32
      %dma_start3A_1077 = tpu.memref_slice %arg6[%add3A_132, %dma_start3A_1076] : memref<10240x128xf32, #tpu.memory_space<vmem_shared>> -> memref<8x128xf32, #tpu.memory_space<vmem_shared>>
      %dma_start3A_1078 = arith.constant 0 : i32
      %dma_start3A_1079 = tpu.memref_slice %arg6[%add3A_132, %dma_start3A_1078] : memref<10240x128xf32, #tpu.memory_space<vmem_shared>> -> memref<8x128xf32, #tpu.memory_space<vmem_shared>>
      tpu.enqueue_dma source(%arg12 : memref<8x128xf32, #tpu.memory_space<vmem>>) target(%dma_start3A_1079 : memref<8x128xf32, #tpu.memory_space<vmem_shared>>) target_semaphore(%run_scoped3A : memref<!tpu.dma_semaphore, #tpu.memory_space<semaphore_mem>>)
      %dma_wait3A_1080 = arith.constant 0 : i32
      %dma_wait3A_1081 = tpu.memref_slice %arg6[%add3A_132, %dma_wait3A_1080] : memref<10240x128xf32, #tpu.memory_space<vmem_shared>> -> memref<8x128xf32, #tpu.memory_space<vmem_shared>>
      %dma_wait3A_1082 = arith.constant 0 : i32
      %dma_wait3A_1083 = tpu.memref_slice %arg6[%add3A_132, %dma_wait3A_1082] : memref<10240x128xf32, #tpu.memory_space<vmem_shared>> -> memref<8x128xf32, #tpu.memory_space<vmem_shared>>
      tpu.wait_dma2 semaphore(%run_scoped3A : memref<!tpu.dma_semaphore, #tpu.memory_space<semaphore_mem>>) src(%arg12 : memref<8x128xf32, #tpu.memory_space<vmem>>) dst(%dma_wait3A_1083 : memref<8x128xf32, #tpu.memory_space<vmem_shared>>)
      tpu.yield
    }) : () -> ()
    %add3A_133 = arith.constant 464 : i32
    %add3A_134 = arith.addi %mul3A_16, %add3A_133 : i32
    "tpu.region"() ({
      %run_scoped3A = tpu.sem_alloc : memref<!tpu.dma_semaphore, #tpu.memory_space<semaphore_mem>>
      %dma_start3A_1076 = arith.constant 0 : i32
      %dma_start3A_1077 = tpu.memref_slice %arg6[%add3A_134, %dma_start3A_1076] : memref<10240x128xf32, #tpu.memory_space<vmem_shared>> -> memref<8x128xf32, #tpu.memory_space<vmem_shared>>
      %dma_start3A_1078 = arith.constant 0 : i32
      %dma_start3A_1079 = tpu.memref_slice %arg6[%add3A_134, %dma_start3A_1078] : memref<10240x128xf32, #tpu.memory_space<vmem_shared>> -> memref<8x128xf32, #tpu.memory_space<vmem_shared>>
      tpu.enqueue_dma source(%arg12 : memref<8x128xf32, #tpu.memory_space<vmem>>) target(%dma_start3A_1079 : memref<8x128xf32, #tpu.memory_space<vmem_shared>>) target_semaphore(%run_scoped3A : memref<!tpu.dma_semaphore, #tpu.memory_space<semaphore_mem>>)
      %dma_wait3A_1080 = arith.constant 0 : i32
      %dma_wait3A_1081 = tpu.memref_slice %arg6[%add3A_134, %dma_wait3A_1080] : memref<10240x128xf32, #tpu.memory_space<vmem_shared>> -> memref<8x128xf32, #tpu.memory_space<vmem_shared>>
      %dma_wait3A_1082 = arith.constant 0 : i32
      %dma_wait3A_1083 = tpu.memref_slice %arg6[%add3A_134, %dma_wait3A_1082] : memref<10240x128xf32, #tpu.memory_space<vmem_shared>> -> memref<8x128xf32, #tpu.memory_space<vmem_shared>>
      tpu.wait_dma2 semaphore(%run_scoped3A : memref<!tpu.dma_semaphore, #tpu.memory_space<semaphore_mem>>) src(%arg12 : memref<8x128xf32, #tpu.memory_space<vmem>>) dst(%dma_wait3A_1083 : memref<8x128xf32, #tpu.memory_space<vmem_shared>>)
      tpu.yield
    }) : () -> ()
    %add3A_135 = arith.constant 472 : i32
    %add3A_136 = arith.addi %mul3A_16, %add3A_135 : i32
    "tpu.region"() ({
      %run_scoped3A = tpu.sem_alloc : memref<!tpu.dma_semaphore, #tpu.memory_space<semaphore_mem>>
      %dma_start3A_1076 = arith.constant 0 : i32
      %dma_start3A_1077 = tpu.memref_slice %arg6[%add3A_136, %dma_start3A_1076] : memref<10240x128xf32, #tpu.memory_space<vmem_shared>> -> memref<8x128xf32, #tpu.memory_space<vmem_shared>>
      %dma_start3A_1078 = arith.constant 0 : i32
      %dma_start3A_1079 = tpu.memref_slice %arg6[%add3A_136, %dma_start3A_1078] : memref<10240x128xf32, #tpu.memory_space<vmem_shared>> -> memref<8x128xf32, #tpu.memory_space<vmem_shared>>
      tpu.enqueue_dma source(%arg12 : memref<8x128xf32, #tpu.memory_space<vmem>>) target(%dma_start3A_1079 : memref<8x128xf32, #tpu.memory_space<vmem_shared>>) target_semaphore(%run_scoped3A : memref<!tpu.dma_semaphore, #tpu.memory_space<semaphore_mem>>)
      %dma_wait3A_1080 = arith.constant 0 : i32
      %dma_wait3A_1081 = tpu.memref_slice %arg6[%add3A_136, %dma_wait3A_1080] : memref<10240x128xf32, #tpu.memory_space<vmem_shared>> -> memref<8x128xf32, #tpu.memory_space<vmem_shared>>
      %dma_wait3A_1082 = arith.constant 0 : i32
      %dma_wait3A_1083 = tpu.memref_slice %arg6[%add3A_136, %dma_wait3A_1082] : memref<10240x128xf32, #tpu.memory_space<vmem_shared>> -> memref<8x128xf32, #tpu.memory_space<vmem_shared>>
      tpu.wait_dma2 semaphore(%run_scoped3A : memref<!tpu.dma_semaphore, #tpu.memory_space<semaphore_mem>>) src(%arg12 : memref<8x128xf32, #tpu.memory_space<vmem>>) dst(%dma_wait3A_1083 : memref<8x128xf32, #tpu.memory_space<vmem_shared>>)
      tpu.yield
    }) : () -> ()
    %add3A_137 = arith.constant 480 : i32
    %add3A_138 = arith.addi %mul3A_16, %add3A_137 : i32
    "tpu.region"() ({
      %run_scoped3A = tpu.sem_alloc : memref<!tpu.dma_semaphore, #tpu.memory_space<semaphore_mem>>
      %dma_start3A_1076 = arith.constant 0 : i32
      %dma_start3A_1077 = tpu.memref_slice %arg6[%add3A_138, %dma_start3A_1076] : memref<10240x128xf32, #tpu.memory_space<vmem_shared>> -> memref<8x128xf32, #tpu.memory_space<vmem_shared>>
      %dma_start3A_1078 = arith.constant 0 : i32
      %dma_start3A_1079 = tpu.memref_slice %arg6[%add3A_138, %dma_start3A_1078] : memref<10240x128xf32, #tpu.memory_space<vmem_shared>> -> memref<8x128xf32, #tpu.memory_space<vmem_shared>>
      tpu.enqueue_dma source(%arg12 : memref<8x128xf32, #tpu.memory_space<vmem>>) target(%dma_start3A_1079 : memref<8x128xf32, #tpu.memory_space<vmem_shared>>) target_semaphore(%run_scoped3A : memref<!tpu.dma_semaphore, #tpu.memory_space<semaphore_mem>>)
      %dma_wait3A_1080 = arith.constant 0 : i32
      %dma_wait3A_1081 = tpu.memref_slice %arg6[%add3A_138, %dma_wait3A_1080] : memref<10240x128xf32, #tpu.memory_space<vmem_shared>> -> memref<8x128xf32, #tpu.memory_space<vmem_shared>>
      %dma_wait3A_1082 = arith.constant 0 : i32
      %dma_wait3A_1083 = tpu.memref_slice %arg6[%add3A_138, %dma_wait3A_1082] : memref<10240x128xf32, #tpu.memory_space<vmem_shared>> -> memref<8x128xf32, #tpu.memory_space<vmem_shared>>
      tpu.wait_dma2 semaphore(%run_scoped3A : memref<!tpu.dma_semaphore, #tpu.memory_space<semaphore_mem>>) src(%arg12 : memref<8x128xf32, #tpu.memory_space<vmem>>) dst(%dma_wait3A_1083 : memref<8x128xf32, #tpu.memory_space<vmem_shared>>)
      tpu.yield
    }) : () -> ()
    %add3A_139 = arith.constant 488 : i32
    %add3A_140 = arith.addi %mul3A_16, %add3A_139 : i32
    "tpu.region"() ({
      %run_scoped3A = tpu.sem_alloc : memref<!tpu.dma_semaphore, #tpu.memory_space<semaphore_mem>>
      %dma_start3A_1076 = arith.constant 0 : i32
      %dma_start3A_1077 = tpu.memref_slice %arg6[%add3A_140, %dma_start3A_1076] : memref<10240x128xf32, #tpu.memory_space<vmem_shared>> -> memref<8x128xf32, #tpu.memory_space<vmem_shared>>
      %dma_start3A_1078 = arith.constant 0 : i32
      %dma_start3A_1079 = tpu.memref_slice %arg6[%add3A_140, %dma_start3A_1078] : memref<10240x128xf32, #tpu.memory_space<vmem_shared>> -> memref<8x128xf32, #tpu.memory_space<vmem_shared>>
      tpu.enqueue_dma source(%arg12 : memref<8x128xf32, #tpu.memory_space<vmem>>) target(%dma_start3A_1079 : memref<8x128xf32, #tpu.memory_space<vmem_shared>>) target_semaphore(%run_scoped3A : memref<!tpu.dma_semaphore, #tpu.memory_space<semaphore_mem>>)
      %dma_wait3A_1080 = arith.constant 0 : i32
      %dma_wait3A_1081 = tpu.memref_slice %arg6[%add3A_140, %dma_wait3A_1080] : memref<10240x128xf32, #tpu.memory_space<vmem_shared>> -> memref<8x128xf32, #tpu.memory_space<vmem_shared>>
      %dma_wait3A_1082 = arith.constant 0 : i32
      %dma_wait3A_1083 = tpu.memref_slice %arg6[%add3A_140, %dma_wait3A_1082] : memref<10240x128xf32, #tpu.memory_space<vmem_shared>> -> memref<8x128xf32, #tpu.memory_space<vmem_shared>>
      tpu.wait_dma2 semaphore(%run_scoped3A : memref<!tpu.dma_semaphore, #tpu.memory_space<semaphore_mem>>) src(%arg12 : memref<8x128xf32, #tpu.memory_space<vmem>>) dst(%dma_wait3A_1083 : memref<8x128xf32, #tpu.memory_space<vmem_shared>>)
      tpu.yield
    }) : () -> ()
    %add3A_141 = arith.constant 496 : i32
    %add3A_142 = arith.addi %mul3A_16, %add3A_141 : i32
    "tpu.region"() ({
      %run_scoped3A = tpu.sem_alloc : memref<!tpu.dma_semaphore, #tpu.memory_space<semaphore_mem>>
      %dma_start3A_1076 = arith.constant 0 : i32
      %dma_start3A_1077 = tpu.memref_slice %arg6[%add3A_142, %dma_start3A_1076] : memref<10240x128xf32, #tpu.memory_space<vmem_shared>> -> memref<8x128xf32, #tpu.memory_space<vmem_shared>>
      %dma_start3A_1078 = arith.constant 0 : i32
      %dma_start3A_1079 = tpu.memref_slice %arg6[%add3A_142, %dma_start3A_1078] : memref<10240x128xf32, #tpu.memory_space<vmem_shared>> -> memref<8x128xf32, #tpu.memory_space<vmem_shared>>
      tpu.enqueue_dma source(%arg12 : memref<8x128xf32, #tpu.memory_space<vmem>>) target(%dma_start3A_1079 : memref<8x128xf32, #tpu.memory_space<vmem_shared>>) target_semaphore(%run_scoped3A : memref<!tpu.dma_semaphore, #tpu.memory_space<semaphore_mem>>)
      %dma_wait3A_1080 = arith.constant 0 : i32
      %dma_wait3A_1081 = tpu.memref_slice %arg6[%add3A_142, %dma_wait3A_1080] : memref<10240x128xf32, #tpu.memory_space<vmem_shared>> -> memref<8x128xf32, #tpu.memory_space<vmem_shared>>
      %dma_wait3A_1082 = arith.constant 0 : i32
      %dma_wait3A_1083 = tpu.memref_slice %arg6[%add3A_142, %dma_wait3A_1082] : memref<10240x128xf32, #tpu.memory_space<vmem_shared>> -> memref<8x128xf32, #tpu.memory_space<vmem_shared>>
      tpu.wait_dma2 semaphore(%run_scoped3A : memref<!tpu.dma_semaphore, #tpu.memory_space<semaphore_mem>>) src(%arg12 : memref<8x128xf32, #tpu.memory_space<vmem>>) dst(%dma_wait3A_1083 : memref<8x128xf32, #tpu.memory_space<vmem_shared>>)
      tpu.yield
    }) : () -> ()
    %add3A_143 = arith.constant 504 : i32
    %add3A_144 = arith.addi %mul3A_16, %add3A_143 : i32
    "tpu.region"() ({
      %run_scoped3A = tpu.sem_alloc : memref<!tpu.dma_semaphore, #tpu.memory_space<semaphore_mem>>
      %dma_start3A_1076 = arith.constant 0 : i32
      %dma_start3A_1077 = tpu.memref_slice %arg6[%add3A_144, %dma_start3A_1076] : memref<10240x128xf32, #tpu.memory_space<vmem_shared>> -> memref<8x128xf32, #tpu.memory_space<vmem_shared>>
      %dma_start3A_1078 = arith.constant 0 : i32
      %dma_start3A_1079 = tpu.memref_slice %arg6[%add3A_144, %dma_start3A_1078] : memref<10240x128xf32, #tpu.memory_space<vmem_shared>> -> memref<8x128xf32, #tpu.memory_space<vmem_shared>>
      tpu.enqueue_dma source(%arg12 : memref<8x128xf32, #tpu.memory_space<vmem>>) target(%dma_start3A_1079 : memref<8x128xf32, #tpu.memory_space<vmem_shared>>) target_semaphore(%run_scoped3A : memref<!tpu.dma_semaphore, #tpu.memory_space<semaphore_mem>>)
      %dma_wait3A_1080 = arith.constant 0 : i32
      %dma_wait3A_1081 = tpu.memref_slice %arg6[%add3A_144, %dma_wait3A_1080] : memref<10240x128xf32, #tpu.memory_space<vmem_shared>> -> memref<8x128xf32, #tpu.memory_space<vmem_shared>>
      %dma_wait3A_1082 = arith.constant 0 : i32
      %dma_wait3A_1083 = tpu.memref_slice %arg6[%add3A_144, %dma_wait3A_1082] : memref<10240x128xf32, #tpu.memory_space<vmem_shared>> -> memref<8x128xf32, #tpu.memory_space<vmem_shared>>
      tpu.wait_dma2 semaphore(%run_scoped3A : memref<!tpu.dma_semaphore, #tpu.memory_space<semaphore_mem>>) src(%arg12 : memref<8x128xf32, #tpu.memory_space<vmem>>) dst(%dma_wait3A_1083 : memref<8x128xf32, #tpu.memory_space<vmem_shared>>)
      tpu.yield
    }) : () -> ()
    %add3A_145 = arith.constant 512 : i32
    %add3A_146 = arith.addi %mul3A_16, %add3A_145 : i32
    "tpu.region"() ({
      %run_scoped3A = tpu.sem_alloc : memref<!tpu.dma_semaphore, #tpu.memory_space<semaphore_mem>>
      %dma_start3A_1076 = arith.constant 0 : i32
      %dma_start3A_1077 = tpu.memref_slice %arg6[%add3A_146, %dma_start3A_1076] : memref<10240x128xf32, #tpu.memory_space<vmem_shared>> -> memref<8x128xf32, #tpu.memory_space<vmem_shared>>
      %dma_start3A_1078 = arith.constant 0 : i32
      %dma_start3A_1079 = tpu.memref_slice %arg6[%add3A_146, %dma_start3A_1078] : memref<10240x128xf32, #tpu.memory_space<vmem_shared>> -> memref<8x128xf32, #tpu.memory_space<vmem_shared>>
      tpu.enqueue_dma source(%arg12 : memref<8x128xf32, #tpu.memory_space<vmem>>) target(%dma_start3A_1079 : memref<8x128xf32, #tpu.memory_space<vmem_shared>>) target_semaphore(%run_scoped3A : memref<!tpu.dma_semaphore, #tpu.memory_space<semaphore_mem>>)
      %dma_wait3A_1080 = arith.constant 0 : i32
      %dma_wait3A_1081 = tpu.memref_slice %arg6[%add3A_146, %dma_wait3A_1080] : memref<10240x128xf32, #tpu.memory_space<vmem_shared>> -> memref<8x128xf32, #tpu.memory_space<vmem_shared>>
      %dma_wait3A_1082 = arith.constant 0 : i32
      %dma_wait3A_1083 = tpu.memref_slice %arg6[%add3A_146, %dma_wait3A_1082] : memref<10240x128xf32, #tpu.memory_space<vmem_shared>> -> memref<8x128xf32, #tpu.memory_space<vmem_shared>>
      tpu.wait_dma2 semaphore(%run_scoped3A : memref<!tpu.dma_semaphore, #tpu.memory_space<semaphore_mem>>) src(%arg12 : memref<8x128xf32, #tpu.memory_space<vmem>>) dst(%dma_wait3A_1083 : memref<8x128xf32, #tpu.memory_space<vmem_shared>>)
      tpu.yield
    }) : () -> ()
    %add3A_147 = arith.constant 520 : i32
    %add3A_148 = arith.addi %mul3A_16, %add3A_147 : i32
    "tpu.region"() ({
      %run_scoped3A = tpu.sem_alloc : memref<!tpu.dma_semaphore, #tpu.memory_space<semaphore_mem>>
      %dma_start3A_1076 = arith.constant 0 : i32
      %dma_start3A_1077 = tpu.memref_slice %arg6[%add3A_148, %dma_start3A_1076] : memref<10240x128xf32, #tpu.memory_space<vmem_shared>> -> memref<8x128xf32, #tpu.memory_space<vmem_shared>>
      %dma_start3A_1078 = arith.constant 0 : i32
      %dma_start3A_1079 = tpu.memref_slice %arg6[%add3A_148, %dma_start3A_1078] : memref<10240x128xf32, #tpu.memory_space<vmem_shared>> -> memref<8x128xf32, #tpu.memory_space<vmem_shared>>
      tpu.enqueue_dma source(%arg12 : memref<8x128xf32, #tpu.memory_space<vmem>>) target(%dma_start3A_1079 : memref<8x128xf32, #tpu.memory_space<vmem_shared>>) target_semaphore(%run_scoped3A : memref<!tpu.dma_semaphore, #tpu.memory_space<semaphore_mem>>)
      %dma_wait3A_1080 = arith.constant 0 : i32
      %dma_wait3A_1081 = tpu.memref_slice %arg6[%add3A_148, %dma_wait3A_1080] : memref<10240x128xf32, #tpu.memory_space<vmem_shared>> -> memref<8x128xf32, #tpu.memory_space<vmem_shared>>
      %dma_wait3A_1082 = arith.constant 0 : i32
      %dma_wait3A_1083 = tpu.memref_slice %arg6[%add3A_148, %dma_wait3A_1082] : memref<10240x128xf32, #tpu.memory_space<vmem_shared>> -> memref<8x128xf32, #tpu.memory_space<vmem_shared>>
      tpu.wait_dma2 semaphore(%run_scoped3A : memref<!tpu.dma_semaphore, #tpu.memory_space<semaphore_mem>>) src(%arg12 : memref<8x128xf32, #tpu.memory_space<vmem>>) dst(%dma_wait3A_1083 : memref<8x128xf32, #tpu.memory_space<vmem_shared>>)
      tpu.yield
    }) : () -> ()
    %add3A_149 = arith.constant 528 : i32
    %add3A_150 = arith.addi %mul3A_16, %add3A_149 : i32
    "tpu.region"() ({
      %run_scoped3A = tpu.sem_alloc : memref<!tpu.dma_semaphore, #tpu.memory_space<semaphore_mem>>
      %dma_start3A_1076 = arith.constant 0 : i32
      %dma_start3A_1077 = tpu.memref_slice %arg6[%add3A_150, %dma_start3A_1076] : memref<10240x128xf32, #tpu.memory_space<vmem_shared>> -> memref<8x128xf32, #tpu.memory_space<vmem_shared>>
      %dma_start3A_1078 = arith.constant 0 : i32
      %dma_start3A_1079 = tpu.memref_slice %arg6[%add3A_150, %dma_start3A_1078] : memref<10240x128xf32, #tpu.memory_space<vmem_shared>> -> memref<8x128xf32, #tpu.memory_space<vmem_shared>>
      tpu.enqueue_dma source(%arg12 : memref<8x128xf32, #tpu.memory_space<vmem>>) target(%dma_start3A_1079 : memref<8x128xf32, #tpu.memory_space<vmem_shared>>) target_semaphore(%run_scoped3A : memref<!tpu.dma_semaphore, #tpu.memory_space<semaphore_mem>>)
      %dma_wait3A_1080 = arith.constant 0 : i32
      %dma_wait3A_1081 = tpu.memref_slice %arg6[%add3A_150, %dma_wait3A_1080] : memref<10240x128xf32, #tpu.memory_space<vmem_shared>> -> memref<8x128xf32, #tpu.memory_space<vmem_shared>>
      %dma_wait3A_1082 = arith.constant 0 : i32
      %dma_wait3A_1083 = tpu.memref_slice %arg6[%add3A_150, %dma_wait3A_1082] : memref<10240x128xf32, #tpu.memory_space<vmem_shared>> -> memref<8x128xf32, #tpu.memory_space<vmem_shared>>
      tpu.wait_dma2 semaphore(%run_scoped3A : memref<!tpu.dma_semaphore, #tpu.memory_space<semaphore_mem>>) src(%arg12 : memref<8x128xf32, #tpu.memory_space<vmem>>) dst(%dma_wait3A_1083 : memref<8x128xf32, #tpu.memory_space<vmem_shared>>)
      tpu.yield
    }) : () -> ()
    %add3A_151 = arith.constant 536 : i32
    %add3A_152 = arith.addi %mul3A_16, %add3A_151 : i32
    "tpu.region"() ({
      %run_scoped3A = tpu.sem_alloc : memref<!tpu.dma_semaphore, #tpu.memory_space<semaphore_mem>>
      %dma_start3A_1076 = arith.constant 0 : i32
      %dma_start3A_1077 = tpu.memref_slice %arg6[%add3A_152, %dma_start3A_1076] : memref<10240x128xf32, #tpu.memory_space<vmem_shared>> -> memref<8x128xf32, #tpu.memory_space<vmem_shared>>
      %dma_start3A_1078 = arith.constant 0 : i32
      %dma_start3A_1079 = tpu.memref_slice %arg6[%add3A_152, %dma_start3A_1078] : memref<10240x128xf32, #tpu.memory_space<vmem_shared>> -> memref<8x128xf32, #tpu.memory_space<vmem_shared>>
      tpu.enqueue_dma source(%arg12 : memref<8x128xf32, #tpu.memory_space<vmem>>) target(%dma_start3A_1079 : memref<8x128xf32, #tpu.memory_space<vmem_shared>>) target_semaphore(%run_scoped3A : memref<!tpu.dma_semaphore, #tpu.memory_space<semaphore_mem>>)
      %dma_wait3A_1080 = arith.constant 0 : i32
      %dma_wait3A_1081 = tpu.memref_slice %arg6[%add3A_152, %dma_wait3A_1080] : memref<10240x128xf32, #tpu.memory_space<vmem_shared>> -> memref<8x128xf32, #tpu.memory_space<vmem_shared>>
      %dma_wait3A_1082 = arith.constant 0 : i32
      %dma_wait3A_1083 = tpu.memref_slice %arg6[%add3A_152, %dma_wait3A_1082] : memref<10240x128xf32, #tpu.memory_space<vmem_shared>> -> memref<8x128xf32, #tpu.memory_space<vmem_shared>>
      tpu.wait_dma2 semaphore(%run_scoped3A : memref<!tpu.dma_semaphore, #tpu.memory_space<semaphore_mem>>) src(%arg12 : memref<8x128xf32, #tpu.memory_space<vmem>>) dst(%dma_wait3A_1083 : memref<8x128xf32, #tpu.memory_space<vmem_shared>>)
      tpu.yield
    }) : () -> ()
    %add3A_153 = arith.constant 544 : i32
    %add3A_154 = arith.addi %mul3A_16, %add3A_153 : i32
    "tpu.region"() ({
      %run_scoped3A = tpu.sem_alloc : memref<!tpu.dma_semaphore, #tpu.memory_space<semaphore_mem>>
      %dma_start3A_1076 = arith.constant 0 : i32
      %dma_start3A_1077 = tpu.memref_slice %arg6[%add3A_154, %dma_start3A_1076] : memref<10240x128xf32, #tpu.memory_space<vmem_shared>> -> memref<8x128xf32, #tpu.memory_space<vmem_shared>>
      %dma_start3A_1078 = arith.constant 0 : i32
      %dma_start3A_1079 = tpu.memref_slice %arg6[%add3A_154, %dma_start3A_1078] : memref<10240x128xf32, #tpu.memory_space<vmem_shared>> -> memref<8x128xf32, #tpu.memory_space<vmem_shared>>
      tpu.enqueue_dma source(%arg12 : memref<8x128xf32, #tpu.memory_space<vmem>>) target(%dma_start3A_1079 : memref<8x128xf32, #tpu.memory_space<vmem_shared>>) target_semaphore(%run_scoped3A : memref<!tpu.dma_semaphore, #tpu.memory_space<semaphore_mem>>)
      %dma_wait3A_1080 = arith.constant 0 : i32
      %dma_wait3A_1081 = tpu.memref_slice %arg6[%add3A_154, %dma_wait3A_1080] : memref<10240x128xf32, #tpu.memory_space<vmem_shared>> -> memref<8x128xf32, #tpu.memory_space<vmem_shared>>
      %dma_wait3A_1082 = arith.constant 0 : i32
      %dma_wait3A_1083 = tpu.memref_slice %arg6[%add3A_154, %dma_wait3A_1082] : memref<10240x128xf32, #tpu.memory_space<vmem_shared>> -> memref<8x128xf32, #tpu.memory_space<vmem_shared>>
      tpu.wait_dma2 semaphore(%run_scoped3A : memref<!tpu.dma_semaphore, #tpu.memory_space<semaphore_mem>>) src(%arg12 : memref<8x128xf32, #tpu.memory_space<vmem>>) dst(%dma_wait3A_1083 : memref<8x128xf32, #tpu.memory_space<vmem_shared>>)
      tpu.yield
    }) : () -> ()
    %add3A_155 = arith.constant 552 : i32
    %add3A_156 = arith.addi %mul3A_16, %add3A_155 : i32
    "tpu.region"() ({
      %run_scoped3A = tpu.sem_alloc : memref<!tpu.dma_semaphore, #tpu.memory_space<semaphore_mem>>
      %dma_start3A_1076 = arith.constant 0 : i32
      %dma_start3A_1077 = tpu.memref_slice %arg6[%add3A_156, %dma_start3A_1076] : memref<10240x128xf32, #tpu.memory_space<vmem_shared>> -> memref<8x128xf32, #tpu.memory_space<vmem_shared>>
      %dma_start3A_1078 = arith.constant 0 : i32
      %dma_start3A_1079 = tpu.memref_slice %arg6[%add3A_156, %dma_start3A_1078] : memref<10240x128xf32, #tpu.memory_space<vmem_shared>> -> memref<8x128xf32, #tpu.memory_space<vmem_shared>>
      tpu.enqueue_dma source(%arg12 : memref<8x128xf32, #tpu.memory_space<vmem>>) target(%dma_start3A_1079 : memref<8x128xf32, #tpu.memory_space<vmem_shared>>) target_semaphore(%run_scoped3A : memref<!tpu.dma_semaphore, #tpu.memory_space<semaphore_mem>>)
      %dma_wait3A_1080 = arith.constant 0 : i32
      %dma_wait3A_1081 = tpu.memref_slice %arg6[%add3A_156, %dma_wait3A_1080] : memref<10240x128xf32, #tpu.memory_space<vmem_shared>> -> memref<8x128xf32, #tpu.memory_space<vmem_shared>>
      %dma_wait3A_1082 = arith.constant 0 : i32
      %dma_wait3A_1083 = tpu.memref_slice %arg6[%add3A_156, %dma_wait3A_1082] : memref<10240x128xf32, #tpu.memory_space<vmem_shared>> -> memref<8x128xf32, #tpu.memory_space<vmem_shared>>
      tpu.wait_dma2 semaphore(%run_scoped3A : memref<!tpu.dma_semaphore, #tpu.memory_space<semaphore_mem>>) src(%arg12 : memref<8x128xf32, #tpu.memory_space<vmem>>) dst(%dma_wait3A_1083 : memref<8x128xf32, #tpu.memory_space<vmem_shared>>)
      tpu.yield
    }) : () -> ()
    %add3A_157 = arith.constant 560 : i32
    %add3A_158 = arith.addi %mul3A_16, %add3A_157 : i32
    "tpu.region"() ({
      %run_scoped3A = tpu.sem_alloc : memref<!tpu.dma_semaphore, #tpu.memory_space<semaphore_mem>>
      %dma_start3A_1076 = arith.constant 0 : i32
      %dma_start3A_1077 = tpu.memref_slice %arg6[%add3A_158, %dma_start3A_1076] : memref<10240x128xf32, #tpu.memory_space<vmem_shared>> -> memref<8x128xf32, #tpu.memory_space<vmem_shared>>
      %dma_start3A_1078 = arith.constant 0 : i32
      %dma_start3A_1079 = tpu.memref_slice %arg6[%add3A_158, %dma_start3A_1078] : memref<10240x128xf32, #tpu.memory_space<vmem_shared>> -> memref<8x128xf32, #tpu.memory_space<vmem_shared>>
      tpu.enqueue_dma source(%arg12 : memref<8x128xf32, #tpu.memory_space<vmem>>) target(%dma_start3A_1079 : memref<8x128xf32, #tpu.memory_space<vmem_shared>>) target_semaphore(%run_scoped3A : memref<!tpu.dma_semaphore, #tpu.memory_space<semaphore_mem>>)
      %dma_wait3A_1080 = arith.constant 0 : i32
      %dma_wait3A_1081 = tpu.memref_slice %arg6[%add3A_158, %dma_wait3A_1080] : memref<10240x128xf32, #tpu.memory_space<vmem_shared>> -> memref<8x128xf32, #tpu.memory_space<vmem_shared>>
      %dma_wait3A_1082 = arith.constant 0 : i32
      %dma_wait3A_1083 = tpu.memref_slice %arg6[%add3A_158, %dma_wait3A_1082] : memref<10240x128xf32, #tpu.memory_space<vmem_shared>> -> memref<8x128xf32, #tpu.memory_space<vmem_shared>>
      tpu.wait_dma2 semaphore(%run_scoped3A : memref<!tpu.dma_semaphore, #tpu.memory_space<semaphore_mem>>) src(%arg12 : memref<8x128xf32, #tpu.memory_space<vmem>>) dst(%dma_wait3A_1083 : memref<8x128xf32, #tpu.memory_space<vmem_shared>>)
      tpu.yield
    }) : () -> ()
    %add3A_159 = arith.constant 568 : i32
    %add3A_160 = arith.addi %mul3A_16, %add3A_159 : i32
    "tpu.region"() ({
      %run_scoped3A = tpu.sem_alloc : memref<!tpu.dma_semaphore, #tpu.memory_space<semaphore_mem>>
      %dma_start3A_1076 = arith.constant 0 : i32
      %dma_start3A_1077 = tpu.memref_slice %arg6[%add3A_160, %dma_start3A_1076] : memref<10240x128xf32, #tpu.memory_space<vmem_shared>> -> memref<8x128xf32, #tpu.memory_space<vmem_shared>>
      %dma_start3A_1078 = arith.constant 0 : i32
      %dma_start3A_1079 = tpu.memref_slice %arg6[%add3A_160, %dma_start3A_1078] : memref<10240x128xf32, #tpu.memory_space<vmem_shared>> -> memref<8x128xf32, #tpu.memory_space<vmem_shared>>
      tpu.enqueue_dma source(%arg12 : memref<8x128xf32, #tpu.memory_space<vmem>>) target(%dma_start3A_1079 : memref<8x128xf32, #tpu.memory_space<vmem_shared>>) target_semaphore(%run_scoped3A : memref<!tpu.dma_semaphore, #tpu.memory_space<semaphore_mem>>)
      %dma_wait3A_1080 = arith.constant 0 : i32
      %dma_wait3A_1081 = tpu.memref_slice %arg6[%add3A_160, %dma_wait3A_1080] : memref<10240x128xf32, #tpu.memory_space<vmem_shared>> -> memref<8x128xf32, #tpu.memory_space<vmem_shared>>
      %dma_wait3A_1082 = arith.constant 0 : i32
      %dma_wait3A_1083 = tpu.memref_slice %arg6[%add3A_160, %dma_wait3A_1082] : memref<10240x128xf32, #tpu.memory_space<vmem_shared>> -> memref<8x128xf32, #tpu.memory_space<vmem_shared>>
      tpu.wait_dma2 semaphore(%run_scoped3A : memref<!tpu.dma_semaphore, #tpu.memory_space<semaphore_mem>>) src(%arg12 : memref<8x128xf32, #tpu.memory_space<vmem>>) dst(%dma_wait3A_1083 : memref<8x128xf32, #tpu.memory_space<vmem_shared>>)
      tpu.yield
    }) : () -> ()
    %add3A_161 = arith.constant 576 : i32
    %add3A_162 = arith.addi %mul3A_16, %add3A_161 : i32
    "tpu.region"() ({
      %run_scoped3A = tpu.sem_alloc : memref<!tpu.dma_semaphore, #tpu.memory_space<semaphore_mem>>
      %dma_start3A_1076 = arith.constant 0 : i32
      %dma_start3A_1077 = tpu.memref_slice %arg6[%add3A_162, %dma_start3A_1076] : memref<10240x128xf32, #tpu.memory_space<vmem_shared>> -> memref<8x128xf32, #tpu.memory_space<vmem_shared>>
      %dma_start3A_1078 = arith.constant 0 : i32
      %dma_start3A_1079 = tpu.memref_slice %arg6[%add3A_162, %dma_start3A_1078] : memref<10240x128xf32, #tpu.memory_space<vmem_shared>> -> memref<8x128xf32, #tpu.memory_space<vmem_shared>>
      tpu.enqueue_dma source(%arg12 : memref<8x128xf32, #tpu.memory_space<vmem>>) target(%dma_start3A_1079 : memref<8x128xf32, #tpu.memory_space<vmem_shared>>) target_semaphore(%run_scoped3A : memref<!tpu.dma_semaphore, #tpu.memory_space<semaphore_mem>>)
      %dma_wait3A_1080 = arith.constant 0 : i32
      %dma_wait3A_1081 = tpu.memref_slice %arg6[%add3A_162, %dma_wait3A_1080] : memref<10240x128xf32, #tpu.memory_space<vmem_shared>> -> memref<8x128xf32, #tpu.memory_space<vmem_shared>>
      %dma_wait3A_1082 = arith.constant 0 : i32
      %dma_wait3A_1083 = tpu.memref_slice %arg6[%add3A_162, %dma_wait3A_1082] : memref<10240x128xf32, #tpu.memory_space<vmem_shared>> -> memref<8x128xf32, #tpu.memory_space<vmem_shared>>
      tpu.wait_dma2 semaphore(%run_scoped3A : memref<!tpu.dma_semaphore, #tpu.memory_space<semaphore_mem>>) src(%arg12 : memref<8x128xf32, #tpu.memory_space<vmem>>) dst(%dma_wait3A_1083 : memref<8x128xf32, #tpu.memory_space<vmem_shared>>)
      tpu.yield
    }) : () -> ()
    %add3A_163 = arith.constant 584 : i32
    %add3A_164 = arith.addi %mul3A_16, %add3A_163 : i32
    "tpu.region"() ({
      %run_scoped3A = tpu.sem_alloc : memref<!tpu.dma_semaphore, #tpu.memory_space<semaphore_mem>>
      %dma_start3A_1076 = arith.constant 0 : i32
      %dma_start3A_1077 = tpu.memref_slice %arg6[%add3A_164, %dma_start3A_1076] : memref<10240x128xf32, #tpu.memory_space<vmem_shared>> -> memref<8x128xf32, #tpu.memory_space<vmem_shared>>
      %dma_start3A_1078 = arith.constant 0 : i32
      %dma_start3A_1079 = tpu.memref_slice %arg6[%add3A_164, %dma_start3A_1078] : memref<10240x128xf32, #tpu.memory_space<vmem_shared>> -> memref<8x128xf32, #tpu.memory_space<vmem_shared>>
      tpu.enqueue_dma source(%arg12 : memref<8x128xf32, #tpu.memory_space<vmem>>) target(%dma_start3A_1079 : memref<8x128xf32, #tpu.memory_space<vmem_shared>>) target_semaphore(%run_scoped3A : memref<!tpu.dma_semaphore, #tpu.memory_space<semaphore_mem>>)
      %dma_wait3A_1080 = arith.constant 0 : i32
      %dma_wait3A_1081 = tpu.memref_slice %arg6[%add3A_164, %dma_wait3A_1080] : memref<10240x128xf32, #tpu.memory_space<vmem_shared>> -> memref<8x128xf32, #tpu.memory_space<vmem_shared>>
      %dma_wait3A_1082 = arith.constant 0 : i32
      %dma_wait3A_1083 = tpu.memref_slice %arg6[%add3A_164, %dma_wait3A_1082] : memref<10240x128xf32, #tpu.memory_space<vmem_shared>> -> memref<8x128xf32, #tpu.memory_space<vmem_shared>>
      tpu.wait_dma2 semaphore(%run_scoped3A : memref<!tpu.dma_semaphore, #tpu.memory_space<semaphore_mem>>) src(%arg12 : memref<8x128xf32, #tpu.memory_space<vmem>>) dst(%dma_wait3A_1083 : memref<8x128xf32, #tpu.memory_space<vmem_shared>>)
      tpu.yield
    }) : () -> ()
    %add3A_165 = arith.constant 592 : i32
    %add3A_166 = arith.addi %mul3A_16, %add3A_165 : i32
    "tpu.region"() ({
      %run_scoped3A = tpu.sem_alloc : memref<!tpu.dma_semaphore, #tpu.memory_space<semaphore_mem>>
      %dma_start3A_1076 = arith.constant 0 : i32
      %dma_start3A_1077 = tpu.memref_slice %arg6[%add3A_166, %dma_start3A_1076] : memref<10240x128xf32, #tpu.memory_space<vmem_shared>> -> memref<8x128xf32, #tpu.memory_space<vmem_shared>>
      %dma_start3A_1078 = arith.constant 0 : i32
      %dma_start3A_1079 = tpu.memref_slice %arg6[%add3A_166, %dma_start3A_1078] : memref<10240x128xf32, #tpu.memory_space<vmem_shared>> -> memref<8x128xf32, #tpu.memory_space<vmem_shared>>
      tpu.enqueue_dma source(%arg12 : memref<8x128xf32, #tpu.memory_space<vmem>>) target(%dma_start3A_1079 : memref<8x128xf32, #tpu.memory_space<vmem_shared>>) target_semaphore(%run_scoped3A : memref<!tpu.dma_semaphore, #tpu.memory_space<semaphore_mem>>)
      %dma_wait3A_1080 = arith.constant 0 : i32
      %dma_wait3A_1081 = tpu.memref_slice %arg6[%add3A_166, %dma_wait3A_1080] : memref<10240x128xf32, #tpu.memory_space<vmem_shared>> -> memref<8x128xf32, #tpu.memory_space<vmem_shared>>
      %dma_wait3A_1082 = arith.constant 0 : i32
      %dma_wait3A_1083 = tpu.memref_slice %arg6[%add3A_166, %dma_wait3A_1082] : memref<10240x128xf32, #tpu.memory_space<vmem_shared>> -> memref<8x128xf32, #tpu.memory_space<vmem_shared>>
      tpu.wait_dma2 semaphore(%run_scoped3A : memref<!tpu.dma_semaphore, #tpu.memory_space<semaphore_mem>>) src(%arg12 : memref<8x128xf32, #tpu.memory_space<vmem>>) dst(%dma_wait3A_1083 : memref<8x128xf32, #tpu.memory_space<vmem_shared>>)
      tpu.yield
    }) : () -> ()
    %add3A_167 = arith.constant 600 : i32
    %add3A_168 = arith.addi %mul3A_16, %add3A_167 : i32
    "tpu.region"() ({
      %run_scoped3A = tpu.sem_alloc : memref<!tpu.dma_semaphore, #tpu.memory_space<semaphore_mem>>
      %dma_start3A_1076 = arith.constant 0 : i32
      %dma_start3A_1077 = tpu.memref_slice %arg6[%add3A_168, %dma_start3A_1076] : memref<10240x128xf32, #tpu.memory_space<vmem_shared>> -> memref<8x128xf32, #tpu.memory_space<vmem_shared>>
      %dma_start3A_1078 = arith.constant 0 : i32
      %dma_start3A_1079 = tpu.memref_slice %arg6[%add3A_168, %dma_start3A_1078] : memref<10240x128xf32, #tpu.memory_space<vmem_shared>> -> memref<8x128xf32, #tpu.memory_space<vmem_shared>>
      tpu.enqueue_dma source(%arg12 : memref<8x128xf32, #tpu.memory_space<vmem>>) target(%dma_start3A_1079 : memref<8x128xf32, #tpu.memory_space<vmem_shared>>) target_semaphore(%run_scoped3A : memref<!tpu.dma_semaphore, #tpu.memory_space<semaphore_mem>>)
      %dma_wait3A_1080 = arith.constant 0 : i32
      %dma_wait3A_1081 = tpu.memref_slice %arg6[%add3A_168, %dma_wait3A_1080] : memref<10240x128xf32, #tpu.memory_space<vmem_shared>> -> memref<8x128xf32, #tpu.memory_space<vmem_shared>>
      %dma_wait3A_1082 = arith.constant 0 : i32
      %dma_wait3A_1083 = tpu.memref_slice %arg6[%add3A_168, %dma_wait3A_1082] : memref<10240x128xf32, #tpu.memory_space<vmem_shared>> -> memref<8x128xf32, #tpu.memory_space<vmem_shared>>
      tpu.wait_dma2 semaphore(%run_scoped3A : memref<!tpu.dma_semaphore, #tpu.memory_space<semaphore_mem>>) src(%arg12 : memref<8x128xf32, #tpu.memory_space<vmem>>) dst(%dma_wait3A_1083 : memref<8x128xf32, #tpu.memory_space<vmem_shared>>)
      tpu.yield
    }) : () -> ()
    %add3A_169 = arith.constant 608 : i32
    %add3A_170 = arith.addi %mul3A_16, %add3A_169 : i32
    "tpu.region"() ({
      %run_scoped3A = tpu.sem_alloc : memref<!tpu.dma_semaphore, #tpu.memory_space<semaphore_mem>>
      %dma_start3A_1076 = arith.constant 0 : i32
      %dma_start3A_1077 = tpu.memref_slice %arg6[%add3A_170, %dma_start3A_1076] : memref<10240x128xf32, #tpu.memory_space<vmem_shared>> -> memref<8x128xf32, #tpu.memory_space<vmem_shared>>
      %dma_start3A_1078 = arith.constant 0 : i32
      %dma_start3A_1079 = tpu.memref_slice %arg6[%add3A_170, %dma_start3A_1078] : memref<10240x128xf32, #tpu.memory_space<vmem_shared>> -> memref<8x128xf32, #tpu.memory_space<vmem_shared>>
      tpu.enqueue_dma source(%arg12 : memref<8x128xf32, #tpu.memory_space<vmem>>) target(%dma_start3A_1079 : memref<8x128xf32, #tpu.memory_space<vmem_shared>>) target_semaphore(%run_scoped3A : memref<!tpu.dma_semaphore, #tpu.memory_space<semaphore_mem>>)
      %dma_wait3A_1080 = arith.constant 0 : i32
      %dma_wait3A_1081 = tpu.memref_slice %arg6[%add3A_170, %dma_wait3A_1080] : memref<10240x128xf32, #tpu.memory_space<vmem_shared>> -> memref<8x128xf32, #tpu.memory_space<vmem_shared>>
      %dma_wait3A_1082 = arith.constant 0 : i32
      %dma_wait3A_1083 = tpu.memref_slice %arg6[%add3A_170, %dma_wait3A_1082] : memref<10240x128xf32, #tpu.memory_space<vmem_shared>> -> memref<8x128xf32, #tpu.memory_space<vmem_shared>>
      tpu.wait_dma2 semaphore(%run_scoped3A : memref<!tpu.dma_semaphore, #tpu.memory_space<semaphore_mem>>) src(%arg12 : memref<8x128xf32, #tpu.memory_space<vmem>>) dst(%dma_wait3A_1083 : memref<8x128xf32, #tpu.memory_space<vmem_shared>>)
      tpu.yield
    }) : () -> ()
    %add3A_171 = arith.constant 616 : i32
    %add3A_172 = arith.addi %mul3A_16, %add3A_171 : i32
    "tpu.region"() ({
      %run_scoped3A = tpu.sem_alloc : memref<!tpu.dma_semaphore, #tpu.memory_space<semaphore_mem>>
      %dma_start3A_1076 = arith.constant 0 : i32
      %dma_start3A_1077 = tpu.memref_slice %arg6[%add3A_172, %dma_start3A_1076] : memref<10240x128xf32, #tpu.memory_space<vmem_shared>> -> memref<8x128xf32, #tpu.memory_space<vmem_shared>>
      %dma_start3A_1078 = arith.constant 0 : i32
      %dma_start3A_1079 = tpu.memref_slice %arg6[%add3A_172, %dma_start3A_1078] : memref<10240x128xf32, #tpu.memory_space<vmem_shared>> -> memref<8x128xf32, #tpu.memory_space<vmem_shared>>
      tpu.enqueue_dma source(%arg12 : memref<8x128xf32, #tpu.memory_space<vmem>>) target(%dma_start3A_1079 : memref<8x128xf32, #tpu.memory_space<vmem_shared>>) target_semaphore(%run_scoped3A : memref<!tpu.dma_semaphore, #tpu.memory_space<semaphore_mem>>)
      %dma_wait3A_1080 = arith.constant 0 : i32
      %dma_wait3A_1081 = tpu.memref_slice %arg6[%add3A_172, %dma_wait3A_1080] : memref<10240x128xf32, #tpu.memory_space<vmem_shared>> -> memref<8x128xf32, #tpu.memory_space<vmem_shared>>
      %dma_wait3A_1082 = arith.constant 0 : i32
      %dma_wait3A_1083 = tpu.memref_slice %arg6[%add3A_172, %dma_wait3A_1082] : memref<10240x128xf32, #tpu.memory_space<vmem_shared>> -> memref<8x128xf32, #tpu.memory_space<vmem_shared>>
      tpu.wait_dma2 semaphore(%run_scoped3A : memref<!tpu.dma_semaphore, #tpu.memory_space<semaphore_mem>>) src(%arg12 : memref<8x128xf32, #tpu.memory_space<vmem>>) dst(%dma_wait3A_1083 : memref<8x128xf32, #tpu.memory_space<vmem_shared>>)
      tpu.yield
    }) : () -> ()
    %add3A_173 = arith.constant 624 : i32
    %add3A_174 = arith.addi %mul3A_16, %add3A_173 : i32
    "tpu.region"() ({
      %run_scoped3A = tpu.sem_alloc : memref<!tpu.dma_semaphore, #tpu.memory_space<semaphore_mem>>
      %dma_start3A_1076 = arith.constant 0 : i32
      %dma_start3A_1077 = tpu.memref_slice %arg6[%add3A_174, %dma_start3A_1076] : memref<10240x128xf32, #tpu.memory_space<vmem_shared>> -> memref<8x128xf32, #tpu.memory_space<vmem_shared>>
      %dma_start3A_1078 = arith.constant 0 : i32
      %dma_start3A_1079 = tpu.memref_slice %arg6[%add3A_174, %dma_start3A_1078] : memref<10240x128xf32, #tpu.memory_space<vmem_shared>> -> memref<8x128xf32, #tpu.memory_space<vmem_shared>>
      tpu.enqueue_dma source(%arg12 : memref<8x128xf32, #tpu.memory_space<vmem>>) target(%dma_start3A_1079 : memref<8x128xf32, #tpu.memory_space<vmem_shared>>) target_semaphore(%run_scoped3A : memref<!tpu.dma_semaphore, #tpu.memory_space<semaphore_mem>>)
      %dma_wait3A_1080 = arith.constant 0 : i32
      %dma_wait3A_1081 = tpu.memref_slice %arg6[%add3A_174, %dma_wait3A_1080] : memref<10240x128xf32, #tpu.memory_space<vmem_shared>> -> memref<8x128xf32, #tpu.memory_space<vmem_shared>>
      %dma_wait3A_1082 = arith.constant 0 : i32
      %dma_wait3A_1083 = tpu.memref_slice %arg6[%add3A_174, %dma_wait3A_1082] : memref<10240x128xf32, #tpu.memory_space<vmem_shared>> -> memref<8x128xf32, #tpu.memory_space<vmem_shared>>
      tpu.wait_dma2 semaphore(%run_scoped3A : memref<!tpu.dma_semaphore, #tpu.memory_space<semaphore_mem>>) src(%arg12 : memref<8x128xf32, #tpu.memory_space<vmem>>) dst(%dma_wait3A_1083 : memref<8x128xf32, #tpu.memory_space<vmem_shared>>)
      tpu.yield
    }) : () -> ()
    %add3A_175 = arith.constant 632 : i32
    %add3A_176 = arith.addi %mul3A_16, %add3A_175 : i32
    "tpu.region"() ({
      %run_scoped3A = tpu.sem_alloc : memref<!tpu.dma_semaphore, #tpu.memory_space<semaphore_mem>>
      %dma_start3A_1076 = arith.constant 0 : i32
      %dma_start3A_1077 = tpu.memref_slice %arg6[%add3A_176, %dma_start3A_1076] : memref<10240x128xf32, #tpu.memory_space<vmem_shared>> -> memref<8x128xf32, #tpu.memory_space<vmem_shared>>
      %dma_start3A_1078 = arith.constant 0 : i32
      %dma_start3A_1079 = tpu.memref_slice %arg6[%add3A_176, %dma_start3A_1078] : memref<10240x128xf32, #tpu.memory_space<vmem_shared>> -> memref<8x128xf32, #tpu.memory_space<vmem_shared>>
      tpu.enqueue_dma source(%arg12 : memref<8x128xf32, #tpu.memory_space<vmem>>) target(%dma_start3A_1079 : memref<8x128xf32, #tpu.memory_space<vmem_shared>>) target_semaphore(%run_scoped3A : memref<!tpu.dma_semaphore, #tpu.memory_space<semaphore_mem>>)
      %dma_wait3A_1080 = arith.constant 0 : i32
      %dma_wait3A_1081 = tpu.memref_slice %arg6[%add3A_176, %dma_wait3A_1080] : memref<10240x128xf32, #tpu.memory_space<vmem_shared>> -> memref<8x128xf32, #tpu.memory_space<vmem_shared>>
      %dma_wait3A_1082 = arith.constant 0 : i32
      %dma_wait3A_1083 = tpu.memref_slice %arg6[%add3A_176, %dma_wait3A_1082] : memref<10240x128xf32, #tpu.memory_space<vmem_shared>> -> memref<8x128xf32, #tpu.memory_space<vmem_shared>>
      tpu.wait_dma2 semaphore(%run_scoped3A : memref<!tpu.dma_semaphore, #tpu.memory_space<semaphore_mem>>) src(%arg12 : memref<8x128xf32, #tpu.memory_space<vmem>>) dst(%dma_wait3A_1083 : memref<8x128xf32, #tpu.memory_space<vmem_shared>>)
      tpu.yield
    }) : () -> ()
    %barrier3A = arith.constant 0 : index
    tpu.barrier barrier_id(%barrier3A)
    %broadcast_in_dim3A_177 = arith.constant 1.000000e+00 : f32
    %broadcast_in_dim3A_178 = vector.broadcast %broadcast_in_dim3A_177 : f32 to vector<16xf32>
    %mul3A_179 = arith.constant 10000 : i32
    %mul3A_180 = arith.muli %add3A, %mul3A_179 : i32
    %min3A = arith.constant 0 : i32
    %min3A_181 = arith.constant 124 : i32
    %min3A_182 = arith.minsi %min3A, %min3A_181 : i32
    %mul3A_183 = arith.constant 80 : i32
    %mul3A_184 = arith.muli %min3A_182, %mul3A_183 : i32
    %add3A_185 = arith.addi %mul3A_180, %mul3A_184 : i32
    %and3A = arith.constant 7 : i32
    %and3A_186 = arith.andi %min3A_182, %and3A : i32
    %dma_start3A = arith.constant 0 : i32
    %dma_start3A_187 = arith.constant 0 : i32
    %dma_start3A_188 = tpu.memref_slice %arg7[%and3A_186, %dma_start3A_187] : memref<8x80xi32, #tpu.memory_space<vmem>> -> memref<1x80xi32, #tpu.memory_space<vmem>>
    %dma_start3A_189 = tpu.memref_squeeze %dma_start3A_188 : memref<1x80xi32, #tpu.memory_space<vmem>> -> memref<80xi32, #tpu.memory_space<vmem>>
    %dma_start3A_190 = tpu.memref_slice %arg3[%dma_start3A, %add3A_185] : memref<2x320000xi32, #tpu.memory_space<hbm>> -> memref<1x80xi32, #tpu.memory_space<hbm>>
    %dma_start3A_191 = tpu.memref_squeeze %dma_start3A_190 : memref<1x80xi32, #tpu.memory_space<hbm>> -> memref<80xi32, #tpu.memory_space<hbm>>
    %dma_start3A_192 = arith.constant 0 : i32
    %dma_start3A_193 = tpu.memref_slice %arg7[%and3A_186, %dma_start3A_192] : memref<8x80xi32, #tpu.memory_space<vmem>> -> memref<1x80xi32, #tpu.memory_space<vmem>>
    %dma_start3A_194 = tpu.memref_squeeze %dma_start3A_193 : memref<1x80xi32, #tpu.memory_space<vmem>> -> memref<80xi32, #tpu.memory_space<vmem>>
    %dma_start3A_195 = tpu.memref_slice %arg3[%dma_start3A, %add3A_185] : memref<2x320000xi32, #tpu.memory_space<hbm>> -> memref<1x80xi32, #tpu.memory_space<hbm>>
    %dma_start3A_196 = tpu.memref_squeeze %dma_start3A_195 : memref<1x80xi32, #tpu.memory_space<hbm>> -> memref<80xi32, #tpu.memory_space<hbm>>
    tpu.enqueue_dma source(%dma_start3A_196 : memref<80xi32, #tpu.memory_space<hbm>>) target(%dma_start3A_194 : memref<80xi32, #tpu.memory_space<vmem>>) target_semaphore(%arg20 : memref<!tpu.dma_semaphore, #tpu.memory_space<semaphore_mem>>)
    %dma_start3A_197 = arith.constant 1 : i32
    %dma_start3A_198 = arith.constant 0 : i32
    %dma_start3A_199 = tpu.memref_slice %arg8[%and3A_186, %dma_start3A_198] : memref<8x80xi32, #tpu.memory_space<vmem>> -> memref<1x80xi32, #tpu.memory_space<vmem>>
    %dma_start3A_200 = tpu.memref_squeeze %dma_start3A_199 : memref<1x80xi32, #tpu.memory_space<vmem>> -> memref<80xi32, #tpu.memory_space<vmem>>
    %dma_start3A_201 = tpu.memref_slice %arg3[%dma_start3A_197, %add3A_185] : memref<2x320000xi32, #tpu.memory_space<hbm>> -> memref<1x80xi32, #tpu.memory_space<hbm>>
    %dma_start3A_202 = tpu.memref_squeeze %dma_start3A_201 : memref<1x80xi32, #tpu.memory_space<hbm>> -> memref<80xi32, #tpu.memory_space<hbm>>
    %dma_start3A_203 = arith.constant 0 : i32
    %dma_start3A_204 = tpu.memref_slice %arg8[%and3A_186, %dma_start3A_203] : memref<8x80xi32, #tpu.memory_space<vmem>> -> memref<1x80xi32, #tpu.memory_space<vmem>>
    %dma_start3A_205 = tpu.memref_squeeze %dma_start3A_204 : memref<1x80xi32, #tpu.memory_space<vmem>> -> memref<80xi32, #tpu.memory_space<vmem>>
    %dma_start3A_206 = tpu.memref_slice %arg3[%dma_start3A_197, %add3A_185] : memref<2x320000xi32, #tpu.memory_space<hbm>> -> memref<1x80xi32, #tpu.memory_space<hbm>>
    %dma_start3A_207 = tpu.memref_squeeze %dma_start3A_206 : memref<1x80xi32, #tpu.memory_space<hbm>> -> memref<80xi32, #tpu.memory_space<hbm>>
    tpu.enqueue_dma source(%dma_start3A_207 : memref<80xi32, #tpu.memory_space<hbm>>) target(%dma_start3A_205 : memref<80xi32, #tpu.memory_space<vmem>>) target_semaphore(%arg21 : memref<!tpu.dma_semaphore, #tpu.memory_space<semaphore_mem>>)
    %min3A_208 = arith.constant 1 : i32
    %min3A_209 = arith.constant 124 : i32
    %min3A_210 = arith.minsi %min3A_208, %min3A_209 : i32
    %mul3A_211 = arith.constant 80 : i32
    %mul3A_212 = arith.muli %min3A_210, %mul3A_211 : i32
    %add3A_213 = arith.addi %mul3A_180, %mul3A_212 : i32
    %and3A_214 = arith.constant 7 : i32
    %and3A_215 = arith.andi %min3A_210, %and3A_214 : i32
    %dma_start3A_216 = arith.constant 0 : i32
    %dma_start3A_217 = arith.constant 0 : i32
    %dma_start3A_218 = tpu.memref_slice %arg7[%and3A_215, %dma_start3A_217] : memref<8x80xi32, #tpu.memory_space<vmem>> -> memref<1x80xi32, #tpu.memory_space<vmem>>
    %dma_start3A_219 = tpu.memref_squeeze %dma_start3A_218 : memref<1x80xi32, #tpu.memory_space<vmem>> -> memref<80xi32, #tpu.memory_space<vmem>>
    %dma_start3A_220 = tpu.memref_slice %arg3[%dma_start3A_216, %add3A_213] : memref<2x320000xi32, #tpu.memory_space<hbm>> -> memref<1x80xi32, #tpu.memory_space<hbm>>
    %dma_start3A_221 = tpu.memref_squeeze %dma_start3A_220 : memref<1x80xi32, #tpu.memory_space<hbm>> -> memref<80xi32, #tpu.memory_space<hbm>>
    %dma_start3A_222 = arith.constant 0 : i32
    %dma_start3A_223 = tpu.memref_slice %arg7[%and3A_215, %dma_start3A_222] : memref<8x80xi32, #tpu.memory_space<vmem>> -> memref<1x80xi32, #tpu.memory_space<vmem>>
    %dma_start3A_224 = tpu.memref_squeeze %dma_start3A_223 : memref<1x80xi32, #tpu.memory_space<vmem>> -> memref<80xi32, #tpu.memory_space<vmem>>
    %dma_start3A_225 = tpu.memref_slice %arg3[%dma_start3A_216, %add3A_213] : memref<2x320000xi32, #tpu.memory_space<hbm>> -> memref<1x80xi32, #tpu.memory_space<hbm>>
    %dma_start3A_226 = tpu.memref_squeeze %dma_start3A_225 : memref<1x80xi32, #tpu.memory_space<hbm>> -> memref<80xi32, #tpu.memory_space<hbm>>
    tpu.enqueue_dma source(%dma_start3A_226 : memref<80xi32, #tpu.memory_space<hbm>>) target(%dma_start3A_224 : memref<80xi32, #tpu.memory_space<vmem>>) target_semaphore(%arg20 : memref<!tpu.dma_semaphore, #tpu.memory_space<semaphore_mem>>)
    %dma_start3A_227 = arith.constant 1 : i32
    %dma_start3A_228 = arith.constant 0 : i32
    %dma_start3A_229 = tpu.memref_slice %arg8[%and3A_215, %dma_start3A_228] : memref<8x80xi32, #tpu.memory_space<vmem>> -> memref<1x80xi32, #tpu.memory_space<vmem>>
    %dma_start3A_230 = tpu.memref_squeeze %dma_start3A_229 : memref<1x80xi32, #tpu.memory_space<vmem>> -> memref<80xi32, #tpu.memory_space<vmem>>
    %dma_start3A_231 = tpu.memref_slice %arg3[%dma_start3A_227, %add3A_213] : memref<2x320000xi32, #tpu.memory_space<hbm>> -> memref<1x80xi32, #tpu.memory_space<hbm>>
    %dma_start3A_232 = tpu.memref_squeeze %dma_start3A_231 : memref<1x80xi32, #tpu.memory_space<hbm>> -> memref<80xi32, #tpu.memory_space<hbm>>
    %dma_start3A_233 = arith.constant 0 : i32
    %dma_start3A_234 = tpu.memref_slice %arg8[%and3A_215, %dma_start3A_233] : memref<8x80xi32, #tpu.memory_space<vmem>> -> memref<1x80xi32, #tpu.memory_space<vmem>>
    %dma_start3A_235 = tpu.memref_squeeze %dma_start3A_234 : memref<1x80xi32, #tpu.memory_space<vmem>> -> memref<80xi32, #tpu.memory_space<vmem>>
    %dma_start3A_236 = tpu.memref_slice %arg3[%dma_start3A_227, %add3A_213] : memref<2x320000xi32, #tpu.memory_space<hbm>> -> memref<1x80xi32, #tpu.memory_space<hbm>>
    %dma_start3A_237 = tpu.memref_squeeze %dma_start3A_236 : memref<1x80xi32, #tpu.memory_space<hbm>> -> memref<80xi32, #tpu.memory_space<hbm>>
    tpu.enqueue_dma source(%dma_start3A_237 : memref<80xi32, #tpu.memory_space<hbm>>) target(%dma_start3A_235 : memref<80xi32, #tpu.memory_space<vmem>>) target_semaphore(%arg21 : memref<!tpu.dma_semaphore, #tpu.memory_space<semaphore_mem>>)
    %min3A_238 = arith.constant 2 : i32
    %min3A_239 = arith.constant 124 : i32
    %min3A_240 = arith.minsi %min3A_238, %min3A_239 : i32
    %mul3A_241 = arith.constant 80 : i32
    %mul3A_242 = arith.muli %min3A_240, %mul3A_241 : i32
    %add3A_243 = arith.addi %mul3A_180, %mul3A_242 : i32
    %and3A_244 = arith.constant 7 : i32
    %and3A_245 = arith.andi %min3A_240, %and3A_244 : i32
    %dma_start3A_246 = arith.constant 0 : i32
    %dma_start3A_247 = arith.constant 0 : i32
    %dma_start3A_248 = tpu.memref_slice %arg7[%and3A_245, %dma_start3A_247] : memref<8x80xi32, #tpu.memory_space<vmem>> -> memref<1x80xi32, #tpu.memory_space<vmem>>
    %dma_start3A_249 = tpu.memref_squeeze %dma_start3A_248 : memref<1x80xi32, #tpu.memory_space<vmem>> -> memref<80xi32, #tpu.memory_space<vmem>>
    %dma_start3A_250 = tpu.memref_slice %arg3[%dma_start3A_246, %add3A_243] : memref<2x320000xi32, #tpu.memory_space<hbm>> -> memref<1x80xi32, #tpu.memory_space<hbm>>
    %dma_start3A_251 = tpu.memref_squeeze %dma_start3A_250 : memref<1x80xi32, #tpu.memory_space<hbm>> -> memref<80xi32, #tpu.memory_space<hbm>>
    %dma_start3A_252 = arith.constant 0 : i32
    %dma_start3A_253 = tpu.memref_slice %arg7[%and3A_245, %dma_start3A_252] : memref<8x80xi32, #tpu.memory_space<vmem>> -> memref<1x80xi32, #tpu.memory_space<vmem>>
    %dma_start3A_254 = tpu.memref_squeeze %dma_start3A_253 : memref<1x80xi32, #tpu.memory_space<vmem>> -> memref<80xi32, #tpu.memory_space<vmem>>
    %dma_start3A_255 = tpu.memref_slice %arg3[%dma_start3A_246, %add3A_243] : memref<2x320000xi32, #tpu.memory_space<hbm>> -> memref<1x80xi32, #tpu.memory_space<hbm>>
    %dma_start3A_256 = tpu.memref_squeeze %dma_start3A_255 : memref<1x80xi32, #tpu.memory_space<hbm>> -> memref<80xi32, #tpu.memory_space<hbm>>
    tpu.enqueue_dma source(%dma_start3A_256 : memref<80xi32, #tpu.memory_space<hbm>>) target(%dma_start3A_254 : memref<80xi32, #tpu.memory_space<vmem>>) target_semaphore(%arg20 : memref<!tpu.dma_semaphore, #tpu.memory_space<semaphore_mem>>)
    %dma_start3A_257 = arith.constant 1 : i32
    %dma_start3A_258 = arith.constant 0 : i32
    %dma_start3A_259 = tpu.memref_slice %arg8[%and3A_245, %dma_start3A_258] : memref<8x80xi32, #tpu.memory_space<vmem>> -> memref<1x80xi32, #tpu.memory_space<vmem>>
    %dma_start3A_260 = tpu.memref_squeeze %dma_start3A_259 : memref<1x80xi32, #tpu.memory_space<vmem>> -> memref<80xi32, #tpu.memory_space<vmem>>
    %dma_start3A_261 = tpu.memref_slice %arg3[%dma_start3A_257, %add3A_243] : memref<2x320000xi32, #tpu.memory_space<hbm>> -> memref<1x80xi32, #tpu.memory_space<hbm>>
    %dma_start3A_262 = tpu.memref_squeeze %dma_start3A_261 : memref<1x80xi32, #tpu.memory_space<hbm>> -> memref<80xi32, #tpu.memory_space<hbm>>
    %dma_start3A_263 = arith.constant 0 : i32
    %dma_start3A_264 = tpu.memref_slice %arg8[%and3A_245, %dma_start3A_263] : memref<8x80xi32, #tpu.memory_space<vmem>> -> memref<1x80xi32, #tpu.memory_space<vmem>>
    %dma_start3A_265 = tpu.memref_squeeze %dma_start3A_264 : memref<1x80xi32, #tpu.memory_space<vmem>> -> memref<80xi32, #tpu.memory_space<vmem>>
    %dma_start3A_266 = tpu.memref_slice %arg3[%dma_start3A_257, %add3A_243] : memref<2x320000xi32, #tpu.memory_space<hbm>> -> memref<1x80xi32, #tpu.memory_space<hbm>>
    %dma_start3A_267 = tpu.memref_squeeze %dma_start3A_266 : memref<1x80xi32, #tpu.memory_space<hbm>> -> memref<80xi32, #tpu.memory_space<hbm>>
    tpu.enqueue_dma source(%dma_start3A_267 : memref<80xi32, #tpu.memory_space<hbm>>) target(%dma_start3A_265 : memref<80xi32, #tpu.memory_space<vmem>>) target_semaphore(%arg21 : memref<!tpu.dma_semaphore, #tpu.memory_space<semaphore_mem>>)
    %min3A_268 = arith.constant 3 : i32
    %min3A_269 = arith.constant 124 : i32
    %min3A_270 = arith.minsi %min3A_268, %min3A_269 : i32
    %mul3A_271 = arith.constant 80 : i32
    %mul3A_272 = arith.muli %min3A_270, %mul3A_271 : i32
    %add3A_273 = arith.addi %mul3A_180, %mul3A_272 : i32
    %and3A_274 = arith.constant 7 : i32
    %and3A_275 = arith.andi %min3A_270, %and3A_274 : i32
    %dma_start3A_276 = arith.constant 0 : i32
    %dma_start3A_277 = arith.constant 0 : i32
    %dma_start3A_278 = tpu.memref_slice %arg7[%and3A_275, %dma_start3A_277] : memref<8x80xi32, #tpu.memory_space<vmem>> -> memref<1x80xi32, #tpu.memory_space<vmem>>
    %dma_start3A_279 = tpu.memref_squeeze %dma_start3A_278 : memref<1x80xi32, #tpu.memory_space<vmem>> -> memref<80xi32, #tpu.memory_space<vmem>>
    %dma_start3A_280 = tpu.memref_slice %arg3[%dma_start3A_276, %add3A_273] : memref<2x320000xi32, #tpu.memory_space<hbm>> -> memref<1x80xi32, #tpu.memory_space<hbm>>
    %dma_start3A_281 = tpu.memref_squeeze %dma_start3A_280 : memref<1x80xi32, #tpu.memory_space<hbm>> -> memref<80xi32, #tpu.memory_space<hbm>>
    %dma_start3A_282 = arith.constant 0 : i32
    %dma_start3A_283 = tpu.memref_slice %arg7[%and3A_275, %dma_start3A_282] : memref<8x80xi32, #tpu.memory_space<vmem>> -> memref<1x80xi32, #tpu.memory_space<vmem>>
    %dma_start3A_284 = tpu.memref_squeeze %dma_start3A_283 : memref<1x80xi32, #tpu.memory_space<vmem>> -> memref<80xi32, #tpu.memory_space<vmem>>
    %dma_start3A_285 = tpu.memref_slice %arg3[%dma_start3A_276, %add3A_273] : memref<2x320000xi32, #tpu.memory_space<hbm>> -> memref<1x80xi32, #tpu.memory_space<hbm>>
    %dma_start3A_286 = tpu.memref_squeeze %dma_start3A_285 : memref<1x80xi32, #tpu.memory_space<hbm>> -> memref<80xi32, #tpu.memory_space<hbm>>
    tpu.enqueue_dma source(%dma_start3A_286 : memref<80xi32, #tpu.memory_space<hbm>>) target(%dma_start3A_284 : memref<80xi32, #tpu.memory_space<vmem>>) target_semaphore(%arg20 : memref<!tpu.dma_semaphore, #tpu.memory_space<semaphore_mem>>)
    %dma_start3A_287 = arith.constant 1 : i32
    %dma_start3A_288 = arith.constant 0 : i32
    %dma_start3A_289 = tpu.memref_slice %arg8[%and3A_275, %dma_start3A_288] : memref<8x80xi32, #tpu.memory_space<vmem>> -> memref<1x80xi32, #tpu.memory_space<vmem>>
    %dma_start3A_290 = tpu.memref_squeeze %dma_start3A_289 : memref<1x80xi32, #tpu.memory_space<vmem>> -> memref<80xi32, #tpu.memory_space<vmem>>
    %dma_start3A_291 = tpu.memref_slice %arg3[%dma_start3A_287, %add3A_273] : memref<2x320000xi32, #tpu.memory_space<hbm>> -> memref<1x80xi32, #tpu.memory_space<hbm>>
    %dma_start3A_292 = tpu.memref_squeeze %dma_start3A_291 : memref<1x80xi32, #tpu.memory_space<hbm>> -> memref<80xi32, #tpu.memory_space<hbm>>
    %dma_start3A_293 = arith.constant 0 : i32
    %dma_start3A_294 = tpu.memref_slice %arg8[%and3A_275, %dma_start3A_293] : memref<8x80xi32, #tpu.memory_space<vmem>> -> memref<1x80xi32, #tpu.memory_space<vmem>>
    %dma_start3A_295 = tpu.memref_squeeze %dma_start3A_294 : memref<1x80xi32, #tpu.memory_space<vmem>> -> memref<80xi32, #tpu.memory_space<vmem>>
    %dma_start3A_296 = tpu.memref_slice %arg3[%dma_start3A_287, %add3A_273] : memref<2x320000xi32, #tpu.memory_space<hbm>> -> memref<1x80xi32, #tpu.memory_space<hbm>>
    %dma_start3A_297 = tpu.memref_squeeze %dma_start3A_296 : memref<1x80xi32, #tpu.memory_space<hbm>> -> memref<80xi32, #tpu.memory_space<hbm>>
    tpu.enqueue_dma source(%dma_start3A_297 : memref<80xi32, #tpu.memory_space<hbm>>) target(%dma_start3A_295 : memref<80xi32, #tpu.memory_space<vmem>>) target_semaphore(%arg21 : memref<!tpu.dma_semaphore, #tpu.memory_space<semaphore_mem>>)
    %min3A_298 = arith.constant 4 : i32
    %min3A_299 = arith.constant 124 : i32
    %min3A_300 = arith.minsi %min3A_298, %min3A_299 : i32
    %mul3A_301 = arith.constant 80 : i32
    %mul3A_302 = arith.muli %min3A_300, %mul3A_301 : i32
    %add3A_303 = arith.addi %mul3A_180, %mul3A_302 : i32
    %and3A_304 = arith.constant 7 : i32
    %and3A_305 = arith.andi %min3A_300, %and3A_304 : i32
    %dma_start3A_306 = arith.constant 0 : i32
    %dma_start3A_307 = arith.constant 0 : i32
    %dma_start3A_308 = tpu.memref_slice %arg7[%and3A_305, %dma_start3A_307] : memref<8x80xi32, #tpu.memory_space<vmem>> -> memref<1x80xi32, #tpu.memory_space<vmem>>
    %dma_start3A_309 = tpu.memref_squeeze %dma_start3A_308 : memref<1x80xi32, #tpu.memory_space<vmem>> -> memref<80xi32, #tpu.memory_space<vmem>>
    %dma_start3A_310 = tpu.memref_slice %arg3[%dma_start3A_306, %add3A_303] : memref<2x320000xi32, #tpu.memory_space<hbm>> -> memref<1x80xi32, #tpu.memory_space<hbm>>
    %dma_start3A_311 = tpu.memref_squeeze %dma_start3A_310 : memref<1x80xi32, #tpu.memory_space<hbm>> -> memref<80xi32, #tpu.memory_space<hbm>>
    %dma_start3A_312 = arith.constant 0 : i32
    %dma_start3A_313 = tpu.memref_slice %arg7[%and3A_305, %dma_start3A_312] : memref<8x80xi32, #tpu.memory_space<vmem>> -> memref<1x80xi32, #tpu.memory_space<vmem>>
    %dma_start3A_314 = tpu.memref_squeeze %dma_start3A_313 : memref<1x80xi32, #tpu.memory_space<vmem>> -> memref<80xi32, #tpu.memory_space<vmem>>
    %dma_start3A_315 = tpu.memref_slice %arg3[%dma_start3A_306, %add3A_303] : memref<2x320000xi32, #tpu.memory_space<hbm>> -> memref<1x80xi32, #tpu.memory_space<hbm>>
    %dma_start3A_316 = tpu.memref_squeeze %dma_start3A_315 : memref<1x80xi32, #tpu.memory_space<hbm>> -> memref<80xi32, #tpu.memory_space<hbm>>
    tpu.enqueue_dma source(%dma_start3A_316 : memref<80xi32, #tpu.memory_space<hbm>>) target(%dma_start3A_314 : memref<80xi32, #tpu.memory_space<vmem>>) target_semaphore(%arg20 : memref<!tpu.dma_semaphore, #tpu.memory_space<semaphore_mem>>)
    %dma_start3A_317 = arith.constant 1 : i32
    %dma_start3A_318 = arith.constant 0 : i32
    %dma_start3A_319 = tpu.memref_slice %arg8[%and3A_305, %dma_start3A_318] : memref<8x80xi32, #tpu.memory_space<vmem>> -> memref<1x80xi32, #tpu.memory_space<vmem>>
    %dma_start3A_320 = tpu.memref_squeeze %dma_start3A_319 : memref<1x80xi32, #tpu.memory_space<vmem>> -> memref<80xi32, #tpu.memory_space<vmem>>
    %dma_start3A_321 = tpu.memref_slice %arg3[%dma_start3A_317, %add3A_303] : memref<2x320000xi32, #tpu.memory_space<hbm>> -> memref<1x80xi32, #tpu.memory_space<hbm>>
    %dma_start3A_322 = tpu.memref_squeeze %dma_start3A_321 : memref<1x80xi32, #tpu.memory_space<hbm>> -> memref<80xi32, #tpu.memory_space<hbm>>
    %dma_start3A_323 = arith.constant 0 : i32
    %dma_start3A_324 = tpu.memref_slice %arg8[%and3A_305, %dma_start3A_323] : memref<8x80xi32, #tpu.memory_space<vmem>> -> memref<1x80xi32, #tpu.memory_space<vmem>>
    %dma_start3A_325 = tpu.memref_squeeze %dma_start3A_324 : memref<1x80xi32, #tpu.memory_space<vmem>> -> memref<80xi32, #tpu.memory_space<vmem>>
    %dma_start3A_326 = tpu.memref_slice %arg3[%dma_start3A_317, %add3A_303] : memref<2x320000xi32, #tpu.memory_space<hbm>> -> memref<1x80xi32, #tpu.memory_space<hbm>>
    %dma_start3A_327 = tpu.memref_squeeze %dma_start3A_326 : memref<1x80xi32, #tpu.memory_space<hbm>> -> memref<80xi32, #tpu.memory_space<hbm>>
    tpu.enqueue_dma source(%dma_start3A_327 : memref<80xi32, #tpu.memory_space<hbm>>) target(%dma_start3A_325 : memref<80xi32, #tpu.memory_space<vmem>>) target_semaphore(%arg21 : memref<!tpu.dma_semaphore, #tpu.memory_space<semaphore_mem>>)
    %min3A_328 = arith.constant 5 : i32
    %min3A_329 = arith.constant 124 : i32
    %min3A_330 = arith.minsi %min3A_328, %min3A_329 : i32
    %mul3A_331 = arith.constant 80 : i32
    %mul3A_332 = arith.muli %min3A_330, %mul3A_331 : i32
    %add3A_333 = arith.addi %mul3A_180, %mul3A_332 : i32
    %and3A_334 = arith.constant 7 : i32
    %and3A_335 = arith.andi %min3A_330, %and3A_334 : i32
    %dma_start3A_336 = arith.constant 0 : i32
    %dma_start3A_337 = arith.constant 0 : i32
    %dma_start3A_338 = tpu.memref_slice %arg7[%and3A_335, %dma_start3A_337] : memref<8x80xi32, #tpu.memory_space<vmem>> -> memref<1x80xi32, #tpu.memory_space<vmem>>
    %dma_start3A_339 = tpu.memref_squeeze %dma_start3A_338 : memref<1x80xi32, #tpu.memory_space<vmem>> -> memref<80xi32, #tpu.memory_space<vmem>>
    %dma_start3A_340 = tpu.memref_slice %arg3[%dma_start3A_336, %add3A_333] : memref<2x320000xi32, #tpu.memory_space<hbm>> -> memref<1x80xi32, #tpu.memory_space<hbm>>
    %dma_start3A_341 = tpu.memref_squeeze %dma_start3A_340 : memref<1x80xi32, #tpu.memory_space<hbm>> -> memref<80xi32, #tpu.memory_space<hbm>>
    %dma_start3A_342 = arith.constant 0 : i32
    %dma_start3A_343 = tpu.memref_slice %arg7[%and3A_335, %dma_start3A_342] : memref<8x80xi32, #tpu.memory_space<vmem>> -> memref<1x80xi32, #tpu.memory_space<vmem>>
    %dma_start3A_344 = tpu.memref_squeeze %dma_start3A_343 : memref<1x80xi32, #tpu.memory_space<vmem>> -> memref<80xi32, #tpu.memory_space<vmem>>
    %dma_start3A_345 = tpu.memref_slice %arg3[%dma_start3A_336, %add3A_333] : memref<2x320000xi32, #tpu.memory_space<hbm>> -> memref<1x80xi32, #tpu.memory_space<hbm>>
    %dma_start3A_346 = tpu.memref_squeeze %dma_start3A_345 : memref<1x80xi32, #tpu.memory_space<hbm>> -> memref<80xi32, #tpu.memory_space<hbm>>
    tpu.enqueue_dma source(%dma_start3A_346 : memref<80xi32, #tpu.memory_space<hbm>>) target(%dma_start3A_344 : memref<80xi32, #tpu.memory_space<vmem>>) target_semaphore(%arg20 : memref<!tpu.dma_semaphore, #tpu.memory_space<semaphore_mem>>)
    %dma_start3A_347 = arith.constant 1 : i32
    %dma_start3A_348 = arith.constant 0 : i32
    %dma_start3A_349 = tpu.memref_slice %arg8[%and3A_335, %dma_start3A_348] : memref<8x80xi32, #tpu.memory_space<vmem>> -> memref<1x80xi32, #tpu.memory_space<vmem>>
    %dma_start3A_350 = tpu.memref_squeeze %dma_start3A_349 : memref<1x80xi32, #tpu.memory_space<vmem>> -> memref<80xi32, #tpu.memory_space<vmem>>
    %dma_start3A_351 = tpu.memref_slice %arg3[%dma_start3A_347, %add3A_333] : memref<2x320000xi32, #tpu.memory_space<hbm>> -> memref<1x80xi32, #tpu.memory_space<hbm>>
    %dma_start3A_352 = tpu.memref_squeeze %dma_start3A_351 : memref<1x80xi32, #tpu.memory_space<hbm>> -> memref<80xi32, #tpu.memory_space<hbm>>
    %dma_start3A_353 = arith.constant 0 : i32
    %dma_start3A_354 = tpu.memref_slice %arg8[%and3A_335, %dma_start3A_353] : memref<8x80xi32, #tpu.memory_space<vmem>> -> memref<1x80xi32, #tpu.memory_space<vmem>>
    %dma_start3A_355 = tpu.memref_squeeze %dma_start3A_354 : memref<1x80xi32, #tpu.memory_space<vmem>> -> memref<80xi32, #tpu.memory_space<vmem>>
    %dma_start3A_356 = tpu.memref_slice %arg3[%dma_start3A_347, %add3A_333] : memref<2x320000xi32, #tpu.memory_space<hbm>> -> memref<1x80xi32, #tpu.memory_space<hbm>>
    %dma_start3A_357 = tpu.memref_squeeze %dma_start3A_356 : memref<1x80xi32, #tpu.memory_space<hbm>> -> memref<80xi32, #tpu.memory_space<hbm>>
    tpu.enqueue_dma source(%dma_start3A_357 : memref<80xi32, #tpu.memory_space<hbm>>) target(%dma_start3A_355 : memref<80xi32, #tpu.memory_space<vmem>>) target_semaphore(%arg21 : memref<!tpu.dma_semaphore, #tpu.memory_space<semaphore_mem>>)
    %dma_wait3A = arith.constant 0 : i32
    %dma_wait3A_358 = arith.constant 0 : i32
    %dma_wait3A_359 = arith.constant 0 : i32
    %dma_wait3A_360 = tpu.memref_slice %arg7[%dma_wait3A_358, %dma_wait3A_359] : memref<8x80xi32, #tpu.memory_space<vmem>> -> memref<1x80xi32, #tpu.memory_space<vmem>>
    %dma_wait3A_361 = tpu.memref_squeeze %dma_wait3A_360 : memref<1x80xi32, #tpu.memory_space<vmem>> -> memref<80xi32, #tpu.memory_space<vmem>>
    %dma_wait3A_362 = arith.constant 0 : i32
    %dma_wait3A_363 = tpu.memref_slice %arg3[%dma_wait3A, %dma_wait3A_362] : memref<2x320000xi32, #tpu.memory_space<hbm>> -> memref<1x80xi32, #tpu.memory_space<hbm>>
    %dma_wait3A_364 = tpu.memref_squeeze %dma_wait3A_363 : memref<1x80xi32, #tpu.memory_space<hbm>> -> memref<80xi32, #tpu.memory_space<hbm>>
    %dma_wait3A_365 = arith.constant 0 : i32
    %dma_wait3A_366 = tpu.memref_slice %arg7[%dma_wait3A_358, %dma_wait3A_365] : memref<8x80xi32, #tpu.memory_space<vmem>> -> memref<1x80xi32, #tpu.memory_space<vmem>>
    %dma_wait3A_367 = tpu.memref_squeeze %dma_wait3A_366 : memref<1x80xi32, #tpu.memory_space<vmem>> -> memref<80xi32, #tpu.memory_space<vmem>>
    %dma_wait3A_368 = arith.constant 0 : i32
    %dma_wait3A_369 = tpu.memref_slice %arg3[%dma_wait3A, %dma_wait3A_368] : memref<2x320000xi32, #tpu.memory_space<hbm>> -> memref<1x80xi32, #tpu.memory_space<hbm>>
    %dma_wait3A_370 = tpu.memref_squeeze %dma_wait3A_369 : memref<1x80xi32, #tpu.memory_space<hbm>> -> memref<80xi32, #tpu.memory_space<hbm>>
    tpu.wait_dma2 semaphore(%arg20 : memref<!tpu.dma_semaphore, #tpu.memory_space<semaphore_mem>>) src(%dma_wait3A_370 : memref<80xi32, #tpu.memory_space<hbm>>) dst(%dma_wait3A_367 : memref<80xi32, #tpu.memory_space<vmem>>)
    %dma_wait3A_371 = arith.constant 1 : i32
    %dma_wait3A_372 = arith.constant 0 : i32
    %dma_wait3A_373 = arith.constant 0 : i32
    %dma_wait3A_374 = tpu.memref_slice %arg8[%dma_wait3A_372, %dma_wait3A_373] : memref<8x80xi32, #tpu.memory_space<vmem>> -> memref<1x80xi32, #tpu.memory_space<vmem>>
    %dma_wait3A_375 = tpu.memref_squeeze %dma_wait3A_374 : memref<1x80xi32, #tpu.memory_space<vmem>> -> memref<80xi32, #tpu.memory_space<vmem>>
    %dma_wait3A_376 = arith.constant 0 : i32
    %dma_wait3A_377 = tpu.memref_slice %arg3[%dma_wait3A_371, %dma_wait3A_376] : memref<2x320000xi32, #tpu.memory_space<hbm>> -> memref<1x80xi32, #tpu.memory_space<hbm>>
    %dma_wait3A_378 = tpu.memref_squeeze %dma_wait3A_377 : memref<1x80xi32, #tpu.memory_space<hbm>> -> memref<80xi32, #tpu.memory_space<hbm>>
    %dma_wait3A_379 = arith.constant 0 : i32
    %dma_wait3A_380 = tpu.memref_slice %arg8[%dma_wait3A_372, %dma_wait3A_379] : memref<8x80xi32, #tpu.memory_space<vmem>> -> memref<1x80xi32, #tpu.memory_space<vmem>>
    %dma_wait3A_381 = tpu.memref_squeeze %dma_wait3A_380 : memref<1x80xi32, #tpu.memory_space<vmem>> -> memref<80xi32, #tpu.memory_space<vmem>>
    %dma_wait3A_382 = arith.constant 0 : i32
    %dma_wait3A_383 = tpu.memref_slice %arg3[%dma_wait3A_371, %dma_wait3A_382] : memref<2x320000xi32, #tpu.memory_space<hbm>> -> memref<1x80xi32, #tpu.memory_space<hbm>>
    %dma_wait3A_384 = tpu.memref_squeeze %dma_wait3A_383 : memref<1x80xi32, #tpu.memory_space<hbm>> -> memref<80xi32, #tpu.memory_space<hbm>>
    tpu.wait_dma2 semaphore(%arg21 : memref<!tpu.dma_semaphore, #tpu.memory_space<semaphore_mem>>) src(%dma_wait3A_384 : memref<80xi32, #tpu.memory_space<hbm>>) dst(%dma_wait3A_381 : memref<80xi32, #tpu.memory_space<vmem>>)
    %dma_start3A_385 = arith.constant 0 : i32
    %dma_start3A_386 = arith.constant 0 : i32
    %dma_start3A_387 = arith.constant 0 : i32
    %dma_start3A_388 = tpu.memref_slice %arg9[%dma_start3A_386, %dma_start3A_387] : memref<80x128xf32, #tpu.memory_space<vmem>> -> memref<40x128xf32, #tpu.memory_space<vmem>>
    %dma_start3A_389 = arith.constant 0 : i32
    %dma_start3A_390 = tpu.memref_slice %arg7[%dma_start3A_385, %dma_start3A_389] : memref<8x80xi32, #tpu.memory_space<vmem>> -> memref<1x40xi32, #tpu.memory_space<vmem>>
    %dma_start3A_391 = tpu.memref_squeeze %dma_start3A_390 : memref<1x40xi32, #tpu.memory_space<vmem>> -> memref<40xi32, #tpu.memory_space<vmem>>
    %dma_start3A_392 = arith.constant 0 : i32
    %dma_start3A_393 = arith.constant 0 : i32
    %dma_start3A_394 = tpu.memref_slice %arg2[%dma_start3A_392, %dma_start3A_393] : memref<10000x128xf32, #tpu.memory_space<hbm>> -> memref<10000x128xf32, #tpu.memory_space<hbm>>
    tpu.enqueue_indirect_dma source(%dma_start3A_394 : memref<10000x128xf32, #tpu.memory_space<hbm>>) target(%dma_start3A_388 : memref<40x128xf32, #tpu.memory_space<vmem>>) offsets(%dma_start3A_391 : memref<40xi32, #tpu.memory_space<vmem>>) semaphore(%arg14 : memref<!tpu.dma_semaphore, #tpu.memory_space<semaphore_mem>>)
    %dma_start3A_395 = arith.constant 0 : i32
    %dma_start3A_396 = arith.constant 40 : i32
    %dma_start3A_397 = arith.constant 0 : i32
    %dma_start3A_398 = tpu.memref_slice %arg9[%dma_start3A_396, %dma_start3A_397] : memref<80x128xf32, #tpu.memory_space<vmem>> -> memref<40x128xf32, #tpu.memory_space<vmem>>
    %dma_start3A_399 = arith.constant 40 : i32
    %dma_start3A_400 = tpu.memref_slice %arg7[%dma_start3A_395, %dma_start3A_399] : memref<8x80xi32, #tpu.memory_space<vmem>> -> memref<1x40xi32, #tpu.memory_space<vmem>>
    %dma_start3A_401 = tpu.memref_squeeze %dma_start3A_400 : memref<1x40xi32, #tpu.memory_space<vmem>> -> memref<40xi32, #tpu.memory_space<vmem>>
    %dma_start3A_402 = arith.constant 0 : i32
    %dma_start3A_403 = arith.constant 0 : i32
    %dma_start3A_404 = tpu.memref_slice %arg2[%dma_start3A_402, %dma_start3A_403] : memref<10000x128xf32, #tpu.memory_space<hbm>> -> memref<10000x128xf32, #tpu.memory_space<hbm>>
    tpu.enqueue_indirect_dma source(%dma_start3A_404 : memref<10000x128xf32, #tpu.memory_space<hbm>>) target(%dma_start3A_398 : memref<40x128xf32, #tpu.memory_space<vmem>>) offsets(%dma_start3A_401 : memref<40xi32, #tpu.memory_space<vmem>>) semaphore(%arg14 : memref<!tpu.dma_semaphore, #tpu.memory_space<semaphore_mem>>)
    %dma_wait3A_405 = arith.constant 0 : i32
    %dma_wait3A_406 = arith.constant 1 : i32
    %dma_wait3A_407 = arith.constant 0 : i32
    %dma_wait3A_408 = tpu.memref_slice %arg7[%dma_wait3A_406, %dma_wait3A_407] : memref<8x80xi32, #tpu.memory_space<vmem>> -> memref<1x80xi32, #tpu.memory_space<vmem>>
    %dma_wait3A_409 = tpu.memref_squeeze %dma_wait3A_408 : memref<1x80xi32, #tpu.memory_space<vmem>> -> memref<80xi32, #tpu.memory_space<vmem>>
    %dma_wait3A_410 = arith.constant 0 : i32
    %dma_wait3A_411 = tpu.memref_slice %arg3[%dma_wait3A_405, %dma_wait3A_410] : memref<2x320000xi32, #tpu.memory_space<hbm>> -> memref<1x80xi32, #tpu.memory_space<hbm>>
    %dma_wait3A_412 = tpu.memref_squeeze %dma_wait3A_411 : memref<1x80xi32, #tpu.memory_space<hbm>> -> memref<80xi32, #tpu.memory_space<hbm>>
    %dma_wait3A_413 = arith.constant 0 : i32
    %dma_wait3A_414 = tpu.memref_slice %arg7[%dma_wait3A_406, %dma_wait3A_413] : memref<8x80xi32, #tpu.memory_space<vmem>> -> memref<1x80xi32, #tpu.memory_space<vmem>>
    %dma_wait3A_415 = tpu.memref_squeeze %dma_wait3A_414 : memref<1x80xi32, #tpu.memory_space<vmem>> -> memref<80xi32, #tpu.memory_space<vmem>>
    %dma_wait3A_416 = arith.constant 0 : i32
    %dma_wait3A_417 = tpu.memref_slice %arg3[%dma_wait3A_405, %dma_wait3A_416] : memref<2x320000xi32, #tpu.memory_space<hbm>> -> memref<1x80xi32, #tpu.memory_space<hbm>>
    %dma_wait3A_418 = tpu.memref_squeeze %dma_wait3A_417 : memref<1x80xi32, #tpu.memory_space<hbm>> -> memref<80xi32, #tpu.memory_space<hbm>>
    tpu.wait_dma2 semaphore(%arg20 : memref<!tpu.dma_semaphore, #tpu.memory_space<semaphore_mem>>) src(%dma_wait3A_418 : memref<80xi32, #tpu.memory_space<hbm>>) dst(%dma_wait3A_415 : memref<80xi32, #tpu.memory_space<vmem>>)
    %dma_wait3A_419 = arith.constant 1 : i32
    %dma_wait3A_420 = arith.constant 1 : i32
    %dma_wait3A_421 = arith.constant 0 : i32
    %dma_wait3A_422 = tpu.memref_slice %arg8[%dma_wait3A_420, %dma_wait3A_421] : memref<8x80xi32, #tpu.memory_space<vmem>> -> memref<1x80xi32, #tpu.memory_space<vmem>>
    %dma_wait3A_423 = tpu.memref_squeeze %dma_wait3A_422 : memref<1x80xi32, #tpu.memory_space<vmem>> -> memref<80xi32, #tpu.memory_space<vmem>>
    %dma_wait3A_424 = arith.constant 0 : i32
    %dma_wait3A_425 = tpu.memref_slice %arg3[%dma_wait3A_419, %dma_wait3A_424] : memref<2x320000xi32, #tpu.memory_space<hbm>> -> memref<1x80xi32, #tpu.memory_space<hbm>>
    %dma_wait3A_426 = tpu.memref_squeeze %dma_wait3A_425 : memref<1x80xi32, #tpu.memory_space<hbm>> -> memref<80xi32, #tpu.memory_space<hbm>>
    %dma_wait3A_427 = arith.constant 0 : i32
    %dma_wait3A_428 = tpu.memref_slice %arg8[%dma_wait3A_420, %dma_wait3A_427] : memref<8x80xi32, #tpu.memory_space<vmem>> -> memref<1x80xi32, #tpu.memory_space<vmem>>
    %dma_wait3A_429 = tpu.memref_squeeze %dma_wait3A_428 : memref<1x80xi32, #tpu.memory_space<vmem>> -> memref<80xi32, #tpu.memory_space<vmem>>
    %dma_wait3A_430 = arith.constant 0 : i32
    %dma_wait3A_431 = tpu.memref_slice %arg3[%dma_wait3A_419, %dma_wait3A_430] : memref<2x320000xi32, #tpu.memory_space<hbm>> -> memref<1x80xi32, #tpu.memory_space<hbm>>
    %dma_wait3A_432 = tpu.memref_squeeze %dma_wait3A_431 : memref<1x80xi32, #tpu.memory_space<hbm>> -> memref<80xi32, #tpu.memory_space<hbm>>
    tpu.wait_dma2 semaphore(%arg21 : memref<!tpu.dma_semaphore, #tpu.memory_space<semaphore_mem>>) src(%dma_wait3A_432 : memref<80xi32, #tpu.memory_space<hbm>>) dst(%dma_wait3A_429 : memref<80xi32, #tpu.memory_space<vmem>>)
    %dma_start3A_433 = arith.constant 1 : i32
    %dma_start3A_434 = arith.constant 0 : i32
    %dma_start3A_435 = arith.constant 0 : i32
    %dma_start3A_436 = tpu.memref_slice %arg10[%dma_start3A_434, %dma_start3A_435] : memref<80x128xf32, #tpu.memory_space<vmem>> -> memref<40x128xf32, #tpu.memory_space<vmem>>
    %dma_start3A_437 = arith.constant 0 : i32
    %dma_start3A_438 = tpu.memref_slice %arg7[%dma_start3A_433, %dma_start3A_437] : memref<8x80xi32, #tpu.memory_space<vmem>> -> memref<1x40xi32, #tpu.memory_space<vmem>>
    %dma_start3A_439 = tpu.memref_squeeze %dma_start3A_438 : memref<1x40xi32, #tpu.memory_space<vmem>> -> memref<40xi32, #tpu.memory_space<vmem>>
    %dma_start3A_440 = arith.constant 0 : i32
    %dma_start3A_441 = arith.constant 0 : i32
    %dma_start3A_442 = tpu.memref_slice %arg2[%dma_start3A_440, %dma_start3A_441] : memref<10000x128xf32, #tpu.memory_space<hbm>> -> memref<10000x128xf32, #tpu.memory_space<hbm>>
    tpu.enqueue_indirect_dma source(%dma_start3A_442 : memref<10000x128xf32, #tpu.memory_space<hbm>>) target(%dma_start3A_436 : memref<40x128xf32, #tpu.memory_space<vmem>>) offsets(%dma_start3A_439 : memref<40xi32, #tpu.memory_space<vmem>>) semaphore(%arg15 : memref<!tpu.dma_semaphore, #tpu.memory_space<semaphore_mem>>)
    %dma_start3A_443 = arith.constant 1 : i32
    %dma_start3A_444 = arith.constant 40 : i32
    %dma_start3A_445 = arith.constant 0 : i32
    %dma_start3A_446 = tpu.memref_slice %arg10[%dma_start3A_444, %dma_start3A_445] : memref<80x128xf32, #tpu.memory_space<vmem>> -> memref<40x128xf32, #tpu.memory_space<vmem>>
    %dma_start3A_447 = arith.constant 40 : i32
    %dma_start3A_448 = tpu.memref_slice %arg7[%dma_start3A_443, %dma_start3A_447] : memref<8x80xi32, #tpu.memory_space<vmem>> -> memref<1x40xi32, #tpu.memory_space<vmem>>
    %dma_start3A_449 = tpu.memref_squeeze %dma_start3A_448 : memref<1x40xi32, #tpu.memory_space<vmem>> -> memref<40xi32, #tpu.memory_space<vmem>>
    %dma_start3A_450 = arith.constant 0 : i32
    %dma_start3A_451 = arith.constant 0 : i32
    %dma_start3A_452 = tpu.memref_slice %arg2[%dma_start3A_450, %dma_start3A_451] : memref<10000x128xf32, #tpu.memory_space<hbm>> -> memref<10000x128xf32, #tpu.memory_space<hbm>>
    tpu.enqueue_indirect_dma source(%dma_start3A_452 : memref<10000x128xf32, #tpu.memory_space<hbm>>) target(%dma_start3A_446 : memref<40x128xf32, #tpu.memory_space<vmem>>) offsets(%dma_start3A_449 : memref<40xi32, #tpu.memory_space<vmem>>) semaphore(%arg15 : memref<!tpu.dma_semaphore, #tpu.memory_space<semaphore_mem>>)
    %dma_wait3A_453 = arith.constant 0 : i32
    %dma_wait3A_454 = arith.constant 2 : i32
    %dma_wait3A_455 = arith.constant 0 : i32
    %dma_wait3A_456 = tpu.memref_slice %arg7[%dma_wait3A_454, %dma_wait3A_455] : memref<8x80xi32, #tpu.memory_space<vmem>> -> memref<1x80xi32, #tpu.memory_space<vmem>>
    %dma_wait3A_457 = tpu.memref_squeeze %dma_wait3A_456 : memref<1x80xi32, #tpu.memory_space<vmem>> -> memref<80xi32, #tpu.memory_space<vmem>>
    %dma_wait3A_458 = arith.constant 0 : i32
    %dma_wait3A_459 = tpu.memref_slice %arg3[%dma_wait3A_453, %dma_wait3A_458] : memref<2x320000xi32, #tpu.memory_space<hbm>> -> memref<1x80xi32, #tpu.memory_space<hbm>>
    %dma_wait3A_460 = tpu.memref_squeeze %dma_wait3A_459 : memref<1x80xi32, #tpu.memory_space<hbm>> -> memref<80xi32, #tpu.memory_space<hbm>>
    %dma_wait3A_461 = arith.constant 0 : i32
    %dma_wait3A_462 = tpu.memref_slice %arg7[%dma_wait3A_454, %dma_wait3A_461] : memref<8x80xi32, #tpu.memory_space<vmem>> -> memref<1x80xi32, #tpu.memory_space<vmem>>
    %dma_wait3A_463 = tpu.memref_squeeze %dma_wait3A_462 : memref<1x80xi32, #tpu.memory_space<vmem>> -> memref<80xi32, #tpu.memory_space<vmem>>
    %dma_wait3A_464 = arith.constant 0 : i32
    %dma_wait3A_465 = tpu.memref_slice %arg3[%dma_wait3A_453, %dma_wait3A_464] : memref<2x320000xi32, #tpu.memory_space<hbm>> -> memref<1x80xi32, #tpu.memory_space<hbm>>
    %dma_wait3A_466 = tpu.memref_squeeze %dma_wait3A_465 : memref<1x80xi32, #tpu.memory_space<hbm>> -> memref<80xi32, #tpu.memory_space<hbm>>
    tpu.wait_dma2 semaphore(%arg20 : memref<!tpu.dma_semaphore, #tpu.memory_space<semaphore_mem>>) src(%dma_wait3A_466 : memref<80xi32, #tpu.memory_space<hbm>>) dst(%dma_wait3A_463 : memref<80xi32, #tpu.memory_space<vmem>>)
    %dma_wait3A_467 = arith.constant 1 : i32
    %dma_wait3A_468 = arith.constant 2 : i32
    %dma_wait3A_469 = arith.constant 0 : i32
    %dma_wait3A_470 = tpu.memref_slice %arg8[%dma_wait3A_468, %dma_wait3A_469] : memref<8x80xi32, #tpu.memory_space<vmem>> -> memref<1x80xi32, #tpu.memory_space<vmem>>
    %dma_wait3A_471 = tpu.memref_squeeze %dma_wait3A_470 : memref<1x80xi32, #tpu.memory_space<vmem>> -> memref<80xi32, #tpu.memory_space<vmem>>
    %dma_wait3A_472 = arith.constant 0 : i32
    %dma_wait3A_473 = tpu.memref_slice %arg3[%dma_wait3A_467, %dma_wait3A_472] : memref<2x320000xi32, #tpu.memory_space<hbm>> -> memref<1x80xi32, #tpu.memory_space<hbm>>
    %dma_wait3A_474 = tpu.memref_squeeze %dma_wait3A_473 : memref<1x80xi32, #tpu.memory_space<hbm>> -> memref<80xi32, #tpu.memory_space<hbm>>
    %dma_wait3A_475 = arith.constant 0 : i32
    %dma_wait3A_476 = tpu.memref_slice %arg8[%dma_wait3A_468, %dma_wait3A_475] : memref<8x80xi32, #tpu.memory_space<vmem>> -> memref<1x80xi32, #tpu.memory_space<vmem>>
    %dma_wait3A_477 = tpu.memref_squeeze %dma_wait3A_476 : memref<1x80xi32, #tpu.memory_space<vmem>> -> memref<80xi32, #tpu.memory_space<vmem>>
    %dma_wait3A_478 = arith.constant 0 : i32
    %dma_wait3A_479 = tpu.memref_slice %arg3[%dma_wait3A_467, %dma_wait3A_478] : memref<2x320000xi32, #tpu.memory_space<hbm>> -> memref<1x80xi32, #tpu.memory_space<hbm>>
    %dma_wait3A_480 = tpu.memref_squeeze %dma_wait3A_479 : memref<1x80xi32, #tpu.memory_space<hbm>> -> memref<80xi32, #tpu.memory_space<hbm>>
    tpu.wait_dma2 semaphore(%arg21 : memref<!tpu.dma_semaphore, #tpu.memory_space<semaphore_mem>>) src(%dma_wait3A_480 : memref<80xi32, #tpu.memory_space<hbm>>) dst(%dma_wait3A_477 : memref<80xi32, #tpu.memory_space<vmem>>)
    %dma_start3A_481 = arith.constant 2 : i32
    %dma_start3A_482 = arith.constant 0 : i32
    %dma_start3A_483 = arith.constant 0 : i32
    %dma_start3A_484 = tpu.memref_slice %arg11[%dma_start3A_482, %dma_start3A_483] : memref<80x128xf32, #tpu.memory_space<vmem>> -> memref<40x128xf32, #tpu.memory_space<vmem>>
    %dma_start3A_485 = arith.constant 0 : i32
    %dma_start3A_486 = tpu.memref_slice %arg7[%dma_start3A_481, %dma_start3A_485] : memref<8x80xi32, #tpu.memory_space<vmem>> -> memref<1x40xi32, #tpu.memory_space<vmem>>
    %dma_start3A_487 = tpu.memref_squeeze %dma_start3A_486 : memref<1x40xi32, #tpu.memory_space<vmem>> -> memref<40xi32, #tpu.memory_space<vmem>>
    %dma_start3A_488 = arith.constant 0 : i32
    %dma_start3A_489 = arith.constant 0 : i32
    %dma_start3A_490 = tpu.memref_slice %arg2[%dma_start3A_488, %dma_start3A_489] : memref<10000x128xf32, #tpu.memory_space<hbm>> -> memref<10000x128xf32, #tpu.memory_space<hbm>>
    tpu.enqueue_indirect_dma source(%dma_start3A_490 : memref<10000x128xf32, #tpu.memory_space<hbm>>) target(%dma_start3A_484 : memref<40x128xf32, #tpu.memory_space<vmem>>) offsets(%dma_start3A_487 : memref<40xi32, #tpu.memory_space<vmem>>) semaphore(%arg16 : memref<!tpu.dma_semaphore, #tpu.memory_space<semaphore_mem>>)
    %dma_start3A_491 = arith.constant 2 : i32
    %dma_start3A_492 = arith.constant 40 : i32
    %dma_start3A_493 = arith.constant 0 : i32
    %dma_start3A_494 = tpu.memref_slice %arg11[%dma_start3A_492, %dma_start3A_493] : memref<80x128xf32, #tpu.memory_space<vmem>> -> memref<40x128xf32, #tpu.memory_space<vmem>>
    %dma_start3A_495 = arith.constant 40 : i32
    %dma_start3A_496 = tpu.memref_slice %arg7[%dma_start3A_491, %dma_start3A_495] : memref<8x80xi32, #tpu.memory_space<vmem>> -> memref<1x40xi32, #tpu.memory_space<vmem>>
    %dma_start3A_497 = tpu.memref_squeeze %dma_start3A_496 : memref<1x40xi32, #tpu.memory_space<vmem>> -> memref<40xi32, #tpu.memory_space<vmem>>
    %dma_start3A_498 = arith.constant 0 : i32
    %dma_start3A_499 = arith.constant 0 : i32
    %dma_start3A_500 = tpu.memref_slice %arg2[%dma_start3A_498, %dma_start3A_499] : memref<10000x128xf32, #tpu.memory_space<hbm>> -> memref<10000x128xf32, #tpu.memory_space<hbm>>
    tpu.enqueue_indirect_dma source(%dma_start3A_500 : memref<10000x128xf32, #tpu.memory_space<hbm>>) target(%dma_start3A_494 : memref<40x128xf32, #tpu.memory_space<vmem>>) offsets(%dma_start3A_497 : memref<40xi32, #tpu.memory_space<vmem>>) semaphore(%arg16 : memref<!tpu.dma_semaphore, #tpu.memory_space<semaphore_mem>>)
    %dma_wait3A_501 = arith.constant 0 : i32
    %dma_wait3A_502 = arith.constant 0 : i32
    %dma_wait3A_503 = arith.constant 0 : i32
    %dma_wait3A_504 = tpu.memref_slice %arg9[%dma_wait3A_502, %dma_wait3A_503] : memref<80x128xf32, #tpu.memory_space<vmem>> -> memref<40x128xf32, #tpu.memory_space<vmem>>
    %dma_wait3A_505 = arith.constant 0 : i32
    %dma_wait3A_506 = tpu.memref_slice %arg7[%dma_wait3A_501, %dma_wait3A_505] : memref<8x80xi32, #tpu.memory_space<vmem>> -> memref<1x40xi32, #tpu.memory_space<vmem>>
    %dma_wait3A_507 = tpu.memref_squeeze %dma_wait3A_506 : memref<1x40xi32, #tpu.memory_space<vmem>> -> memref<40xi32, #tpu.memory_space<vmem>>
    %dma_wait3A_508 = arith.constant 0 : i32
    %dma_wait3A_509 = arith.constant 0 : i32
    %dma_wait3A_510 = tpu.memref_slice %arg2[%dma_wait3A_508, %dma_wait3A_509] : memref<10000x128xf32, #tpu.memory_space<hbm>> -> memref<10000x128xf32, #tpu.memory_space<hbm>>
    tpu.wait_indirect_dma semaphore(%arg14 : memref<!tpu.dma_semaphore, #tpu.memory_space<semaphore_mem>>) src(%dma_wait3A_510 : memref<10000x128xf32, #tpu.memory_space<hbm>>) dst(%dma_wait3A_504 : memref<40x128xf32, #tpu.memory_space<vmem>>)
    %dma_wait3A_511 = arith.constant 0 : i32
    %dma_wait3A_512 = arith.constant 40 : i32
    %dma_wait3A_513 = arith.constant 0 : i32
    %dma_wait3A_514 = tpu.memref_slice %arg9[%dma_wait3A_512, %dma_wait3A_513] : memref<80x128xf32, #tpu.memory_space<vmem>> -> memref<40x128xf32, #tpu.memory_space<vmem>>
    %dma_wait3A_515 = arith.constant 40 : i32
    %dma_wait3A_516 = tpu.memref_slice %arg7[%dma_wait3A_511, %dma_wait3A_515] : memref<8x80xi32, #tpu.memory_space<vmem>> -> memref<1x40xi32, #tpu.memory_space<vmem>>
    %dma_wait3A_517 = tpu.memref_squeeze %dma_wait3A_516 : memref<1x40xi32, #tpu.memory_space<vmem>> -> memref<40xi32, #tpu.memory_space<vmem>>
    %dma_wait3A_518 = arith.constant 0 : i32
    %dma_wait3A_519 = arith.constant 0 : i32
    %dma_wait3A_520 = tpu.memref_slice %arg2[%dma_wait3A_518, %dma_wait3A_519] : memref<10000x128xf32, #tpu.memory_space<hbm>> -> memref<10000x128xf32, #tpu.memory_space<hbm>>
    tpu.wait_indirect_dma semaphore(%arg14 : memref<!tpu.dma_semaphore, #tpu.memory_space<semaphore_mem>>) src(%dma_wait3A_520 : memref<10000x128xf32, #tpu.memory_space<hbm>>) dst(%dma_wait3A_514 : memref<40x128xf32, #tpu.memory_space<vmem>>)
    %get3A = arith.constant 0 : i32
    %get3A_521 = arith.index_cast %get3A : i32 to index
    %get3A_522 = arith.constant 0 : index
    %get3A_523 = tpu.vector_load %arg8[%get3A_521, %get3A_522] {strides = array<i32>} : memref<8x80xi32, #tpu.memory_space<vmem>>, vector<16xi32>,
    tpu.vector_store_idx %arg13[%get3A_523], %broadcast_in_dim3A_178 {add = true} : memref<10240xf32, #tpu.memory_space<vmem>>[vector<16xi32>], vector<16xf32>,
    %get3A_524 = arith.constant 0 : i32
    %get3A_525 = arith.index_cast %get3A_524 : i32 to index
    %get3A_526 = arith.constant 16 : index
    %get3A_527 = tpu.vector_load %arg8[%get3A_525, %get3A_526] {strides = array<i32>} : memref<8x80xi32, #tpu.memory_space<vmem>>, vector<16xi32>,
    tpu.vector_store_idx %arg13[%get3A_527], %broadcast_in_dim3A_178 {add = true} : memref<10240xf32, #tpu.memory_space<vmem>>[vector<16xi32>], vector<16xf32>,
    %get3A_528 = arith.constant 0 : i32
    %get3A_529 = arith.index_cast %get3A_528 : i32 to index
    %get3A_530 = arith.constant 32 : index
    %get3A_531 = tpu.vector_load %arg8[%get3A_529, %get3A_530] {strides = array<i32>} : memref<8x80xi32, #tpu.memory_space<vmem>>, vector<16xi32>,
    tpu.vector_store_idx %arg13[%get3A_531], %broadcast_in_dim3A_178 {add = true} : memref<10240xf32, #tpu.memory_space<vmem>>[vector<16xi32>], vector<16xf32>,
    %get3A_532 = arith.constant 0 : i32
    %get3A_533 = arith.index_cast %get3A_532 : i32 to index
    %get3A_534 = arith.constant 48 : index
    %get3A_535 = tpu.vector_load %arg8[%get3A_533, %get3A_534] {strides = array<i32>} : memref<8x80xi32, #tpu.memory_space<vmem>>, vector<16xi32>,
    tpu.vector_store_idx %arg13[%get3A_535], %broadcast_in_dim3A_178 {add = true} : memref<10240xf32, #tpu.memory_space<vmem>>[vector<16xi32>], vector<16xf32>,
    %get3A_536 = arith.constant 0 : i32
    %get3A_537 = arith.index_cast %get3A_536 : i32 to index
    %get3A_538 = arith.constant 64 : index
    %get3A_539 = tpu.vector_load %arg8[%get3A_537, %get3A_538] {strides = array<i32>} : memref<8x80xi32, #tpu.memory_space<vmem>>, vector<16xi32>,
    tpu.vector_store_idx %arg13[%get3A_539], %broadcast_in_dim3A_178 {add = true} : memref<10240xf32, #tpu.memory_space<vmem>>[vector<16xi32>], vector<16xf32>,
    %dma_start3A_540 = arith.constant 0 : i32
    %dma_start3A_541 = arith.constant 0 : i32
    %dma_start3A_542 = tpu.memref_slice %arg8[%dma_start3A_540, %dma_start3A_541] : memref<8x80xi32, #tpu.memory_space<vmem>> -> memref<1x80xi32, #tpu.memory_space<vmem>>
    %dma_start3A_543 = tpu.memref_squeeze %dma_start3A_542 : memref<1x80xi32, #tpu.memory_space<vmem>> -> memref<80xi32, #tpu.memory_space<vmem>>
    %dma_start3A_544 = arith.constant 0 : i32
    %dma_start3A_545 = arith.constant 0 : i32
    %dma_start3A_546 = tpu.memref_slice %arg6[%dma_start3A_544, %dma_start3A_545] : memref<10240x128xf32, #tpu.memory_space<vmem_shared>> -> memref<10240x128xf32, #tpu.memory_space<vmem_shared>>
    tpu.enqueue_indirect_dma source(%arg9 : memref<80x128xf32, #tpu.memory_space<vmem>>) target(%dma_start3A_546 : memref<10240x128xf32, #tpu.memory_space<vmem_shared>>) offsets(%dma_start3A_543 : memref<80xi32, #tpu.memory_space<vmem>>) semaphore(%arg17 : memref<!tpu.dma_semaphore, #tpu.memory_space<semaphore_mem>>) {add = true}
    %min3A_547 = arith.constant 6 : i32
    %min3A_548 = arith.constant 124 : i32
    %min3A_549 = arith.minsi %min3A_547, %min3A_548 : i32
    %mul3A_550 = arith.constant 80 : i32
    %mul3A_551 = arith.muli %min3A_549, %mul3A_550 : i32
    %add3A_552 = arith.addi %mul3A_180, %mul3A_551 : i32
    %and3A_553 = arith.constant 7 : i32
    %and3A_554 = arith.andi %min3A_549, %and3A_553 : i32
    %dma_start3A_555 = arith.constant 0 : i32
    %dma_start3A_556 = arith.constant 0 : i32
    %dma_start3A_557 = tpu.memref_slice %arg7[%and3A_554, %dma_start3A_556] : memref<8x80xi32, #tpu.memory_space<vmem>> -> memref<1x80xi32, #tpu.memory_space<vmem>>
    %dma_start3A_558 = tpu.memref_squeeze %dma_start3A_557 : memref<1x80xi32, #tpu.memory_space<vmem>> -> memref<80xi32, #tpu.memory_space<vmem>>
    %dma_start3A_559 = tpu.memref_slice %arg3[%dma_start3A_555, %add3A_552] : memref<2x320000xi32, #tpu.memory_space<hbm>> -> memref<1x80xi32, #tpu.memory_space<hbm>>
    %dma_start3A_560 = tpu.memref_squeeze %dma_start3A_559 : memref<1x80xi32, #tpu.memory_space<hbm>> -> memref<80xi32, #tpu.memory_space<hbm>>
    %dma_start3A_561 = arith.constant 0 : i32
    %dma_start3A_562 = tpu.memref_slice %arg7[%and3A_554, %dma_start3A_561] : memref<8x80xi32, #tpu.memory_space<vmem>> -> memref<1x80xi32, #tpu.memory_space<vmem>>
    %dma_start3A_563 = tpu.memref_squeeze %dma_start3A_562 : memref<1x80xi32, #tpu.memory_space<vmem>> -> memref<80xi32, #tpu.memory_space<vmem>>
    %dma_start3A_564 = tpu.memref_slice %arg3[%dma_start3A_555, %add3A_552] : memref<2x320000xi32, #tpu.memory_space<hbm>> -> memref<1x80xi32, #tpu.memory_space<hbm>>
    %dma_start3A_565 = tpu.memref_squeeze %dma_start3A_564 : memref<1x80xi32, #tpu.memory_space<hbm>> -> memref<80xi32, #tpu.memory_space<hbm>>
    tpu.enqueue_dma source(%dma_start3A_565 : memref<80xi32, #tpu.memory_space<hbm>>) target(%dma_start3A_563 : memref<80xi32, #tpu.memory_space<vmem>>) target_semaphore(%arg20 : memref<!tpu.dma_semaphore, #tpu.memory_space<semaphore_mem>>)
    %dma_start3A_566 = arith.constant 1 : i32
    %dma_start3A_567 = arith.constant 0 : i32
    %dma_start3A_568 = tpu.memref_slice %arg8[%and3A_554, %dma_start3A_567] : memref<8x80xi32, #tpu.memory_space<vmem>> -> memref<1x80xi32, #tpu.memory_space<vmem>>
    %dma_start3A_569 = tpu.memref_squeeze %dma_start3A_568 : memref<1x80xi32, #tpu.memory_space<vmem>> -> memref<80xi32, #tpu.memory_space<vmem>>
    %dma_start3A_570 = tpu.memref_slice %arg3[%dma_start3A_566, %add3A_552] : memref<2x320000xi32, #tpu.memory_space<hbm>> -> memref<1x80xi32, #tpu.memory_space<hbm>>
    %dma_start3A_571 = tpu.memref_squeeze %dma_start3A_570 : memref<1x80xi32, #tpu.memory_space<hbm>> -> memref<80xi32, #tpu.memory_space<hbm>>
    %dma_start3A_572 = arith.constant 0 : i32
    %dma_start3A_573 = tpu.memref_slice %arg8[%and3A_554, %dma_start3A_572] : memref<8x80xi32, #tpu.memory_space<vmem>> -> memref<1x80xi32, #tpu.memory_space<vmem>>
    %dma_start3A_574 = tpu.memref_squeeze %dma_start3A_573 : memref<1x80xi32, #tpu.memory_space<vmem>> -> memref<80xi32, #tpu.memory_space<vmem>>
    %dma_start3A_575 = tpu.memref_slice %arg3[%dma_start3A_566, %add3A_552] : memref<2x320000xi32, #tpu.memory_space<hbm>> -> memref<1x80xi32, #tpu.memory_space<hbm>>
    %dma_start3A_576 = tpu.memref_squeeze %dma_start3A_575 : memref<1x80xi32, #tpu.memory_space<hbm>> -> memref<80xi32, #tpu.memory_space<hbm>>
    tpu.enqueue_dma source(%dma_start3A_576 : memref<80xi32, #tpu.memory_space<hbm>>) target(%dma_start3A_574 : memref<80xi32, #tpu.memory_space<vmem>>) target_semaphore(%arg21 : memref<!tpu.dma_semaphore, #tpu.memory_space<semaphore_mem>>)
    %dma_wait3A_577 = arith.constant 0 : i32
    %dma_wait3A_578 = arith.constant 3 : i32
    %dma_wait3A_579 = arith.constant 0 : i32
    %dma_wait3A_580 = tpu.memref_slice %arg7[%dma_wait3A_578, %dma_wait3A_579] : memref<8x80xi32, #tpu.memory_space<vmem>> -> memref<1x80xi32, #tpu.memory_space<vmem>>
    %dma_wait3A_581 = tpu.memref_squeeze %dma_wait3A_580 : memref<1x80xi32, #tpu.memory_space<vmem>> -> memref<80xi32, #tpu.memory_space<vmem>>
    %dma_wait3A_582 = arith.constant 0 : i32
    %dma_wait3A_583 = tpu.memref_slice %arg3[%dma_wait3A_577, %dma_wait3A_582] : memref<2x320000xi32, #tpu.memory_space<hbm>> -> memref<1x80xi32, #tpu.memory_space<hbm>>
    %dma_wait3A_584 = tpu.memref_squeeze %dma_wait3A_583 : memref<1x80xi32, #tpu.memory_space<hbm>> -> memref<80xi32, #tpu.memory_space<hbm>>
    %dma_wait3A_585 = arith.constant 0 : i32
    %dma_wait3A_586 = tpu.memref_slice %arg7[%dma_wait3A_578, %dma_wait3A_585] : memref<8x80xi32, #tpu.memory_space<vmem>> -> memref<1x80xi32, #tpu.memory_space<vmem>>
    %dma_wait3A_587 = tpu.memref_squeeze %dma_wait3A_586 : memref<1x80xi32, #tpu.memory_space<vmem>> -> memref<80xi32, #tpu.memory_space<vmem>>
    %dma_wait3A_588 = arith.constant 0 : i32
    %dma_wait3A_589 = tpu.memref_slice %arg3[%dma_wait3A_577, %dma_wait3A_588] : memref<2x320000xi32, #tpu.memory_space<hbm>> -> memref<1x80xi32, #tpu.memory_space<hbm>>
    %dma_wait3A_590 = tpu.memref_squeeze %dma_wait3A_589 : memref<1x80xi32, #tpu.memory_space<hbm>> -> memref<80xi32, #tpu.memory_space<hbm>>
    tpu.wait_dma2 semaphore(%arg20 : memref<!tpu.dma_semaphore, #tpu.memory_space<semaphore_mem>>) src(%dma_wait3A_590 : memref<80xi32, #tpu.memory_space<hbm>>) dst(%dma_wait3A_587 : memref<80xi32, #tpu.memory_space<vmem>>)
    %dma_wait3A_591 = arith.constant 1 : i32
    %dma_wait3A_592 = arith.constant 3 : i32
    %dma_wait3A_593 = arith.constant 0 : i32
    %dma_wait3A_594 = tpu.memref_slice %arg8[%dma_wait3A_592, %dma_wait3A_593] : memref<8x80xi32, #tpu.memory_space<vmem>> -> memref<1x80xi32, #tpu.memory_space<vmem>>
    %dma_wait3A_595 = tpu.memref_squeeze %dma_wait3A_594 : memref<1x80xi32, #tpu.memory_space<vmem>> -> memref<80xi32, #tpu.memory_space<vmem>>
    %dma_wait3A_596 = arith.constant 0 : i32
    %dma_wait3A_597 = tpu.memref_slice %arg3[%dma_wait3A_591, %dma_wait3A_596] : memref<2x320000xi32, #tpu.memory_space<hbm>> -> memref<1x80xi32, #tpu.memory_space<hbm>>
    %dma_wait3A_598 = tpu.memref_squeeze %dma_wait3A_597 : memref<1x80xi32, #tpu.memory_space<hbm>> -> memref<80xi32, #tpu.memory_space<hbm>>
    %dma_wait3A_599 = arith.constant 0 : i32
    %dma_wait3A_600 = tpu.memref_slice %arg8[%dma_wait3A_592, %dma_wait3A_599] : memref<8x80xi32, #tpu.memory_space<vmem>> -> memref<1x80xi32, #tpu.memory_space<vmem>>
    %dma_wait3A_601 = tpu.memref_squeeze %dma_wait3A_600 : memref<1x80xi32, #tpu.memory_space<vmem>> -> memref<80xi32, #tpu.memory_space<vmem>>
    %dma_wait3A_602 = arith.constant 0 : i32
    %dma_wait3A_603 = tpu.memref_slice %arg3[%dma_wait3A_591, %dma_wait3A_602] : memref<2x320000xi32, #tpu.memory_space<hbm>> -> memref<1x80xi32, #tpu.memory_space<hbm>>
    %dma_wait3A_604 = tpu.memref_squeeze %dma_wait3A_603 : memref<1x80xi32, #tpu.memory_space<hbm>> -> memref<80xi32, #tpu.memory_space<hbm>>
    tpu.wait_dma2 semaphore(%arg21 : memref<!tpu.dma_semaphore, #tpu.memory_space<semaphore_mem>>) src(%dma_wait3A_604 : memref<80xi32, #tpu.memory_space<hbm>>) dst(%dma_wait3A_601 : memref<80xi32, #tpu.memory_space<vmem>>)
    %dma_wait3A_605 = arith.constant 0 : i32
    %dma_wait3A_606 = arith.constant 0 : i32
    %dma_wait3A_607 = tpu.memref_slice %arg8[%dma_wait3A_605, %dma_wait3A_606] : memref<8x80xi32, #tpu.memory_space<vmem>> -> memref<1x80xi32, #tpu.memory_space<vmem>>
    %dma_wait3A_608 = tpu.memref_squeeze %dma_wait3A_607 : memref<1x80xi32, #tpu.memory_space<vmem>> -> memref<80xi32, #tpu.memory_space<vmem>>
    %dma_wait3A_609 = arith.constant 0 : i32
    %dma_wait3A_610 = arith.constant 0 : i32
    %dma_wait3A_611 = tpu.memref_slice %arg6[%dma_wait3A_609, %dma_wait3A_610] : memref<10240x128xf32, #tpu.memory_space<vmem_shared>> -> memref<10240x128xf32, #tpu.memory_space<vmem_shared>>
    tpu.wait_indirect_dma semaphore(%arg17 : memref<!tpu.dma_semaphore, #tpu.memory_space<semaphore_mem>>) src(%arg9 : memref<80x128xf32, #tpu.memory_space<vmem>>) dst(%dma_wait3A_611 : memref<10240x128xf32, #tpu.memory_space<vmem_shared>>)
    %dma_start3A_612 = arith.constant 3 : i32
    %dma_start3A_613 = arith.constant 0 : i32
    %dma_start3A_614 = arith.constant 0 : i32
    %dma_start3A_615 = tpu.memref_slice %arg9[%dma_start3A_613, %dma_start3A_614] : memref<80x128xf32, #tpu.memory_space<vmem>> -> memref<40x128xf32, #tpu.memory_space<vmem>>
    %dma_start3A_616 = arith.constant 0 : i32
    %dma_start3A_617 = tpu.memref_slice %arg7[%dma_start3A_612, %dma_start3A_616] : memref<8x80xi32, #tpu.memory_space<vmem>> -> memref<1x40xi32, #tpu.memory_space<vmem>>
    %dma_start3A_618 = tpu.memref_squeeze %dma_start3A_617 : memref<1x40xi32, #tpu.memory_space<vmem>> -> memref<40xi32, #tpu.memory_space<vmem>>
    %dma_start3A_619 = arith.constant 0 : i32
    %dma_start3A_620 = arith.constant 0 : i32
    %dma_start3A_621 = tpu.memref_slice %arg2[%dma_start3A_619, %dma_start3A_620] : memref<10000x128xf32, #tpu.memory_space<hbm>> -> memref<10000x128xf32, #tpu.memory_space<hbm>>
    tpu.enqueue_indirect_dma source(%dma_start3A_621 : memref<10000x128xf32, #tpu.memory_space<hbm>>) target(%dma_start3A_615 : memref<40x128xf32, #tpu.memory_space<vmem>>) offsets(%dma_start3A_618 : memref<40xi32, #tpu.memory_space<vmem>>) semaphore(%arg14 : memref<!tpu.dma_semaphore, #tpu.memory_space<semaphore_mem>>)
    %dma_start3A_622 = arith.constant 3 : i32
    %dma_start3A_623 = arith.constant 40 : i32
    %dma_start3A_624 = arith.constant 0 : i32
    %dma_start3A_625 = tpu.memref_slice %arg9[%dma_start3A_623, %dma_start3A_624] : memref<80x128xf32, #tpu.memory_space<vmem>> -> memref<40x128xf32, #tpu.memory_space<vmem>>
    %dma_start3A_626 = arith.constant 40 : i32
    %dma_start3A_627 = tpu.memref_slice %arg7[%dma_start3A_622, %dma_start3A_626] : memref<8x80xi32, #tpu.memory_space<vmem>> -> memref<1x40xi32, #tpu.memory_space<vmem>>
    %dma_start3A_628 = tpu.memref_squeeze %dma_start3A_627 : memref<1x40xi32, #tpu.memory_space<vmem>> -> memref<40xi32, #tpu.memory_space<vmem>>
    %dma_start3A_629 = arith.constant 0 : i32
    %dma_start3A_630 = arith.constant 0 : i32
    %dma_start3A_631 = tpu.memref_slice %arg2[%dma_start3A_629, %dma_start3A_630] : memref<10000x128xf32, #tpu.memory_space<hbm>> -> memref<10000x128xf32, #tpu.memory_space<hbm>>
    tpu.enqueue_indirect_dma source(%dma_start3A_631 : memref<10000x128xf32, #tpu.memory_space<hbm>>) target(%dma_start3A_625 : memref<40x128xf32, #tpu.memory_space<vmem>>) offsets(%dma_start3A_628 : memref<40xi32, #tpu.memory_space<vmem>>) semaphore(%arg14 : memref<!tpu.dma_semaphore, #tpu.memory_space<semaphore_mem>>)
    %dma_wait3A_632 = arith.constant 1 : i32
    %dma_wait3A_633 = arith.constant 0 : i32
    %dma_wait3A_634 = arith.constant 0 : i32
    %dma_wait3A_635 = tpu.memref_slice %arg10[%dma_wait3A_633, %dma_wait3A_634] : memref<80x128xf32, #tpu.memory_space<vmem>> -> memref<40x128xf32, #tpu.memory_space<vmem>>
    %dma_wait3A_636 = arith.constant 0 : i32
    %dma_wait3A_637 = tpu.memref_slice %arg7[%dma_wait3A_632, %dma_wait3A_636] : memref<8x80xi32, #tpu.memory_space<vmem>> -> memref<1x40xi32, #tpu.memory_space<vmem>>
    %dma_wait3A_638 = tpu.memref_squeeze %dma_wait3A_637 : memref<1x40xi32, #tpu.memory_space<vmem>> -> memref<40xi32, #tpu.memory_space<vmem>>
    %dma_wait3A_639 = arith.constant 0 : i32
    %dma_wait3A_640 = arith.constant 0 : i32
    %dma_wait3A_641 = tpu.memref_slice %arg2[%dma_wait3A_639, %dma_wait3A_640] : memref<10000x128xf32, #tpu.memory_space<hbm>> -> memref<10000x128xf32, #tpu.memory_space<hbm>>
    tpu.wait_indirect_dma semaphore(%arg15 : memref<!tpu.dma_semaphore, #tpu.memory_space<semaphore_mem>>) src(%dma_wait3A_641 : memref<10000x128xf32, #tpu.memory_space<hbm>>) dst(%dma_wait3A_635 : memref<40x128xf32, #tpu.memory_space<vmem>>)
    %dma_wait3A_642 = arith.constant 1 : i32
    %dma_wait3A_643 = arith.constant 40 : i32
    %dma_wait3A_644 = arith.constant 0 : i32
    %dma_wait3A_645 = tpu.memref_slice %arg10[%dma_wait3A_643, %dma_wait3A_644] : memref<80x128xf32, #tpu.memory_space<vmem>> -> memref<40x128xf32, #tpu.memory_space<vmem>>
    %dma_wait3A_646 = arith.constant 40 : i32
    %dma_wait3A_647 = tpu.memref_slice %arg7[%dma_wait3A_642, %dma_wait3A_646] : memref<8x80xi32, #tpu.memory_space<vmem>> -> memref<1x40xi32, #tpu.memory_space<vmem>>
    %dma_wait3A_648 = tpu.memref_squeeze %dma_wait3A_647 : memref<1x40xi32, #tpu.memory_space<vmem>> -> memref<40xi32, #tpu.memory_space<vmem>>
    %dma_wait3A_649 = arith.constant 0 : i32
    %dma_wait3A_650 = arith.constant 0 : i32
    %dma_wait3A_651 = tpu.memref_slice %arg2[%dma_wait3A_649, %dma_wait3A_650] : memref<10000x128xf32, #tpu.memory_space<hbm>> -> memref<10000x128xf32, #tpu.memory_space<hbm>>
    tpu.wait_indirect_dma semaphore(%arg15 : memref<!tpu.dma_semaphore, #tpu.memory_space<semaphore_mem>>) src(%dma_wait3A_651 : memref<10000x128xf32, #tpu.memory_space<hbm>>) dst(%dma_wait3A_645 : memref<40x128xf32, #tpu.memory_space<vmem>>)
    %get3A_652 = arith.constant 1 : i32
    %get3A_653 = arith.index_cast %get3A_652 : i32 to index
    %get3A_654 = arith.constant 0 : index
    %get3A_655 = tpu.vector_load %arg8[%get3A_653, %get3A_654] {strides = array<i32>} : memref<8x80xi32, #tpu.memory_space<vmem>>, vector<16xi32>,
    tpu.vector_store_idx %arg13[%get3A_655], %broadcast_in_dim3A_178 {add = true} : memref<10240xf32, #tpu.memory_space<vmem>>[vector<16xi32>], vector<16xf32>,
    %get3A_656 = arith.constant 1 : i32
    %get3A_657 = arith.index_cast %get3A_656 : i32 to index
    %get3A_658 = arith.constant 16 : index
    %get3A_659 = tpu.vector_load %arg8[%get3A_657, %get3A_658] {strides = array<i32>} : memref<8x80xi32, #tpu.memory_space<vmem>>, vector<16xi32>,
    tpu.vector_store_idx %arg13[%get3A_659], %broadcast_in_dim3A_178 {add = true} : memref<10240xf32, #tpu.memory_space<vmem>>[vector<16xi32>], vector<16xf32>,
    %get3A_660 = arith.constant 1 : i32
    %get3A_661 = arith.index_cast %get3A_660 : i32 to index
    %get3A_662 = arith.constant 32 : index
    %get3A_663 = tpu.vector_load %arg8[%get3A_661, %get3A_662] {strides = array<i32>} : memref<8x80xi32, #tpu.memory_space<vmem>>, vector<16xi32>,
    tpu.vector_store_idx %arg13[%get3A_663], %broadcast_in_dim3A_178 {add = true} : memref<10240xf32, #tpu.memory_space<vmem>>[vector<16xi32>], vector<16xf32>,
    %get3A_664 = arith.constant 1 : i32
    %get3A_665 = arith.index_cast %get3A_664 : i32 to index
    %get3A_666 = arith.constant 48 : index
    %get3A_667 = tpu.vector_load %arg8[%get3A_665, %get3A_666] {strides = array<i32>} : memref<8x80xi32, #tpu.memory_space<vmem>>, vector<16xi32>,
    tpu.vector_store_idx %arg13[%get3A_667], %broadcast_in_dim3A_178 {add = true} : memref<10240xf32, #tpu.memory_space<vmem>>[vector<16xi32>], vector<16xf32>,
    %get3A_668 = arith.constant 1 : i32
    %get3A_669 = arith.index_cast %get3A_668 : i32 to index
    %get3A_670 = arith.constant 64 : index
    %get3A_671 = tpu.vector_load %arg8[%get3A_669, %get3A_670] {strides = array<i32>} : memref<8x80xi32, #tpu.memory_space<vmem>>, vector<16xi32>,
    tpu.vector_store_idx %arg13[%get3A_671], %broadcast_in_dim3A_178 {add = true} : memref<10240xf32, #tpu.memory_space<vmem>>[vector<16xi32>], vector<16xf32>,
    %dma_start3A_672 = arith.constant 1 : i32
    %dma_start3A_673 = arith.constant 0 : i32
    %dma_start3A_674 = tpu.memref_slice %arg8[%dma_start3A_672, %dma_start3A_673] : memref<8x80xi32, #tpu.memory_space<vmem>> -> memref<1x80xi32, #tpu.memory_space<vmem>>
    %dma_start3A_675 = tpu.memref_squeeze %dma_start3A_674 : memref<1x80xi32, #tpu.memory_space<vmem>> -> memref<80xi32, #tpu.memory_space<vmem>>
    %dma_start3A_676 = arith.constant 0 : i32
    %dma_start3A_677 = arith.constant 0 : i32
    %dma_start3A_678 = tpu.memref_slice %arg6[%dma_start3A_676, %dma_start3A_677] : memref<10240x128xf32, #tpu.memory_space<vmem_shared>> -> memref<10240x128xf32, #tpu.memory_space<vmem_shared>>
    tpu.enqueue_indirect_dma source(%arg10 : memref<80x128xf32, #tpu.memory_space<vmem>>) target(%dma_start3A_678 : memref<10240x128xf32, #tpu.memory_space<vmem_shared>>) offsets(%dma_start3A_675 : memref<80xi32, #tpu.memory_space<vmem>>) semaphore(%arg18 : memref<!tpu.dma_semaphore, #tpu.memory_space<semaphore_mem>>) {add = true}
    %min3A_679 = arith.constant 7 : i32
    %min3A_680 = arith.constant 124 : i32
    %min3A_681 = arith.minsi %min3A_679, %min3A_680 : i32
    %mul3A_682 = arith.constant 80 : i32
    %mul3A_683 = arith.muli %min3A_681, %mul3A_682 : i32
    %add3A_684 = arith.addi %mul3A_180, %mul3A_683 : i32
    %and3A_685 = arith.constant 7 : i32
    %and3A_686 = arith.andi %min3A_681, %and3A_685 : i32
    %dma_start3A_687 = arith.constant 0 : i32
    %dma_start3A_688 = arith.constant 0 : i32
    %dma_start3A_689 = tpu.memref_slice %arg7[%and3A_686, %dma_start3A_688] : memref<8x80xi32, #tpu.memory_space<vmem>> -> memref<1x80xi32, #tpu.memory_space<vmem>>
    %dma_start3A_690 = tpu.memref_squeeze %dma_start3A_689 : memref<1x80xi32, #tpu.memory_space<vmem>> -> memref<80xi32, #tpu.memory_space<vmem>>
    %dma_start3A_691 = tpu.memref_slice %arg3[%dma_start3A_687, %add3A_684] : memref<2x320000xi32, #tpu.memory_space<hbm>> -> memref<1x80xi32, #tpu.memory_space<hbm>>
    %dma_start3A_692 = tpu.memref_squeeze %dma_start3A_691 : memref<1x80xi32, #tpu.memory_space<hbm>> -> memref<80xi32, #tpu.memory_space<hbm>>
    %dma_start3A_693 = arith.constant 0 : i32
    %dma_start3A_694 = tpu.memref_slice %arg7[%and3A_686, %dma_start3A_693] : memref<8x80xi32, #tpu.memory_space<vmem>> -> memref<1x80xi32, #tpu.memory_space<vmem>>
    %dma_start3A_695 = tpu.memref_squeeze %dma_start3A_694 : memref<1x80xi32, #tpu.memory_space<vmem>> -> memref<80xi32, #tpu.memory_space<vmem>>
    %dma_start3A_696 = tpu.memref_slice %arg3[%dma_start3A_687, %add3A_684] : memref<2x320000xi32, #tpu.memory_space<hbm>> -> memref<1x80xi32, #tpu.memory_space<hbm>>
    %dma_start3A_697 = tpu.memref_squeeze %dma_start3A_696 : memref<1x80xi32, #tpu.memory_space<hbm>> -> memref<80xi32, #tpu.memory_space<hbm>>
    tpu.enqueue_dma source(%dma_start3A_697 : memref<80xi32, #tpu.memory_space<hbm>>) target(%dma_start3A_695 : memref<80xi32, #tpu.memory_space<vmem>>) target_semaphore(%arg20 : memref<!tpu.dma_semaphore, #tpu.memory_space<semaphore_mem>>)
    %dma_start3A_698 = arith.constant 1 : i32
    %dma_start3A_699 = arith.constant 0 : i32
    %dma_start3A_700 = tpu.memref_slice %arg8[%and3A_686, %dma_start3A_699] : memref<8x80xi32, #tpu.memory_space<vmem>> -> memref<1x80xi32, #tpu.memory_space<vmem>>
    %dma_start3A_701 = tpu.memref_squeeze %dma_start3A_700 : memref<1x80xi32, #tpu.memory_space<vmem>> -> memref<80xi32, #tpu.memory_space<vmem>>
    %dma_start3A_702 = tpu.memref_slice %arg3[%dma_start3A_698, %add3A_684] : memref<2x320000xi32, #tpu.memory_space<hbm>> -> memref<1x80xi32, #tpu.memory_space<hbm>>
    %dma_start3A_703 = tpu.memref_squeeze %dma_start3A_702 : memref<1x80xi32, #tpu.memory_space<hbm>> -> memref<80xi32, #tpu.memory_space<hbm>>
    %dma_start3A_704 = arith.constant 0 : i32
    %dma_start3A_705 = tpu.memref_slice %arg8[%and3A_686, %dma_start3A_704] : memref<8x80xi32, #tpu.memory_space<vmem>> -> memref<1x80xi32, #tpu.memory_space<vmem>>
    %dma_start3A_706 = tpu.memref_squeeze %dma_start3A_705 : memref<1x80xi32, #tpu.memory_space<vmem>> -> memref<80xi32, #tpu.memory_space<vmem>>
    %dma_start3A_707 = tpu.memref_slice %arg3[%dma_start3A_698, %add3A_684] : memref<2x320000xi32, #tpu.memory_space<hbm>> -> memref<1x80xi32, #tpu.memory_space<hbm>>
    %dma_start3A_708 = tpu.memref_squeeze %dma_start3A_707 : memref<1x80xi32, #tpu.memory_space<hbm>> -> memref<80xi32, #tpu.memory_space<hbm>>
    tpu.enqueue_dma source(%dma_start3A_708 : memref<80xi32, #tpu.memory_space<hbm>>) target(%dma_start3A_706 : memref<80xi32, #tpu.memory_space<vmem>>) target_semaphore(%arg21 : memref<!tpu.dma_semaphore, #tpu.memory_space<semaphore_mem>>)
    %dma_wait3A_709 = arith.constant 0 : i32
    %dma_wait3A_710 = arith.constant 4 : i32
    %dma_wait3A_711 = arith.constant 0 : i32
    %dma_wait3A_712 = tpu.memref_slice %arg7[%dma_wait3A_710, %dma_wait3A_711] : memref<8x80xi32, #tpu.memory_space<vmem>> -> memref<1x80xi32, #tpu.memory_space<vmem>>
    %dma_wait3A_713 = tpu.memref_squeeze %dma_wait3A_712 : memref<1x80xi32, #tpu.memory_space<vmem>> -> memref<80xi32, #tpu.memory_space<vmem>>
    %dma_wait3A_714 = arith.constant 0 : i32
    %dma_wait3A_715 = tpu.memref_slice %arg3[%dma_wait3A_709, %dma_wait3A_714] : memref<2x320000xi32, #tpu.memory_space<hbm>> -> memref<1x80xi32, #tpu.memory_space<hbm>>
    %dma_wait3A_716 = tpu.memref_squeeze %dma_wait3A_715 : memref<1x80xi32, #tpu.memory_space<hbm>> -> memref<80xi32, #tpu.memory_space<hbm>>
    %dma_wait3A_717 = arith.constant 0 : i32
    %dma_wait3A_718 = tpu.memref_slice %arg7[%dma_wait3A_710, %dma_wait3A_717] : memref<8x80xi32, #tpu.memory_space<vmem>> -> memref<1x80xi32, #tpu.memory_space<vmem>>
    %dma_wait3A_719 = tpu.memref_squeeze %dma_wait3A_718 : memref<1x80xi32, #tpu.memory_space<vmem>> -> memref<80xi32, #tpu.memory_space<vmem>>
    %dma_wait3A_720 = arith.constant 0 : i32
    %dma_wait3A_721 = tpu.memref_slice %arg3[%dma_wait3A_709, %dma_wait3A_720] : memref<2x320000xi32, #tpu.memory_space<hbm>> -> memref<1x80xi32, #tpu.memory_space<hbm>>
    %dma_wait3A_722 = tpu.memref_squeeze %dma_wait3A_721 : memref<1x80xi32, #tpu.memory_space<hbm>> -> memref<80xi32, #tpu.memory_space<hbm>>
    tpu.wait_dma2 semaphore(%arg20 : memref<!tpu.dma_semaphore, #tpu.memory_space<semaphore_mem>>) src(%dma_wait3A_722 : memref<80xi32, #tpu.memory_space<hbm>>) dst(%dma_wait3A_719 : memref<80xi32, #tpu.memory_space<vmem>>)
    %dma_wait3A_723 = arith.constant 1 : i32
    %dma_wait3A_724 = arith.constant 4 : i32
    %dma_wait3A_725 = arith.constant 0 : i32
    %dma_wait3A_726 = tpu.memref_slice %arg8[%dma_wait3A_724, %dma_wait3A_725] : memref<8x80xi32, #tpu.memory_space<vmem>> -> memref<1x80xi32, #tpu.memory_space<vmem>>
    %dma_wait3A_727 = tpu.memref_squeeze %dma_wait3A_726 : memref<1x80xi32, #tpu.memory_space<vmem>> -> memref<80xi32, #tpu.memory_space<vmem>>
    %dma_wait3A_728 = arith.constant 0 : i32
    %dma_wait3A_729 = tpu.memref_slice %arg3[%dma_wait3A_723, %dma_wait3A_728] : memref<2x320000xi32, #tpu.memory_space<hbm>> -> memref<1x80xi32, #tpu.memory_space<hbm>>
    %dma_wait3A_730 = tpu.memref_squeeze %dma_wait3A_729 : memref<1x80xi32, #tpu.memory_space<hbm>> -> memref<80xi32, #tpu.memory_space<hbm>>
    %dma_wait3A_731 = arith.constant 0 : i32
    %dma_wait3A_732 = tpu.memref_slice %arg8[%dma_wait3A_724, %dma_wait3A_731] : memref<8x80xi32, #tpu.memory_space<vmem>> -> memref<1x80xi32, #tpu.memory_space<vmem>>
    %dma_wait3A_733 = tpu.memref_squeeze %dma_wait3A_732 : memref<1x80xi32, #tpu.memory_space<vmem>> -> memref<80xi32, #tpu.memory_space<vmem>>
    %dma_wait3A_734 = arith.constant 0 : i32
    %dma_wait3A_735 = tpu.memref_slice %arg3[%dma_wait3A_723, %dma_wait3A_734] : memref<2x320000xi32, #tpu.memory_space<hbm>> -> memref<1x80xi32, #tpu.memory_space<hbm>>
    %dma_wait3A_736 = tpu.memref_squeeze %dma_wait3A_735 : memref<1x80xi32, #tpu.memory_space<hbm>> -> memref<80xi32, #tpu.memory_space<hbm>>
    tpu.wait_dma2 semaphore(%arg21 : memref<!tpu.dma_semaphore, #tpu.memory_space<semaphore_mem>>) src(%dma_wait3A_736 : memref<80xi32, #tpu.memory_space<hbm>>) dst(%dma_wait3A_733 : memref<80xi32, #tpu.memory_space<vmem>>)
    %dma_wait3A_737 = arith.constant 1 : i32
    %dma_wait3A_738 = arith.constant 0 : i32
    %dma_wait3A_739 = tpu.memref_slice %arg8[%dma_wait3A_737, %dma_wait3A_738] : memref<8x80xi32, #tpu.memory_space<vmem>> -> memref<1x80xi32, #tpu.memory_space<vmem>>
    %dma_wait3A_740 = tpu.memref_squeeze %dma_wait3A_739 : memref<1x80xi32, #tpu.memory_space<vmem>> -> memref<80xi32, #tpu.memory_space<vmem>>
    %dma_wait3A_741 = arith.constant 0 : i32
    %dma_wait3A_742 = arith.constant 0 : i32
    %dma_wait3A_743 = tpu.memref_slice %arg6[%dma_wait3A_741, %dma_wait3A_742] : memref<10240x128xf32, #tpu.memory_space<vmem_shared>> -> memref<10240x128xf32, #tpu.memory_space<vmem_shared>>
    tpu.wait_indirect_dma semaphore(%arg18 : memref<!tpu.dma_semaphore, #tpu.memory_space<semaphore_mem>>) src(%arg10 : memref<80x128xf32, #tpu.memory_space<vmem>>) dst(%dma_wait3A_743 : memref<10240x128xf32, #tpu.memory_space<vmem_shared>>)
    %dma_start3A_744 = arith.constant 4 : i32
    %dma_start3A_745 = arith.constant 0 : i32
    %dma_start3A_746 = arith.constant 0 : i32
    %dma_start3A_747 = tpu.memref_slice %arg10[%dma_start3A_745, %dma_start3A_746] : memref<80x128xf32, #tpu.memory_space<vmem>> -> memref<40x128xf32, #tpu.memory_space<vmem>>
    %dma_start3A_748 = arith.constant 0 : i32
    %dma_start3A_749 = tpu.memref_slice %arg7[%dma_start3A_744, %dma_start3A_748] : memref<8x80xi32, #tpu.memory_space<vmem>> -> memref<1x40xi32, #tpu.memory_space<vmem>>
    %dma_start3A_750 = tpu.memref_squeeze %dma_start3A_749 : memref<1x40xi32, #tpu.memory_space<vmem>> -> memref<40xi32, #tpu.memory_space<vmem>>
    %dma_start3A_751 = arith.constant 0 : i32
    %dma_start3A_752 = arith.constant 0 : i32
    %dma_start3A_753 = tpu.memref_slice %arg2[%dma_start3A_751, %dma_start3A_752] : memref<10000x128xf32, #tpu.memory_space<hbm>> -> memref<10000x128xf32, #tpu.memory_space<hbm>>
    tpu.enqueue_indirect_dma source(%dma_start3A_753 : memref<10000x128xf32, #tpu.memory_space<hbm>>) target(%dma_start3A_747 : memref<40x128xf32, #tpu.memory_space<vmem>>) offsets(%dma_start3A_750 : memref<40xi32, #tpu.memory_space<vmem>>) semaphore(%arg15 : memref<!tpu.dma_semaphore, #tpu.memory_space<semaphore_mem>>)
    %dma_start3A_754 = arith.constant 4 : i32
    %dma_start3A_755 = arith.constant 40 : i32
    %dma_start3A_756 = arith.constant 0 : i32
    %dma_start3A_757 = tpu.memref_slice %arg10[%dma_start3A_755, %dma_start3A_756] : memref<80x128xf32, #tpu.memory_space<vmem>> -> memref<40x128xf32, #tpu.memory_space<vmem>>
    %dma_start3A_758 = arith.constant 40 : i32
    %dma_start3A_759 = tpu.memref_slice %arg7[%dma_start3A_754, %dma_start3A_758] : memref<8x80xi32, #tpu.memory_space<vmem>> -> memref<1x40xi32, #tpu.memory_space<vmem>>
    %dma_start3A_760 = tpu.memref_squeeze %dma_start3A_759 : memref<1x40xi32, #tpu.memory_space<vmem>> -> memref<40xi32, #tpu.memory_space<vmem>>
    %dma_start3A_761 = arith.constant 0 : i32
    %dma_start3A_762 = arith.constant 0 : i32
    %dma_start3A_763 = tpu.memref_slice %arg2[%dma_start3A_761, %dma_start3A_762] : memref<10000x128xf32, #tpu.memory_space<hbm>> -> memref<10000x128xf32, #tpu.memory_space<hbm>>
    tpu.enqueue_indirect_dma source(%dma_start3A_763 : memref<10000x128xf32, #tpu.memory_space<hbm>>) target(%dma_start3A_757 : memref<40x128xf32, #tpu.memory_space<vmem>>) offsets(%dma_start3A_760 : memref<40xi32, #tpu.memory_space<vmem>>) semaphore(%arg15 : memref<!tpu.dma_semaphore, #tpu.memory_space<semaphore_mem>>)
    %dma_wait3A_764 = arith.constant 2 : i32
    %dma_wait3A_765 = arith.constant 0 : i32
    %dma_wait3A_766 = arith.constant 0 : i32
    %dma_wait3A_767 = tpu.memref_slice %arg11[%dma_wait3A_765, %dma_wait3A_766] : memref<80x128xf32, #tpu.memory_space<vmem>> -> memref<40x128xf32, #tpu.memory_space<vmem>>
    %dma_wait3A_768 = arith.constant 0 : i32
    %dma_wait3A_769 = tpu.memref_slice %arg7[%dma_wait3A_764, %dma_wait3A_768] : memref<8x80xi32, #tpu.memory_space<vmem>> -> memref<1x40xi32, #tpu.memory_space<vmem>>
    %dma_wait3A_770 = tpu.memref_squeeze %dma_wait3A_769 : memref<1x40xi32, #tpu.memory_space<vmem>> -> memref<40xi32, #tpu.memory_space<vmem>>
    %dma_wait3A_771 = arith.constant 0 : i32
    %dma_wait3A_772 = arith.constant 0 : i32
    %dma_wait3A_773 = tpu.memref_slice %arg2[%dma_wait3A_771, %dma_wait3A_772] : memref<10000x128xf32, #tpu.memory_space<hbm>> -> memref<10000x128xf32, #tpu.memory_space<hbm>>
    tpu.wait_indirect_dma semaphore(%arg16 : memref<!tpu.dma_semaphore, #tpu.memory_space<semaphore_mem>>) src(%dma_wait3A_773 : memref<10000x128xf32, #tpu.memory_space<hbm>>) dst(%dma_wait3A_767 : memref<40x128xf32, #tpu.memory_space<vmem>>)
    %dma_wait3A_774 = arith.constant 2 : i32
    %dma_wait3A_775 = arith.constant 40 : i32
    %dma_wait3A_776 = arith.constant 0 : i32
    %dma_wait3A_777 = tpu.memref_slice %arg11[%dma_wait3A_775, %dma_wait3A_776] : memref<80x128xf32, #tpu.memory_space<vmem>> -> memref<40x128xf32, #tpu.memory_space<vmem>>
    %dma_wait3A_778 = arith.constant 40 : i32
    %dma_wait3A_779 = tpu.memref_slice %arg7[%dma_wait3A_774, %dma_wait3A_778] : memref<8x80xi32, #tpu.memory_space<vmem>> -> memref<1x40xi32, #tpu.memory_space<vmem>>
    %dma_wait3A_780 = tpu.memref_squeeze %dma_wait3A_779 : memref<1x40xi32, #tpu.memory_space<vmem>> -> memref<40xi32, #tpu.memory_space<vmem>>
    %dma_wait3A_781 = arith.constant 0 : i32
    %dma_wait3A_782 = arith.constant 0 : i32
    %dma_wait3A_783 = tpu.memref_slice %arg2[%dma_wait3A_781, %dma_wait3A_782] : memref<10000x128xf32, #tpu.memory_space<hbm>> -> memref<10000x128xf32, #tpu.memory_space<hbm>>
    tpu.wait_indirect_dma semaphore(%arg16 : memref<!tpu.dma_semaphore, #tpu.memory_space<semaphore_mem>>) src(%dma_wait3A_783 : memref<10000x128xf32, #tpu.memory_space<hbm>>) dst(%dma_wait3A_777 : memref<40x128xf32, #tpu.memory_space<vmem>>)
    %get3A_784 = arith.constant 2 : i32
    %get3A_785 = arith.index_cast %get3A_784 : i32 to index
    %get3A_786 = arith.constant 0 : index
    %get3A_787 = tpu.vector_load %arg8[%get3A_785, %get3A_786] {strides = array<i32>} : memref<8x80xi32, #tpu.memory_space<vmem>>, vector<16xi32>,
    tpu.vector_store_idx %arg13[%get3A_787], %broadcast_in_dim3A_178 {add = true} : memref<10240xf32, #tpu.memory_space<vmem>>[vector<16xi32>], vector<16xf32>,
    %get3A_788 = arith.constant 2 : i32
    %get3A_789 = arith.index_cast %get3A_788 : i32 to index
    %get3A_790 = arith.constant 16 : index
    %get3A_791 = tpu.vector_load %arg8[%get3A_789, %get3A_790] {strides = array<i32>} : memref<8x80xi32, #tpu.memory_space<vmem>>, vector<16xi32>,
    tpu.vector_store_idx %arg13[%get3A_791], %broadcast_in_dim3A_178 {add = true} : memref<10240xf32, #tpu.memory_space<vmem>>[vector<16xi32>], vector<16xf32>,
    %get3A_792 = arith.constant 2 : i32
    %get3A_793 = arith.index_cast %get3A_792 : i32 to index
    %get3A_794 = arith.constant 32 : index
    %get3A_795 = tpu.vector_load %arg8[%get3A_793, %get3A_794] {strides = array<i32>} : memref<8x80xi32, #tpu.memory_space<vmem>>, vector<16xi32>,
    tpu.vector_store_idx %arg13[%get3A_795], %broadcast_in_dim3A_178 {add = true} : memref<10240xf32, #tpu.memory_space<vmem>>[vector<16xi32>], vector<16xf32>,
    %get3A_796 = arith.constant 2 : i32
    %get3A_797 = arith.index_cast %get3A_796 : i32 to index
    %get3A_798 = arith.constant 48 : index
    %get3A_799 = tpu.vector_load %arg8[%get3A_797, %get3A_798] {strides = array<i32>} : memref<8x80xi32, #tpu.memory_space<vmem>>, vector<16xi32>,
    tpu.vector_store_idx %arg13[%get3A_799], %broadcast_in_dim3A_178 {add = true} : memref<10240xf32, #tpu.memory_space<vmem>>[vector<16xi32>], vector<16xf32>,
    %get3A_800 = arith.constant 2 : i32
    %get3A_801 = arith.index_cast %get3A_800 : i32 to index
    %get3A_802 = arith.constant 64 : index
    %get3A_803 = tpu.vector_load %arg8[%get3A_801, %get3A_802] {strides = array<i32>} : memref<8x80xi32, #tpu.memory_space<vmem>>, vector<16xi32>,
    tpu.vector_store_idx %arg13[%get3A_803], %broadcast_in_dim3A_178 {add = true} : memref<10240xf32, #tpu.memory_space<vmem>>[vector<16xi32>], vector<16xf32>,
    %dma_start3A_804 = arith.constant 2 : i32
    %dma_start3A_805 = arith.constant 0 : i32
    %dma_start3A_806 = tpu.memref_slice %arg8[%dma_start3A_804, %dma_start3A_805] : memref<8x80xi32, #tpu.memory_space<vmem>> -> memref<1x80xi32, #tpu.memory_space<vmem>>
    %dma_start3A_807 = tpu.memref_squeeze %dma_start3A_806 : memref<1x80xi32, #tpu.memory_space<vmem>> -> memref<80xi32, #tpu.memory_space<vmem>>
    %dma_start3A_808 = arith.constant 0 : i32
    %dma_start3A_809 = arith.constant 0 : i32
    %dma_start3A_810 = tpu.memref_slice %arg6[%dma_start3A_808, %dma_start3A_809] : memref<10240x128xf32, #tpu.memory_space<vmem_shared>> -> memref<10240x128xf32, #tpu.memory_space<vmem_shared>>
    tpu.enqueue_indirect_dma source(%arg11 : memref<80x128xf32, #tpu.memory_space<vmem>>) target(%dma_start3A_810 : memref<10240x128xf32, #tpu.memory_space<vmem_shared>>) offsets(%dma_start3A_807 : memref<80xi32, #tpu.memory_space<vmem>>) semaphore(%arg19 : memref<!tpu.dma_semaphore, #tpu.memory_space<semaphore_mem>>) {add = true}
    %min3A_811 = arith.constant 8 : i32
    %min3A_812 = arith.constant 124 : i32
    %min3A_813 = arith.minsi %min3A_811, %min3A_812 : i32
    %mul3A_814 = arith.constant 80 : i32
    %mul3A_815 = arith.muli %min3A_813, %mul3A_814 : i32
    %add3A_816 = arith.addi %mul3A_180, %mul3A_815 : i32
    %and3A_817 = arith.constant 7 : i32
    %and3A_818 = arith.andi %min3A_813, %and3A_817 : i32
    %dma_start3A_819 = arith.constant 0 : i32
    %dma_start3A_820 = arith.constant 0 : i32
    %dma_start3A_821 = tpu.memref_slice %arg7[%and3A_818, %dma_start3A_820] : memref<8x80xi32, #tpu.memory_space<vmem>> -> memref<1x80xi32, #tpu.memory_space<vmem>>
    %dma_start3A_822 = tpu.memref_squeeze %dma_start3A_821 : memref<1x80xi32, #tpu.memory_space<vmem>> -> memref<80xi32, #tpu.memory_space<vmem>>
    %dma_start3A_823 = tpu.memref_slice %arg3[%dma_start3A_819, %add3A_816] : memref<2x320000xi32, #tpu.memory_space<hbm>> -> memref<1x80xi32, #tpu.memory_space<hbm>>
    %dma_start3A_824 = tpu.memref_squeeze %dma_start3A_823 : memref<1x80xi32, #tpu.memory_space<hbm>> -> memref<80xi32, #tpu.memory_space<hbm>>
    %dma_start3A_825 = arith.constant 0 : i32
    %dma_start3A_826 = tpu.memref_slice %arg7[%and3A_818, %dma_start3A_825] : memref<8x80xi32, #tpu.memory_space<vmem>> -> memref<1x80xi32, #tpu.memory_space<vmem>>
    %dma_start3A_827 = tpu.memref_squeeze %dma_start3A_826 : memref<1x80xi32, #tpu.memory_space<vmem>> -> memref<80xi32, #tpu.memory_space<vmem>>
    %dma_start3A_828 = tpu.memref_slice %arg3[%dma_start3A_819, %add3A_816] : memref<2x320000xi32, #tpu.memory_space<hbm>> -> memref<1x80xi32, #tpu.memory_space<hbm>>
    %dma_start3A_829 = tpu.memref_squeeze %dma_start3A_828 : memref<1x80xi32, #tpu.memory_space<hbm>> -> memref<80xi32, #tpu.memory_space<hbm>>
    tpu.enqueue_dma source(%dma_start3A_829 : memref<80xi32, #tpu.memory_space<hbm>>) target(%dma_start3A_827 : memref<80xi32, #tpu.memory_space<vmem>>) target_semaphore(%arg20 : memref<!tpu.dma_semaphore, #tpu.memory_space<semaphore_mem>>)
    %dma_start3A_830 = arith.constant 1 : i32
    %dma_start3A_831 = arith.constant 0 : i32
    %dma_start3A_832 = tpu.memref_slice %arg8[%and3A_818, %dma_start3A_831] : memref<8x80xi32, #tpu.memory_space<vmem>> -> memref<1x80xi32, #tpu.memory_space<vmem>>
    %dma_start3A_833 = tpu.memref_squeeze %dma_start3A_832 : memref<1x80xi32, #tpu.memory_space<vmem>> -> memref<80xi32, #tpu.memory_space<vmem>>
    %dma_start3A_834 = tpu.memref_slice %arg3[%dma_start3A_830, %add3A_816] : memref<2x320000xi32, #tpu.memory_space<hbm>> -> memref<1x80xi32, #tpu.memory_space<hbm>>
    %dma_start3A_835 = tpu.memref_squeeze %dma_start3A_834 : memref<1x80xi32, #tpu.memory_space<hbm>> -> memref<80xi32, #tpu.memory_space<hbm>>
    %dma_start3A_836 = arith.constant 0 : i32
    %dma_start3A_837 = tpu.memref_slice %arg8[%and3A_818, %dma_start3A_836] : memref<8x80xi32, #tpu.memory_space<vmem>> -> memref<1x80xi32, #tpu.memory_space<vmem>>
    %dma_start3A_838 = tpu.memref_squeeze %dma_start3A_837 : memref<1x80xi32, #tpu.memory_space<vmem>> -> memref<80xi32, #tpu.memory_space<vmem>>
    %dma_start3A_839 = tpu.memref_slice %arg3[%dma_start3A_830, %add3A_816] : memref<2x320000xi32, #tpu.memory_space<hbm>> -> memref<1x80xi32, #tpu.memory_space<hbm>>
    %dma_start3A_840 = tpu.memref_squeeze %dma_start3A_839 : memref<1x80xi32, #tpu.memory_space<hbm>> -> memref<80xi32, #tpu.memory_space<hbm>>
    tpu.enqueue_dma source(%dma_start3A_840 : memref<80xi32, #tpu.memory_space<hbm>>) target(%dma_start3A_838 : memref<80xi32, #tpu.memory_space<vmem>>) target_semaphore(%arg21 : memref<!tpu.dma_semaphore, #tpu.memory_space<semaphore_mem>>)
    %scan3A_841 = arith.constant 0 : i32
    %scan3A_842 = arith.constant 0 : i32
    %scan3A_843 = arith.constant 40 : i32
    %scan3A_844 = arith.addi %scan3A_842, %scan3A_843 : i32
    %scan3A_845 = arith.constant 1 : i32
    %scan3A_846 = scf.for %scan3A_1076 = %scan3A_842 to %scan3A_844 step %scan3A_845 iter_args(%scan3A_1077 = %scan3A_841) -> (i32)  : i32 {
      %mul3A_1078 = arith.constant 3 : i32
      %mul3A_1079 = arith.muli %mul3A_1078, %scan3A_1076 : i32
      %add3A_1080 = arith.constant 5 : i32
      %add3A_1081 = arith.addi %add3A_1080, %mul3A_1079 : i32
      %and3A_1082 = arith.constant 7 : i32
      %and3A_1083 = arith.andi %add3A_1081, %and3A_1082 : i32
      %dma_wait3A_1084 = arith.constant 0 : i32
      %dma_wait3A_1085 = arith.constant 0 : i32
      %dma_wait3A_1086 = tpu.memref_slice %arg7[%and3A_1083, %dma_wait3A_1085] : memref<8x80xi32, #tpu.memory_space<vmem>> -> memref<1x80xi32, #tpu.memory_space<vmem>>
      %dma_wait3A_1087 = tpu.memref_squeeze %dma_wait3A_1086 : memref<1x80xi32, #tpu.memory_space<vmem>> -> memref<80xi32, #tpu.memory_space<vmem>>
      %dma_wait3A_1088 = arith.constant 0 : i32
      %dma_wait3A_1089 = tpu.memref_slice %arg3[%dma_wait3A_1084, %dma_wait3A_1088] : memref<2x320000xi32, #tpu.memory_space<hbm>> -> memref<1x80xi32, #tpu.memory_space<hbm>>
      %dma_wait3A_1090 = tpu.memref_squeeze %dma_wait3A_1089 : memref<1x80xi32, #tpu.memory_space<hbm>> -> memref<80xi32, #tpu.memory_space<hbm>>
      %dma_wait3A_1091 = arith.constant 0 : i32
      %dma_wait3A_1092 = tpu.memref_slice %arg7[%and3A_1083, %dma_wait3A_1091] : memref<8x80xi32, #tpu.memory_space<vmem>> -> memref<1x80xi32, #tpu.memory_space<vmem>>
      %dma_wait3A_1093 = tpu.memref_squeeze %dma_wait3A_1092 : memref<1x80xi32, #tpu.memory_space<vmem>> -> memref<80xi32, #tpu.memory_space<vmem>>
      %dma_wait3A_1094 = arith.constant 0 : i32
      %dma_wait3A_1095 = tpu.memref_slice %arg3[%dma_wait3A_1084, %dma_wait3A_1094] : memref<2x320000xi32, #tpu.memory_space<hbm>> -> memref<1x80xi32, #tpu.memory_space<hbm>>
      %dma_wait3A_1096 = tpu.memref_squeeze %dma_wait3A_1095 : memref<1x80xi32, #tpu.memory_space<hbm>> -> memref<80xi32, #tpu.memory_space<hbm>>
      tpu.wait_dma2 semaphore(%arg20 : memref<!tpu.dma_semaphore, #tpu.memory_space<semaphore_mem>>) src(%dma_wait3A_1096 : memref<80xi32, #tpu.memory_space<hbm>>) dst(%dma_wait3A_1093 : memref<80xi32, #tpu.memory_space<vmem>>)
      %dma_wait3A_1097 = arith.constant 1 : i32
      %dma_wait3A_1098 = arith.constant 0 : i32
      %dma_wait3A_1099 = tpu.memref_slice %arg8[%and3A_1083, %dma_wait3A_1098] : memref<8x80xi32, #tpu.memory_space<vmem>> -> memref<1x80xi32, #tpu.memory_space<vmem>>
      %dma_wait3A_1100 = tpu.memref_squeeze %dma_wait3A_1099 : memref<1x80xi32, #tpu.memory_space<vmem>> -> memref<80xi32, #tpu.memory_space<vmem>>
      %dma_wait3A_1101 = arith.constant 0 : i32
      %dma_wait3A_1102 = tpu.memref_slice %arg3[%dma_wait3A_1097, %dma_wait3A_1101] : memref<2x320000xi32, #tpu.memory_space<hbm>> -> memref<1x80xi32, #tpu.memory_space<hbm>>
      %dma_wait3A_1103 = tpu.memref_squeeze %dma_wait3A_1102 : memref<1x80xi32, #tpu.memory_space<hbm>> -> memref<80xi32, #tpu.memory_space<hbm>>
      %dma_wait3A_1104 = arith.constant 0 : i32
      %dma_wait3A_1105 = tpu.memref_slice %arg8[%and3A_1083, %dma_wait3A_1104] : memref<8x80xi32, #tpu.memory_space<vmem>> -> memref<1x80xi32, #tpu.memory_space<vmem>>
      %dma_wait3A_1106 = tpu.memref_squeeze %dma_wait3A_1105 : memref<1x80xi32, #tpu.memory_space<vmem>> -> memref<80xi32, #tpu.memory_space<vmem>>
      %dma_wait3A_1107 = arith.constant 0 : i32
      %dma_wait3A_1108 = tpu.memref_slice %arg3[%dma_wait3A_1097, %dma_wait3A_1107] : memref<2x320000xi32, #tpu.memory_space<hbm>> -> memref<1x80xi32, #tpu.memory_space<hbm>>
      %dma_wait3A_1109 = tpu.memref_squeeze %dma_wait3A_1108 : memref<1x80xi32, #tpu.memory_space<hbm>> -> memref<80xi32, #tpu.memory_space<hbm>>
      tpu.wait_dma2 semaphore(%arg21 : memref<!tpu.dma_semaphore, #tpu.memory_space<semaphore_mem>>) src(%dma_wait3A_1109 : memref<80xi32, #tpu.memory_space<hbm>>) dst(%dma_wait3A_1106 : memref<80xi32, #tpu.memory_space<vmem>>)
      %sub3A = arith.constant 3 : i32
      %sub3A_1110 = arith.subi %add3A_1081, %sub3A : i32
      %and3A_1111 = arith.constant 7 : i32
      %and3A_1112 = arith.andi %sub3A_1110, %and3A_1111 : i32
      %dma_wait3A_1113 = arith.constant 0 : i32
      %dma_wait3A_1114 = tpu.memref_slice %arg8[%and3A_1112, %dma_wait3A_1113] : memref<8x80xi32, #tpu.memory_space<vmem>> -> memref<1x80xi32, #tpu.memory_space<vmem>>
      %dma_wait3A_1115 = tpu.memref_squeeze %dma_wait3A_1114 : memref<1x80xi32, #tpu.memory_space<vmem>> -> memref<80xi32, #tpu.memory_space<vmem>>
      %dma_wait3A_1116 = arith.constant 0 : i32
      %dma_wait3A_1117 = arith.constant 0 : i32
      %dma_wait3A_1118 = tpu.memref_slice %arg6[%dma_wait3A_1116, %dma_wait3A_1117] : memref<10240x128xf32, #tpu.memory_space<vmem_shared>> -> memref<10240x128xf32, #tpu.memory_space<vmem_shared>>
      tpu.wait_indirect_dma semaphore(%arg19 : memref<!tpu.dma_semaphore, #tpu.memory_space<semaphore_mem>>) src(%arg11 : memref<80x128xf32, #tpu.memory_space<vmem>>) dst(%dma_wait3A_1118 : memref<10240x128xf32, #tpu.memory_space<vmem_shared>>)
      %and3A_1119 = arith.constant 7 : i32
      %and3A_1120 = arith.andi %add3A_1081, %and3A_1119 : i32
      %dma_start3A_1121 = arith.constant 0 : i32
      %dma_start3A_1122 = arith.constant 0 : i32
      %dma_start3A_1123 = tpu.memref_slice %arg11[%dma_start3A_1121, %dma_start3A_1122] : memref<80x128xf32, #tpu.memory_space<vmem>> -> memref<40x128xf32, #tpu.memory_space<vmem>>
      %dma_start3A_1124 = arith.constant 0 : i32
      %dma_start3A_1125 = tpu.memref_slice %arg7[%and3A_1120, %dma_start3A_1124] : memref<8x80xi32, #tpu.memory_space<vmem>> -> memref<1x40xi32, #tpu.memory_space<vmem>>
      %dma_start3A_1126 = tpu.memref_squeeze %dma_start3A_1125 : memref<1x40xi32, #tpu.memory_space<vmem>> -> memref<40xi32, #tpu.memory_space<vmem>>
      %dma_start3A_1127 = arith.constant 0 : i32
      %dma_start3A_1128 = arith.constant 0 : i32
      %dma_start3A_1129 = tpu.memref_slice %arg2[%dma_start3A_1127, %dma_start3A_1128] : memref<10000x128xf32, #tpu.memory_space<hbm>> -> memref<10000x128xf32, #tpu.memory_space<hbm>>
      tpu.enqueue_indirect_dma source(%dma_start3A_1129 : memref<10000x128xf32, #tpu.memory_space<hbm>>) target(%dma_start3A_1123 : memref<40x128xf32, #tpu.memory_space<vmem>>) offsets(%dma_start3A_1126 : memref<40xi32, #tpu.memory_space<vmem>>) semaphore(%arg16 : memref<!tpu.dma_semaphore, #tpu.memory_space<semaphore_mem>>)
      %dma_start3A_1130 = arith.constant 40 : i32
      %dma_start3A_1131 = arith.constant 0 : i32
      %dma_start3A_1132 = tpu.memref_slice %arg11[%dma_start3A_1130, %dma_start3A_1131] : memref<80x128xf32, #tpu.memory_space<vmem>> -> memref<40x128xf32, #tpu.memory_space<vmem>>
      %dma_start3A_1133 = arith.constant 40 : i32
      %dma_start3A_1134 = tpu.memref_slice %arg7[%and3A_1120, %dma_start3A_1133] : memref<8x80xi32, #tpu.memory_space<vmem>> -> memref<1x40xi32, #tpu.memory_space<vmem>>
      %dma_start3A_1135 = tpu.memref_squeeze %dma_start3A_1134 : memref<1x40xi32, #tpu.memory_space<vmem>> -> memref<40xi32, #tpu.memory_space<vmem>>
      %dma_start3A_1136 = arith.constant 0 : i32
      %dma_start3A_1137 = arith.constant 0 : i32
      %dma_start3A_1138 = tpu.memref_slice %arg2[%dma_start3A_1136, %dma_start3A_1137] : memref<10000x128xf32, #tpu.memory_space<hbm>> -> memref<10000x128xf32, #tpu.memory_space<hbm>>
      tpu.enqueue_indirect_dma source(%dma_start3A_1138 : memref<10000x128xf32, #tpu.memory_space<hbm>>) target(%dma_start3A_1132 : memref<40x128xf32, #tpu.memory_space<vmem>>) offsets(%dma_start3A_1135 : memref<40xi32, #tpu.memory_space<vmem>>) semaphore(%arg16 : memref<!tpu.dma_semaphore, #tpu.memory_space<semaphore_mem>>)
      %sub3A_1139 = arith.constant 2 : i32
      %sub3A_1140 = arith.subi %add3A_1081, %sub3A_1139 : i32
      %and3A_1141 = arith.constant 7 : i32
      %and3A_1142 = arith.andi %sub3A_1140, %and3A_1141 : i32
      %dma_wait3A_1143 = arith.constant 0 : i32
      %dma_wait3A_1144 = arith.constant 0 : i32
      %dma_wait3A_1145 = tpu.memref_slice %arg9[%dma_wait3A_1143, %dma_wait3A_1144] : memref<80x128xf32, #tpu.memory_space<vmem>> -> memref<40x128xf32, #tpu.memory_space<vmem>>
      %dma_wait3A_1146 = arith.constant 0 : i32
      %dma_wait3A_1147 = tpu.memref_slice %arg7[%and3A_1142, %dma_wait3A_1146] : memref<8x80xi32, #tpu.memory_space<vmem>> -> memref<1x40xi32, #tpu.memory_space<vmem>>
      %dma_wait3A_1148 = tpu.memref_squeeze %dma_wait3A_1147 : memref<1x40xi32, #tpu.memory_space<vmem>> -> memref<40xi32, #tpu.memory_space<vmem>>
      %dma_wait3A_1149 = arith.constant 0 : i32
      %dma_wait3A_1150 = arith.constant 0 : i32
      %dma_wait3A_1151 = tpu.memref_slice %arg2[%dma_wait3A_1149, %dma_wait3A_1150] : memref<10000x128xf32, #tpu.memory_space<hbm>> -> memref<10000x128xf32, #tpu.memory_space<hbm>>
      tpu.wait_indirect_dma semaphore(%arg14 : memref<!tpu.dma_semaphore, #tpu.memory_space<semaphore_mem>>) src(%dma_wait3A_1151 : memref<10000x128xf32, #tpu.memory_space<hbm>>) dst(%dma_wait3A_1145 : memref<40x128xf32, #tpu.memory_space<vmem>>)
      %dma_wait3A_1152 = arith.constant 40 : i32
      %dma_wait3A_1153 = arith.constant 0 : i32
      %dma_wait3A_1154 = tpu.memref_slice %arg9[%dma_wait3A_1152, %dma_wait3A_1153] : memref<80x128xf32, #tpu.memory_space<vmem>> -> memref<40x128xf32, #tpu.memory_space<vmem>>
      %dma_wait3A_1155 = arith.constant 40 : i32
      %dma_wait3A_1156 = tpu.memref_slice %arg7[%and3A_1142, %dma_wait3A_1155] : memref<8x80xi32, #tpu.memory_space<vmem>> -> memref<1x40xi32, #tpu.memory_space<vmem>>
      %dma_wait3A_1157 = tpu.memref_squeeze %dma_wait3A_1156 : memref<1x40xi32, #tpu.memory_space<vmem>> -> memref<40xi32, #tpu.memory_space<vmem>>
      %dma_wait3A_1158 = arith.constant 0 : i32
      %dma_wait3A_1159 = arith.constant 0 : i32
      %dma_wait3A_1160 = tpu.memref_slice %arg2[%dma_wait3A_1158, %dma_wait3A_1159] : memref<10000x128xf32, #tpu.memory_space<hbm>> -> memref<10000x128xf32, #tpu.memory_space<hbm>>
      tpu.wait_indirect_dma semaphore(%arg14 : memref<!tpu.dma_semaphore, #tpu.memory_space<semaphore_mem>>) src(%dma_wait3A_1160 : memref<10000x128xf32, #tpu.memory_space<hbm>>) dst(%dma_wait3A_1154 : memref<40x128xf32, #tpu.memory_space<vmem>>)
      %sub3A_1161 = arith.constant 2 : i32
      %sub3A_1162 = arith.subi %add3A_1081, %sub3A_1161 : i32
      %and3A_1163 = arith.constant 7 : i32
      %and3A_1164 = arith.andi %sub3A_1162, %and3A_1163 : i32
      %get3A_1165 = arith.index_cast %and3A_1164 : i32 to index
      %get3A_1166 = arith.constant 0 : index
      %get3A_1167 = tpu.vector_load %arg8[%get3A_1165, %get3A_1166] {strides = array<i32>} : memref<8x80xi32, #tpu.memory_space<vmem>>, vector<16xi32>,
      tpu.vector_store_idx %arg13[%get3A_1167], %broadcast_in_dim3A_178 {add = true} : memref<10240xf32, #tpu.memory_space<vmem>>[vector<16xi32>], vector<16xf32>,
      %get3A_1168 = arith.index_cast %and3A_1164 : i32 to index
      %get3A_1169 = arith.constant 16 : index
      %get3A_1170 = tpu.vector_load %arg8[%get3A_1168, %get3A_1169] {strides = array<i32>} : memref<8x80xi32, #tpu.memory_space<vmem>>, vector<16xi32>,
      tpu.vector_store_idx %arg13[%get3A_1170], %broadcast_in_dim3A_178 {add = true} : memref<10240xf32, #tpu.memory_space<vmem>>[vector<16xi32>], vector<16xf32>,
      %get3A_1171 = arith.index_cast %and3A_1164 : i32 to index
      %get3A_1172 = arith.constant 32 : index
      %get3A_1173 = tpu.vector_load %arg8[%get3A_1171, %get3A_1172] {strides = array<i32>} : memref<8x80xi32, #tpu.memory_space<vmem>>, vector<16xi32>,
      tpu.vector_store_idx %arg13[%get3A_1173], %broadcast_in_dim3A_178 {add = true} : memref<10240xf32, #tpu.memory_space<vmem>>[vector<16xi32>], vector<16xf32>,
      %get3A_1174 = arith.index_cast %and3A_1164 : i32 to index
      %get3A_1175 = arith.constant 48 : index
      %get3A_1176 = tpu.vector_load %arg8[%get3A_1174, %get3A_1175] {strides = array<i32>} : memref<8x80xi32, #tpu.memory_space<vmem>>, vector<16xi32>,
      tpu.vector_store_idx %arg13[%get3A_1176], %broadcast_in_dim3A_178 {add = true} : memref<10240xf32, #tpu.memory_space<vmem>>[vector<16xi32>], vector<16xf32>,
      %get3A_1177 = arith.index_cast %and3A_1164 : i32 to index
      %get3A_1178 = arith.constant 64 : index
      %get3A_1179 = tpu.vector_load %arg8[%get3A_1177, %get3A_1178] {strides = array<i32>} : memref<8x80xi32, #tpu.memory_space<vmem>>, vector<16xi32>,
      tpu.vector_store_idx %arg13[%get3A_1179], %broadcast_in_dim3A_178 {add = true} : memref<10240xf32, #tpu.memory_space<vmem>>[vector<16xi32>], vector<16xf32>,
      %sub3A_1180 = arith.constant 2 : i32
      %sub3A_1181 = arith.subi %add3A_1081, %sub3A_1180 : i32
      %and3A_1182 = arith.constant 7 : i32
      %and3A_1183 = arith.andi %sub3A_1181, %and3A_1182 : i32
      %dma_start3A_1184 = arith.constant 0 : i32
      %dma_start3A_1185 = tpu.memref_slice %arg8[%and3A_1183, %dma_start3A_1184] : memref<8x80xi32, #tpu.memory_space<vmem>> -> memref<1x80xi32, #tpu.memory_space<vmem>>
      %dma_start3A_1186 = tpu.memref_squeeze %dma_start3A_1185 : memref<1x80xi32, #tpu.memory_space<vmem>> -> memref<80xi32, #tpu.memory_space<vmem>>
      %dma_start3A_1187 = arith.constant 0 : i32
      %dma_start3A_1188 = arith.constant 0 : i32
      %dma_start3A_1189 = tpu.memref_slice %arg6[%dma_start3A_1187, %dma_start3A_1188] : memref<10240x128xf32, #tpu.memory_space<vmem_shared>> -> memref<10240x128xf32, #tpu.memory_space<vmem_shared>>
      tpu.enqueue_indirect_dma source(%arg9 : memref<80x128xf32, #tpu.memory_space<vmem>>) target(%dma_start3A_1189 : memref<10240x128xf32, #tpu.memory_space<vmem_shared>>) offsets(%dma_start3A_1186 : memref<80xi32, #tpu.memory_space<vmem>>) semaphore(%arg17 : memref<!tpu.dma_semaphore, #tpu.memory_space<semaphore_mem>>) {add = true}
      %add3A_1190 = arith.constant 4 : i32
      %add3A_1191 = arith.addi %add3A_1081, %add3A_1190 : i32
      %min3A_1192 = arith.constant 124 : i32
      %min3A_1193 = arith.minsi %add3A_1191, %min3A_1192 : i32
      %mul3A_1194 = arith.constant 80 : i32
      %mul3A_1195 = arith.muli %min3A_1193, %mul3A_1194 : i32
      %add3A_1196 = arith.addi %mul3A_180, %mul3A_1195 : i32
      %and3A_1197 = arith.constant 7 : i32
      %and3A_1198 = arith.andi %min3A_1193, %and3A_1197 : i32
      %dma_start3A_1199 = arith.constant 0 : i32
      %dma_start3A_1200 = arith.constant 0 : i32
      %dma_start3A_1201 = tpu.memref_slice %arg7[%and3A_1198, %dma_start3A_1200] : memref<8x80xi32, #tpu.memory_space<vmem>> -> memref<1x80xi32, #tpu.memory_space<vmem>>
      %dma_start3A_1202 = tpu.memref_squeeze %dma_start3A_1201 : memref<1x80xi32, #tpu.memory_space<vmem>> -> memref<80xi32, #tpu.memory_space<vmem>>
      %dma_start3A_1203 = tpu.memref_slice %arg3[%dma_start3A_1199, %add3A_1196] : memref<2x320000xi32, #tpu.memory_space<hbm>> -> memref<1x80xi32, #tpu.memory_space<hbm>>
      %dma_start3A_1204 = tpu.memref_squeeze %dma_start3A_1203 : memref<1x80xi32, #tpu.memory_space<hbm>> -> memref<80xi32, #tpu.memory_space<hbm>>
      %dma_start3A_1205 = arith.constant 0 : i32
      %dma_start3A_1206 = tpu.memref_slice %arg7[%and3A_1198, %dma_start3A_1205] : memref<8x80xi32, #tpu.memory_space<vmem>> -> memref<1x80xi32, #tpu.memory_space<vmem>>
      %dma_start3A_1207 = tpu.memref_squeeze %dma_start3A_1206 : memref<1x80xi32, #tpu.memory_space<vmem>> -> memref<80xi32, #tpu.memory_space<vmem>>
      %dma_start3A_1208 = tpu.memref_slice %arg3[%dma_start3A_1199, %add3A_1196] : memref<2x320000xi32, #tpu.memory_space<hbm>> -> memref<1x80xi32, #tpu.memory_space<hbm>>
      %dma_start3A_1209 = tpu.memref_squeeze %dma_start3A_1208 : memref<1x80xi32, #tpu.memory_space<hbm>> -> memref<80xi32, #tpu.memory_space<hbm>>
      tpu.enqueue_dma source(%dma_start3A_1209 : memref<80xi32, #tpu.memory_space<hbm>>) target(%dma_start3A_1207 : memref<80xi32, #tpu.memory_space<vmem>>) target_semaphore(%arg20 : memref<!tpu.dma_semaphore, #tpu.memory_space<semaphore_mem>>)
      %dma_start3A_1210 = arith.constant 1 : i32
      %dma_start3A_1211 = arith.constant 0 : i32
      %dma_start3A_1212 = tpu.memref_slice %arg8[%and3A_1198, %dma_start3A_1211] : memref<8x80xi32, #tpu.memory_space<vmem>> -> memref<1x80xi32, #tpu.memory_space<vmem>>
      %dma_start3A_1213 = tpu.memref_squeeze %dma_start3A_1212 : memref<1x80xi32, #tpu.memory_space<vmem>> -> memref<80xi32, #tpu.memory_space<vmem>>
      %dma_start3A_1214 = tpu.memref_slice %arg3[%dma_start3A_1210, %add3A_1196] : memref<2x320000xi32, #tpu.memory_space<hbm>> -> memref<1x80xi32, #tpu.memory_space<hbm>>
      %dma_start3A_1215 = tpu.memref_squeeze %dma_start3A_1214 : memref<1x80xi32, #tpu.memory_space<hbm>> -> memref<80xi32, #tpu.memory_space<hbm>>
      %dma_start3A_1216 = arith.constant 0 : i32
      %dma_start3A_1217 = tpu.memref_slice %arg8[%and3A_1198, %dma_start3A_1216] : memref<8x80xi32, #tpu.memory_space<vmem>> -> memref<1x80xi32, #tpu.memory_space<vmem>>
      %dma_start3A_1218 = tpu.memref_squeeze %dma_start3A_1217 : memref<1x80xi32, #tpu.memory_space<vmem>> -> memref<80xi32, #tpu.memory_space<vmem>>
      %dma_start3A_1219 = tpu.memref_slice %arg3[%dma_start3A_1210, %add3A_1196] : memref<2x320000xi32, #tpu.memory_space<hbm>> -> memref<1x80xi32, #tpu.memory_space<hbm>>
      %dma_start3A_1220 = tpu.memref_squeeze %dma_start3A_1219 : memref<1x80xi32, #tpu.memory_space<hbm>> -> memref<80xi32, #tpu.memory_space<hbm>>
      tpu.enqueue_dma source(%dma_start3A_1220 : memref<80xi32, #tpu.memory_space<hbm>>) target(%dma_start3A_1218 : memref<80xi32, #tpu.memory_space<vmem>>) target_semaphore(%arg21 : memref<!tpu.dma_semaphore, #tpu.memory_space<semaphore_mem>>)
      %add3A_1221 = arith.constant 1 : i32
      %add3A_1222 = arith.addi %add3A_1081, %add3A_1221 : i32
      %and3A_1223 = arith.constant 7 : i32
      %and3A_1224 = arith.andi %add3A_1222, %and3A_1223 : i32
      %dma_wait3A_1225 = arith.constant 0 : i32
      %dma_wait3A_1226 = arith.constant 0 : i32
      %dma_wait3A_1227 = tpu.memref_slice %arg7[%and3A_1224, %dma_wait3A_1226] : memref<8x80xi32, #tpu.memory_space<vmem>> -> memref<1x80xi32, #tpu.memory_space<vmem>>
      %dma_wait3A_1228 = tpu.memref_squeeze %dma_wait3A_1227 : memref<1x80xi32, #tpu.memory_space<vmem>> -> memref<80xi32, #tpu.memory_space<vmem>>
      %dma_wait3A_1229 = arith.constant 0 : i32
      %dma_wait3A_1230 = tpu.memref_slice %arg3[%dma_wait3A_1225, %dma_wait3A_1229] : memref<2x320000xi32, #tpu.memory_space<hbm>> -> memref<1x80xi32, #tpu.memory_space<hbm>>
      %dma_wait3A_1231 = tpu.memref_squeeze %dma_wait3A_1230 : memref<1x80xi32, #tpu.memory_space<hbm>> -> memref<80xi32, #tpu.memory_space<hbm>>
      %dma_wait3A_1232 = arith.constant 0 : i32
      %dma_wait3A_1233 = tpu.memref_slice %arg7[%and3A_1224, %dma_wait3A_1232] : memref<8x80xi32, #tpu.memory_space<vmem>> -> memref<1x80xi32, #tpu.memory_space<vmem>>
      %dma_wait3A_1234 = tpu.memref_squeeze %dma_wait3A_1233 : memref<1x80xi32, #tpu.memory_space<vmem>> -> memref<80xi32, #tpu.memory_space<vmem>>
      %dma_wait3A_1235 = arith.constant 0 : i32
      %dma_wait3A_1236 = tpu.memref_slice %arg3[%dma_wait3A_1225, %dma_wait3A_1235] : memref<2x320000xi32, #tpu.memory_space<hbm>> -> memref<1x80xi32, #tpu.memory_space<hbm>>
      %dma_wait3A_1237 = tpu.memref_squeeze %dma_wait3A_1236 : memref<1x80xi32, #tpu.memory_space<hbm>> -> memref<80xi32, #tpu.memory_space<hbm>>
      tpu.wait_dma2 semaphore(%arg20 : memref<!tpu.dma_semaphore, #tpu.memory_space<semaphore_mem>>) src(%dma_wait3A_1237 : memref<80xi32, #tpu.memory_space<hbm>>) dst(%dma_wait3A_1234 : memref<80xi32, #tpu.memory_space<vmem>>)
      %dma_wait3A_1238 = arith.constant 1 : i32
      %dma_wait3A_1239 = arith.constant 0 : i32
      %dma_wait3A_1240 = tpu.memref_slice %arg8[%and3A_1224, %dma_wait3A_1239] : memref<8x80xi32, #tpu.memory_space<vmem>> -> memref<1x80xi32, #tpu.memory_space<vmem>>
      %dma_wait3A_1241 = tpu.memref_squeeze %dma_wait3A_1240 : memref<1x80xi32, #tpu.memory_space<vmem>> -> memref<80xi32, #tpu.memory_space<vmem>>
      %dma_wait3A_1242 = arith.constant 0 : i32
      %dma_wait3A_1243 = tpu.memref_slice %arg3[%dma_wait3A_1238, %dma_wait3A_1242] : memref<2x320000xi32, #tpu.memory_space<hbm>> -> memref<1x80xi32, #tpu.memory_space<hbm>>
      %dma_wait3A_1244 = tpu.memref_squeeze %dma_wait3A_1243 : memref<1x80xi32, #tpu.memory_space<hbm>> -> memref<80xi32, #tpu.memory_space<hbm>>
      %dma_wait3A_1245 = arith.constant 0 : i32
      %dma_wait3A_1246 = tpu.memref_slice %arg8[%and3A_1224, %dma_wait3A_1245] : memref<8x80xi32, #tpu.memory_space<vmem>> -> memref<1x80xi32, #tpu.memory_space<vmem>>
      %dma_wait3A_1247 = tpu.memref_squeeze %dma_wait3A_1246 : memref<1x80xi32, #tpu.memory_space<vmem>> -> memref<80xi32, #tpu.memory_space<vmem>>
      %dma_wait3A_1248 = arith.constant 0 : i32
      %dma_wait3A_1249 = tpu.memref_slice %arg3[%dma_wait3A_1238, %dma_wait3A_1248] : memref<2x320000xi32, #tpu.memory_space<hbm>> -> memref<1x80xi32, #tpu.memory_space<hbm>>
      %dma_wait3A_1250 = tpu.memref_squeeze %dma_wait3A_1249 : memref<1x80xi32, #tpu.memory_space<hbm>> -> memref<80xi32, #tpu.memory_space<hbm>>
      tpu.wait_dma2 semaphore(%arg21 : memref<!tpu.dma_semaphore, #tpu.memory_space<semaphore_mem>>) src(%dma_wait3A_1250 : memref<80xi32, #tpu.memory_space<hbm>>) dst(%dma_wait3A_1247 : memref<80xi32, #tpu.memory_space<vmem>>)
      %sub3A_1251 = arith.constant 3 : i32
      %sub3A_1252 = arith.subi %add3A_1222, %sub3A_1251 : i32
      %and3A_1253 = arith.constant 7 : i32
      %and3A_1254 = arith.andi %sub3A_1252, %and3A_1253 : i32
      %dma_wait3A_1255 = arith.constant 0 : i32
      %dma_wait3A_1256 = tpu.memref_slice %arg8[%and3A_1254, %dma_wait3A_1255] : memref<8x80xi32, #tpu.memory_space<vmem>> -> memref<1x80xi32, #tpu.memory_space<vmem>>
      %dma_wait3A_1257 = tpu.memref_squeeze %dma_wait3A_1256 : memref<1x80xi32, #tpu.memory_space<vmem>> -> memref<80xi32, #tpu.memory_space<vmem>>
      %dma_wait3A_1258 = arith.constant 0 : i32
      %dma_wait3A_1259 = arith.constant 0 : i32
      %dma_wait3A_1260 = tpu.memref_slice %arg6[%dma_wait3A_1258, %dma_wait3A_1259] : memref<10240x128xf32, #tpu.memory_space<vmem_shared>> -> memref<10240x128xf32, #tpu.memory_space<vmem_shared>>
      tpu.wait_indirect_dma semaphore(%arg17 : memref<!tpu.dma_semaphore, #tpu.memory_space<semaphore_mem>>) src(%arg9 : memref<80x128xf32, #tpu.memory_space<vmem>>) dst(%dma_wait3A_1260 : memref<10240x128xf32, #tpu.memory_space<vmem_shared>>)
      %and3A_1261 = arith.constant 7 : i32
      %and3A_1262 = arith.andi %add3A_1222, %and3A_1261 : i32
      %dma_start3A_1263 = arith.constant 0 : i32
      %dma_start3A_1264 = arith.constant 0 : i32
      %dma_start3A_1265 = tpu.memref_slice %arg9[%dma_start3A_1263, %dma_start3A_1264] : memref<80x128xf32, #tpu.memory_space<vmem>> -> memref<40x128xf32, #tpu.memory_space<vmem>>
      %dma_start3A_1266 = arith.constant 0 : i32
      %dma_start3A_1267 = tpu.memref_slice %arg7[%and3A_1262, %dma_start3A_1266] : memref<8x80xi32, #tpu.memory_space<vmem>> -> memref<1x40xi32, #tpu.memory_space<vmem>>
      %dma_start3A_1268 = tpu.memref_squeeze %dma_start3A_1267 : memref<1x40xi32, #tpu.memory_space<vmem>> -> memref<40xi32, #tpu.memory_space<vmem>>
      %dma_start3A_1269 = arith.constant 0 : i32
      %dma_start3A_1270 = arith.constant 0 : i32
      %dma_start3A_1271 = tpu.memref_slice %arg2[%dma_start3A_1269, %dma_start3A_1270] : memref<10000x128xf32, #tpu.memory_space<hbm>> -> memref<10000x128xf32, #tpu.memory_space<hbm>>
      tpu.enqueue_indirect_dma source(%dma_start3A_1271 : memref<10000x128xf32, #tpu.memory_space<hbm>>) target(%dma_start3A_1265 : memref<40x128xf32, #tpu.memory_space<vmem>>) offsets(%dma_start3A_1268 : memref<40xi32, #tpu.memory_space<vmem>>) semaphore(%arg14 : memref<!tpu.dma_semaphore, #tpu.memory_space<semaphore_mem>>)
      %dma_start3A_1272 = arith.constant 40 : i32
      %dma_start3A_1273 = arith.constant 0 : i32
      %dma_start3A_1274 = tpu.memref_slice %arg9[%dma_start3A_1272, %dma_start3A_1273] : memref<80x128xf32, #tpu.memory_space<vmem>> -> memref<40x128xf32, #tpu.memory_space<vmem>>
      %dma_start3A_1275 = arith.constant 40 : i32
      %dma_start3A_1276 = tpu.memref_slice %arg7[%and3A_1262, %dma_start3A_1275] : memref<8x80xi32, #tpu.memory_space<vmem>> -> memref<1x40xi32, #tpu.memory_space<vmem>>
      %dma_start3A_1277 = tpu.memref_squeeze %dma_start3A_1276 : memref<1x40xi32, #tpu.memory_space<vmem>> -> memref<40xi32, #tpu.memory_space<vmem>>
      %dma_start3A_1278 = arith.constant 0 : i32
      %dma_start3A_1279 = arith.constant 0 : i32
      %dma_start3A_1280 = tpu.memref_slice %arg2[%dma_start3A_1278, %dma_start3A_1279] : memref<10000x128xf32, #tpu.memory_space<hbm>> -> memref<10000x128xf32, #tpu.memory_space<hbm>>
      tpu.enqueue_indirect_dma source(%dma_start3A_1280 : memref<10000x128xf32, #tpu.memory_space<hbm>>) target(%dma_start3A_1274 : memref<40x128xf32, #tpu.memory_space<vmem>>) offsets(%dma_start3A_1277 : memref<40xi32, #tpu.memory_space<vmem>>) semaphore(%arg14 : memref<!tpu.dma_semaphore, #tpu.memory_space<semaphore_mem>>)
      %sub3A_1281 = arith.constant 2 : i32
      %sub3A_1282 = arith.subi %add3A_1222, %sub3A_1281 : i32
      %and3A_1283 = arith.constant 7 : i32
      %and3A_1284 = arith.andi %sub3A_1282, %and3A_1283 : i32
      %dma_wait3A_1285 = arith.constant 0 : i32
      %dma_wait3A_1286 = arith.constant 0 : i32
      %dma_wait3A_1287 = tpu.memref_slice %arg10[%dma_wait3A_1285, %dma_wait3A_1286] : memref<80x128xf32, #tpu.memory_space<vmem>> -> memref<40x128xf32, #tpu.memory_space<vmem>>
      %dma_wait3A_1288 = arith.constant 0 : i32
      %dma_wait3A_1289 = tpu.memref_slice %arg7[%and3A_1284, %dma_wait3A_1288] : memref<8x80xi32, #tpu.memory_space<vmem>> -> memref<1x40xi32, #tpu.memory_space<vmem>>
      %dma_wait3A_1290 = tpu.memref_squeeze %dma_wait3A_1289 : memref<1x40xi32, #tpu.memory_space<vmem>> -> memref<40xi32, #tpu.memory_space<vmem>>
      %dma_wait3A_1291 = arith.constant 0 : i32
      %dma_wait3A_1292 = arith.constant 0 : i32
      %dma_wait3A_1293 = tpu.memref_slice %arg2[%dma_wait3A_1291, %dma_wait3A_1292] : memref<10000x128xf32, #tpu.memory_space<hbm>> -> memref<10000x128xf32, #tpu.memory_space<hbm>>
      tpu.wait_indirect_dma semaphore(%arg15 : memref<!tpu.dma_semaphore, #tpu.memory_space<semaphore_mem>>) src(%dma_wait3A_1293 : memref<10000x128xf32, #tpu.memory_space<hbm>>) dst(%dma_wait3A_1287 : memref<40x128xf32, #tpu.memory_space<vmem>>)
      %dma_wait3A_1294 = arith.constant 40 : i32
      %dma_wait3A_1295 = arith.constant 0 : i32
      %dma_wait3A_1296 = tpu.memref_slice %arg10[%dma_wait3A_1294, %dma_wait3A_1295] : memref<80x128xf32, #tpu.memory_space<vmem>> -> memref<40x128xf32, #tpu.memory_space<vmem>>
      %dma_wait3A_1297 = arith.constant 40 : i32
      %dma_wait3A_1298 = tpu.memref_slice %arg7[%and3A_1284, %dma_wait3A_1297] : memref<8x80xi32, #tpu.memory_space<vmem>> -> memref<1x40xi32, #tpu.memory_space<vmem>>
      %dma_wait3A_1299 = tpu.memref_squeeze %dma_wait3A_1298 : memref<1x40xi32, #tpu.memory_space<vmem>> -> memref<40xi32, #tpu.memory_space<vmem>>
      %dma_wait3A_1300 = arith.constant 0 : i32
      %dma_wait3A_1301 = arith.constant 0 : i32
      %dma_wait3A_1302 = tpu.memref_slice %arg2[%dma_wait3A_1300, %dma_wait3A_1301] : memref<10000x128xf32, #tpu.memory_space<hbm>> -> memref<10000x128xf32, #tpu.memory_space<hbm>>
      tpu.wait_indirect_dma semaphore(%arg15 : memref<!tpu.dma_semaphore, #tpu.memory_space<semaphore_mem>>) src(%dma_wait3A_1302 : memref<10000x128xf32, #tpu.memory_space<hbm>>) dst(%dma_wait3A_1296 : memref<40x128xf32, #tpu.memory_space<vmem>>)
      %sub3A_1303 = arith.constant 2 : i32
      %sub3A_1304 = arith.subi %add3A_1222, %sub3A_1303 : i32
      %and3A_1305 = arith.constant 7 : i32
      %and3A_1306 = arith.andi %sub3A_1304, %and3A_1305 : i32
      %get3A_1307 = arith.index_cast %and3A_1306 : i32 to index
      %get3A_1308 = arith.constant 0 : index
      %get3A_1309 = tpu.vector_load %arg8[%get3A_1307, %get3A_1308] {strides = array<i32>} : memref<8x80xi32, #tpu.memory_space<vmem>>, vector<16xi32>,
      tpu.vector_store_idx %arg13[%get3A_1309], %broadcast_in_dim3A_178 {add = true} : memref<10240xf32, #tpu.memory_space<vmem>>[vector<16xi32>], vector<16xf32>,
      %get3A_1310 = arith.index_cast %and3A_1306 : i32 to index
      %get3A_1311 = arith.constant 16 : index
      %get3A_1312 = tpu.vector_load %arg8[%get3A_1310, %get3A_1311] {strides = array<i32>} : memref<8x80xi32, #tpu.memory_space<vmem>>, vector<16xi32>,
      tpu.vector_store_idx %arg13[%get3A_1312], %broadcast_in_dim3A_178 {add = true} : memref<10240xf32, #tpu.memory_space<vmem>>[vector<16xi32>], vector<16xf32>,
      %get3A_1313 = arith.index_cast %and3A_1306 : i32 to index
      %get3A_1314 = arith.constant 32 : index
      %get3A_1315 = tpu.vector_load %arg8[%get3A_1313, %get3A_1314] {strides = array<i32>} : memref<8x80xi32, #tpu.memory_space<vmem>>, vector<16xi32>,
      tpu.vector_store_idx %arg13[%get3A_1315], %broadcast_in_dim3A_178 {add = true} : memref<10240xf32, #tpu.memory_space<vmem>>[vector<16xi32>], vector<16xf32>,
      %get3A_1316 = arith.index_cast %and3A_1306 : i32 to index
      %get3A_1317 = arith.constant 48 : index
      %get3A_1318 = tpu.vector_load %arg8[%get3A_1316, %get3A_1317] {strides = array<i32>} : memref<8x80xi32, #tpu.memory_space<vmem>>, vector<16xi32>,
      tpu.vector_store_idx %arg13[%get3A_1318], %broadcast_in_dim3A_178 {add = true} : memref<10240xf32, #tpu.memory_space<vmem>>[vector<16xi32>], vector<16xf32>,
      %get3A_1319 = arith.index_cast %and3A_1306 : i32 to index
      %get3A_1320 = arith.constant 64 : index
      %get3A_1321 = tpu.vector_load %arg8[%get3A_1319, %get3A_1320] {strides = array<i32>} : memref<8x80xi32, #tpu.memory_space<vmem>>, vector<16xi32>,
      tpu.vector_store_idx %arg13[%get3A_1321], %broadcast_in_dim3A_178 {add = true} : memref<10240xf32, #tpu.memory_space<vmem>>[vector<16xi32>], vector<16xf32>,
      %sub3A_1322 = arith.constant 2 : i32
      %sub3A_1323 = arith.subi %add3A_1222, %sub3A_1322 : i32
      %and3A_1324 = arith.constant 7 : i32
      %and3A_1325 = arith.andi %sub3A_1323, %and3A_1324 : i32
      %dma_start3A_1326 = arith.constant 0 : i32
      %dma_start3A_1327 = tpu.memref_slice %arg8[%and3A_1325, %dma_start3A_1326] : memref<8x80xi32, #tpu.memory_space<vmem>> -> memref<1x80xi32, #tpu.memory_space<vmem>>
      %dma_start3A_1328 = tpu.memref_squeeze %dma_start3A_1327 : memref<1x80xi32, #tpu.memory_space<vmem>> -> memref<80xi32, #tpu.memory_space<vmem>>
      %dma_start3A_1329 = arith.constant 0 : i32
      %dma_start3A_1330 = arith.constant 0 : i32
      %dma_start3A_1331 = tpu.memref_slice %arg6[%dma_start3A_1329, %dma_start3A_1330] : memref<10240x128xf32, #tpu.memory_space<vmem_shared>> -> memref<10240x128xf32, #tpu.memory_space<vmem_shared>>
      tpu.enqueue_indirect_dma source(%arg10 : memref<80x128xf32, #tpu.memory_space<vmem>>) target(%dma_start3A_1331 : memref<10240x128xf32, #tpu.memory_space<vmem_shared>>) offsets(%dma_start3A_1328 : memref<80xi32, #tpu.memory_space<vmem>>) semaphore(%arg18 : memref<!tpu.dma_semaphore, #tpu.memory_space<semaphore_mem>>) {add = true}
      %add3A_1332 = arith.constant 4 : i32
      %add3A_1333 = arith.addi %add3A_1222, %add3A_1332 : i32
      %min3A_1334 = arith.constant 124 : i32
      %min3A_1335 = arith.minsi %add3A_1333, %min3A_1334 : i32
      %mul3A_1336 = arith.constant 80 : i32
      %mul3A_1337 = arith.muli %min3A_1335, %mul3A_1336 : i32
      %add3A_1338 = arith.addi %mul3A_180, %mul3A_1337 : i32
      %and3A_1339 = arith.constant 7 : i32
      %and3A_1340 = arith.andi %min3A_1335, %and3A_1339 : i32
      %dma_start3A_1341 = arith.constant 0 : i32
      %dma_start3A_1342 = arith.constant 0 : i32
      %dma_start3A_1343 = tpu.memref_slice %arg7[%and3A_1340, %dma_start3A_1342] : memref<8x80xi32, #tpu.memory_space<vmem>> -> memref<1x80xi32, #tpu.memory_space<vmem>>
      %dma_start3A_1344 = tpu.memref_squeeze %dma_start3A_1343 : memref<1x80xi32, #tpu.memory_space<vmem>> -> memref<80xi32, #tpu.memory_space<vmem>>
      %dma_start3A_1345 = tpu.memref_slice %arg3[%dma_start3A_1341, %add3A_1338] : memref<2x320000xi32, #tpu.memory_space<hbm>> -> memref<1x80xi32, #tpu.memory_space<hbm>>
      %dma_start3A_1346 = tpu.memref_squeeze %dma_start3A_1345 : memref<1x80xi32, #tpu.memory_space<hbm>> -> memref<80xi32, #tpu.memory_space<hbm>>
      %dma_start3A_1347 = arith.constant 0 : i32
      %dma_start3A_1348 = tpu.memref_slice %arg7[%and3A_1340, %dma_start3A_1347] : memref<8x80xi32, #tpu.memory_space<vmem>> -> memref<1x80xi32, #tpu.memory_space<vmem>>
      %dma_start3A_1349 = tpu.memref_squeeze %dma_start3A_1348 : memref<1x80xi32, #tpu.memory_space<vmem>> -> memref<80xi32, #tpu.memory_space<vmem>>
      %dma_start3A_1350 = tpu.memref_slice %arg3[%dma_start3A_1341, %add3A_1338] : memref<2x320000xi32, #tpu.memory_space<hbm>> -> memref<1x80xi32, #tpu.memory_space<hbm>>
      %dma_start3A_1351 = tpu.memref_squeeze %dma_start3A_1350 : memref<1x80xi32, #tpu.memory_space<hbm>> -> memref<80xi32, #tpu.memory_space<hbm>>
      tpu.enqueue_dma source(%dma_start3A_1351 : memref<80xi32, #tpu.memory_space<hbm>>) target(%dma_start3A_1349 : memref<80xi32, #tpu.memory_space<vmem>>) target_semaphore(%arg20 : memref<!tpu.dma_semaphore, #tpu.memory_space<semaphore_mem>>)
      %dma_start3A_1352 = arith.constant 1 : i32
      %dma_start3A_1353 = arith.constant 0 : i32
      %dma_start3A_1354 = tpu.memref_slice %arg8[%and3A_1340, %dma_start3A_1353] : memref<8x80xi32, #tpu.memory_space<vmem>> -> memref<1x80xi32, #tpu.memory_space<vmem>>
      %dma_start3A_1355 = tpu.memref_squeeze %dma_start3A_1354 : memref<1x80xi32, #tpu.memory_space<vmem>> -> memref<80xi32, #tpu.memory_space<vmem>>
      %dma_start3A_1356 = tpu.memref_slice %arg3[%dma_start3A_1352, %add3A_1338] : memref<2x320000xi32, #tpu.memory_space<hbm>> -> memref<1x80xi32, #tpu.memory_space<hbm>>
      %dma_start3A_1357 = tpu.memref_squeeze %dma_start3A_1356 : memref<1x80xi32, #tpu.memory_space<hbm>> -> memref<80xi32, #tpu.memory_space<hbm>>
      %dma_start3A_1358 = arith.constant 0 : i32
      %dma_start3A_1359 = tpu.memref_slice %arg8[%and3A_1340, %dma_start3A_1358] : memref<8x80xi32, #tpu.memory_space<vmem>> -> memref<1x80xi32, #tpu.memory_space<vmem>>
      %dma_start3A_1360 = tpu.memref_squeeze %dma_start3A_1359 : memref<1x80xi32, #tpu.memory_space<vmem>> -> memref<80xi32, #tpu.memory_space<vmem>>
      %dma_start3A_1361 = tpu.memref_slice %arg3[%dma_start3A_1352, %add3A_1338] : memref<2x320000xi32, #tpu.memory_space<hbm>> -> memref<1x80xi32, #tpu.memory_space<hbm>>
      %dma_start3A_1362 = tpu.memref_squeeze %dma_start3A_1361 : memref<1x80xi32, #tpu.memory_space<hbm>> -> memref<80xi32, #tpu.memory_space<hbm>>
      tpu.enqueue_dma source(%dma_start3A_1362 : memref<80xi32, #tpu.memory_space<hbm>>) target(%dma_start3A_1360 : memref<80xi32, #tpu.memory_space<vmem>>) target_semaphore(%arg21 : memref<!tpu.dma_semaphore, #tpu.memory_space<semaphore_mem>>)
      %add3A_1363 = arith.constant 2 : i32
      %add3A_1364 = arith.addi %add3A_1081, %add3A_1363 : i32
      %and3A_1365 = arith.constant 7 : i32
      %and3A_1366 = arith.andi %add3A_1364, %and3A_1365 : i32
      %dma_wait3A_1367 = arith.constant 0 : i32
      %dma_wait3A_1368 = arith.constant 0 : i32
      %dma_wait3A_1369 = tpu.memref_slice %arg7[%and3A_1366, %dma_wait3A_1368] : memref<8x80xi32, #tpu.memory_space<vmem>> -> memref<1x80xi32, #tpu.memory_space<vmem>>
      %dma_wait3A_1370 = tpu.memref_squeeze %dma_wait3A_1369 : memref<1x80xi32, #tpu.memory_space<vmem>> -> memref<80xi32, #tpu.memory_space<vmem>>
      %dma_wait3A_1371 = arith.constant 0 : i32
      %dma_wait3A_1372 = tpu.memref_slice %arg3[%dma_wait3A_1367, %dma_wait3A_1371] : memref<2x320000xi32, #tpu.memory_space<hbm>> -> memref<1x80xi32, #tpu.memory_space<hbm>>
      %dma_wait3A_1373 = tpu.memref_squeeze %dma_wait3A_1372 : memref<1x80xi32, #tpu.memory_space<hbm>> -> memref<80xi32, #tpu.memory_space<hbm>>
      %dma_wait3A_1374 = arith.constant 0 : i32
      %dma_wait3A_1375 = tpu.memref_slice %arg7[%and3A_1366, %dma_wait3A_1374] : memref<8x80xi32, #tpu.memory_space<vmem>> -> memref<1x80xi32, #tpu.memory_space<vmem>>
      %dma_wait3A_1376 = tpu.memref_squeeze %dma_wait3A_1375 : memref<1x80xi32, #tpu.memory_space<vmem>> -> memref<80xi32, #tpu.memory_space<vmem>>
      %dma_wait3A_1377 = arith.constant 0 : i32
      %dma_wait3A_1378 = tpu.memref_slice %arg3[%dma_wait3A_1367, %dma_wait3A_1377] : memref<2x320000xi32, #tpu.memory_space<hbm>> -> memref<1x80xi32, #tpu.memory_space<hbm>>
      %dma_wait3A_1379 = tpu.memref_squeeze %dma_wait3A_1378 : memref<1x80xi32, #tpu.memory_space<hbm>> -> memref<80xi32, #tpu.memory_space<hbm>>
      tpu.wait_dma2 semaphore(%arg20 : memref<!tpu.dma_semaphore, #tpu.memory_space<semaphore_mem>>) src(%dma_wait3A_1379 : memref<80xi32, #tpu.memory_space<hbm>>) dst(%dma_wait3A_1376 : memref<80xi32, #tpu.memory_space<vmem>>)
      %dma_wait3A_1380 = arith.constant 1 : i32
      %dma_wait3A_1381 = arith.constant 0 : i32
      %dma_wait3A_1382 = tpu.memref_slice %arg8[%and3A_1366, %dma_wait3A_1381] : memref<8x80xi32, #tpu.memory_space<vmem>> -> memref<1x80xi32, #tpu.memory_space<vmem>>
      %dma_wait3A_1383 = tpu.memref_squeeze %dma_wait3A_1382 : memref<1x80xi32, #tpu.memory_space<vmem>> -> memref<80xi32, #tpu.memory_space<vmem>>
      %dma_wait3A_1384 = arith.constant 0 : i32
      %dma_wait3A_1385 = tpu.memref_slice %arg3[%dma_wait3A_1380, %dma_wait3A_1384] : memref<2x320000xi32, #tpu.memory_space<hbm>> -> memref<1x80xi32, #tpu.memory_space<hbm>>
      %dma_wait3A_1386 = tpu.memref_squeeze %dma_wait3A_1385 : memref<1x80xi32, #tpu.memory_space<hbm>> -> memref<80xi32, #tpu.memory_space<hbm>>
      %dma_wait3A_1387 = arith.constant 0 : i32
      %dma_wait3A_1388 = tpu.memref_slice %arg8[%and3A_1366, %dma_wait3A_1387] : memref<8x80xi32, #tpu.memory_space<vmem>> -> memref<1x80xi32, #tpu.memory_space<vmem>>
      %dma_wait3A_1389 = tpu.memref_squeeze %dma_wait3A_1388 : memref<1x80xi32, #tpu.memory_space<vmem>> -> memref<80xi32, #tpu.memory_space<vmem>>
      %dma_wait3A_1390 = arith.constant 0 : i32
      %dma_wait3A_1391 = tpu.memref_slice %arg3[%dma_wait3A_1380, %dma_wait3A_1390] : memref<2x320000xi32, #tpu.memory_space<hbm>> -> memref<1x80xi32, #tpu.memory_space<hbm>>
      %dma_wait3A_1392 = tpu.memref_squeeze %dma_wait3A_1391 : memref<1x80xi32, #tpu.memory_space<hbm>> -> memref<80xi32, #tpu.memory_space<hbm>>
      tpu.wait_dma2 semaphore(%arg21 : memref<!tpu.dma_semaphore, #tpu.memory_space<semaphore_mem>>) src(%dma_wait3A_1392 : memref<80xi32, #tpu.memory_space<hbm>>) dst(%dma_wait3A_1389 : memref<80xi32, #tpu.memory_space<vmem>>)
      %sub3A_1393 = arith.constant 3 : i32
      %sub3A_1394 = arith.subi %add3A_1364, %sub3A_1393 : i32
      %and3A_1395 = arith.constant 7 : i32
      %and3A_1396 = arith.andi %sub3A_1394, %and3A_1395 : i32
      %dma_wait3A_1397 = arith.constant 0 : i32
      %dma_wait3A_1398 = tpu.memref_slice %arg8[%and3A_1396, %dma_wait3A_1397] : memref<8x80xi32, #tpu.memory_space<vmem>> -> memref<1x80xi32, #tpu.memory_space<vmem>>
      %dma_wait3A_1399 = tpu.memref_squeeze %dma_wait3A_1398 : memref<1x80xi32, #tpu.memory_space<vmem>> -> memref<80xi32, #tpu.memory_space<vmem>>
      %dma_wait3A_1400 = arith.constant 0 : i32
      %dma_wait3A_1401 = arith.constant 0 : i32
      %dma_wait3A_1402 = tpu.memref_slice %arg6[%dma_wait3A_1400, %dma_wait3A_1401] : memref<10240x128xf32, #tpu.memory_space<vmem_shared>> -> memref<10240x128xf32, #tpu.memory_space<vmem_shared>>
      tpu.wait_indirect_dma semaphore(%arg18 : memref<!tpu.dma_semaphore, #tpu.memory_space<semaphore_mem>>) src(%arg10 : memref<80x128xf32, #tpu.memory_space<vmem>>) dst(%dma_wait3A_1402 : memref<10240x128xf32, #tpu.memory_space<vmem_shared>>)
      %and3A_1403 = arith.constant 7 : i32
      %and3A_1404 = arith.andi %add3A_1364, %and3A_1403 : i32
      %dma_start3A_1405 = arith.constant 0 : i32
      %dma_start3A_1406 = arith.constant 0 : i32
      %dma_start3A_1407 = tpu.memref_slice %arg10[%dma_start3A_1405, %dma_start3A_1406] : memref<80x128xf32, #tpu.memory_space<vmem>> -> memref<40x128xf32, #tpu.memory_space<vmem>>
      %dma_start3A_1408 = arith.constant 0 : i32
      %dma_start3A_1409 = tpu.memref_slice %arg7[%and3A_1404, %dma_start3A_1408] : memref<8x80xi32, #tpu.memory_space<vmem>> -> memref<1x40xi32, #tpu.memory_space<vmem>>
      %dma_start3A_1410 = tpu.memref_squeeze %dma_start3A_1409 : memref<1x40xi32, #tpu.memory_space<vmem>> -> memref<40xi32, #tpu.memory_space<vmem>>
      %dma_start3A_1411 = arith.constant 0 : i32
      %dma_start3A_1412 = arith.constant 0 : i32
      %dma_start3A_1413 = tpu.memref_slice %arg2[%dma_start3A_1411, %dma_start3A_1412] : memref<10000x128xf32, #tpu.memory_space<hbm>> -> memref<10000x128xf32, #tpu.memory_space<hbm>>
      tpu.enqueue_indirect_dma source(%dma_start3A_1413 : memref<10000x128xf32, #tpu.memory_space<hbm>>) target(%dma_start3A_1407 : memref<40x128xf32, #tpu.memory_space<vmem>>) offsets(%dma_start3A_1410 : memref<40xi32, #tpu.memory_space<vmem>>) semaphore(%arg15 : memref<!tpu.dma_semaphore, #tpu.memory_space<semaphore_mem>>)
      %dma_start3A_1414 = arith.constant 40 : i32
      %dma_start3A_1415 = arith.constant 0 : i32
      %dma_start3A_1416 = tpu.memref_slice %arg10[%dma_start3A_1414, %dma_start3A_1415] : memref<80x128xf32, #tpu.memory_space<vmem>> -> memref<40x128xf32, #tpu.memory_space<vmem>>
      %dma_start3A_1417 = arith.constant 40 : i32
      %dma_start3A_1418 = tpu.memref_slice %arg7[%and3A_1404, %dma_start3A_1417] : memref<8x80xi32, #tpu.memory_space<vmem>> -> memref<1x40xi32, #tpu.memory_space<vmem>>
      %dma_start3A_1419 = tpu.memref_squeeze %dma_start3A_1418 : memref<1x40xi32, #tpu.memory_space<vmem>> -> memref<40xi32, #tpu.memory_space<vmem>>
      %dma_start3A_1420 = arith.constant 0 : i32
      %dma_start3A_1421 = arith.constant 0 : i32
      %dma_start3A_1422 = tpu.memref_slice %arg2[%dma_start3A_1420, %dma_start3A_1421] : memref<10000x128xf32, #tpu.memory_space<hbm>> -> memref<10000x128xf32, #tpu.memory_space<hbm>>
      tpu.enqueue_indirect_dma source(%dma_start3A_1422 : memref<10000x128xf32, #tpu.memory_space<hbm>>) target(%dma_start3A_1416 : memref<40x128xf32, #tpu.memory_space<vmem>>) offsets(%dma_start3A_1419 : memref<40xi32, #tpu.memory_space<vmem>>) semaphore(%arg15 : memref<!tpu.dma_semaphore, #tpu.memory_space<semaphore_mem>>)
      %sub3A_1423 = arith.constant 2 : i32
      %sub3A_1424 = arith.subi %add3A_1364, %sub3A_1423 : i32
      %and3A_1425 = arith.constant 7 : i32
      %and3A_1426 = arith.andi %sub3A_1424, %and3A_1425 : i32
      %dma_wait3A_1427 = arith.constant 0 : i32
      %dma_wait3A_1428 = arith.constant 0 : i32
      %dma_wait3A_1429 = tpu.memref_slice %arg11[%dma_wait3A_1427, %dma_wait3A_1428] : memref<80x128xf32, #tpu.memory_space<vmem>> -> memref<40x128xf32, #tpu.memory_space<vmem>>
      %dma_wait3A_1430 = arith.constant 0 : i32
      %dma_wait3A_1431 = tpu.memref_slice %arg7[%and3A_1426, %dma_wait3A_1430] : memref<8x80xi32, #tpu.memory_space<vmem>> -> memref<1x40xi32, #tpu.memory_space<vmem>>
      %dma_wait3A_1432 = tpu.memref_squeeze %dma_wait3A_1431 : memref<1x40xi32, #tpu.memory_space<vmem>> -> memref<40xi32, #tpu.memory_space<vmem>>
      %dma_wait3A_1433 = arith.constant 0 : i32
      %dma_wait3A_1434 = arith.constant 0 : i32
      %dma_wait3A_1435 = tpu.memref_slice %arg2[%dma_wait3A_1433, %dma_wait3A_1434] : memref<10000x128xf32, #tpu.memory_space<hbm>> -> memref<10000x128xf32, #tpu.memory_space<hbm>>
      tpu.wait_indirect_dma semaphore(%arg16 : memref<!tpu.dma_semaphore, #tpu.memory_space<semaphore_mem>>) src(%dma_wait3A_1435 : memref<10000x128xf32, #tpu.memory_space<hbm>>) dst(%dma_wait3A_1429 : memref<40x128xf32, #tpu.memory_space<vmem>>)
      %dma_wait3A_1436 = arith.constant 40 : i32
      %dma_wait3A_1437 = arith.constant 0 : i32
      %dma_wait3A_1438 = tpu.memref_slice %arg11[%dma_wait3A_1436, %dma_wait3A_1437] : memref<80x128xf32, #tpu.memory_space<vmem>> -> memref<40x128xf32, #tpu.memory_space<vmem>>
      %dma_wait3A_1439 = arith.constant 40 : i32
      %dma_wait3A_1440 = tpu.memref_slice %arg7[%and3A_1426, %dma_wait3A_1439] : memref<8x80xi32, #tpu.memory_space<vmem>> -> memref<1x40xi32, #tpu.memory_space<vmem>>
      %dma_wait3A_1441 = tpu.memref_squeeze %dma_wait3A_1440 : memref<1x40xi32, #tpu.memory_space<vmem>> -> memref<40xi32, #tpu.memory_space<vmem>>
      %dma_wait3A_1442 = arith.constant 0 : i32
      %dma_wait3A_1443 = arith.constant 0 : i32
      %dma_wait3A_1444 = tpu.memref_slice %arg2[%dma_wait3A_1442, %dma_wait3A_1443] : memref<10000x128xf32, #tpu.memory_space<hbm>> -> memref<10000x128xf32, #tpu.memory_space<hbm>>
      tpu.wait_indirect_dma semaphore(%arg16 : memref<!tpu.dma_semaphore, #tpu.memory_space<semaphore_mem>>) src(%dma_wait3A_1444 : memref<10000x128xf32, #tpu.memory_space<hbm>>) dst(%dma_wait3A_1438 : memref<40x128xf32, #tpu.memory_space<vmem>>)
      %sub3A_1445 = arith.constant 2 : i32
      %sub3A_1446 = arith.subi %add3A_1364, %sub3A_1445 : i32
      %and3A_1447 = arith.constant 7 : i32
      %and3A_1448 = arith.andi %sub3A_1446, %and3A_1447 : i32
      %get3A_1449 = arith.index_cast %and3A_1448 : i32 to index
      %get3A_1450 = arith.constant 0 : index
      %get3A_1451 = tpu.vector_load %arg8[%get3A_1449, %get3A_1450] {strides = array<i32>} : memref<8x80xi32, #tpu.memory_space<vmem>>, vector<16xi32>,
      tpu.vector_store_idx %arg13[%get3A_1451], %broadcast_in_dim3A_178 {add = true} : memref<10240xf32, #tpu.memory_space<vmem>>[vector<16xi32>], vector<16xf32>,
      %get3A_1452 = arith.index_cast %and3A_1448 : i32 to index
      %get3A_1453 = arith.constant 16 : index
      %get3A_1454 = tpu.vector_load %arg8[%get3A_1452, %get3A_1453] {strides = array<i32>} : memref<8x80xi32, #tpu.memory_space<vmem>>, vector<16xi32>,
      tpu.vector_store_idx %arg13[%get3A_1454], %broadcast_in_dim3A_178 {add = true} : memref<10240xf32, #tpu.memory_space<vmem>>[vector<16xi32>], vector<16xf32>,
      %get3A_1455 = arith.index_cast %and3A_1448 : i32 to index
      %get3A_1456 = arith.constant 32 : index
      %get3A_1457 = tpu.vector_load %arg8[%get3A_1455, %get3A_1456] {strides = array<i32>} : memref<8x80xi32, #tpu.memory_space<vmem>>, vector<16xi32>,
      tpu.vector_store_idx %arg13[%get3A_1457], %broadcast_in_dim3A_178 {add = true} : memref<10240xf32, #tpu.memory_space<vmem>>[vector<16xi32>], vector<16xf32>,
      %get3A_1458 = arith.index_cast %and3A_1448 : i32 to index
      %get3A_1459 = arith.constant 48 : index
      %get3A_1460 = tpu.vector_load %arg8[%get3A_1458, %get3A_1459] {strides = array<i32>} : memref<8x80xi32, #tpu.memory_space<vmem>>, vector<16xi32>,
      tpu.vector_store_idx %arg13[%get3A_1460], %broadcast_in_dim3A_178 {add = true} : memref<10240xf32, #tpu.memory_space<vmem>>[vector<16xi32>], vector<16xf32>,
      %get3A_1461 = arith.index_cast %and3A_1448 : i32 to index
      %get3A_1462 = arith.constant 64 : index
      %get3A_1463 = tpu.vector_load %arg8[%get3A_1461, %get3A_1462] {strides = array<i32>} : memref<8x80xi32, #tpu.memory_space<vmem>>, vector<16xi32>,
      tpu.vector_store_idx %arg13[%get3A_1463], %broadcast_in_dim3A_178 {add = true} : memref<10240xf32, #tpu.memory_space<vmem>>[vector<16xi32>], vector<16xf32>,
      %sub3A_1464 = arith.constant 2 : i32
      %sub3A_1465 = arith.subi %add3A_1364, %sub3A_1464 : i32
      %and3A_1466 = arith.constant 7 : i32
      %and3A_1467 = arith.andi %sub3A_1465, %and3A_1466 : i32
      %dma_start3A_1468 = arith.constant 0 : i32
      %dma_start3A_1469 = tpu.memref_slice %arg8[%and3A_1467, %dma_start3A_1468] : memref<8x80xi32, #tpu.memory_space<vmem>> -> memref<1x80xi32, #tpu.memory_space<vmem>>
      %dma_start3A_1470 = tpu.memref_squeeze %dma_start3A_1469 : memref<1x80xi32, #tpu.memory_space<vmem>> -> memref<80xi32, #tpu.memory_space<vmem>>
      %dma_start3A_1471 = arith.constant 0 : i32
      %dma_start3A_1472 = arith.constant 0 : i32
      %dma_start3A_1473 = tpu.memref_slice %arg6[%dma_start3A_1471, %dma_start3A_1472] : memref<10240x128xf32, #tpu.memory_space<vmem_shared>> -> memref<10240x128xf32, #tpu.memory_space<vmem_shared>>
      tpu.enqueue_indirect_dma source(%arg11 : memref<80x128xf32, #tpu.memory_space<vmem>>) target(%dma_start3A_1473 : memref<10240x128xf32, #tpu.memory_space<vmem_shared>>) offsets(%dma_start3A_1470 : memref<80xi32, #tpu.memory_space<vmem>>) semaphore(%arg19 : memref<!tpu.dma_semaphore, #tpu.memory_space<semaphore_mem>>) {add = true}
      %add3A_1474 = arith.constant 4 : i32
      %add3A_1475 = arith.addi %add3A_1364, %add3A_1474 : i32
      %min3A_1476 = arith.constant 124 : i32
      %min3A_1477 = arith.minsi %add3A_1475, %min3A_1476 : i32
      %mul3A_1478 = arith.constant 80 : i32
      %mul3A_1479 = arith.muli %min3A_1477, %mul3A_1478 : i32
      %add3A_1480 = arith.addi %mul3A_180, %mul3A_1479 : i32
      %and3A_1481 = arith.constant 7 : i32
      %and3A_1482 = arith.andi %min3A_1477, %and3A_1481 : i32
      %dma_start3A_1483 = arith.constant 0 : i32
      %dma_start3A_1484 = arith.constant 0 : i32
      %dma_start3A_1485 = tpu.memref_slice %arg7[%and3A_1482, %dma_start3A_1484] : memref<8x80xi32, #tpu.memory_space<vmem>> -> memref<1x80xi32, #tpu.memory_space<vmem>>
      %dma_start3A_1486 = tpu.memref_squeeze %dma_start3A_1485 : memref<1x80xi32, #tpu.memory_space<vmem>> -> memref<80xi32, #tpu.memory_space<vmem>>
      %dma_start3A_1487 = tpu.memref_slice %arg3[%dma_start3A_1483, %add3A_1480] : memref<2x320000xi32, #tpu.memory_space<hbm>> -> memref<1x80xi32, #tpu.memory_space<hbm>>
      %dma_start3A_1488 = tpu.memref_squeeze %dma_start3A_1487 : memref<1x80xi32, #tpu.memory_space<hbm>> -> memref<80xi32, #tpu.memory_space<hbm>>
      %dma_start3A_1489 = arith.constant 0 : i32
      %dma_start3A_1490 = tpu.memref_slice %arg7[%and3A_1482, %dma_start3A_1489] : memref<8x80xi32, #tpu.memory_space<vmem>> -> memref<1x80xi32, #tpu.memory_space<vmem>>
      %dma_start3A_1491 = tpu.memref_squeeze %dma_start3A_1490 : memref<1x80xi32, #tpu.memory_space<vmem>> -> memref<80xi32, #tpu.memory_space<vmem>>
      %dma_start3A_1492 = tpu.memref_slice %arg3[%dma_start3A_1483, %add3A_1480] : memref<2x320000xi32, #tpu.memory_space<hbm>> -> memref<1x80xi32, #tpu.memory_space<hbm>>
      %dma_start3A_1493 = tpu.memref_squeeze %dma_start3A_1492 : memref<1x80xi32, #tpu.memory_space<hbm>> -> memref<80xi32, #tpu.memory_space<hbm>>
      tpu.enqueue_dma source(%dma_start3A_1493 : memref<80xi32, #tpu.memory_space<hbm>>) target(%dma_start3A_1491 : memref<80xi32, #tpu.memory_space<vmem>>) target_semaphore(%arg20 : memref<!tpu.dma_semaphore, #tpu.memory_space<semaphore_mem>>)
      %dma_start3A_1494 = arith.constant 1 : i32
      %dma_start3A_1495 = arith.constant 0 : i32
      %dma_start3A_1496 = tpu.memref_slice %arg8[%and3A_1482, %dma_start3A_1495] : memref<8x80xi32, #tpu.memory_space<vmem>> -> memref<1x80xi32, #tpu.memory_space<vmem>>
      %dma_start3A_1497 = tpu.memref_squeeze %dma_start3A_1496 : memref<1x80xi32, #tpu.memory_space<vmem>> -> memref<80xi32, #tpu.memory_space<vmem>>
      %dma_start3A_1498 = tpu.memref_slice %arg3[%dma_start3A_1494, %add3A_1480] : memref<2x320000xi32, #tpu.memory_space<hbm>> -> memref<1x80xi32, #tpu.memory_space<hbm>>
      %dma_start3A_1499 = tpu.memref_squeeze %dma_start3A_1498 : memref<1x80xi32, #tpu.memory_space<hbm>> -> memref<80xi32, #tpu.memory_space<hbm>>
      %dma_start3A_1500 = arith.constant 0 : i32
      %dma_start3A_1501 = tpu.memref_slice %arg8[%and3A_1482, %dma_start3A_1500] : memref<8x80xi32, #tpu.memory_space<vmem>> -> memref<1x80xi32, #tpu.memory_space<vmem>>
      %dma_start3A_1502 = tpu.memref_squeeze %dma_start3A_1501 : memref<1x80xi32, #tpu.memory_space<vmem>> -> memref<80xi32, #tpu.memory_space<vmem>>
      %dma_start3A_1503 = tpu.memref_slice %arg3[%dma_start3A_1494, %add3A_1480] : memref<2x320000xi32, #tpu.memory_space<hbm>> -> memref<1x80xi32, #tpu.memory_space<hbm>>
      %dma_start3A_1504 = tpu.memref_squeeze %dma_start3A_1503 : memref<1x80xi32, #tpu.memory_space<hbm>> -> memref<80xi32, #tpu.memory_space<hbm>>
      tpu.enqueue_dma source(%dma_start3A_1504 : memref<80xi32, #tpu.memory_space<hbm>>) target(%dma_start3A_1502 : memref<80xi32, #tpu.memory_space<vmem>>) target_semaphore(%arg21 : memref<!tpu.dma_semaphore, #tpu.memory_space<semaphore_mem>>)
      %scan3A_1505 = arith.constant 0 : i32
      scf.yield %scan3A_1505 : i32
    }
    %scan3A_847 = arith.constant 40 : i32
    %dma_wait3A_848 = arith.constant 3 : i32
    %dma_wait3A_849 = arith.constant 0 : i32
    %dma_wait3A_850 = arith.constant 0 : i32
    %dma_wait3A_851 = tpu.memref_slice %arg9[%dma_wait3A_849, %dma_wait3A_850] : memref<80x128xf32, #tpu.memory_space<vmem>> -> memref<40x128xf32, #tpu.memory_space<vmem>>
    %dma_wait3A_852 = arith.constant 0 : i32
    %dma_wait3A_853 = tpu.memref_slice %arg7[%dma_wait3A_848, %dma_wait3A_852] : memref<8x80xi32, #tpu.memory_space<vmem>> -> memref<1x40xi32, #tpu.memory_space<vmem>>
    %dma_wait3A_854 = tpu.memref_squeeze %dma_wait3A_853 : memref<1x40xi32, #tpu.memory_space<vmem>> -> memref<40xi32, #tpu.memory_space<vmem>>
    %dma_wait3A_855 = arith.constant 0 : i32
    %dma_wait3A_856 = arith.constant 0 : i32
    %dma_wait3A_857 = tpu.memref_slice %arg2[%dma_wait3A_855, %dma_wait3A_856] : memref<10000x128xf32, #tpu.memory_space<hbm>> -> memref<10000x128xf32, #tpu.memory_space<hbm>>
    tpu.wait_indirect_dma semaphore(%arg14 : memref<!tpu.dma_semaphore, #tpu.memory_space<semaphore_mem>>) src(%dma_wait3A_857 : memref<10000x128xf32, #tpu.memory_space<hbm>>) dst(%dma_wait3A_851 : memref<40x128xf32, #tpu.memory_space<vmem>>)
    %dma_wait3A_858 = arith.constant 3 : i32
    %dma_wait3A_859 = arith.constant 40 : i32
    %dma_wait3A_860 = arith.constant 0 : i32
    %dma_wait3A_861 = tpu.memref_slice %arg9[%dma_wait3A_859, %dma_wait3A_860] : memref<80x128xf32, #tpu.memory_space<vmem>> -> memref<40x128xf32, #tpu.memory_space<vmem>>
    %dma_wait3A_862 = arith.constant 40 : i32
    %dma_wait3A_863 = tpu.memref_slice %arg7[%dma_wait3A_858, %dma_wait3A_862] : memref<8x80xi32, #tpu.memory_space<vmem>> -> memref<1x40xi32, #tpu.memory_space<vmem>>
    %dma_wait3A_864 = tpu.memref_squeeze %dma_wait3A_863 : memref<1x40xi32, #tpu.memory_space<vmem>> -> memref<40xi32, #tpu.memory_space<vmem>>
    %dma_wait3A_865 = arith.constant 0 : i32
    %dma_wait3A_866 = arith.constant 0 : i32
    %dma_wait3A_867 = tpu.memref_slice %arg2[%dma_wait3A_865, %dma_wait3A_866] : memref<10000x128xf32, #tpu.memory_space<hbm>> -> memref<10000x128xf32, #tpu.memory_space<hbm>>
    tpu.wait_indirect_dma semaphore(%arg14 : memref<!tpu.dma_semaphore, #tpu.memory_space<semaphore_mem>>) src(%dma_wait3A_867 : memref<10000x128xf32, #tpu.memory_space<hbm>>) dst(%dma_wait3A_861 : memref<40x128xf32, #tpu.memory_space<vmem>>)
    %get3A_868 = arith.constant 3 : i32
    %get3A_869 = arith.index_cast %get3A_868 : i32 to index
    %get3A_870 = arith.constant 0 : index
    %get3A_871 = tpu.vector_load %arg8[%get3A_869, %get3A_870] {strides = array<i32>} : memref<8x80xi32, #tpu.memory_space<vmem>>, vector<16xi32>,
    tpu.vector_store_idx %arg13[%get3A_871], %broadcast_in_dim3A_178 {add = true} : memref<10240xf32, #tpu.memory_space<vmem>>[vector<16xi32>], vector<16xf32>,
    %get3A_872 = arith.constant 3 : i32
    %get3A_873 = arith.index_cast %get3A_872 : i32 to index
    %get3A_874 = arith.constant 16 : index
    %get3A_875 = tpu.vector_load %arg8[%get3A_873, %get3A_874] {strides = array<i32>} : memref<8x80xi32, #tpu.memory_space<vmem>>, vector<16xi32>,
    tpu.vector_store_idx %arg13[%get3A_875], %broadcast_in_dim3A_178 {add = true} : memref<10240xf32, #tpu.memory_space<vmem>>[vector<16xi32>], vector<16xf32>,
    %get3A_876 = arith.constant 3 : i32
    %get3A_877 = arith.index_cast %get3A_876 : i32 to index
    %get3A_878 = arith.constant 32 : index
    %get3A_879 = tpu.vector_load %arg8[%get3A_877, %get3A_878] {strides = array<i32>} : memref<8x80xi32, #tpu.memory_space<vmem>>, vector<16xi32>,
    tpu.vector_store_idx %arg13[%get3A_879], %broadcast_in_dim3A_178 {add = true} : memref<10240xf32, #tpu.memory_space<vmem>>[vector<16xi32>], vector<16xf32>,
    %get3A_880 = arith.constant 3 : i32
    %get3A_881 = arith.index_cast %get3A_880 : i32 to index
    %get3A_882 = arith.constant 48 : index
    %get3A_883 = tpu.vector_load %arg8[%get3A_881, %get3A_882] {strides = array<i32>} : memref<8x80xi32, #tpu.memory_space<vmem>>, vector<16xi32>,
    tpu.vector_store_idx %arg13[%get3A_883], %broadcast_in_dim3A_178 {add = true} : memref<10240xf32, #tpu.memory_space<vmem>>[vector<16xi32>], vector<16xf32>,
    %get3A_884 = arith.constant 3 : i32
    %get3A_885 = arith.index_cast %get3A_884 : i32 to index
    %get3A_886 = arith.constant 64 : index
    %get3A_887 = tpu.vector_load %arg8[%get3A_885, %get3A_886] {strides = array<i32>} : memref<8x80xi32, #tpu.memory_space<vmem>>, vector<16xi32>,
    tpu.vector_store_idx %arg13[%get3A_887], %broadcast_in_dim3A_178 {add = true} : memref<10240xf32, #tpu.memory_space<vmem>>[vector<16xi32>], vector<16xf32>,
    %dma_start3A_888 = arith.constant 3 : i32
    %dma_start3A_889 = arith.constant 0 : i32
    %dma_start3A_890 = tpu.memref_slice %arg8[%dma_start3A_888, %dma_start3A_889] : memref<8x80xi32, #tpu.memory_space<vmem>> -> memref<1x80xi32, #tpu.memory_space<vmem>>
    %dma_start3A_891 = tpu.memref_squeeze %dma_start3A_890 : memref<1x80xi32, #tpu.memory_space<vmem>> -> memref<80xi32, #tpu.memory_space<vmem>>
    %dma_start3A_892 = arith.constant 0 : i32
    %dma_start3A_893 = arith.constant 0 : i32
    %dma_start3A_894 = tpu.memref_slice %arg6[%dma_start3A_892, %dma_start3A_893] : memref<10240x128xf32, #tpu.memory_space<vmem_shared>> -> memref<10240x128xf32, #tpu.memory_space<vmem_shared>>
    tpu.enqueue_indirect_dma source(%arg9 : memref<80x128xf32, #tpu.memory_space<vmem>>) target(%dma_start3A_894 : memref<10240x128xf32, #tpu.memory_space<vmem_shared>>) offsets(%dma_start3A_891 : memref<80xi32, #tpu.memory_space<vmem>>) semaphore(%arg17 : memref<!tpu.dma_semaphore, #tpu.memory_space<semaphore_mem>>) {add = true}
    %dma_wait3A_895 = arith.constant 4 : i32
    %dma_wait3A_896 = arith.constant 0 : i32
    %dma_wait3A_897 = arith.constant 0 : i32
    %dma_wait3A_898 = tpu.memref_slice %arg10[%dma_wait3A_896, %dma_wait3A_897] : memref<80x128xf32, #tpu.memory_space<vmem>> -> memref<40x128xf32, #tpu.memory_space<vmem>>
    %dma_wait3A_899 = arith.constant 0 : i32
    %dma_wait3A_900 = tpu.memref_slice %arg7[%dma_wait3A_895, %dma_wait3A_899] : memref<8x80xi32, #tpu.memory_space<vmem>> -> memref<1x40xi32, #tpu.memory_space<vmem>>
    %dma_wait3A_901 = tpu.memref_squeeze %dma_wait3A_900 : memref<1x40xi32, #tpu.memory_space<vmem>> -> memref<40xi32, #tpu.memory_space<vmem>>
    %dma_wait3A_902 = arith.constant 0 : i32
    %dma_wait3A_903 = arith.constant 0 : i32
    %dma_wait3A_904 = tpu.memref_slice %arg2[%dma_wait3A_902, %dma_wait3A_903] : memref<10000x128xf32, #tpu.memory_space<hbm>> -> memref<10000x128xf32, #tpu.memory_space<hbm>>
    tpu.wait_indirect_dma semaphore(%arg15 : memref<!tpu.dma_semaphore, #tpu.memory_space<semaphore_mem>>) src(%dma_wait3A_904 : memref<10000x128xf32, #tpu.memory_space<hbm>>) dst(%dma_wait3A_898 : memref<40x128xf32, #tpu.memory_space<vmem>>)
    %dma_wait3A_905 = arith.constant 4 : i32
    %dma_wait3A_906 = arith.constant 40 : i32
    %dma_wait3A_907 = arith.constant 0 : i32
    %dma_wait3A_908 = tpu.memref_slice %arg10[%dma_wait3A_906, %dma_wait3A_907] : memref<80x128xf32, #tpu.memory_space<vmem>> -> memref<40x128xf32, #tpu.memory_space<vmem>>
    %dma_wait3A_909 = arith.constant 40 : i32
    %dma_wait3A_910 = tpu.memref_slice %arg7[%dma_wait3A_905, %dma_wait3A_909] : memref<8x80xi32, #tpu.memory_space<vmem>> -> memref<1x40xi32, #tpu.memory_space<vmem>>
    %dma_wait3A_911 = tpu.memref_squeeze %dma_wait3A_910 : memref<1x40xi32, #tpu.memory_space<vmem>> -> memref<40xi32, #tpu.memory_space<vmem>>
    %dma_wait3A_912 = arith.constant 0 : i32
    %dma_wait3A_913 = arith.constant 0 : i32
    %dma_wait3A_914 = tpu.memref_slice %arg2[%dma_wait3A_912, %dma_wait3A_913] : memref<10000x128xf32, #tpu.memory_space<hbm>> -> memref<10000x128xf32, #tpu.memory_space<hbm>>
    tpu.wait_indirect_dma semaphore(%arg15 : memref<!tpu.dma_semaphore, #tpu.memory_space<semaphore_mem>>) src(%dma_wait3A_914 : memref<10000x128xf32, #tpu.memory_space<hbm>>) dst(%dma_wait3A_908 : memref<40x128xf32, #tpu.memory_space<vmem>>)
    %get3A_915 = arith.constant 4 : i32
    %get3A_916 = arith.index_cast %get3A_915 : i32 to index
    %get3A_917 = arith.constant 0 : index
    %get3A_918 = tpu.vector_load %arg8[%get3A_916, %get3A_917] {strides = array<i32>} : memref<8x80xi32, #tpu.memory_space<vmem>>, vector<16xi32>,
    tpu.vector_store_idx %arg13[%get3A_918], %broadcast_in_dim3A_178 {add = true} : memref<10240xf32, #tpu.memory_space<vmem>>[vector<16xi32>], vector<16xf32>,
    %get3A_919 = arith.constant 4 : i32
    %get3A_920 = arith.index_cast %get3A_919 : i32 to index
    %get3A_921 = arith.constant 16 : index
    %get3A_922 = tpu.vector_load %arg8[%get3A_920, %get3A_921] {strides = array<i32>} : memref<8x80xi32, #tpu.memory_space<vmem>>, vector<16xi32>,
    tpu.vector_store_idx %arg13[%get3A_922], %broadcast_in_dim3A_178 {add = true} : memref<10240xf32, #tpu.memory_space<vmem>>[vector<16xi32>], vector<16xf32>,
    %get3A_923 = arith.constant 4 : i32
    %get3A_924 = arith.index_cast %get3A_923 : i32 to index
    %get3A_925 = arith.constant 32 : index
    %get3A_926 = tpu.vector_load %arg8[%get3A_924, %get3A_925] {strides = array<i32>} : memref<8x80xi32, #tpu.memory_space<vmem>>, vector<16xi32>,
    tpu.vector_store_idx %arg13[%get3A_926], %broadcast_in_dim3A_178 {add = true} : memref<10240xf32, #tpu.memory_space<vmem>>[vector<16xi32>], vector<16xf32>,
    %get3A_927 = arith.constant 4 : i32
    %get3A_928 = arith.index_cast %get3A_927 : i32 to index
    %get3A_929 = arith.constant 48 : index
    %get3A_930 = tpu.vector_load %arg8[%get3A_928, %get3A_929] {strides = array<i32>} : memref<8x80xi32, #tpu.memory_space<vmem>>, vector<16xi32>,
    tpu.vector_store_idx %arg13[%get3A_930], %broadcast_in_dim3A_178 {add = true} : memref<10240xf32, #tpu.memory_space<vmem>>[vector<16xi32>], vector<16xf32>,
    %get3A_931 = arith.constant 4 : i32
    %get3A_932 = arith.index_cast %get3A_931 : i32 to index
    %get3A_933 = arith.constant 64 : index
    %get3A_934 = tpu.vector_load %arg8[%get3A_932, %get3A_933] {strides = array<i32>} : memref<8x80xi32, #tpu.memory_space<vmem>>, vector<16xi32>,
    tpu.vector_store_idx %arg13[%get3A_934], %broadcast_in_dim3A_178 {add = true} : memref<10240xf32, #tpu.memory_space<vmem>>[vector<16xi32>], vector<16xf32>,
    %dma_start3A_935 = arith.constant 4 : i32
    %dma_start3A_936 = arith.constant 0 : i32
    %dma_start3A_937 = tpu.memref_slice %arg8[%dma_start3A_935, %dma_start3A_936] : memref<8x80xi32, #tpu.memory_space<vmem>> -> memref<1x80xi32, #tpu.memory_space<vmem>>
    %dma_start3A_938 = tpu.memref_squeeze %dma_start3A_937 : memref<1x80xi32, #tpu.memory_space<vmem>> -> memref<80xi32, #tpu.memory_space<vmem>>
    %dma_start3A_939 = arith.constant 0 : i32
    %dma_start3A_940 = arith.constant 0 : i32
    %dma_start3A_941 = tpu.memref_slice %arg6[%dma_start3A_939, %dma_start3A_940] : memref<10240x128xf32, #tpu.memory_space<vmem_shared>> -> memref<10240x128xf32, #tpu.memory_space<vmem_shared>>
    tpu.enqueue_indirect_dma source(%arg10 : memref<80x128xf32, #tpu.memory_space<vmem>>) target(%dma_start3A_941 : memref<10240x128xf32, #tpu.memory_space<vmem_shared>>) offsets(%dma_start3A_938 : memref<80xi32, #tpu.memory_space<vmem>>) semaphore(%arg18 : memref<!tpu.dma_semaphore, #tpu.memory_space<semaphore_mem>>) {add = true}
    %dma_wait3A_942 = arith.constant 2 : i32
    %dma_wait3A_943 = arith.constant 0 : i32
    %dma_wait3A_944 = tpu.memref_slice %arg8[%dma_wait3A_942, %dma_wait3A_943] : memref<8x80xi32, #tpu.memory_space<vmem>> -> memref<1x80xi32, #tpu.memory_space<vmem>>
    %dma_wait3A_945 = tpu.memref_squeeze %dma_wait3A_944 : memref<1x80xi32, #tpu.memory_space<vmem>> -> memref<80xi32, #tpu.memory_space<vmem>>
    %dma_wait3A_946 = arith.constant 0 : i32
    %dma_wait3A_947 = arith.constant 0 : i32
    %dma_wait3A_948 = tpu.memref_slice %arg6[%dma_wait3A_946, %dma_wait3A_947] : memref<10240x128xf32, #tpu.memory_space<vmem_shared>> -> memref<10240x128xf32, #tpu.memory_space<vmem_shared>>
    tpu.wait_indirect_dma semaphore(%arg19 : memref<!tpu.dma_semaphore, #tpu.memory_space<semaphore_mem>>) src(%arg11 : memref<80x128xf32, #tpu.memory_space<vmem>>) dst(%dma_wait3A_948 : memref<10240x128xf32, #tpu.memory_space<vmem_shared>>)
    %dma_wait3A_949 = arith.constant 3 : i32
    %dma_wait3A_950 = arith.constant 0 : i32
    %dma_wait3A_951 = tpu.memref_slice %arg8[%dma_wait3A_949, %dma_wait3A_950] : memref<8x80xi32, #tpu.memory_space<vmem>> -> memref<1x80xi32, #tpu.memory_space<vmem>>
    %dma_wait3A_952 = tpu.memref_squeeze %dma_wait3A_951 : memref<1x80xi32, #tpu.memory_space<vmem>> -> memref<80xi32, #tpu.memory_space<vmem>>
    %dma_wait3A_953 = arith.constant 0 : i32
    %dma_wait3A_954 = arith.constant 0 : i32
    %dma_wait3A_955 = tpu.memref_slice %arg6[%dma_wait3A_953, %dma_wait3A_954] : memref<10240x128xf32, #tpu.memory_space<vmem_shared>> -> memref<10240x128xf32, #tpu.memory_space<vmem_shared>>
    tpu.wait_indirect_dma semaphore(%arg17 : memref<!tpu.dma_semaphore, #tpu.memory_space<semaphore_mem>>) src(%arg9 : memref<80x128xf32, #tpu.memory_space<vmem>>) dst(%dma_wait3A_955 : memref<10240x128xf32, #tpu.memory_space<vmem_shared>>)
    %dma_wait3A_956 = arith.constant 4 : i32
    %dma_wait3A_957 = arith.constant 0 : i32
    %dma_wait3A_958 = tpu.memref_slice %arg8[%dma_wait3A_956, %dma_wait3A_957] : memref<8x80xi32, #tpu.memory_space<vmem>> -> memref<1x80xi32, #tpu.memory_space<vmem>>
    %dma_wait3A_959 = tpu.memref_squeeze %dma_wait3A_958 : memref<1x80xi32, #tpu.memory_space<vmem>> -> memref<80xi32, #tpu.memory_space<vmem>>
    %dma_wait3A_960 = arith.constant 0 : i32
    %dma_wait3A_961 = arith.constant 0 : i32
    %dma_wait3A_962 = tpu.memref_slice %arg6[%dma_wait3A_960, %dma_wait3A_961] : memref<10240x128xf32, #tpu.memory_space<vmem_shared>> -> memref<10240x128xf32, #tpu.memory_space<vmem_shared>>
    tpu.wait_indirect_dma semaphore(%arg18 : memref<!tpu.dma_semaphore, #tpu.memory_space<semaphore_mem>>) src(%arg10 : memref<80x128xf32, #tpu.memory_space<vmem>>) dst(%dma_wait3A_962 : memref<10240x128xf32, #tpu.memory_space<vmem_shared>>)
    %dma_wait3A_963 = arith.constant 0 : i32
    %dma_wait3A_964 = arith.constant 0 : i32
    %dma_wait3A_965 = arith.constant 0 : i32
    %dma_wait3A_966 = tpu.memref_slice %arg7[%dma_wait3A_964, %dma_wait3A_965] : memref<8x80xi32, #tpu.memory_space<vmem>> -> memref<1x80xi32, #tpu.memory_space<vmem>>
    %dma_wait3A_967 = tpu.memref_squeeze %dma_wait3A_966 : memref<1x80xi32, #tpu.memory_space<vmem>> -> memref<80xi32, #tpu.memory_space<vmem>>
    %dma_wait3A_968 = arith.constant 0 : i32
    %dma_wait3A_969 = tpu.memref_slice %arg3[%dma_wait3A_963, %dma_wait3A_968] : memref<2x320000xi32, #tpu.memory_space<hbm>> -> memref<1x80xi32, #tpu.memory_space<hbm>>
    %dma_wait3A_970 = tpu.memref_squeeze %dma_wait3A_969 : memref<1x80xi32, #tpu.memory_space<hbm>> -> memref<80xi32, #tpu.memory_space<hbm>>
    %dma_wait3A_971 = arith.constant 0 : i32
    %dma_wait3A_972 = tpu.memref_slice %arg7[%dma_wait3A_964, %dma_wait3A_971] : memref<8x80xi32, #tpu.memory_space<vmem>> -> memref<1x80xi32, #tpu.memory_space<vmem>>
    %dma_wait3A_973 = tpu.memref_squeeze %dma_wait3A_972 : memref<1x80xi32, #tpu.memory_space<vmem>> -> memref<80xi32, #tpu.memory_space<vmem>>
    %dma_wait3A_974 = arith.constant 0 : i32
    %dma_wait3A_975 = tpu.memref_slice %arg3[%dma_wait3A_963, %dma_wait3A_974] : memref<2x320000xi32, #tpu.memory_space<hbm>> -> memref<1x80xi32, #tpu.memory_space<hbm>>
    %dma_wait3A_976 = tpu.memref_squeeze %dma_wait3A_975 : memref<1x80xi32, #tpu.memory_space<hbm>> -> memref<80xi32, #tpu.memory_space<hbm>>
    tpu.wait_dma2 semaphore(%arg20 : memref<!tpu.dma_semaphore, #tpu.memory_space<semaphore_mem>>) src(%dma_wait3A_976 : memref<80xi32, #tpu.memory_space<hbm>>) dst(%dma_wait3A_973 : memref<80xi32, #tpu.memory_space<vmem>>)
    %dma_wait3A_977 = arith.constant 1 : i32
    %dma_wait3A_978 = arith.constant 0 : i32
    %dma_wait3A_979 = arith.constant 0 : i32
    %dma_wait3A_980 = tpu.memref_slice %arg8[%dma_wait3A_978, %dma_wait3A_979] : memref<8x80xi32, #tpu.memory_space<vmem>> -> memref<1x80xi32, #tpu.memory_space<vmem>>
    %dma_wait3A_981 = tpu.memref_squeeze %dma_wait3A_980 : memref<1x80xi32, #tpu.memory_space<vmem>> -> memref<80xi32, #tpu.memory_space<vmem>>
    %dma_wait3A_982 = arith.constant 0 : i32
    %dma_wait3A_983 = tpu.memref_slice %arg3[%dma_wait3A_977, %dma_wait3A_982] : memref<2x320000xi32, #tpu.memory_space<hbm>> -> memref<1x80xi32, #tpu.memory_space<hbm>>
    %dma_wait3A_984 = tpu.memref_squeeze %dma_wait3A_983 : memref<1x80xi32, #tpu.memory_space<hbm>> -> memref<80xi32, #tpu.memory_space<hbm>>
    %dma_wait3A_985 = arith.constant 0 : i32
    %dma_wait3A_986 = tpu.memref_slice %arg8[%dma_wait3A_978, %dma_wait3A_985] : memref<8x80xi32, #tpu.memory_space<vmem>> -> memref<1x80xi32, #tpu.memory_space<vmem>>
    %dma_wait3A_987 = tpu.memref_squeeze %dma_wait3A_986 : memref<1x80xi32, #tpu.memory_space<vmem>> -> memref<80xi32, #tpu.memory_space<vmem>>
    %dma_wait3A_988 = arith.constant 0 : i32
    %dma_wait3A_989 = tpu.memref_slice %arg3[%dma_wait3A_977, %dma_wait3A_988] : memref<2x320000xi32, #tpu.memory_space<hbm>> -> memref<1x80xi32, #tpu.memory_space<hbm>>
    %dma_wait3A_990 = tpu.memref_squeeze %dma_wait3A_989 : memref<1x80xi32, #tpu.memory_space<hbm>> -> memref<80xi32, #tpu.memory_space<hbm>>
    tpu.wait_dma2 semaphore(%arg21 : memref<!tpu.dma_semaphore, #tpu.memory_space<semaphore_mem>>) src(%dma_wait3A_990 : memref<80xi32, #tpu.memory_space<hbm>>) dst(%dma_wait3A_987 : memref<80xi32, #tpu.memory_space<vmem>>)
    %dma_wait3A_991 = arith.constant 0 : i32
    %dma_wait3A_992 = arith.constant 0 : i32
    %dma_wait3A_993 = arith.constant 0 : i32
    %dma_wait3A_994 = tpu.memref_slice %arg7[%dma_wait3A_992, %dma_wait3A_993] : memref<8x80xi32, #tpu.memory_space<vmem>> -> memref<1x80xi32, #tpu.memory_space<vmem>>
    %dma_wait3A_995 = tpu.memref_squeeze %dma_wait3A_994 : memref<1x80xi32, #tpu.memory_space<vmem>> -> memref<80xi32, #tpu.memory_space<vmem>>
    %dma_wait3A_996 = arith.constant 0 : i32
    %dma_wait3A_997 = tpu.memref_slice %arg3[%dma_wait3A_991, %dma_wait3A_996] : memref<2x320000xi32, #tpu.memory_space<hbm>> -> memref<1x80xi32, #tpu.memory_space<hbm>>
    %dma_wait3A_998 = tpu.memref_squeeze %dma_wait3A_997 : memref<1x80xi32, #tpu.memory_space<hbm>> -> memref<80xi32, #tpu.memory_space<hbm>>
    %dma_wait3A_999 = arith.constant 0 : i32
    %dma_wait3A_1000 = tpu.memref_slice %arg7[%dma_wait3A_992, %dma_wait3A_999] : memref<8x80xi32, #tpu.memory_space<vmem>> -> memref<1x80xi32, #tpu.memory_space<vmem>>
    %dma_wait3A_1001 = tpu.memref_squeeze %dma_wait3A_1000 : memref<1x80xi32, #tpu.memory_space<vmem>> -> memref<80xi32, #tpu.memory_space<vmem>>
    %dma_wait3A_1002 = arith.constant 0 : i32
    %dma_wait3A_1003 = tpu.memref_slice %arg3[%dma_wait3A_991, %dma_wait3A_1002] : memref<2x320000xi32, #tpu.memory_space<hbm>> -> memref<1x80xi32, #tpu.memory_space<hbm>>
    %dma_wait3A_1004 = tpu.memref_squeeze %dma_wait3A_1003 : memref<1x80xi32, #tpu.memory_space<hbm>> -> memref<80xi32, #tpu.memory_space<hbm>>
    tpu.wait_dma2 semaphore(%arg20 : memref<!tpu.dma_semaphore, #tpu.memory_space<semaphore_mem>>) src(%dma_wait3A_1004 : memref<80xi32, #tpu.memory_space<hbm>>) dst(%dma_wait3A_1001 : memref<80xi32, #tpu.memory_space<vmem>>)
    %dma_wait3A_1005 = arith.constant 1 : i32
    %dma_wait3A_1006 = arith.constant 0 : i32
    %dma_wait3A_1007 = arith.constant 0 : i32
    %dma_wait3A_1008 = tpu.memref_slice %arg8[%dma_wait3A_1006, %dma_wait3A_1007] : memref<8x80xi32, #tpu.memory_space<vmem>> -> memref<1x80xi32, #tpu.memory_space<vmem>>
    %dma_wait3A_1009 = tpu.memref_squeeze %dma_wait3A_1008 : memref<1x80xi32, #tpu.memory_space<vmem>> -> memref<80xi32, #tpu.memory_space<vmem>>
    %dma_wait3A_1010 = arith.constant 0 : i32
    %dma_wait3A_1011 = tpu.memref_slice %arg3[%dma_wait3A_1005, %dma_wait3A_1010] : memref<2x320000xi32, #tpu.memory_space<hbm>> -> memref<1x80xi32, #tpu.memory_space<hbm>>
    %dma_wait3A_1012 = tpu.memref_squeeze %dma_wait3A_1011 : memref<1x80xi32, #tpu.memory_space<hbm>> -> memref<80xi32, #tpu.memory_space<hbm>>
    %dma_wait3A_1013 = arith.constant 0 : i32
    %dma_wait3A_1014 = tpu.memref_slice %arg8[%dma_wait3A_1006, %dma_wait3A_1013] : memref<8x80xi32, #tpu.memory_space<vmem>> -> memref<1x80xi32, #tpu.memory_space<vmem>>
    %dma_wait3A_1015 = tpu.memref_squeeze %dma_wait3A_1014 : memref<1x80xi32, #tpu.memory_space<vmem>> -> memref<80xi32, #tpu.memory_space<vmem>>
    %dma_wait3A_1016 = arith.constant 0 : i32
    %dma_wait3A_1017 = tpu.memref_slice %arg3[%dma_wait3A_1005, %dma_wait3A_1016] : memref<2x320000xi32, #tpu.memory_space<hbm>> -> memref<1x80xi32, #tpu.memory_space<hbm>>
    %dma_wait3A_1018 = tpu.memref_squeeze %dma_wait3A_1017 : memref<1x80xi32, #tpu.memory_space<hbm>> -> memref<80xi32, #tpu.memory_space<hbm>>
    tpu.wait_dma2 semaphore(%arg21 : memref<!tpu.dma_semaphore, #tpu.memory_space<semaphore_mem>>) src(%dma_wait3A_1018 : memref<80xi32, #tpu.memory_space<hbm>>) dst(%dma_wait3A_1015 : memref<80xi32, #tpu.memory_space<vmem>>)
    %dma_wait3A_1019 = arith.constant 0 : i32
    %dma_wait3A_1020 = arith.constant 0 : i32
    %dma_wait3A_1021 = arith.constant 0 : i32
    %dma_wait3A_1022 = tpu.memref_slice %arg7[%dma_wait3A_1020, %dma_wait3A_1021] : memref<8x80xi32, #tpu.memory_space<vmem>> -> memref<1x80xi32, #tpu.memory_space<vmem>>
    %dma_wait3A_1023 = tpu.memref_squeeze %dma_wait3A_1022 : memref<1x80xi32, #tpu.memory_space<vmem>> -> memref<80xi32, #tpu.memory_space<vmem>>
    %dma_wait3A_1024 = arith.constant 0 : i32
    %dma_wait3A_1025 = tpu.memref_slice %arg3[%dma_wait3A_1019, %dma_wait3A_1024] : memref<2x320000xi32, #tpu.memory_space<hbm>> -> memref<1x80xi32, #tpu.memory_space<hbm>>
    %dma_wait3A_1026 = tpu.memref_squeeze %dma_wait3A_1025 : memref<1x80xi32, #tpu.memory_space<hbm>> -> memref<80xi32, #tpu.memory_space<hbm>>
    %dma_wait3A_1027 = arith.constant 0 : i32
    %dma_wait3A_1028 = tpu.memref_slice %arg7[%dma_wait3A_1020, %dma_wait3A_1027] : memref<8x80xi32, #tpu.memory_space<vmem>> -> memref<1x80xi32, #tpu.memory_space<vmem>>
    %dma_wait3A_1029 = tpu.memref_squeeze %dma_wait3A_1028 : memref<1x80xi32, #tpu.memory_space<vmem>> -> memref<80xi32, #tpu.memory_space<vmem>>
    %dma_wait3A_1030 = arith.constant 0 : i32
    %dma_wait3A_1031 = tpu.memref_slice %arg3[%dma_wait3A_1019, %dma_wait3A_1030] : memref<2x320000xi32, #tpu.memory_space<hbm>> -> memref<1x80xi32, #tpu.memory_space<hbm>>
    %dma_wait3A_1032 = tpu.memref_squeeze %dma_wait3A_1031 : memref<1x80xi32, #tpu.memory_space<hbm>> -> memref<80xi32, #tpu.memory_space<hbm>>
    tpu.wait_dma2 semaphore(%arg20 : memref<!tpu.dma_semaphore, #tpu.memory_space<semaphore_mem>>) src(%dma_wait3A_1032 : memref<80xi32, #tpu.memory_space<hbm>>) dst(%dma_wait3A_1029 : memref<80xi32, #tpu.memory_space<vmem>>)
    %dma_wait3A_1033 = arith.constant 1 : i32
    %dma_wait3A_1034 = arith.constant 0 : i32
    %dma_wait3A_1035 = arith.constant 0 : i32
    %dma_wait3A_1036 = tpu.memref_slice %arg8[%dma_wait3A_1034, %dma_wait3A_1035] : memref<8x80xi32, #tpu.memory_space<vmem>> -> memref<1x80xi32, #tpu.memory_space<vmem>>
    %dma_wait3A_1037 = tpu.memref_squeeze %dma_wait3A_1036 : memref<1x80xi32, #tpu.memory_space<vmem>> -> memref<80xi32, #tpu.memory_space<vmem>>
    %dma_wait3A_1038 = arith.constant 0 : i32
    %dma_wait3A_1039 = tpu.memref_slice %arg3[%dma_wait3A_1033, %dma_wait3A_1038] : memref<2x320000xi32, #tpu.memory_space<hbm>> -> memref<1x80xi32, #tpu.memory_space<hbm>>
    %dma_wait3A_1040 = tpu.memref_squeeze %dma_wait3A_1039 : memref<1x80xi32, #tpu.memory_space<hbm>> -> memref<80xi32, #tpu.memory_space<hbm>>
    %dma_wait3A_1041 = arith.constant 0 : i32
    %dma_wait3A_1042 = tpu.memref_slice %arg8[%dma_wait3A_1034, %dma_wait3A_1041] : memref<8x80xi32, #tpu.memory_space<vmem>> -> memref<1x80xi32, #tpu.memory_space<vmem>>
    %dma_wait3A_1043 = tpu.memref_squeeze %dma_wait3A_1042 : memref<1x80xi32, #tpu.memory_space<vmem>> -> memref<80xi32, #tpu.memory_space<vmem>>
    %dma_wait3A_1044 = arith.constant 0 : i32
    %dma_wait3A_1045 = tpu.memref_slice %arg3[%dma_wait3A_1033, %dma_wait3A_1044] : memref<2x320000xi32, #tpu.memory_space<hbm>> -> memref<1x80xi32, #tpu.memory_space<hbm>>
    %dma_wait3A_1046 = tpu.memref_squeeze %dma_wait3A_1045 : memref<1x80xi32, #tpu.memory_space<hbm>> -> memref<80xi32, #tpu.memory_space<hbm>>
    tpu.wait_dma2 semaphore(%arg21 : memref<!tpu.dma_semaphore, #tpu.memory_space<semaphore_mem>>) src(%dma_wait3A_1046 : memref<80xi32, #tpu.memory_space<hbm>>) dst(%dma_wait3A_1043 : memref<80xi32, #tpu.memory_space<vmem>>)
    %dma_wait3A_1047 = arith.constant 0 : i32
    %dma_wait3A_1048 = arith.constant 0 : i32
    %dma_wait3A_1049 = arith.constant 0 : i32
    %dma_wait3A_1050 = tpu.memref_slice %arg7[%dma_wait3A_1048, %dma_wait3A_1049] : memref<8x80xi32, #tpu.memory_space<vmem>> -> memref<1x80xi32, #tpu.memory_space<vmem>>
    %dma_wait3A_1051 = tpu.memref_squeeze %dma_wait3A_1050 : memref<1x80xi32, #tpu.memory_space<vmem>> -> memref<80xi32, #tpu.memory_space<vmem>>
    %dma_wait3A_1052 = arith.constant 0 : i32
    %dma_wait3A_1053 = tpu.memref_slice %arg3[%dma_wait3A_1047, %dma_wait3A_1052] : memref<2x320000xi32, #tpu.memory_space<hbm>> -> memref<1x80xi32, #tpu.memory_space<hbm>>
    %dma_wait3A_1054 = tpu.memref_squeeze %dma_wait3A_1053 : memref<1x80xi32, #tpu.memory_space<hbm>> -> memref<80xi32, #tpu.memory_space<hbm>>
    %dma_wait3A_1055 = arith.constant 0 : i32
    %dma_wait3A_1056 = tpu.memref_slice %arg7[%dma_wait3A_1048, %dma_wait3A_1055] : memref<8x80xi32, #tpu.memory_space<vmem>> -> memref<1x80xi32, #tpu.memory_space<vmem>>
    %dma_wait3A_1057 = tpu.memref_squeeze %dma_wait3A_1056 : memref<1x80xi32, #tpu.memory_space<vmem>> -> memref<80xi32, #tpu.memory_space<vmem>>
    %dma_wait3A_1058 = arith.constant 0 : i32
    %dma_wait3A_1059 = tpu.memref_slice %arg3[%dma_wait3A_1047, %dma_wait3A_1058] : memref<2x320000xi32, #tpu.memory_space<hbm>> -> memref<1x80xi32, #tpu.memory_space<hbm>>
    %dma_wait3A_1060 = tpu.memref_squeeze %dma_wait3A_1059 : memref<1x80xi32, #tpu.memory_space<hbm>> -> memref<80xi32, #tpu.memory_space<hbm>>
    tpu.wait_dma2 semaphore(%arg20 : memref<!tpu.dma_semaphore, #tpu.memory_space<semaphore_mem>>) src(%dma_wait3A_1060 : memref<80xi32, #tpu.memory_space<hbm>>) dst(%dma_wait3A_1057 : memref<80xi32, #tpu.memory_space<vmem>>)
    %dma_wait3A_1061 = arith.constant 1 : i32
    %dma_wait3A_1062 = arith.constant 0 : i32
    %dma_wait3A_1063 = arith.constant 0 : i32
    %dma_wait3A_1064 = tpu.memref_slice %arg8[%dma_wait3A_1062, %dma_wait3A_1063] : memref<8x80xi32, #tpu.memory_space<vmem>> -> memref<1x80xi32, #tpu.memory_space<vmem>>
    %dma_wait3A_1065 = tpu.memref_squeeze %dma_wait3A_1064 : memref<1x80xi32, #tpu.memory_space<vmem>> -> memref<80xi32, #tpu.memory_space<vmem>>
    %dma_wait3A_1066 = arith.constant 0 : i32
    %dma_wait3A_1067 = tpu.memref_slice %arg3[%dma_wait3A_1061, %dma_wait3A_1066] : memref<2x320000xi32, #tpu.memory_space<hbm>> -> memref<1x80xi32, #tpu.memory_space<hbm>>
    %dma_wait3A_1068 = tpu.memref_squeeze %dma_wait3A_1067 : memref<1x80xi32, #tpu.memory_space<hbm>> -> memref<80xi32, #tpu.memory_space<hbm>>
    %dma_wait3A_1069 = arith.constant 0 : i32
    %dma_wait3A_1070 = tpu.memref_slice %arg8[%dma_wait3A_1062, %dma_wait3A_1069] : memref<8x80xi32, #tpu.memory_space<vmem>> -> memref<1x80xi32, #tpu.memory_space<vmem>>
    %dma_wait3A_1071 = tpu.memref_squeeze %dma_wait3A_1070 : memref<1x80xi32, #tpu.memory_space<vmem>> -> memref<80xi32, #tpu.memory_space<vmem>>
    %dma_wait3A_1072 = arith.constant 0 : i32
    %dma_wait3A_1073 = tpu.memref_slice %arg3[%dma_wait3A_1061, %dma_wait3A_1072] : memref<2x320000xi32, #tpu.memory_space<hbm>> -> memref<1x80xi32, #tpu.memory_space<hbm>>
    %dma_wait3A_1074 = tpu.memref_squeeze %dma_wait3A_1073 : memref<1x80xi32, #tpu.memory_space<hbm>> -> memref<80xi32, #tpu.memory_space<hbm>>
    tpu.wait_dma2 semaphore(%arg21 : memref<!tpu.dma_semaphore, #tpu.memory_space<semaphore_mem>>) src(%dma_wait3A_1074 : memref<80xi32, #tpu.memory_space<hbm>>) dst(%dma_wait3A_1071 : memref<80xi32, #tpu.memory_space<vmem>>)
    %barrier3A_1075 = arith.constant 0 : index
    tpu.barrier barrier_id(%barrier3A_1075)
    "tpu.region"() ({
      %run_scoped3A = tpu.sem_alloc : memref<!tpu.dma_semaphore, #tpu.memory_space<semaphore_mem>>
      %dma_start3A_1076 = arith.constant 0 : i32
      %dma_start3A_1077 = tpu.memref_slice %arg4[%arg0, %mul3A_16, %dma_start3A_1076] : memref<2x10240x128xf32, #tpu.memory_space<hbm>> -> memref<1x640x128xf32, #tpu.memory_space<hbm>>
      %dma_start3A_1078 = tpu.memref_squeeze %dma_start3A_1077 : memref<1x640x128xf32, #tpu.memory_space<hbm>> -> memref<640x128xf32, #tpu.memory_space<hbm>>
      %dma_start3A_1079 = arith.constant 0 : i32
      %dma_start3A_1080 = tpu.memref_slice %arg6[%mul3A_16, %dma_start3A_1079] : memref<10240x128xf32, #tpu.memory_space<vmem_shared>> -> memref<640x128xf32, #tpu.memory_space<vmem_shared>>
      tpu.enqueue_dma source(%dma_start3A_1080 : memref<640x128xf32, #tpu.memory_space<vmem_shared>>) target(%dma_start3A_1078 : memref<640x128xf32, #tpu.memory_space<hbm>>) target_semaphore(%run_scoped3A : memref<!tpu.dma_semaphore, #tpu.memory_space<semaphore_mem>>)
      %dma_wait3A_1081 = arith.constant 0 : i32
      %dma_wait3A_1082 = tpu.memref_slice %arg4[%arg0, %mul3A_16, %dma_wait3A_1081] : memref<2x10240x128xf32, #tpu.memory_space<hbm>> -> memref<1x640x128xf32, #tpu.memory_space<hbm>>
      %dma_wait3A_1083 = tpu.memref_squeeze %dma_wait3A_1082 : memref<1x640x128xf32, #tpu.memory_space<hbm>> -> memref<640x128xf32, #tpu.memory_space<hbm>>
      %dma_wait3A_1084 = arith.constant 0 : i32
      %dma_wait3A_1085 = tpu.memref_slice %arg6[%mul3A_16, %dma_wait3A_1084] : memref<10240x128xf32, #tpu.memory_space<vmem_shared>> -> memref<640x128xf32, #tpu.memory_space<vmem_shared>>
      tpu.wait_dma2 semaphore(%run_scoped3A : memref<!tpu.dma_semaphore, #tpu.memory_space<semaphore_mem>>) src(%dma_wait3A_1085 : memref<640x128xf32, #tpu.memory_space<vmem_shared>>) dst(%dma_wait3A_1083 : memref<640x128xf32, #tpu.memory_space<hbm>>)
      tpu.yield
    }) : () -> ()
    "tpu.region"() ({
      %run_scoped3A = tpu.sem_alloc : memref<!tpu.dma_semaphore, #tpu.memory_space<semaphore_mem>>
      %dma_start3A_1076 = arith.constant 0 : i32
      %dma_start3A_1077 = tpu.memref_slice %arg5[%add3A, %dma_start3A_1076] : memref<32x10240xf32, #tpu.memory_space<hbm>> -> memref<1x10240xf32, #tpu.memory_space<hbm>>
      %dma_start3A_1078 = tpu.memref_squeeze %dma_start3A_1077 : memref<1x10240xf32, #tpu.memory_space<hbm>> -> memref<10240xf32, #tpu.memory_space<hbm>>
      %dma_start3A_1079 = arith.constant 0 : i32
      %dma_start3A_1080 = tpu.memref_slice %arg5[%add3A, %dma_start3A_1079] : memref<32x10240xf32, #tpu.memory_space<hbm>> -> memref<1x10240xf32, #tpu.memory_space<hbm>>
      %dma_start3A_1081 = tpu.memref_squeeze %dma_start3A_1080 : memref<1x10240xf32, #tpu.memory_space<hbm>> -> memref<10240xf32, #tpu.memory_space<hbm>>
      tpu.enqueue_dma source(%arg13 : memref<10240xf32, #tpu.memory_space<vmem>>) target(%dma_start3A_1081 : memref<10240xf32, #tpu.memory_space<hbm>>) target_semaphore(%run_scoped3A : memref<!tpu.dma_semaphore, #tpu.memory_space<semaphore_mem>>)
      %dma_wait3A_1082 = arith.constant 0 : i32
      %dma_wait3A_1083 = tpu.memref_slice %arg5[%add3A, %dma_wait3A_1082] : memref<32x10240xf32, #tpu.memory_space<hbm>> -> memref<1x10240xf32, #tpu.memory_space<hbm>>
      %dma_wait3A_1084 = tpu.memref_squeeze %dma_wait3A_1083 : memref<1x10240xf32, #tpu.memory_space<hbm>> -> memref<10240xf32, #tpu.memory_space<hbm>>
      %dma_wait3A_1085 = arith.constant 0 : i32
      %dma_wait3A_1086 = tpu.memref_slice %arg5[%add3A, %dma_wait3A_1085] : memref<32x10240xf32, #tpu.memory_space<hbm>> -> memref<1x10240xf32, #tpu.memory_space<hbm>>
      %dma_wait3A_1087 = tpu.memref_squeeze %dma_wait3A_1086 : memref<1x10240xf32, #tpu.memory_space<hbm>> -> memref<10240xf32, #tpu.memory_space<hbm>>
      tpu.wait_dma2 semaphore(%run_scoped3A : memref<!tpu.dma_semaphore, #tpu.memory_space<semaphore_mem>>) src(%arg13 : memref<10240xf32, #tpu.memory_space<vmem>>) dst(%dma_wait3A_1087 : memref<10240xf32, #tpu.memory_space<hbm>>)
      tpu.yield
    }) : () -> ()
    return
  }
}

module attributes {stable_mosaic.version = 14 : i64} {
  func.func @body(%arg0: i32, %arg1: memref<2x1024x128xf32, #tpu.memory_space<vmem>>, %arg2: memref<32x1024xf32, #tpu.memory_space<vmem>>, %arg3: memref<1024x128xf32, #tpu.memory_space<vmem>>, %arg4: memref<128x128xf32, #tpu.memory_space<vmem>>, %arg5: memref<1x128xf32, #tpu.memory_space<vmem>>, %arg6: memref<1024x128xf32, #tpu.memory_space<vmem>>) attributes {dimension_semantics = [#tpu.dimension_semantics<arbitrary>], iteration_bounds = array<i64: 10>, scalar_prefetch = 0 : i64, scratch_operands = 0 : i64, tpu.core_type = #tpu.core_type<tc>, window_params = [{transform_indices = @transform_0, window_bounds = array<i64: 2, 1024, 128>}, {transform_indices = @transform_1, window_bounds = array<i64: 32, 1024>}, {transform_indices = @transform_2, window_bounds = array<i64: 1024, 128>}, {pipeline_mode = #tpu.pipeline_mode<synchronous>, transform_indices = @transform_3, window_bounds = array<i64: 128, 128>}, {pipeline_mode = #tpu.pipeline_mode<synchronous>, transform_indices = @transform_4, window_bounds = array<i64: 1, 128>}, {transform_indices = @transform_5, window_bounds = array<i64: 1024, 128>}]} {
    %get3A = arith.constant 0 : index
    %get3A_0 = arith.constant 0 : index
    %get3A_1 = arith.constant 0 : index
    %get3A_2 = vector.load %arg1[%get3A, %get3A_0, %get3A_1] : memref<2x1024x128xf32, #tpu.memory_space<vmem>>, vector<1x1024x128xf32>
    %get3A_3 = vector.shape_cast %get3A_2 : vector<1x1024x128xf32> to vector<1024x128xf32>
    %get3A_4 = arith.constant 1 : index
    %get3A_5 = arith.constant 0 : index
    %get3A_6 = arith.constant 0 : index
    %get3A_7 = vector.load %arg1[%get3A_4, %get3A_5, %get3A_6] : memref<2x1024x128xf32, #tpu.memory_space<vmem>>, vector<1x1024x128xf32>
    %get3A_8 = vector.shape_cast %get3A_7 : vector<1x1024x128xf32> to vector<1024x128xf32>
    %add3A = arith.addf %get3A_3, %get3A_8 : vector<1024x128xf32>
    %get3A_9 = arith.constant 0 : index
    %get3A_10 = arith.constant 0 : index
    %get3A_11 = vector.load %arg2[%get3A_9, %get3A_10] : memref<32x1024xf32, #tpu.memory_space<vmem>>, vector<32x1024xf32>
    %reduce_sum3A = arith.constant dense<0.000000e+00> : vector<1024xf32>
    %reduce_sum3A_12 = vector.multi_reduction <add>, %get3A_11, %reduce_sum3A [0] : vector<32x1024xf32> to vector<1024xf32>
    %broadcast_in_dim3A = vector.shape_cast %reduce_sum3A_12 : vector<1024xf32> to vector<1024x1xf32>
    %get3A_13 = arith.constant 0 : index
    %get3A_14 = arith.constant 0 : index
    %get3A_15 = vector.load %arg3[%get3A_13, %get3A_14] : memref<1024x128xf32, #tpu.memory_space<vmem>>, vector<1024x128xf32>
    %mul3A = arith.mulf %get3A_15, %add3A : vector<1024x128xf32>
    %max3A = arith.constant 1.000000e+00 : f32
    %max3A_16 = vector.broadcast %max3A : f32 to vector<1024x1xf32>
    %max3A_17 = arith.maximumf %broadcast_in_dim3A, %max3A_16 : vector<1024x1xf32>
    %div3A = vector.broadcast %max3A_17 : vector<1024x1xf32> to vector<1024x128xf32>
    %div3A_18 = arith.divf %mul3A, %div3A : vector<1024x128xf32>
    %get3A_19 = arith.constant 0 : index
    %get3A_20 = arith.constant 0 : index
    %get3A_21 = vector.load %arg4[%get3A_19, %get3A_20] : memref<128x128xf32, #tpu.memory_space<vmem>>, vector<128x128xf32>
    %dot_general3A = arith.constant dense<0.000000e+00> : vector<1024x128xf32>
    %dot_general3A_22 = tpu.matmul %div3A_18, %get3A_21, %dot_general3A {dimension_numbers = #tpu.dot_dimension_numbers<[1], [0], [0], [1], [0, 0, 1, 1], [], []>, transpose_lhs_hint = false} : vector<1024x128xf32>, vector<128x128xf32>, vector<1024x128xf32> -> vector<1024x128xf32>
    %get3A_23 = arith.constant 0 : index
    %get3A_24 = arith.constant 0 : index
    %get3A_25 = vector.load %arg5[%get3A_23, %get3A_24] : memref<1x128xf32, #tpu.memory_space<vmem>>, vector<1x128xf32>
    %add3A_26 = vector.broadcast %get3A_25 : vector<1x128xf32> to vector<1024x128xf32>
    %add3A_27 = arith.addf %dot_general3A_22, %add3A_26 : vector<1024x128xf32>
    %swap3A = arith.constant 0 : index
    %swap3A_28 = arith.constant 0 : index
    %swap3A_29 = vector.load %arg6[%swap3A, %swap3A_28] : memref<1024x128xf32, #tpu.memory_space<vmem>>, vector<1024x128xf32>
    tpu.vector_store %arg6[%swap3A, %swap3A_28], %add3A_27 {strides = array<i32>} : memref<1024x128xf32, #tpu.memory_space<vmem>>, vector<1024x128xf32>,
    return
  }
  func.func @transform_0(%arg0: i32) -> (i32, i32, i32) {
    %c0_i32 = arith.constant 0 : i32
    %c0_i32_0 = arith.constant 0 : i32
    %c0_i32_1 = arith.constant 0 : i32
    return %c0_i32, %arg0, %c0_i32_0 : i32, i32, i32
  }
  func.func @transform_1(%arg0: i32) -> (i32, i32) {
    %c0_i32 = arith.constant 0 : i32
    %c0_i32_0 = arith.constant 0 : i32
    return %c0_i32, %arg0 : i32, i32
  }
  func.func @transform_2(%arg0: i32) -> (i32, i32) {
    %c0_i32 = arith.constant 0 : i32
    %c0_i32_0 = arith.constant 0 : i32
    return %arg0, %c0_i32 : i32, i32
  }
  func.func @transform_3(%arg0: i32) -> (i32, i32) {
    %c0_i32 = arith.constant 0 : i32
    %c0_i32_0 = arith.constant 0 : i32
    %c0_i32_1 = arith.constant 0 : i32
    return %c0_i32, %c0_i32_0 : i32, i32
  }
  func.func @transform_4(%arg0: i32) -> (i32, i32) {
    %c0_i32 = arith.constant 0 : i32
    %c0_i32_0 = arith.constant 0 : i32
    %c0_i32_1 = arith.constant 0 : i32
    return %c0_i32, %c0_i32_0 : i32, i32
  }
  func.func @transform_5(%arg0: i32) -> (i32, i32) {
    %c0_i32 = arith.constant 0 : i32
    %c0_i32_0 = arith.constant 0 : i32
    return %arg0, %c0_i32 : i32, i32
  }
}

</mosaic_0001>

<sc_bundles>
// kernel: kernel.4.cloned.1.call-start
scs
__scs_entry_jumppad:
0x0: {  	(pc) =	sbr.rel $0x88, $3  }
0x1: {  	(tag) =	ssettag $0x0;
	lr =	simm.s32 $0x1  }
0x2: {  	[smem:$0x3F9D] =	sst lr;
	_ =	strace $0xD0000000  }
0x3: {  	_ = 	snop  }
0x4: {  	_ = 	snop  }
0x5: {  	_ = 	snop  }
0x6: {  	_ = 	snop  }
0x7: {  	_ = 	snop  }
__scs_overlays_trampoline_lowered:
0x8: {  	[smem:$0x3FAC] =	sst s0  }
0x9: {  	[smem:$0x3FAD] =	sst s1  }
0xa: {  	[smem:$0x3FAE] =	sst s2  }
0xb: {  	[smem:$0x3FAF] =	sst s3  }
0xc: {  	[smem:$0x3FB0] =	sst s4  }
0xd: {  	[smem:$0x3FB1] =	sst s5  }
0xe: {  	[smem:$0x3FB2] =	sst s6  }
0xf: {  	[smem:$0x3FB3] =	sst s7  }
0x10: {  	[smem:$0x3FB4] =	sst s8  }
0x11: {  	[smem:$0x3FB5] =	sst s9;
	s0 =	simm.s32 @!p0 $0x0  }
0x12: {  	s1 =	sld [smem:$0x3F9B];
	s0 =	simm.s32 @p0 $0x1  }
0x13: {  	[smem:$0x3FB6] =	sst s0;
	s0 =	simm.s32 @!p1 $0x0  }
0x14: {  	s2 =	sld [smem:$0x3F9A];
	s0 =	simm.s32 @p1 $0x1  }
0x15: {  	[smem:$0x3FB7] =	sst s0;
	s0 =	simm.s32 @!p2 $0x0  }
0x16: {  	s3 =	sld [smem:$0x3FDB];
	s0 =	simm.s32 @p2 $0x1  }
0x17: {  	s4 =	simm.s32 $0x1BF5;
	[smem:$0x3FB9] =	sst s0  }
0x18: {  	s0 =	sld [smem:$0x3F9C];
	_ =	swait.ge [sflag:s4], $0x0  }
0x19: {  	s7 =	sld [smem:$0x3F9D]  }
0x1a: {  	s8 =	sadd.s32 $0xFFFFE003, lr  }
0x1b: {  	s9 =	sadd.s32 $0xFFFFFEF7, lr;
	s5 =	simm.s32 $0xFFFFFFFF;
	p2 =	slt.u32 s8, $0xFFFFF086  }
0x1c: {  	p1 =	slt.u32 s9, $0xF7A;
	s5 =	simm.s32 @!p2 $0x0  }
0x1d: {  	s5 =	simm.s32 @p1 $0x1;
	p0 =	seq.s32 s7, s2  }
0x1e: {  	s7 =	smul.u32 @!p0 $0xF7A, s2;
	p2 =	seq.s32 @!p0 s5, $0x0  }
0x1f: {  	s9 =	smul.u32 $0xF7A, s1;
	s8 =	simm.s32 @!p0 $0x1BF5;
	p2 =	por !p2, p0  }
0x20: {  	[sflag:s8] =	ssyncset.s32 @!p0 $0xFFFFF086;
	s6 =	sadd.s32 @!p0 s3, s7;
	s7 =	simm.s32 @!p0 $0x108  }
0x21: {  	s3 =	sadd.s32 s3, s9;
	s6 =	sadd.s32 @!p0 $0x88, s6;
	s7 =	simm.s32 @p2 $0x1082  }
0x22: {  	[simem:s7], [sflag:s8] =	dma.local @!p0 [hbm:s6], $0xF7A  }
0x23: {  	s9 =	sor.u32 $0xD0000000, s2;
	s6 =	simm.s32 $0x108;
	_ =	swait.ge @!p0 [sflag:s8], $0x0  }
0x24: {  	s3 =	sadd.s32 $0x88, s3;
	s6 =	simm.s32 @!p1 $0x1082;
	[sflag:s4] =	ssyncset.s32 $0xFFFFF086  }
0x25: {  	[simem:s6], [sflag:s4] =	dma.local [hbm:s3], $0xF7A  }
0x26: {  	[smem:$0x3F9D] =	sst s1;
	(tag) =	ssettag s2;
	_ =	strace s9  }
0x27: {  	s1 =	sld [smem:$0x3FAD]  }
0x28: {  	s2 =	sld [smem:$0x3FAE]  }
0x29: {  	s4 =	sld [smem:$0x3FB0]  }
0x2a: {  	p0 =	seq.s32 s5, $0x0;
	s5 =	sld [smem:$0x3FB1]  }
0x2b: {  	s6 =	sld [smem:$0x3FB2]  }
0x2c: {  	s7 =	sld [smem:$0x3FB3]  }
0x2d: {  	s3 =	simm.s32 $0x108;
	s8 =	sld [smem:$0x3FB4]  }
0x2e: {  	s3 =	simm.s32 @!p0 $0x1082;
	s9 =	sld [smem:$0x3FB5]  }
0x2f: {  	lr =	sadd.s32 s0, s3;
	s0 =	sld [smem:$0x3FAC]  }
0x30: {  	s3 =	sld [smem:$0x3FAF]  }
0x31: {  	[smem:$0x3FB8] =	sst s10  }
0x32: {  	s10 =	sld [smem:$0x3FB6];
	_ =	sdelay $0x3  }
0x33: {  	p0 =	seq.s32 s10, $0x1;
	s10 =	sld [smem:$0x3FB8];
	_ =	sdelay $0x3  }
0x34: {  	[smem:$0x3FB8] =	sst s10  }
0x35: {  	s10 =	sld [smem:$0x3FB7];
	_ =	sdelay $0x3  }
0x36: {  	p1 =	seq.s32 s10, $0x1;
	s10 =	sld [smem:$0x3FB8];
	_ =	sdelay $0x3  }
0x37: {  	[smem:$0x3FB8] =	sst s10  }
0x38: {  	s10 =	sld [smem:$0x3FB9]  }
0x39: {  	_ = 	snop;
	(pc) =	sbr.ind lr, $3  }
0x3a: {  	_ = 	snop  }
0x3b: {  	_ = 	snop  }
0x3c: {  	p2 =	seq.s32 s10, $0x1;
	s10 =	sld [smem:$0x3FB8]  }
0x3d: {  	_ =	shalt  }
0x3e: {  	_ =	shalt  }
0x3f: {  	_ =	shalt  }
0x40: {  	_ =	shalt  }
0x41: {  	_ =	shalt  }
0x42: {  	_ =	shalt  }
0x43: {  	_ =	shalt  }
0x44: {  	_ =	shalt  }
0x45: {  	_ =	shalt  }
0x46: {  	_ =	shalt  }
0x47: {  	_ =	shalt  }
0x48: {  	_ =	shalt  }
0x49: {  	_ =	shalt  }
0x4a: {  	_ =	shalt  }
0x4b: {  	_ =	shalt  }
0x4c: {  	_ =	shalt  }
0x4d: {  	_ =	shalt  }
0x4e: {  	_ =	shalt  }
0x4f: {  	_ =	shalt  }
0x50: {  	_ =	shalt  }
0x51: {  	_ =	shalt  }
0x52: {  	_ =	shalt  }
0x53: {  	_ =	shalt  }
0x54: {  	_ =	shalt  }
0x55: {  	_ =	shalt  }
0x56: {  	_ =	shalt  }
0x57: {  	_ =	shalt  }
0x58: {  	_ =	shalt  }
0x59: {  	_ =	shalt  }
0x5a: {  	_ =	shalt  }
0x5b: {  	_ =	shalt  }
0x5c: {  	_ =	shalt  }
0x5d: {  	_ =	shalt  }
0x5e: {  	_ =	shalt  }
0x5f: {  	_ =	shalt  }
0x60: {  	_ =	shalt  }
0x61: {  	_ =	shalt  }
0x62: {  	_ =	shalt  }
0x63: {  	_ =	shalt  }
0x64: {  	_ =	shalt  }
0x65: {  	_ =	shalt  }
0x66: {  	_ =	shalt  }
0x67: {  	_ =	shalt  }
0x68: {  	_ =	shalt  }
0x69: {  	_ =	shalt  }
0x6a: {  	_ =	shalt  }
0x6b: {  	_ =	shalt  }
0x6c: {  	_ =	shalt  }
0x6d: {  	_ =	shalt  }
0x6e: {  	_ =	shalt  }
0x6f: {  	_ =	shalt  }
0x70: {  	_ =	shalt  }
0x71: {  	_ =	shalt  }
0x72: {  	_ =	shalt  }
0x73: {  	_ =	shalt  }
0x74: {  	_ =	shalt  }
0x75: {  	_ =	shalt  }
0x76: {  	_ =	shalt  }
0x77: {  	_ =	shalt  }
0x78: {  	_ =	shalt  }
0x79: {  	_ =	shalt  }
0x7a: {  	_ =	shalt  }
0x7b: {  	_ =	shalt  }
0x7c: {  	_ =	shalt  }
0x7d: {  	_ =	shalt  }
0x7e: {  	_ =	shalt  }
0x7f: {  	_ =	shalt  }
0x80: {  	_ =	shalt  }
0x81: {  	_ =	shalt  }
0x82: {  	_ =	shalt  }
0x83: {  	_ =	shalt  }
0x84: {  	_ =	shalt  }
0x85: {  	_ =	shalt  }
0x86: {  	_ =	shalt  }
0x87: {  	_ =	shalt  }
.Lfunc_end0:
.L_simem_size_0:
called_computation_lowered:
.L_overlay_start_0:
0x88: {  	s2 =	sld [smem:$0x3FD9]  }
0x89: {  	s3 =	sld [smem:$0x3FFE];
	_ =	sdelay $0x1  }
0x8a: {  	s1 =	srdreg.scid  }
0x8b: {  	s0 =	sand.u32 $0x1, s1  }
0x8c: {  	s17 =	sshll.u32 s0, $0xA;
	s2 =	sadd.s32 s3, s2  }
0x8d: {  	s2 =	sadd.s32 s2, s17  }
0x8e: {  	[smem:$0x3FC4] =	sst s2  }
0x8f: {  	_ = 	snop  }
0x90: {  	s2 =	sld [smem:$0x3FC9]  }
0x91: {  	s18 =	sld [smem:$0x3FD0];
	(tm) =	ssettm $0x1  }
0x92: {  	s4 =	sld [smem:$0x3FFB];
	_ =	sdelay $0x3  }
0x93: {  	_ =	strace s4  }
0x94: {  	s4 =	sld [smem:$0x3FFC];
	_ =	sdelay $0x3  }
0x95: {  	_ =	strace s4  }
0x96: {  	s4 =	sld [smem:$0x3FFD];
	_ =	sdelay $0x3  }
0x97: {  	_ =	strace s4  }
0x98: {  	_ =	strace $0x8FFFFFFF  }
0x99: {  	s19 =	sld [smem:$0x3FDB];
	_ =	sdelay $0x1  }
0x9a: {  	s5 =	simm.s32 $_scs_section_size  }
0x9b: {  	s6 =	simm.s32 $_size__tile_overlayer_lowered;
	s7 =	simm.s32 $_tile_overlayer_lowered  }
0x9c: {  	s22 =	simm.s32 $0x1BFF;
	s21 =	sshll.u32 s7, $0x1;
	s4 =	sadd.s32 s5, s19  }
0x9d: {  	s8 =	simm.s32 $0x0;
	s20 =	sshll.u32 s6, $0x1;
	s6 =	sadd.s32 s21, s4  }
0x9e: {  	[timem:s8], [sflag:s22] =	dma.local [hbm:s6], s20  }
0x9f: {  	_ =	swait.ge [sflag:s22], s20  }
0xa0: {  	s5 =	ssub.s32 $0x0, s20;
	[sflag:s22] =	ssyncset.done $0x0  }
0xa1: {  	[sflag:s22] =	ssyncadd.s32 s5;
	_ =	sdelay $0x1  }
0xa2: {  	s23 =	simm.s32 $0x1B8B  }
0xa3: {  	_ =	swait.ge [sflag:s23], $0x1  }
0xa4: {  	[sflag:s23] =	ssyncset.done $0x0  }
0xa5: {  	s25 =	simm.s32 $0x1B8E;
	s24 =	sld [smem:$0x3FFE];
	[sflag:s23] =	ssyncadd.s32 $0xFFFFFFFF  }
0xa6: {  	s26 =	simm.s32 $execute0_lowered;
	[smem:$0x3FD2] =	sst s25  }
0xa7: {  	s6 =	sshll.u32 s26, $0x1;
	_ =	strace $0x80000046;
	[dreg:$0x1] =	wrdreg $0xFFFFFFFF  }
0xa8: {  	s28 =	simm.s32 $_size_execute0_lowered;
	s4 =	sadd.s32 s4, s6;
	[dreg:$0x0] =	wrdreg $0x0  }
0xa9: {  	s6 =	sshll.u32 s28, $0x1;
	[dreg:$0x2] =	wrdreg s4  }
0xaa: {  	[dreg:$0x3] =	wrdreg s6  }
0xab: {  	[dreg:$0x4] =	wrdreg $0xC0  }
0xac: {  	_ =	task [dreg:s8], $0x5FFFF  }
0xad: {  	[dreg:$0x1] =	wrdreg $0xFFFFFFFF  }
0xae: {  	[dreg:$0x0] =	wrdreg $0x60  }
0xaf: {  	[dreg:$0x2] =	wrdreg s2  }
0xb0: {  	[dreg:$0x3] =	wrdreg s18  }
0xb1: {  	[dreg:$0x4] =	wrdreg s24  }
0xb2: {  	[dreg:$0x5] =	wrdreg $0x0  }
0xb3: {  	[dreg:$0x6] =	wrdreg $0x9  }
0xb4: {  	_ =	task.clear_ibuf [dreg:s8], $0x7FFFF;
	_ =	strace $0x90000046  }
0xb5: {  	s29 =	simm.s32 $0x9;
	_ =	strace $0x80000048  }
0xb6: {  	_ =	swait.ge [sflag:s29], $0x1  }
0xb7: {  	[sflag:s29] =	ssyncadd.s32 $0xFFFFFFFF  }
0xb8: {  	_ =	strace $0x90000048  }
0xb9: {  	_ =	sfence  }
0xba: {  	s30 =	sld [smem:$0x0];
	_ =	sdelay $0x2  }
0xbb: {  	s31 =	sshll.u32 s1, $0xD;
	s1 =	sshrl.u32 s1, $0x2  }
0xbc: {  	s3 =	sand.u32 $0x4000, s31;
	s1 =	sadd.s32 s1, s30  }
0xbd: {  	s0 =	sor.u32 s3, s0;
	s1 =	sshll.u32 s1, $0x11  }
0xbe: {  	s0 =	sor.u32 s1, s0  }
0xbf: {  	s0 =	sadd.s32 $0x8F2B, s0  }
0xc0: {  	[sflag:s0] =	ssyncadd.remote.s32 $0x1  }
0xc1: {  	_ =	sfence.sel $0xFFFF  }
0xc2: {  	[dreg:$0x0] =	wrdreg $0xFFFFFFFF;
	(pc) =	sbr.abs _section_cstart, $3  }
0xc3: {  	[dreg:$0x1] =	wrdreg $0xFFFFFFFF  }
0xc4: {  	_ =	task.clear_ibuf [dreg:s8], $0x2FFFF;
	_ =	strace $0x9FFFFFFF  }
0xc5: {  	(tm) =	ssettm $0x7FFFFFFF  }
tec
execute0_lowered:
.L_overlay_start_1:
0x0: {  	(tag) =	ssettag $0x1  }
0x1: {  	s1 =	rddreg [dreg:$0x0]  }
0x2: {  	s2 =	rddreg [dreg:$0x1]  }
0x3: {  	s0 =	srdreg.scid;
	s10 =	stileid.u32  }
0x4: {  	s3 =	rddreg [dreg:$0x2];
	s0 =	sand.u32 $0x1, s0;
	s24 =	smul.u32 $0x50000, s10  }
0x5: {  	s4 =	rddreg [dreg:$0x3];
	s6 =	smul.u32 $0x14000, s10;
	s8 =	sshll.u32 s0, $0x4  }
0x6: {  	s5 =	simm.s32 $0x0;
	s9 =	sor.u32 s10, s8;
	s8 =	sshrl.u32 s24, $0x2  }
0x7: {  	[smem:$0x7FF] =	sst s5;
	s10 =	sadd.s32 s6, s4;
	s8 =	sadd.s32 s8, s4  }
0x8: {  	_ =	strace $0x80000047;
	[dreg:$0x5] =	wrdreg s10;
	s12 =	sadd.s32 $0x800, s8  }
0x9: {  	s13 =	sadd.s32 $0xC00, s8;
	[dreg:$0x7] =	wrdreg s12  }
0xa: {  	s14 =	sadd.s32 $0x1000, s8;
	[dreg:$0x8] =	wrdreg s13  }
0xb: {  	s15 =	sadd.s32 $0x1400, s8;
	[dreg:$0x9] =	wrdreg s14  }
0xc: {  	s16 =	sadd.s32 $0x1800, s8;
	[dreg:$0xa] =	wrdreg s15  }
0xd: {  	s17 =	sadd.s32 $0x1C00, s8;
	[dreg:$0xb] =	wrdreg s16  }
0xe: {  	s7 =	smul.u32 $0x140000, s0;
	s18 =	sadd.s32 $0x2000, s8;
	[dreg:$0xc] =	wrdreg s17  }
0xf: {  	s11 =	ssub.s32 $0x2, s0;
	s19 =	sadd.s32 $0x2400, s8;
	[dreg:$0xd] =	wrdreg s18  }
0x10: {  	s26 =	sshrl.u32 s11, $0x1;
	s20 =	sadd.s32 $0x2800, s8;
	[dreg:$0xe] =	wrdreg s19  }
0x11: {  	s7 =	sadd.s32 s6, s7;
	s21 =	sadd.s32 $0x2C00, s8;
	[dreg:$0xf] =	wrdreg s20  }
0x12: {  	s25 =	smul.u32 $0x500, s9;
	s22 =	sadd.s32 $0x3000, s8;
	[dreg:$0x10] =	wrdreg s21  }
0x13: {  	s7 =	sshrl.u32 s7, $0x3;
	s23 =	sadd.s32 $0x3400, s8;
	[dreg:$0x11] =	wrdreg s22  }
0x14: {  	s24 =	sadd.s32 $0x3800, s8;
	s0 =	sadd.s32 s7, s3;
	[dreg:$0x12] =	wrdreg s23  }
0x15: {  	s7 =	ssub.s32 s11, s26;
	s11 =	sadd.s32 $0x400, s8;
	[dreg:$0x13] =	wrdreg s24  }
0x16: {  	s3 =	sadd.s32 s25, s3;
	s25 =	sadd.s32 $0x3C00, s8;
	[dreg:$0x6] =	wrdreg s11  }
0x17: {  	s26 =	sadd.s32 $0x4000, s8;
	[dreg:$0x14] =	wrdreg s25  }
0x18: {  	s21 =	smul.u32 $0x2710, s9;
	s9 =	sadd.s32 $0x4400, s8;
	[dreg:$0x15] =	wrdreg s26  }
0x19: {  	s12 =	sadd.s32 $0x4C00, s8;
	[dreg:$0x16] =	wrdreg s9  }
0x1a: {  	s13 =	sadd.s32 $0x5000, s8;
	[dreg:$0x18] =	wrdreg s12  }
0x1b: {  	s14 =	sadd.s32 $0x5400, s8;
	[dreg:$0x19] =	wrdreg s13  }
0x1c: {  	s15 =	sadd.s32 $0x5800, s8;
	[dreg:$0x1a] =	wrdreg s14  }
0x1d: {  	s16 =	sadd.s32 $0x5C00, s8;
	[dreg:$0x1b] =	wrdreg s15  }
0x1e: {  	s17 =	sadd.s32 $0x6000, s8;
	[dreg:$0x1c] =	wrdreg s16  }
0x1f: {  	s18 =	sadd.s32 $0x6400, s8;
	[dreg:$0x1d] =	wrdreg s17  }
0x20: {  	s19 =	sadd.s32 $0x6800, s8;
	[dreg:$0x1e] =	wrdreg s18  }
0x21: {  	s20 =	sadd.s32 $0x6C00, s8;
	[dreg:$0x1f] =	wrdreg s19  }
0x22: {  	s22 =	sadd.s32 $0x7000, s8;
	[smem:$0x7B4] =	sst s20  }
0x23: {  	s23 =	sadd.s32 $0x7400, s8;
	[smem:$0x7B5] =	sst s22  }
0x24: {  	s24 =	sadd.s32 $0x7800, s8;
	[smem:$0x7B6] =	sst s23  }
0x25: {  	s11 =	sadd.s32 $0x4800, s8;
	[smem:$0x7B7] =	sst s24  }
0x26: {  	s25 =	sadd.s32 $0x7C00, s8;
	[dreg:$0x17] =	wrdreg s11  }
0x27: {  	s26 =	sadd.s32 $0x8000, s8;
	[smem:$0x7B8] =	sst s25  }
0x28: {  	s9 =	sadd.s32 $0x8400, s8;
	[smem:$0x7B9] =	sst s26  }
0x29: {  	s12 =	sadd.s32 $0x8C00, s8;
	[smem:$0x7BA] =	sst s9  }
0x2a: {  	s13 =	sadd.s32 $0x9000, s8;
	[smem:$0x7BC] =	sst s12  }
0x2b: {  	s14 =	sadd.s32 $0x9400, s8;
	[smem:$0x7BD] =	sst s13  }
0x2c: {  	s15 =	sadd.s32 $0x9800, s8;
	[smem:$0x7BE] =	sst s14  }
0x2d: {  	s16 =	sadd.s32 $0x9C00, s8;
	[smem:$0x7BF] =	sst s15  }
0x2e: {  	s17 =	sadd.s32 $0xA000, s8;
	[smem:$0x7C0] =	sst s16  }
0x2f: {  	s18 =	sadd.s32 $0xA400, s8;
	[smem:$0x7C1] =	sst s17  }
0x30: {  	s19 =	sadd.s32 $0xA800, s8;
	[smem:$0x7C2] =	sst s18  }
0x31: {  	s20 =	sadd.s32 $0xAC00, s8;
	[smem:$0x7C3] =	sst s19  }
0x32: {  	s22 =	sadd.s32 $0xB000, s8;
	[smem:$0x7C4] =	sst s20  }
0x33: {  	s23 =	sadd.s32 $0xB400, s8;
	[smem:$0x7C5] =	sst s22  }
0x34: {  	s24 =	sadd.s32 $0xB800, s8;
	[smem:$0x7C6] =	sst s23  }
0x35: {  	s0 =	sadd.s32 $0xB600, s0;
	[smem:$0x7C7] =	sst s24  }
0x36: {  	s3 =	sadd.s32 $0x1600, s3;
	[smem:$0x7E9] =	sst s0  }
0x37: {  	s7 =	smax.u32 s7, $0x1;
	[smem:$0x7EA] =	sst s3  }
0x38: {  	s11 =	sadd.s32 $0x8800, s8;
	[smem:$0x7EB] =	sst s7  }
0x39: {  	s25 =	sadd.s32 $0xBC00, s8;
	[smem:$0x7BB] =	sst s11  }
0x3a: {  	s26 =	sadd.s32 $0xC000, s8;
	[smem:$0x7C8] =	sst s25  }
0x3b: {  	s9 =	sadd.s32 $0xC400, s8;
	[smem:$0x7C9] =	sst s26  }
0x3c: {  	s12 =	sadd.s32 $0xCC00, s8;
	[smem:$0x7CA] =	sst s9  }
0x3d: {  	s13 =	sadd.s32 $0xD000, s8;
	[smem:$0x7CC] =	sst s12  }
0x3e: {  	s14 =	sadd.s32 $0xD400, s8;
	[smem:$0x7CD] =	sst s13  }
0x3f: {  	s15 =	sadd.s32 $0xD800, s8;
	[smem:$0x7CE] =	sst s14  }
0x40: {  	s16 =	sadd.s32 $0xDC00, s8;
	[smem:$0x7CF] =	sst s15  }
0x41: {  	s17 =	sadd.s32 $0xE000, s8;
	[smem:$0x7D0] =	sst s16  }
0x42: {  	s18 =	sadd.s32 $0xE400, s8;
	[smem:$0x7D1] =	sst s17  }
0x43: {  	s19 =	sadd.s32 $0xE800, s8;
	[smem:$0x7D2] =	sst s18  }
0x44: {  	s20 =	sadd.s32 $0xEC00, s8;
	[smem:$0x7D3] =	sst s19  }
0x45: {  	s22 =	sadd.s32 $0xF000, s8;
	[smem:$0x7D4] =	sst s20  }
0x46: {  	s23 =	sadd.s32 $0xF400, s8;
	[smem:$0x7D5] =	sst s22  }
0x47: {  	s24 =	sadd.s32 $0xF800, s8;
	[smem:$0x7D6] =	sst s23  }
0x48: {  	s11 =	sadd.s32 $0xC800, s8;
	[smem:$0x7D7] =	sst s24  }
0x49: {  	s25 =	sadd.s32 $0xFC00, s8;
	[smem:$0x7CB] =	sst s11  }
0x4a: {  	s26 =	sadd.s32 $0x10000, s8;
	[smem:$0x7D8] =	sst s25  }
0x4b: {  	s9 =	sadd.s32 $0x10400, s8;
	[smem:$0x7D9] =	sst s26  }
0x4c: {  	s12 =	sadd.s32 $0x10C00, s8;
	[smem:$0x7DA] =	sst s9  }
0x4d: {  	s13 =	sadd.s32 $0x11000, s8;
	[smem:$0x7DC] =	sst s12  }
0x4e: {  	s14 =	sadd.s32 $0x11400, s8;
	[smem:$0x7DD] =	sst s13  }
0x4f: {  	s15 =	sadd.s32 $0x11800, s8;
	[smem:$0x7DE] =	sst s14  }
0x50: {  	s16 =	sadd.s32 $0x11C00, s8;
	[smem:$0x7DF] =	sst s15  }
0x51: {  	s17 =	sadd.s32 $0x12000, s8;
	[smem:$0x7E0] =	sst s16  }
0x52: {  	s18 =	sadd.s32 $0x12400, s8;
	[smem:$0x7E1] =	sst s17  }
0x53: {  	s19 =	sadd.s32 $0x12800, s8;
	[smem:$0x7E2] =	sst s18  }
0x54: {  	s20 =	sadd.s32 $0x12C00, s8;
	[smem:$0x7E3] =	sst s19  }
0x55: {  	s22 =	sadd.s32 $0x13000, s8;
	[smem:$0x7E4] =	sst s20  }
0x56: {  	s23 =	sadd.s32 $0x13400, s8;
	[smem:$0x7E5] =	sst s22  }
0x57: {  	s24 =	sadd.s32 $0x13800, s8;
	[smem:$0x7E6] =	sst s23  }
0x58: {  	s11 =	sadd.s32 $0x10800, s8;
	[smem:$0x7E7] =	sst s24  }
0x59: {  	s9 =	sshrl.u32 s21, $0x3;
	s25 =	sadd.s32 $0x13C00, s8;
	[smem:$0x7DB] =	sst s11  }
0x5a: {  	[smem:$0x7E8] =	sst s25;
	s26 =	sadd.s32 s2, s9  }
0x5b: {  	s8 =	sadd.s32 $0x9C40, s26;
	[smem:$0x7FC] =	sst s26  }
0x5c: {  	s9 =	sadd.s32 $0xA, s26;
	[smem:$0x7EC] =	sst s8  }
0x5d: {  	s11 =	sadd.s32 $0x9C4A, s26;
	[smem:$0x7ED] =	sst s9  }
0x5e: {  	s12 =	sadd.s32 $0x14, s26;
	[smem:$0x7EE] =	sst s11  }
0x5f: {  	s13 =	sadd.s32 $0x9C54, s26;
	[smem:$0x7EF] =	sst s12  }
0x60: {  	s14 =	sadd.s32 $0x1E, s26;
	[smem:$0x7F0] =	sst s13  }
0x61: {  	s15 =	sadd.s32 $0x9C5E, s26;
	[smem:$0x7F1] =	sst s14  }
0x62: {  	s16 =	sadd.s32 $0x28, s26;
	[smem:$0x7F2] =	sst s15  }
0x63: {  	s17 =	sadd.s32 $0x9C68, s26;
	[smem:$0x7F3] =	sst s16  }
0x64: {  	s18 =	sadd.s32 $0x32, s26;
	[smem:$0x7F4] =	sst s17  }
0x65: {  	s19 =	sadd.s32 $0x9C72, s26;
	[smem:$0x7F5] =	sst s18  }
0x66: {  	s20 =	sadd.s32 $0x3C, s26;
	[smem:$0x7F6] =	sst s19  }
0x67: {  	s22 =	sadd.s32 $0x9C7C, s26;
	[smem:$0x7F7] =	sst s20  }
0x68: {  	s28 =	simm.s32 $0x1C100;
	s23 =	sadd.s32 $0x46, s26;
	[smem:$0x7F8] =	sst s22  }
0x69: {  	s29 =	simm.s32 $0x4;
	s24 =	sadd.s32 $0x9C86, s26;
	[smem:$0x7F9] =	sst s23  }
0x6a: {  	s30 =	simm.s32 $0x5;
	s25 =	sadd.s32 $0x50, s26;
	[smem:$0x7FA] =	sst s24  }
0x6b: {  	s31 =	simm.s32 $0x7;
	s26 =	sadd.s32 $0x9C90, s26;
	[smem:$0x7FB] =	sst s25  }
0x6c: {  	s7 =	simm.s32 $0x1BD00;
	s0 =	simm.s32 $0x0;
	[smem:$0x7FD] =	sst s26  }
0x6d: {  	s8 =	simm.s32 $0x9;
	s19 =	simm.s32 $0x14370;
	s20 =	simm.s32 $0x8  }
0x6e: {  	s22 =	simm.s32 $0x28;
	s23 =	simm.s32 $0x14500;
	s24 =	simm.s32 $0x15900  }
0x6f: {  	s12 =	simm.s32 $0x16D00;
	s25 =	simm.s32 $0x18100;
	s13 =	simm.s32 $0x19500  }
0x70: {  	s26 =	simm.s32 $0x1A900;
	s14 =	simm.s32 $0x1;
	s15 =	simm.s32 $0x50  }
0x71: {  	v0 =	vimm.f32 $0.0e+00;
	v1 =	vimm.f32 $1.000000000e+00;
	s16 =	simm.s32 $0x2;
	s17 =	simm.s32 $0x3;
	s18 =	simm.s32 $0x6  }
.LBB2_1:
0x72: {  	[tilespmem:$0x1BD00] =	vst v0  }
0x73: {  	[tilespmem:$0x1BD10] =	vst v0  }
0x74: {  	[tilespmem:$0x1BD20] =	vst v0  }
0x75: {  	[tilespmem:$0x1BD30] =	vst v0  }
0x76: {  	[tilespmem:$0x1BD40] =	vst v0  }
0x77: {  	[tilespmem:$0x1BD50] =	vst v0  }
0x78: {  	[tilespmem:$0x1BD60] =	vst v0  }
0x79: {  	[tilespmem:$0x1BD70] =	vst v0  }
0x7a: {  	[tilespmem:$0x1BD80] =	vst v0  }
0x7b: {  	[tilespmem:$0x1BD90] =	vst v0  }
0x7c: {  	[tilespmem:$0x1BDA0] =	vst v0  }
0x7d: {  	[tilespmem:$0x1BDB0] =	vst v0  }
0x7e: {  	[tilespmem:$0x1BDC0] =	vst v0  }
0x7f: {  	[tilespmem:$0x1BDD0] =	vst v0  }
0x80: {  	[tilespmem:$0x1BDE0] =	vst v0  }
0x81: {  	[tilespmem:$0x1BDF0] =	vst v0  }
0x82: {  	[tilespmem:$0x1BE00] =	vst v0  }
0x83: {  	[tilespmem:$0x1BE10] =	vst v0  }
0x84: {  	[tilespmem:$0x1BE20] =	vst v0  }
0x85: {  	[tilespmem:$0x1BE30] =	vst v0  }
0x86: {  	[tilespmem:$0x1BE40] =	vst v0  }
0x87: {  	[tilespmem:$0x1BE50] =	vst v0  }
0x88: {  	[tilespmem:$0x1BE60] =	vst v0  }
0x89: {  	[tilespmem:$0x1BE70] =	vst v0  }
0x8a: {  	[tilespmem:$0x1BE80] =	vst v0  }
0x8b: {  	[tilespmem:$0x1BE90] =	vst v0  }
0x8c: {  	[tilespmem:$0x1BEA0] =	vst v0  }
0x8d: {  	[tilespmem:$0x1BEB0] =	vst v0  }
0x8e: {  	[tilespmem:$0x1BEC0] =	vst v0  }
0x8f: {  	[tilespmem:$0x1BED0] =	vst v0  }
0x90: {  	[tilespmem:$0x1BEE0] =	vst v0  }
0x91: {  	[tilespmem:$0x1BEF0] =	vst v0  }
0x92: {  	[tilespmem:$0x1BF00] =	vst v0  }
0x93: {  	[tilespmem:$0x1BF10] =	vst v0  }
0x94: {  	[tilespmem:$0x1BF20] =	vst v0  }
0x95: {  	[tilespmem:$0x1BF30] =	vst v0  }
0x96: {  	[tilespmem:$0x1BF40] =	vst v0  }
0x97: {  	[tilespmem:$0x1BF50] =	vst v0  }
0x98: {  	[tilespmem:$0x1BF60] =	vst v0  }
0x99: {  	[tilespmem:$0x1BF70] =	vst v0  }
0x9a: {  	[tilespmem:$0x1BF80] =	vst v0  }
0x9b: {  	[tilespmem:$0x1BF90] =	vst v0  }
0x9c: {  	[tilespmem:$0x1BFA0] =	vst v0  }
0x9d: {  	[tilespmem:$0x1BFB0] =	vst v0  }
0x9e: {  	[tilespmem:$0x1BFC0] =	vst v0  }
0x9f: {  	[tilespmem:$0x1BFD0] =	vst v0  }
0xa0: {  	[tilespmem:$0x1BFE0] =	vst v0  }
0xa1: {  	[tilespmem:$0x1BFF0] =	vst v0  }
0xa2: {  	[tilespmem:$0x1C000] =	vst v0  }
0xa3: {  	[tilespmem:$0x1C010] =	vst v0  }
0xa4: {  	[tilespmem:$0x1C020] =	vst v0  }
0xa5: {  	[tilespmem:$0x1C030] =	vst v0  }
0xa6: {  	[tilespmem:$0x1C040] =	vst v0  }
0xa7: {  	[tilespmem:$0x1C050] =	vst v0  }
0xa8: {  	[tilespmem:$0x1C060] =	vst v0  }
0xa9: {  	[tilespmem:$0x1C070] =	vst v0  }
0xaa: {  	[tilespmem:$0x1C080] =	vst v0  }
0xab: {  	[tilespmem:$0x1C090] =	vst v0  }
0xac: {  	[tilespmem:$0x1C0A0] =	vst v0  }
0xad: {  	[tilespmem:$0x1C0B0] =	vst v0  }
0xae: {  	[tilespmem:$0x1C0C0] =	vst v0  }
0xaf: {  	[tilespmem:$0x1C0D0] =	vst v0  }
0xb0: {  	[tilespmem:$0x1C0E0] =	vst v0  }
0xb1: {  	[smem:$0x7B3] =	sst s0;
	[tilespmem:$0x1C0F0] =	vst v0;
	s3 =	simm.s32 $0x40;
	s9 =	simm.s32 $0x0  }
.LBB2_2:
0xb2: {  	p0 =	sne.s32 s3, $0x9FC0;
	[tilespmem:s9+$0x1C100] =	vst v0;
	s9 =	smov.u32 s3;
	s3 =	sadd.s32 $0x40, s3  }
.Ltmp0:
0xb3: {  	(pc) =	sbr.rel @p0 .LBB2_2-.Ltmp0, $2  }
0xb4: {  	_ =	sdelay $0x2  }
0xb5: {  	s9 =	sshra.s32 s9, $0x2  }
0xb6: {  	[tilespmem:s9+$0x1C100] =	vst v0  }
0xb7: {  	[spmem:s10] =	stream.linear.scatter [tilespmem:s7], [sflag:$0x9], $0x400, $0x38;
	[tilespmem:$0x1E900] =	vst v63  }
0xb8: {  	_ =	swait.ge [sflag:s8], $0x400  }
0xb9: {  	[sflag:s8] =	ssyncset.done $0x0  }
0xba: {  	s3 =	rddreg [dreg:$0x6];
	[sflag:s8] =	ssyncadd.s32 $0xFFFFFC00  }
0xbb: {  	[spmem:s3] =	stream.linear.scatter [tilespmem:s7], [sflag:$0x9], $0x400, $0x38;
	[tilespmem:$0x1E900] =	vst v63  }
0xbc: {  	_ =	swait.ge [sflag:s8], $0x400  }
0xbd: {  	[sflag:s8] =	ssyncset.done $0x0  }
0xbe: {  	s11 =	rddreg [dreg:$0x7];
	[sflag:s8] =	ssyncadd.s32 $0xFFFFFC00  }
0xbf: {  	[spmem:s11] =	stream.linear.scatter [tilespmem:s7], [sflag:$0x9], $0x400, $0x38;
	[tilespmem:$0x1E900] =	vst v63  }
0xc0: {  	_ =	swait.ge [sflag:s8], $0x400  }
0xc1: {  	[sflag:s8] =	ssyncset.done $0x0  }
0xc2: {  	s0 =	rddreg [dreg:$0x8];
	[sflag:s8] =	ssyncadd.s32 $0xFFFFFC00  }
0xc3: {  	[spmem:s0] =	stream.linear.scatter [tilespmem:s7], [sflag:$0x9], $0x400, $0x38;
	[tilespmem:$0x1E900] =	vst v63  }
0xc4: {  	_ =	swait.ge [sflag:s8], $0x400  }
0xc5: {  	[sflag:s8] =	ssyncset.done $0x0  }
0xc6: {  	s6 =	rddreg [dreg:$0x9];
	[sflag:s8] =	ssyncadd.s32 $0xFFFFFC00  }
0xc7: {  	[spmem:s6] =	stream.linear.scatter [tilespmem:s7], [sflag:$0x9], $0x400, $0x38;
	[tilespmem:$0x1E900] =	vst v63  }
0xc8: {  	_ =	swait.ge [sflag:s8], $0x400  }
0xc9: {  	[sflag:s8] =	ssyncset.done $0x0  }
0xca: {  	s9 =	rddreg [dreg:$0xa];
	[sflag:s8] =	ssyncadd.s32 $0xFFFFFC00  }
0xcb: {  	[spmem:s9] =	stream.linear.scatter [tilespmem:s7], [sflag:$0x9], $0x400, $0x38;
	[tilespmem:$0x1E900] =	vst v63  }
0xcc: {  	_ =	swait.ge [sflag:s8], $0x400  }
0xcd: {  	[sflag:s8] =	ssyncset.done $0x0  }
0xce: {  	s10 =	rddreg [dreg:$0xb];
	[sflag:s8] =	ssyncadd.s32 $0xFFFFFC00  }
0xcf: {  	[spmem:s10] =	stream.linear.scatter [tilespmem:s7], [sflag:$0x9], $0x400, $0x38;
	[tilespmem:$0x1E900] =	vst v63  }
0xd0: {  	_ =	swait.ge [sflag:s8], $0x400  }
0xd1: {  	[sflag:s8] =	ssyncset.done $0x0  }
0xd2: {  	s11 =	rddreg [dreg:$0xc];
	[sflag:s8] =	ssyncadd.s32 $0xFFFFFC00  }
0xd3: {  	[spmem:s11] =	stream.linear.scatter [tilespmem:s7], [sflag:$0x9], $0x400, $0x38;
	[tilespmem:$0x1E900] =	vst v63  }
0xd4: {  	_ =	swait.ge [sflag:s8], $0x400  }
0xd5: {  	[sflag:s8] =	ssyncset.done $0x0  }
0xd6: {  	s0 =	rddreg [dreg:$0xd];
	[sflag:s8] =	ssyncadd.s32 $0xFFFFFC00  }
0xd7: {  	[spmem:s0] =	stream.linear.scatter [tilespmem:s7], [sflag:$0x9], $0x400, $0x38;
	[tilespmem:$0x1E900] =	vst v63  }
0xd8: {  	_ =	swait.ge [sflag:s8], $0x400  }
0xd9: {  	[sflag:s8] =	ssyncset.done $0x0  }
0xda: {  	s6 =	rddreg [dreg:$0xe];
	[sflag:s8] =	ssyncadd.s32 $0xFFFFFC00  }
0xdb: {  	[spmem:s6] =	stream.linear.scatter [tilespmem:s7], [sflag:$0x9], $0x400, $0x38;
	[tilespmem:$0x1E900] =	vst v63  }
0xdc: {  	_ =	swait.ge [sflag:s8], $0x400  }
0xdd: {  	[sflag:s8] =	ssyncset.done $0x0  }
0xde: {  	s9 =	rddreg [dreg:$0xf];
	[sflag:s8] =	ssyncadd.s32 $0xFFFFFC00  }
0xdf: {  	[spmem:s9] =	stream.linear.scatter [tilespmem:s7], [sflag:$0x9], $0x400, $0x38;
	[tilespmem:$0x1E900] =	vst v63  }
0xe0: {  	_ =	swait.ge [sflag:s8], $0x400  }
0xe1: {  	[sflag:s8] =	ssyncset.done $0x0  }
0xe2: {  	s10 =	rddreg [dreg:$0x10];
	[sflag:s8] =	ssyncadd.s32 $0xFFFFFC00  }
0xe3: {  	[spmem:s10] =	stream.linear.scatter [tilespmem:s7], [sflag:$0x9], $0x400, $0x38;
	[tilespmem:$0x1E900] =	vst v63  }
0xe4: {  	_ =	swait.ge [sflag:s8], $0x400  }
0xe5: {  	[sflag:s8] =	ssyncset.done $0x0  }
0xe6: {  	s11 =	rddreg [dreg:$0x11];
	[sflag:s8] =	ssyncadd.s32 $0xFFFFFC00  }
0xe7: {  	[spmem:s11] =	stream.linear.scatter [tilespmem:s7], [sflag:$0x9], $0x400, $0x38;
	[tilespmem:$0x1E900] =	vst v63  }
0xe8: {  	_ =	swait.ge [sflag:s8], $0x400  }
0xe9: {  	[sflag:s8] =	ssyncset.done $0x0  }
0xea: {  	s0 =	rddreg [dreg:$0x12];
	[sflag:s8] =	ssyncadd.s32 $0xFFFFFC00  }
0xeb: {  	[spmem:s0] =	stream.linear.scatter [tilespmem:s7], [sflag:$0x9], $0x400, $0x38;
	[tilespmem:$0x1E900] =	vst v63  }
0xec: {  	_ =	swait.ge [sflag:s8], $0x400  }
0xed: {  	[sflag:s8] =	ssyncset.done $0x0  }
0xee: {  	s6 =	rddreg [dreg:$0x13];
	[sflag:s8] =	ssyncadd.s32 $0xFFFFFC00  }
0xef: {  	[spmem:s6] =	stream.linear.scatter [tilespmem:s7], [sflag:$0x9], $0x400, $0x38;
	[tilespmem:$0x1E900] =	vst v63  }
0xf0: {  	_ =	swait.ge [sflag:s8], $0x400  }
0xf1: {  	[sflag:s8] =	ssyncset.done $0x0  }
0xf2: {  	s9 =	rddreg [dreg:$0x14];
	[sflag:s8] =	ssyncadd.s32 $0xFFFFFC00  }
0xf3: {  	[spmem:s9] =	stream.linear.scatter [tilespmem:s7], [sflag:$0x9], $0x400, $0x38;
	[tilespmem:$0x1E900] =	vst v63  }
0xf4: {  	_ =	swait.ge [sflag:s8], $0x400  }
0xf5: {  	[sflag:s8] =	ssyncset.done $0x0  }
0xf6: {  	s10 =	rddreg [dreg:$0x15];
	[sflag:s8] =	ssyncadd.s32 $0xFFFFFC00  }
0xf7: {  	[spmem:s10] =	stream.linear.scatter [tilespmem:s7], [sflag:$0x9], $0x400, $0x38;
	[tilespmem:$0x1E900] =	vst v63  }
0xf8: {  	_ =	swait.ge [sflag:s8], $0x400  }
0xf9: {  	[sflag:s8] =	ssyncset.done $0x0  }
0xfa: {  	s11 =	rddreg [dreg:$0x16];
	[sflag:s8] =	ssyncadd.s32 $0xFFFFFC00  }
0xfb: {  	[spmem:s11] =	stream.linear.scatter [tilespmem:s7], [sflag:$0x9], $0x400, $0x38;
	[tilespmem:$0x1E900] =	vst v63  }
0xfc: {  	_ =	swait.ge [sflag:s8], $0x400  }
0xfd: {  	[sflag:s8] =	ssyncset.done $0x0  }
0xfe: {  	s0 =	rddreg [dreg:$0x17];
	[sflag:s8] =	ssyncadd.s32 $0xFFFFFC00  }
0xff: {  	[spmem:s0] =	stream.linear.scatter [tilespmem:s7], [sflag:$0x9], $0x400, $0x38;
	[tilespmem:$0x1E900] =	vst v63  }
0x100: {  	_ =	swait.ge [sflag:s8], $0x400  }
0x101: {  	[sflag:s8] =	ssyncset.done $0x0  }
0x102: {  	s6 =	rddreg [dreg:$0x18];
	[sflag:s8] =	ssyncadd.s32 $0xFFFFFC00  }
0x103: {  	[spmem:s6] =	stream.linear.scatter [tilespmem:s7], [sflag:$0x9], $0x400, $0x38;
	[tilespmem:$0x1E900] =	vst v63  }
0x104: {  	_ =	swait.ge [sflag:s8], $0x400  }
0x105: {  	[sflag:s8] =	ssyncset.done $0x0  }
0x106: {  	s9 =	rddreg [dreg:$0x19];
	[sflag:s8] =	ssyncadd.s32 $0xFFFFFC00  }
0x107: {  	[spmem:s9] =	stream.linear.scatter [tilespmem:s7], [sflag:$0x9], $0x400, $0x38;
	[tilespmem:$0x1E900] =	vst v63  }
0x108: {  	_ =	swait.ge [sflag:s8], $0x400  }
0x109: {  	[sflag:s8] =	ssyncset.done $0x0  }
0x10a: {  	s10 =	rddreg [dreg:$0x1a];
	[sflag:s8] =	ssyncadd.s32 $0xFFFFFC00  }
0x10b: {  	[spmem:s10] =	stream.linear.scatter [tilespmem:s7], [sflag:$0x9], $0x400, $0x38;
	[tilespmem:$0x1E900] =	vst v63  }
0x10c: {  	_ =	swait.ge [sflag:s8], $0x400  }
0x10d: {  	[sflag:s8] =	ssyncset.done $0x0  }
0x10e: {  	s11 =	rddreg [dreg:$0x1b];
	[sflag:s8] =	ssyncadd.s32 $0xFFFFFC00  }
0x10f: {  	[spmem:s11] =	stream.linear.scatter [tilespmem:s7], [sflag:$0x9], $0x400, $0x38;
	[tilespmem:$0x1E900] =	vst v63  }
0x110: {  	_ =	swait.ge [sflag:s8], $0x400  }
0x111: {  	[sflag:s8] =	ssyncset.done $0x0  }
0x112: {  	s0 =	rddreg [dreg:$0x1c];
	[sflag:s8] =	ssyncadd.s32 $0xFFFFFC00  }
0x113: {  	[spmem:s0] =	stream.linear.scatter [tilespmem:s7], [sflag:$0x9], $0x400, $0x38;
	[tilespmem:$0x1E900] =	vst v63  }
0x114: {  	_ =	swait.ge [sflag:s8], $0x400  }
0x115: {  	[sflag:s8] =	ssyncset.done $0x0  }
0x116: {  	s6 =	rddreg [dreg:$0x1d];
	[sflag:s8] =	ssyncadd.s32 $0xFFFFFC00  }
0x117: {  	[spmem:s6] =	stream.linear.scatter [tilespmem:s7], [sflag:$0x9], $0x400, $0x38;
	[tilespmem:$0x1E900] =	vst v63  }
0x118: {  	_ =	swait.ge [sflag:s8], $0x400  }
0x119: {  	[sflag:s8] =	ssyncset.done $0x0  }
0x11a: {  	s9 =	rddreg [dreg:$0x1e];
	[sflag:s8] =	ssyncadd.s32 $0xFFFFFC00  }
0x11b: {  	[spmem:s9] =	stream.linear.scatter [tilespmem:s7], [sflag:$0x9], $0x400, $0x38;
	[tilespmem:$0x1E900] =	vst v63  }
0x11c: {  	_ =	swait.ge [sflag:s8], $0x400  }
0x11d: {  	[sflag:s8] =	ssyncset.done $0x0  }
0x11e: {  	s10 =	rddreg [dreg:$0x1f];
	[sflag:s8] =	ssyncadd.s32 $0xFFFFFC00  }
0x11f: {  	[spmem:s10] =	stream.linear.scatter [tilespmem:s7], [sflag:$0x9], $0x400, $0x38;
	[tilespmem:$0x1E900] =	vst v63  }
0x120: {  	_ =	swait.ge [sflag:s8], $0x400  }
0x121: {  	s11 =	sld [smem:$0x7B4]  }
0x122: {  	[sflag:s8] =	ssyncset.done $0x0  }
0x123: {  	[sflag:s8] =	ssyncadd.s32 $0xFFFFFC00  }
0x124: {  	[spmem:s11] =	stream.linear.scatter [tilespmem:s7], [sflag:$0x9], $0x400, $0x38;
	[tilespmem:$0x1E900] =	vst v63  }
0x125: {  	_ =	swait.ge [sflag:s8], $0x400  }
0x126: {  	s0 =	sld [smem:$0x7B5]  }
0x127: {  	[sflag:s8] =	ssyncset.done $0x0  }
0x128: {  	[sflag:s8] =	ssyncadd.s32 $0xFFFFFC00  }
0x129: {  	[spmem:s0] =	stream.linear.scatter [tilespmem:s7], [sflag:$0x9], $0x400, $0x38;
	[tilespmem:$0x1E900] =	vst v63  }
0x12a: {  	_ =	swait.ge [sflag:s8], $0x400  }
0x12b: {  	s6 =	sld [smem:$0x7B6]  }
0x12c: {  	[sflag:s8] =	ssyncset.done $0x0  }
0x12d: {  	[sflag:s8] =	ssyncadd.s32 $0xFFFFFC00  }
0x12e: {  	[spmem:s6] =	stream.linear.scatter [tilespmem:s7], [sflag:$0x9], $0x400, $0x38;
	[tilespmem:$0x1E900] =	vst v63  }
0x12f: {  	_ =	swait.ge [sflag:s8], $0x400  }
0x130: {  	s9 =	sld [smem:$0x7B7]  }
0x131: {  	[sflag:s8] =	ssyncset.done $0x0  }
0x132: {  	[sflag:s8] =	ssyncadd.s32 $0xFFFFFC00  }
0x133: {  	[spmem:s9] =	stream.linear.scatter [tilespmem:s7], [sflag:$0x9], $0x400, $0x38;
	[tilespmem:$0x1E900] =	vst v63  }
0x134: {  	_ =	swait.ge [sflag:s8], $0x400  }
0x135: {  	s10 =	sld [smem:$0x7B8]  }
0x136: {  	[sflag:s8] =	ssyncset.done $0x0  }
0x137: {  	[sflag:s8] =	ssyncadd.s32 $0xFFFFFC00  }
0x138: {  	[spmem:s10] =	stream.linear.scatter [tilespmem:s7], [sflag:$0x9], $0x400, $0x38;
	[tilespmem:$0x1E900] =	vst v63  }
0x139: {  	_ =	swait.ge [sflag:s8], $0x400  }
0x13a: {  	s11 =	sld [smem:$0x7B9]  }
0x13b: {  	[sflag:s8] =	ssyncset.done $0x0  }
0x13c: {  	[sflag:s8] =	ssyncadd.s32 $0xFFFFFC00  }
0x13d: {  	[spmem:s11] =	stream.linear.scatter [tilespmem:s7], [sflag:$0x9], $0x400, $0x38;
	[tilespmem:$0x1E900] =	vst v63  }
0x13e: {  	_ =	swait.ge [sflag:s8], $0x400  }
0x13f: {  	s0 =	sld [smem:$0x7BA]  }
0x140: {  	[sflag:s8] =	ssyncset.done $0x0  }
0x141: {  	[sflag:s8] =	ssyncadd.s32 $0xFFFFFC00  }
0x142: {  	[spmem:s0] =	stream.linear.scatter [tilespmem:s7], [sflag:$0x9], $0x400, $0x38;
	[tilespmem:$0x1E900] =	vst v63  }
0x143: {  	_ =	swait.ge [sflag:s8], $0x400  }
0x144: {  	s6 =	sld [smem:$0x7BB]  }
0x145: {  	[sflag:s8] =	ssyncset.done $0x0  }
0x146: {  	[sflag:s8] =	ssyncadd.s32 $0xFFFFFC00  }
0x147: {  	[spmem:s6] =	stream.linear.scatter [tilespmem:s7], [sflag:$0x9], $0x400, $0x38;
	[tilespmem:$0x1E900] =	vst v63  }
0x148: {  	_ =	swait.ge [sflag:s8], $0x400  }
0x149: {  	s9 =	sld [smem:$0x7BC]  }
0x14a: {  	[sflag:s8] =	ssyncset.done $0x0  }
0x14b: {  	[sflag:s8] =	ssyncadd.s32 $0xFFFFFC00  }
0x14c: {  	[spmem:s9] =	stream.linear.scatter [tilespmem:s7], [sflag:$0x9], $0x400, $0x38;
	[tilespmem:$0x1E900] =	vst v63  }
0x14d: {  	_ =	swait.ge [sflag:s8], $0x400  }
0x14e: {  	s10 =	sld [smem:$0x7BD]  }
0x14f: {  	[sflag:s8] =	ssyncset.done $0x0  }
0x150: {  	[sflag:s8] =	ssyncadd.s32 $0xFFFFFC00  }
0x151: {  	[spmem:s10] =	stream.linear.scatter [tilespmem:s7], [sflag:$0x9], $0x400, $0x38;
	[tilespmem:$0x1E900] =	vst v63  }
0x152: {  	_ =	swait.ge [sflag:s8], $0x400  }
0x153: {  	s11 =	sld [smem:$0x7BE]  }
0x154: {  	[sflag:s8] =	ssyncset.done $0x0  }
0x155: {  	[sflag:s8] =	ssyncadd.s32 $0xFFFFFC00  }
0x156: {  	[spmem:s11] =	stream.linear.scatter [tilespmem:s7], [sflag:$0x9], $0x400, $0x38;
	[tilespmem:$0x1E900] =	vst v63  }
0x157: {  	_ =	swait.ge [sflag:s8], $0x400  }
0x158: {  	s0 =	sld [smem:$0x7BF]  }
0x159: {  	[sflag:s8] =	ssyncset.done $0x0  }
0x15a: {  	[sflag:s8] =	ssyncadd.s32 $0xFFFFFC00  }
0x15b: {  	[spmem:s0] =	stream.linear.scatter [tilespmem:s7], [sflag:$0x9], $0x400, $0x38;
	[tilespmem:$0x1E900] =	vst v63  }
0x15c: {  	_ =	swait.ge [sflag:s8], $0x400  }
0x15d: {  	s6 =	sld [smem:$0x7C0]  }
0x15e: {  	[sflag:s8] =	ssyncset.done $0x0  }
0x15f: {  	[sflag:s8] =	ssyncadd.s32 $0xFFFFFC00  }
0x160: {  	[spmem:s6] =	stream.linear.scatter [tilespmem:s7], [sflag:$0x9], $0x400, $0x38;
	[tilespmem:$0x1E900] =	vst v63  }
0x161: {  	_ =	swait.ge [sflag:s8], $0x400  }
0x162: {  	s9 =	sld [smem:$0x7C1]  }
0x163: {  	[sflag:s8] =	ssyncset.done $0x0  }
0x164: {  	[sflag:s8] =	ssyncadd.s32 $0xFFFFFC00  }
0x165: {  	[spmem:s9] =	stream.linear.scatter [tilespmem:s7], [sflag:$0x9], $0x400, $0x38;
	[tilespmem:$0x1E900] =	vst v63  }
0x166: {  	_ =	swait.ge [sflag:s8], $0x400  }
0x167: {  	s10 =	sld [smem:$0x7C2]  }
0x168: {  	[sflag:s8] =	ssyncset.done $0x0  }
0x169: {  	[sflag:s8] =	ssyncadd.s32 $0xFFFFFC00  }
0x16a: {  	[spmem:s10] =	stream.linear.scatter [tilespmem:s7], [sflag:$0x9], $0x400, $0x38;
	[tilespmem:$0x1E900] =	vst v63  }
0x16b: {  	_ =	swait.ge [sflag:s8], $0x400  }
0x16c: {  	s11 =	sld [smem:$0x7C3]  }
0x16d: {  	[sflag:s8] =	ssyncset.done $0x0  }
0x16e: {  	[sflag:s8] =	ssyncadd.s32 $0xFFFFFC00  }
0x16f: {  	[spmem:s11] =	stream.linear.scatter [tilespmem:s7], [sflag:$0x9], $0x400, $0x38;
	[tilespmem:$0x1E900] =	vst v63  }
0x170: {  	_ =	swait.ge [sflag:s8], $0x400  }
0x171: {  	s0 =	sld [smem:$0x7C4]  }
0x172: {  	[sflag:s8] =	ssyncset.done $0x0  }
0x173: {  	[sflag:s8] =	ssyncadd.s32 $0xFFFFFC00  }
0x174: {  	[spmem:s0] =	stream.linear.scatter [tilespmem:s7], [sflag:$0x9], $0x400, $0x38;
	[tilespmem:$0x1E900] =	vst v63  }
0x175: {  	_ =	swait.ge [sflag:s8], $0x400  }
0x176: {  	s6 =	sld [smem:$0x7C5]  }
0x177: {  	[sflag:s8] =	ssyncset.done $0x0  }
0x178: {  	[sflag:s8] =	ssyncadd.s32 $0xFFFFFC00  }
0x179: {  	[spmem:s6] =	stream.linear.scatter [tilespmem:s7], [sflag:$0x9], $0x400, $0x38;
	[tilespmem:$0x1E900] =	vst v63  }
0x17a: {  	_ =	swait.ge [sflag:s8], $0x400  }
0x17b: {  	s9 =	sld [smem:$0x7C6]  }
0x17c: {  	[sflag:s8] =	ssyncset.done $0x0  }
0x17d: {  	[sflag:s8] =	ssyncadd.s32 $0xFFFFFC00  }
0x17e: {  	[spmem:s9] =	stream.linear.scatter [tilespmem:s7], [sflag:$0x9], $0x400, $0x38;
	[tilespmem:$0x1E900] =	vst v63  }
0x17f: {  	_ =	swait.ge [sflag:s8], $0x400  }
0x180: {  	s10 =	sld [smem:$0x7C7]  }
0x181: {  	[sflag:s8] =	ssyncset.done $0x0  }
0x182: {  	[sflag:s8] =	ssyncadd.s32 $0xFFFFFC00  }
0x183: {  	[spmem:s10] =	stream.linear.scatter [tilespmem:s7], [sflag:$0x9], $0x400, $0x38;
	[tilespmem:$0x1E900] =	vst v63  }
0x184: {  	_ =	swait.ge [sflag:s8], $0x400  }
0x185: {  	s11 =	sld [smem:$0x7C8]  }
0x186: {  	[sflag:s8] =	ssyncset.done $0x0  }
0x187: {  	[sflag:s8] =	ssyncadd.s32 $0xFFFFFC00  }
0x188: {  	[spmem:s11] =	stream.linear.scatter [tilespmem:s7], [sflag:$0x9], $0x400, $0x38;
	[tilespmem:$0x1E900] =	vst v63  }
0x189: {  	_ =	swait.ge [sflag:s8], $0x400  }
0x18a: {  	s0 =	sld [smem:$0x7C9]  }
0x18b: {  	[sflag:s8] =	ssyncset.done $0x0  }
0x18c: {  	[sflag:s8] =	ssyncadd.s32 $0xFFFFFC00  }
0x18d: {  	[spmem:s0] =	stream.linear.scatter [tilespmem:s7], [sflag:$0x9], $0x400, $0x38;
	[tilespmem:$0x1E900] =	vst v63  }
0x18e: {  	_ =	swait.ge [sflag:s8], $0x400  }
0x18f: {  	s6 =	sld [smem:$0x7CA]  }
0x190: {  	[sflag:s8] =	ssyncset.done $0x0  }
0x191: {  	[sflag:s8] =	ssyncadd.s32 $0xFFFFFC00  }
0x192: {  	[spmem:s6] =	stream.linear.scatter [tilespmem:s7], [sflag:$0x9], $0x400, $0x38;
	[tilespmem:$0x1E900] =	vst v63  }
0x193: {  	_ =	swait.ge [sflag:s8], $0x400  }
0x194: {  	s9 =	sld [smem:$0x7CB]  }
0x195: {  	[sflag:s8] =	ssyncset.done $0x0  }
0x196: {  	[sflag:s8] =	ssyncadd.s32 $0xFFFFFC00  }
0x197: {  	[spmem:s9] =	stream.linear.scatter [tilespmem:s7], [sflag:$0x9], $0x400, $0x38;
	[tilespmem:$0x1E900] =	vst v63  }
0x198: {  	_ =	swait.ge [sflag:s8], $0x400  }
0x199: {  	s10 =	sld [smem:$0x7CC]  }
0x19a: {  	[sflag:s8] =	ssyncset.done $0x0  }
0x19b: {  	[sflag:s8] =	ssyncadd.s32 $0xFFFFFC00  }
0x19c: {  	[spmem:s10] =	stream.linear.scatter [tilespmem:s7], [sflag:$0x9], $0x400, $0x38;
	[tilespmem:$0x1E900] =	vst v63  }
0x19d: {  	_ =	swait.ge [sflag:s8], $0x400  }
0x19e: {  	s11 =	sld [smem:$0x7CD]  }
0x19f: {  	[sflag:s8] =	ssyncset.done $0x0  }
0x1a0: {  	[sflag:s8] =	ssyncadd.s32 $0xFFFFFC00  }
0x1a1: {  	[spmem:s11] =	stream.linear.scatter [tilespmem:s7], [sflag:$0x9], $0x400, $0x38;
	[tilespmem:$0x1E900] =	vst v63  }
0x1a2: {  	_ =	swait.ge [sflag:s8], $0x400  }
0x1a3: {  	s0 =	sld [smem:$0x7CE]  }
0x1a4: {  	[sflag:s8] =	ssyncset.done $0x0  }
0x1a5: {  	[sflag:s8] =	ssyncadd.s32 $0xFFFFFC00  }
0x1a6: {  	[spmem:s0] =	stream.linear.scatter [tilespmem:s7], [sflag:$0x9], $0x400, $0x38;
	[tilespmem:$0x1E900] =	vst v63  }
0x1a7: {  	_ =	swait.ge [sflag:s8], $0x400  }
0x1a8: {  	s6 =	sld [smem:$0x7CF]  }
0x1a9: {  	[sflag:s8] =	ssyncset.done $0x0  }
0x1aa: {  	[sflag:s8] =	ssyncadd.s32 $0xFFFFFC00  }
0x1ab: {  	[spmem:s6] =	stream.linear.scatter [tilespmem:s7], [sflag:$0x9], $0x400, $0x38;
	[tilespmem:$0x1E900] =	vst v63  }
0x1ac: {  	_ =	swait.ge [sflag:s8], $0x400  }
0x1ad: {  	s9 =	sld [smem:$0x7D0]  }
0x1ae: {  	[sflag:s8] =	ssyncset.done $0x0  }
0x1af: {  	[sflag:s8] =	ssyncadd.s32 $0xFFFFFC00  }
0x1b0: {  	[spmem:s9] =	stream.linear.scatter [tilespmem:s7], [sflag:$0x9], $0x400, $0x38;
	[tilespmem:$0x1E900] =	vst v63  }
0x1b1: {  	_ =	swait.ge [sflag:s8], $0x400  }
0x1b2: {  	s10 =	sld [smem:$0x7D1]  }
0x1b3: {  	[sflag:s8] =	ssyncset.done $0x0  }
0x1b4: {  	[sflag:s8] =	ssyncadd.s32 $0xFFFFFC00  }
0x1b5: {  	[spmem:s10] =	stream.linear.scatter [tilespmem:s7], [sflag:$0x9], $0x400, $0x38;
	[tilespmem:$0x1E900] =	vst v63  }
0x1b6: {  	_ =	swait.ge [sflag:s8], $0x400  }
0x1b7: {  	s11 =	sld [smem:$0x7D2]  }
0x1b8: {  	[sflag:s8] =	ssyncset.done $0x0  }
0x1b9: {  	[sflag:s8] =	ssyncadd.s32 $0xFFFFFC00  }
0x1ba: {  	[spmem:s11] =	stream.linear.scatter [tilespmem:s7], [sflag:$0x9], $0x400, $0x38;
	[tilespmem:$0x1E900] =	vst v63  }
0x1bb: {  	_ =	swait.ge [sflag:s8], $0x400  }
0x1bc: {  	s0 =	sld [smem:$0x7D3]  }
0x1bd: {  	[sflag:s8] =	ssyncset.done $0x0  }
0x1be: {  	[sflag:s8] =	ssyncadd.s32 $0xFFFFFC00  }
0x1bf: {  	[spmem:s0] =	stream.linear.scatter [tilespmem:s7], [sflag:$0x9], $0x400, $0x38;
	[tilespmem:$0x1E900] =	vst v63  }
0x1c0: {  	_ =	swait.ge [sflag:s8], $0x400  }
0x1c1: {  	s6 =	sld [smem:$0x7D4]  }
0x1c2: {  	[sflag:s8] =	ssyncset.done $0x0  }
0x1c3: {  	[sflag:s8] =	ssyncadd.s32 $0xFFFFFC00  }
0x1c4: {  	[spmem:s6] =	stream.linear.scatter [tilespmem:s7], [sflag:$0x9], $0x400, $0x38;
	[tilespmem:$0x1E900] =	vst v63  }
0x1c5: {  	_ =	swait.ge [sflag:s8], $0x400  }
0x1c6: {  	s9 =	sld [smem:$0x7D5]  }
0x1c7: {  	[sflag:s8] =	ssyncset.done $0x0  }
0x1c8: {  	[sflag:s8] =	ssyncadd.s32 $0xFFFFFC00  }
0x1c9: {  	[spmem:s9] =	stream.linear.scatter [tilespmem:s7], [sflag:$0x9], $0x400, $0x38;
	[tilespmem:$0x1E900] =	vst v63  }
0x1ca: {  	_ =	swait.ge [sflag:s8], $0x400  }
0x1cb: {  	s10 =	sld [smem:$0x7D6]  }
0x1cc: {  	[sflag:s8] =	ssyncset.done $0x0  }
0x1cd: {  	[sflag:s8] =	ssyncadd.s32 $0xFFFFFC00  }
0x1ce: {  	[spmem:s10] =	stream.linear.scatter [tilespmem:s7], [sflag:$0x9], $0x400, $0x38;
	[tilespmem:$0x1E900] =	vst v63  }
0x1cf: {  	_ =	swait.ge [sflag:s8], $0x400  }
0x1d0: {  	s11 =	sld [smem:$0x7D7]  }
0x1d1: {  	[sflag:s8] =	ssyncset.done $0x0  }
0x1d2: {  	[sflag:s8] =	ssyncadd.s32 $0xFFFFFC00  }
0x1d3: {  	[spmem:s11] =	stream.linear.scatter [tilespmem:s7], [sflag:$0x9], $0x400, $0x38;
	[tilespmem:$0x1E900] =	vst v63  }
0x1d4: {  	_ =	swait.ge [sflag:s8], $0x400  }
0x1d5: {  	s0 =	sld [smem:$0x7D8]  }
0x1d6: {  	[sflag:s8] =	ssyncset.done $0x0  }
0x1d7: {  	[sflag:s8] =	ssyncadd.s32 $0xFFFFFC00  }
0x1d8: {  	[spmem:s0] =	stream.linear.scatter [tilespmem:s7], [sflag:$0x9], $0x400, $0x38;
	[tilespmem:$0x1E900] =	vst v63  }
0x1d9: {  	_ =	swait.ge [sflag:s8], $0x400  }
0x1da: {  	s6 =	sld [smem:$0x7D9]  }
0x1db: {  	[sflag:s8] =	ssyncset.done $0x0  }
0x1dc: {  	[sflag:s8] =	ssyncadd.s32 $0xFFFFFC00  }
0x1dd: {  	[spmem:s6] =	stream.linear.scatter [tilespmem:s7], [sflag:$0x9], $0x400, $0x38;
	[tilespmem:$0x1E900] =	vst v63  }
0x1de: {  	_ =	swait.ge [sflag:s8], $0x400  }
0x1df: {  	s9 =	sld [smem:$0x7DA]  }
0x1e0: {  	[sflag:s8] =	ssyncset.done $0x0  }
0x1e1: {  	[sflag:s8] =	ssyncadd.s32 $0xFFFFFC00  }
0x1e2: {  	[spmem:s9] =	stream.linear.scatter [tilespmem:s7], [sflag:$0x9], $0x400, $0x38;
	[tilespmem:$0x1E900] =	vst v63  }
0x1e3: {  	_ =	swait.ge [sflag:s8], $0x400  }
0x1e4: {  	s10 =	sld [smem:$0x7DB]  }
0x1e5: {  	[sflag:s8] =	ssyncset.done $0x0  }
0x1e6: {  	[sflag:s8] =	ssyncadd.s32 $0xFFFFFC00  }
0x1e7: {  	[spmem:s10] =	stream.linear.scatter [tilespmem:s7], [sflag:$0x9], $0x400, $0x38;
	[tilespmem:$0x1E900] =	vst v63  }
0x1e8: {  	_ =	swait.ge [sflag:s8], $0x400  }
0x1e9: {  	s11 =	sld [smem:$0x7DC]  }
0x1ea: {  	[sflag:s8] =	ssyncset.done $0x0  }
0x1eb: {  	[sflag:s8] =	ssyncadd.s32 $0xFFFFFC00  }
0x1ec: {  	[spmem:s11] =	stream.linear.scatter [tilespmem:s7], [sflag:$0x9], $0x400, $0x38;
	[tilespmem:$0x1E900] =	vst v63  }
0x1ed: {  	_ =	swait.ge [sflag:s8], $0x400  }
0x1ee: {  	s0 =	sld [smem:$0x7DD]  }
0x1ef: {  	[sflag:s8] =	ssyncset.done $0x0  }
0x1f0: {  	[sflag:s8] =	ssyncadd.s32 $0xFFFFFC00  }
0x1f1: {  	[spmem:s0] =	stream.linear.scatter [tilespmem:s7], [sflag:$0x9], $0x400, $0x38;
	[tilespmem:$0x1E900] =	vst v63  }
0x1f2: {  	_ =	swait.ge [sflag:s8], $0x400  }
0x1f3: {  	s6 =	sld [smem:$0x7DE]  }
0x1f4: {  	[sflag:s8] =	ssyncset.done $0x0  }
0x1f5: {  	[sflag:s8] =	ssyncadd.s32 $0xFFFFFC00  }
0x1f6: {  	[spmem:s6] =	stream.linear.scatter [tilespmem:s7], [sflag:$0x9], $0x400, $0x38;
	[tilespmem:$0x1E900] =	vst v63  }
0x1f7: {  	_ =	swait.ge [sflag:s8], $0x400  }
0x1f8: {  	s9 =	sld [smem:$0x7DF]  }
0x1f9: {  	[sflag:s8] =	ssyncset.done $0x0  }
0x1fa: {  	[sflag:s8] =	ssyncadd.s32 $0xFFFFFC00  }
0x1fb: {  	[spmem:s9] =	stream.linear.scatter [tilespmem:s7], [sflag:$0x9], $0x400, $0x38;
	[tilespmem:$0x1E900] =	vst v63  }
0x1fc: {  	_ =	swait.ge [sflag:s8], $0x400  }
0x1fd: {  	s10 =	sld [smem:$0x7E0]  }
0x1fe: {  	[sflag:s8] =	ssyncset.done $0x0  }
0x1ff: {  	[sflag:s8] =	ssyncadd.s32 $0xFFFFFC00  }
0x200: {  	[spmem:s10] =	stream.linear.scatter [tilespmem:s7], [sflag:$0x9], $0x400, $0x38;
	[tilespmem:$0x1E900] =	vst v63  }
0x201: {  	_ =	swait.ge [sflag:s8], $0x400  }
0x202: {  	s11 =	sld [smem:$0x7E1]  }
0x203: {  	[sflag:s8] =	ssyncset.done $0x0  }
0x204: {  	[sflag:s8] =	ssyncadd.s32 $0xFFFFFC00  }
0x205: {  	[spmem:s11] =	stream.linear.scatter [tilespmem:s7], [sflag:$0x9], $0x400, $0x38;
	[tilespmem:$0x1E900] =	vst v63  }
0x206: {  	_ =	swait.ge [sflag:s8], $0x400  }
0x207: {  	s0 =	sld [smem:$0x7E2]  }
0x208: {  	[sflag:s8] =	ssyncset.done $0x0  }
0x209: {  	[sflag:s8] =	ssyncadd.s32 $0xFFFFFC00  }
0x20a: {  	[spmem:s0] =	stream.linear.scatter [tilespmem:s7], [sflag:$0x9], $0x400, $0x38;
	[tilespmem:$0x1E900] =	vst v63  }
0x20b: {  	_ =	swait.ge [sflag:s8], $0x400  }
0x20c: {  	s6 =	sld [smem:$0x7E3]  }
0x20d: {  	[sflag:s8] =	ssyncset.done $0x0  }
0x20e: {  	[sflag:s8] =	ssyncadd.s32 $0xFFFFFC00  }
0x20f: {  	[spmem:s6] =	stream.linear.scatter [tilespmem:s7], [sflag:$0x9], $0x400, $0x38;
	[tilespmem:$0x1E900] =	vst v63  }
0x210: {  	_ =	swait.ge [sflag:s8], $0x400  }
0x211: {  	s9 =	sld [smem:$0x7E4]  }
0x212: {  	[sflag:s8] =	ssyncset.done $0x0  }
0x213: {  	[sflag:s8] =	ssyncadd.s32 $0xFFFFFC00  }
0x214: {  	[spmem:s9] =	stream.linear.scatter [tilespmem:s7], [sflag:$0x9], $0x400, $0x38;
	[tilespmem:$0x1E900] =	vst v63  }
0x215: {  	_ =	swait.ge [sflag:s8], $0x400  }
0x216: {  	s10 =	sld [smem:$0x7E5]  }
0x217: {  	[sflag:s8] =	ssyncset.done $0x0  }
0x218: {  	[sflag:s8] =	ssyncadd.s32 $0xFFFFFC00  }
0x219: {  	[spmem:s10] =	stream.linear.scatter [tilespmem:s7], [sflag:$0x9], $0x400, $0x38;
	[tilespmem:$0x1E900] =	vst v63  }
0x21a: {  	_ =	swait.ge [sflag:s8], $0x400  }
0x21b: {  	s11 =	sld [smem:$0x7E6]  }
0x21c: {  	[sflag:s8] =	ssyncset.done $0x0  }
0x21d: {  	[sflag:s8] =	ssyncadd.s32 $0xFFFFFC00  }
0x21e: {  	[spmem:s11] =	stream.linear.scatter [tilespmem:s7], [sflag:$0x9], $0x400, $0x38;
	[tilespmem:$0x1E900] =	vst v63  }
0x21f: {  	_ =	swait.ge [sflag:s8], $0x400  }
0x220: {  	s0 =	sld [smem:$0x7E7]  }
0x221: {  	[sflag:s8] =	ssyncset.done $0x0  }
0x222: {  	[sflag:s8] =	ssyncadd.s32 $0xFFFFFC00  }
0x223: {  	[spmem:s0] =	stream.linear.scatter [tilespmem:s7], [sflag:$0x9], $0x400, $0x38;
	[tilespmem:$0x1E900] =	vst v63  }
0x224: {  	_ =	swait.ge [sflag:s8], $0x400  }
0x225: {  	s6 =	sld [smem:$0x7E8]  }
0x226: {  	[sflag:s8] =	ssyncset.done $0x0  }
0x227: {  	[sflag:s8] =	ssyncadd.s32 $0xFFFFFC00  }
0x228: {  	[spmem:s6] =	stream.linear.scatter [tilespmem:s7], [sflag:$0x9], $0x400, $0x38;
	[tilespmem:$0x1E900] =	vst v63  }
0x229: {  	_ =	swait.ge [sflag:s8], $0x400  }
0x22a: {  	[sflag:s8] =	ssyncset.done $0x0  }
0x22b: {  	[sflag:s8] =	ssyncadd.s32 $0xFFFFFC00  }
0x22c: {  	[bflag:$0x0] =	sbarrier.arrive $0xFFFF  }
0x22d: {  	s9 =	sld [smem:$0x7FC];
	_ =	sdelay $0x1  }
0x22e: {  	s11 =	simm.s32 $0x14000;
	s10 =	sld [smem:$0x7EC]  }
0x22f: {  	[tilespmem:s11], [sflag:$0x7] =	stream.linear.gather [hbm4b:s9+s5], $0x50, $0x38;
	[tilespmem:$0x1E900] =	vst v63  }
0x230: {  	s0 =	sld [smem:$0x7ED];
	s9 =	simm.s32 $0x14280  }
0x231: {  	[tilespmem:s9], [sflag:$0x8] =	stream.linear.gather [hbm4b:s10+s5], $0x50, $0x38;
	[tilespmem:$0x1E900] =	vst v63  }
0x232: {  	s6 =	sld [smem:$0x7EE];
	s10 =	simm.s32 $0x14050  }
0x233: {  	[tilespmem:s10], [sflag:$0x7] =	stream.linear.gather [hbm4b:s0+s5], $0x50, $0x38;
	[tilespmem:$0x1E900] =	vst v63  }
0x234: {  	s0 =	simm.s32 $0x142D0  }
0x235: {  	[tilespmem:s0], [sflag:$0x8] =	stream.linear.gather [hbm4b:s6+s5], $0x50, $0x38;
	[tilespmem:$0x1E900] =	vst v63  }
0x236: {  	s6 =	sld [smem:$0x7EF];
	_ =	sdelay $0x1  }
0x237: {  	s3 =	sld [smem:$0x7F0];
	s0 =	simm.s32 $0x140A0  }
0x238: {  	[tilespmem:s0], [sflag:$0x7] =	stream.linear.gather [hbm4b:s6+s5], $0x50, $0x38;
	[tilespmem:$0x1E900] =	vst v63  }
0x239: {  	s6 =	simm.s32 $0x14320  }
0x23a: {  	[tilespmem:s6], [sflag:$0x8] =	stream.linear.gather [hbm4b:s3+s5], $0x50, $0x38;
	[tilespmem:$0x1E900] =	vst v63  }
0x23b: {  	s3 =	sld [smem:$0x7F1];
	_ =	sdelay $0x1  }
0x23c: {  	s6 =	simm.s32 $0x140F0  }
0x23d: {  	[tilespmem:s6], [sflag:$0x7] =	stream.linear.gather [hbm4b:s3+s5], $0x50, $0x38;
	[tilespmem:$0x1E900] =	vst v63  }
0x23e: {  	s3 =	sld [smem:$0x7F2];
	_ =	sdelay $0x2  }
0x23f: {  	[tilespmem:s19], [sflag:$0x8] =	stream.linear.gather [hbm4b:s3+s5], $0x50, $0x38;
	[tilespmem:$0x1E900] =	vst v63  }
0x240: {  	s3 =	sld [smem:$0x7F3];
	_ =	sdelay $0x1  }
0x241: {  	s19 =	simm.s32 $0x14140  }
0x242: {  	[tilespmem:s19], [sflag:$0x7] =	stream.linear.gather [hbm4b:s3+s5], $0x50, $0x38;
	[tilespmem:$0x1E900] =	vst v63  }
0x243: {  	s3 =	sld [smem:$0x7F4];
	_ =	sdelay $0x1  }
0x244: {  	s19 =	simm.s32 $0x143C0  }
0x245: {  	[tilespmem:s19], [sflag:$0x8] =	stream.linear.gather [hbm4b:s3+s5], $0x50, $0x38;
	[tilespmem:$0x1E900] =	vst v63  }
0x246: {  	s3 =	sld [smem:$0x7F5];
	_ =	sdelay $0x1  }
0x247: {  	s19 =	simm.s32 $0x14190  }
0x248: {  	[tilespmem:s19], [sflag:$0x7] =	stream.linear.gather [hbm4b:s3+s5], $0x50, $0x38;
	[tilespmem:$0x1E900] =	vst v63  }
0x249: {  	s3 =	sld [smem:$0x7F6];
	_ =	sdelay $0x1  }
0x24a: {  	s19 =	simm.s32 $0x14410  }
0x24b: {  	[tilespmem:s19], [sflag:$0x8] =	stream.linear.gather [hbm4b:s3+s5], $0x50, $0x38;
	[tilespmem:$0x1E900] =	vst v63  }
0x24c: {  	s19 =	simm.s32 $0x7  }
0x24d: {  	_ =	swait.ge [sflag:s19], $0x50  }
0x24e: {  	[sflag:s19] =	ssyncset.done $0x0  }
0x24f: {  	[sflag:s19] =	ssyncadd.s32 $0xFFFFFFB0  }
0x250: {  	_ =	swait.ge [sflag:s20], $0x50  }
0x251: {  	[sflag:s20] =	ssyncset.done $0x0  }
0x252: {  	[sflag:s20] =	ssyncadd.s32 $0xFFFFFFB0  }
0x253: {  	[tilespmem:s23], [sflag:$0x1] =	stream.indirect.gather [hbm4b:s1+s22], $0x80, s11, s22, $0xb8;
	[tilespmem:$0x1E900] =	vst v63  }
0x254: {  	s3 =	simm.s32 $0x14028  }
0x255: {  	[tilespmem:s24], [sflag:$0x1] =	stream.indirect.gather [hbm4b:s1+s22], $0x80, s3, s22, $0xb8;
	[tilespmem:$0x1E900] =	vst v63  }
0x256: {  	_ =	swait.ge [sflag:s19], $0x50  }
0x257: {  	[sflag:s19] =	ssyncset.done $0x0  }
0x258: {  	[sflag:s19] =	ssyncadd.s32 $0xFFFFFFB0  }
0x259: {  	_ =	swait.ge [sflag:s20], $0x50  }
0x25a: {  	[sflag:s20] =	ssyncset.done $0x0  }
0x25b: {  	[sflag:s20] =	ssyncadd.s32 $0xFFFFFFB0  }
0x25c: {  	[tilespmem:s12], [sflag:$0x2] =	stream.indirect.gather [hbm4b:s1+s22], $0x80, s10, s22, $0xb8;
	[tilespmem:$0x1E900] =	vst v63  }
0x25d: {  	s10 =	simm.s32 $0x14078  }
0x25e: {  	[tilespmem:s25], [sflag:$0x2] =	stream.indirect.gather [hbm4b:s1+s22], $0x80, s10, s22, $0xb8;
	[tilespmem:$0x1E900] =	vst v63  }
0x25f: {  	_ =	swait.ge [sflag:s19], $0x50  }
0x260: {  	[sflag:s19] =	ssyncset.done $0x0  }
0x261: {  	[sflag:s19] =	ssyncadd.s32 $0xFFFFFFB0  }
0x262: {  	_ =	swait.ge [sflag:s20], $0x50  }
0x263: {  	[sflag:s20] =	ssyncset.done $0x0  }
0x264: {  	[sflag:s20] =	ssyncadd.s32 $0xFFFFFFB0  }
0x265: {  	[tilespmem:s13], [sflag:$0x3] =	stream.indirect.gather [hbm4b:s1+s22], $0x80, s0, s22, $0xb8;
	[tilespmem:$0x1E900] =	vst v63  }
0x266: {  	s10 =	simm.s32 $0x140C8  }
0x267: {  	[tilespmem:s26], [sflag:$0x3] =	stream.indirect.gather [hbm4b:s1+s22], $0x80, s10, s22, $0xb8;
	[tilespmem:$0x1E900] =	vst v63  }
0x268: {  	_ =	swait.ge [sflag:s14], $0x1400  }
0x269: {  	[sflag:s14] =	ssyncset.done $0x0  }
0x26a: {  	[sflag:s14] =	ssyncadd.s32 $0xFFFFEC00  }
0x26b: {  	_ =	swait.ge [sflag:s14], $0x1400  }
0x26c: {  	[sflag:s14] =	ssyncset.done $0x0  }
0x26d: {  	[sflag:s14] =	ssyncadd.s32 $0xFFFFEC00  }
0x26e: {  	v2 =	vld [tilespmem:$0x14280];
	_ =	sdelay $0x7  }
0x26f: {  	[tilespmem:v2+s28+$0x0] =	vst.idx.add.f32.msk $0xffff, v1  }
0x270: {  	v2 =	vld [tilespmem:$0x14290];
	_ =	sdelay $0x7  }
0x271: {  	[tilespmem:v2+s28+$0x0] =	vst.idx.add.f32.msk $0xffff, v1  }
0x272: {  	v2 =	vld [tilespmem:$0x142A0];
	_ =	sdelay $0x7  }
0x273: {  	[tilespmem:v2+s28+$0x0] =	vst.idx.add.f32.msk $0xffff, v1  }
0x274: {  	v2 =	vld [tilespmem:$0x142B0];
	_ =	sdelay $0x7  }
0x275: {  	[tilespmem:v2+s28+$0x0] =	vst.idx.add.f32.msk $0xffff, v1  }
0x276: {  	v2 =	vld [tilespmem:$0x142C0];
	_ =	sdelay $0x7  }
0x277: {  	s0 =	sld [smem:$0x7F7];
	[tilespmem:v2+s28+$0x0] =	vst.idx.add.f32.msk $0xffff, v1  }
0x278: {  	[spmem:s4] =	stream.indirect.scatter.add.f32 [tilespmem:s23], [sflag:$0x4], $0x80, s9, s15, $0xb8;
	[tilespmem:$0x1E900] =	vst v63  }
0x279: {  	s10 =	simm.s32 $0x141E0  }
0x27a: {  	[tilespmem:s10], [sflag:$0x7] =	stream.linear.gather [hbm4b:s0+s5], $0x50, $0x38;
	[tilespmem:$0x1E900] =	vst v63  }
0x27b: {  	s0 =	sld [smem:$0x7F8];
	_ =	sdelay $0x1  }
0x27c: {  	s10 =	simm.s32 $0x14460  }
0x27d: {  	[tilespmem:s10], [sflag:$0x8] =	stream.linear.gather [hbm4b:s0+s5], $0x50, $0x38;
	[tilespmem:$0x1E900] =	vst v63  }
0x27e: {  	_ =	swait.ge [sflag:s19], $0x50  }
0x27f: {  	[sflag:s19] =	ssyncset.done $0x0  }
0x280: {  	[sflag:s19] =	ssyncadd.s32 $0xFFFFFFB0  }
0x281: {  	_ =	swait.ge [sflag:s20], $0x50  }
0x282: {  	[sflag:s20] =	ssyncset.done $0x0  }
0x283: {  	[sflag:s20] =	ssyncadd.s32 $0xFFFFFFB0  }
0x284: {  	_ =	swait.ge [sflag:s29], $0x2800  }
0x285: {  	[sflag:s29] =	ssyncset.done $0x0  }
0x286: {  	[sflag:s29] =	ssyncadd.s32 $0xFFFFD800  }
0x287: {  	[tilespmem:s23], [sflag:$0x1] =	stream.indirect.gather [hbm4b:s1+s22], $0x80, s6, s22, $0xb8;
	[tilespmem:$0x1E900] =	vst v63  }
0x288: {  	s10 =	simm.s32 $0x14118  }
0x289: {  	[tilespmem:s24], [sflag:$0x1] =	stream.indirect.gather [hbm4b:s1+s22], $0x80, s10, s22, $0xb8;
	[tilespmem:$0x1E900] =	vst v63  }
0x28a: {  	_ =	swait.ge [sflag:s16], $0x1400  }
0x28b: {  	[sflag:s16] =	ssyncset.done $0x0  }
0x28c: {  	[sflag:s16] =	ssyncadd.s32 $0xFFFFEC00  }
0x28d: {  	_ =	swait.ge [sflag:s16], $0x1400  }
0x28e: {  	[sflag:s16] =	ssyncset.done $0x0  }
0x28f: {  	[sflag:s16] =	ssyncadd.s32 $0xFFFFEC00  }
0x290: {  	v2 =	vld [tilespmem:$0x142D0];
	_ =	sdelay $0x7  }
0x291: {  	[tilespmem:v2+s28+$0x0] =	vst.idx.add.f32.msk $0xffff, v1  }
0x292: {  	v2 =	vld [tilespmem:$0x142E0];
	_ =	sdelay $0x7  }
0x293: {  	[tilespmem:v2+s28+$0x0] =	vst.idx.add.f32.msk $0xffff, v1  }
0x294: {  	v2 =	vld [tilespmem:$0x142F0];
	_ =	sdelay $0x7  }
0x295: {  	[tilespmem:v2+s28+$0x0] =	vst.idx.add.f32.msk $0xffff, v1  }
0x296: {  	v2 =	vld [tilespmem:$0x14300];
	_ =	sdelay $0x7  }
0x297: {  	[tilespmem:v2+s28+$0x0] =	vst.idx.add.f32.msk $0xffff, v1  }
0x298: {  	v2 =	vld [tilespmem:$0x14310];
	_ =	sdelay $0x7  }
0x299: {  	s3 =	simm.s32 $0x142D0;
	s6 =	sld [smem:$0x7F9];
	[tilespmem:v2+s28+$0x0] =	vst.idx.add.f32.msk $0xffff, v1  }
0x29a: {  	[spmem:s4] =	stream.indirect.scatter.add.f32 [tilespmem:s12], [sflag:$0x5], $0x80, s3, s15, $0xb8;
	[tilespmem:$0x1E900] =	vst v63  }
0x29b: {  	s10 =	simm.s32 $0x14230;
	s0 =	sld [smem:$0x7FA]  }
0x29c: {  	[tilespmem:s10], [sflag:$0x7] =	stream.linear.gather [hbm4b:s6+s5], $0x50, $0x38;
	[tilespmem:$0x1E900] =	vst v63  }
0x29d: {  	s6 =	simm.s32 $0x144B0  }
0x29e: {  	[tilespmem:s6], [sflag:$0x8] =	stream.linear.gather [hbm4b:s0+s5], $0x50, $0x38;
	[tilespmem:$0x1E900] =	vst v63  }
0x29f: {  	_ =	swait.ge [sflag:s19], $0x50  }
0x2a0: {  	[sflag:s19] =	ssyncset.done $0x0  }
0x2a1: {  	[sflag:s19] =	ssyncadd.s32 $0xFFFFFFB0  }
0x2a2: {  	_ =	swait.ge [sflag:s20], $0x50  }
0x2a3: {  	[sflag:s20] =	ssyncset.done $0x0  }
0x2a4: {  	[sflag:s20] =	ssyncadd.s32 $0xFFFFFFB0  }
0x2a5: {  	_ =	swait.ge [sflag:s30], $0x2800  }
0x2a6: {  	[sflag:s30] =	ssyncset.done $0x0  }
0x2a7: {  	s10 =	simm.s32 $0x14140;
	[sflag:s30] =	ssyncadd.s32 $0xFFFFD800  }
0x2a8: {  	[tilespmem:s12], [sflag:$0x2] =	stream.indirect.gather [hbm4b:s1+s22], $0x80, s10, s22, $0xb8;
	[tilespmem:$0x1E900] =	vst v63  }
0x2a9: {  	s3 =	simm.s32 $0x14168  }
0x2aa: {  	[tilespmem:s25], [sflag:$0x2] =	stream.indirect.gather [hbm4b:s1+s22], $0x80, s3, s22, $0xb8;
	[tilespmem:$0x1E900] =	vst v63  }
0x2ab: {  	_ =	swait.ge [sflag:s17], $0x1400  }
0x2ac: {  	[sflag:s17] =	ssyncset.done $0x0  }
0x2ad: {  	[sflag:s17] =	ssyncadd.s32 $0xFFFFEC00  }
0x2ae: {  	_ =	swait.ge [sflag:s17], $0x1400  }
0x2af: {  	[sflag:s17] =	ssyncset.done $0x0  }
0x2b0: {  	[sflag:s17] =	ssyncadd.s32 $0xFFFFEC00  }
0x2b1: {  	v2 =	vld [tilespmem:$0x14320];
	_ =	sdelay $0x7  }
0x2b2: {  	[tilespmem:v2+s28+$0x0] =	vst.idx.add.f32.msk $0xffff, v1  }
0x2b3: {  	v2 =	vld [tilespmem:$0x14330];
	_ =	sdelay $0x7  }
0x2b4: {  	[tilespmem:v2+s28+$0x0] =	vst.idx.add.f32.msk $0xffff, v1  }
0x2b5: {  	v2 =	vld [tilespmem:$0x14340];
	_ =	sdelay $0x7  }
0x2b6: {  	[tilespmem:v2+s28+$0x0] =	vst.idx.add.f32.msk $0xffff, v1  }
0x2b7: {  	v2 =	vld [tilespmem:$0x14350];
	_ =	sdelay $0x7  }
0x2b8: {  	[tilespmem:v2+s28+$0x0] =	vst.idx.add.f32.msk $0xffff, v1  }
0x2b9: {  	v2 =	vld [tilespmem:$0x14360];
	_ =	sdelay $0x7  }
0x2ba: {  	s6 =	simm.s32 $0x14320;
	s10 =	sld [smem:$0x7FB];
	[tilespmem:v2+s28+$0x0] =	vst.idx.add.f32.msk $0xffff, v1  }
0x2bb: {  	[spmem:s4] =	stream.indirect.scatter.add.f32 [tilespmem:s13], [sflag:$0x6], $0x80, s6, s15, $0xb8;
	[tilespmem:$0x1E900] =	vst v63  }
0x2bc: {  	_ = 	snop  }
0x2bd: {  	[tilespmem:s11], [sflag:$0x7] =	stream.linear.gather [hbm4b:s10+s5], $0x50, $0x38;
	[tilespmem:$0x1E900] =	vst v63  }
0x2be: {  	s11 =	sld [smem:$0x7FD];
	_ =	sdelay $0x2  }
0x2bf: {  	[tilespmem:s9], [sflag:$0x8] =	stream.linear.gather [hbm4b:s11+s5], $0x50, $0x38;
	[tilespmem:$0x1E900] =	vst v63  }
.LBB2_4:
0x2c0: {  	_ =	swait.ge [sflag:s31], $0x50  }
0x2c1: {  	[sflag:s31] =	ssyncset.done $0x0  }
0x2c2: {  	[sflag:s31] =	ssyncadd.s32 $0xFFFFFFB0  }
0x2c3: {  	_ =	swait.ge [sflag:s20], $0x50  }
0x2c4: {  	s3 =	sadd.s32 $0xFFFFFFFE, s19;
	[sflag:s20] =	ssyncset.done $0x0  }
0x2c5: {  	s3 =	sand.u32 $0x7, s3;
	[sflag:s20] =	ssyncadd.s32 $0xFFFFFFB0  }
0x2c6: {  	s3 =	smul.u32 $0x50, s3;
	_ =	swait.ge [sflag:s18], $0x2800  }
0x2c7: {  	[sflag:s18] =	ssyncset.done $0x0  }
0x2c8: {  	s9 =	sor.u32 $0x14000, s3;
	[sflag:s18] =	ssyncadd.s32 $0xFFFFD800  }
0x2c9: {  	[tilespmem:s13], [sflag:$0x3] =	stream.indirect.gather [hbm4b:s1+s22], $0x80, s9, s22, $0xb8;
	[tilespmem:$0x1E900] =	vst v63  }
0x2ca: {  	s11 =	sadd.s32 $0x14028, s3  }
0x2cb: {  	[tilespmem:s26], [sflag:$0x3] =	stream.indirect.gather [hbm4b:s1+s22], $0x80, s11, s22, $0xb8;
	[tilespmem:$0x1E900] =	vst v63  }
0x2cc: {  	_ =	swait.ge [sflag:s14], $0x1400  }
0x2cd: {  	s0 =	sadd.s32 $0xFFFFFFFC, s19;
	[sflag:s14] =	ssyncset.done $0x0  }
0x2ce: {  	s9 =	sand.u32 $0x7, s0;
	[sflag:s14] =	ssyncadd.s32 $0xFFFFEC00  }
0x2cf: {  	s9 =	smul.u32 $0x140, s9;
	_ =	swait.ge [sflag:s14], $0x1400  }
0x2d0: {  	[sflag:s14] =	ssyncset.done $0x0  }
0x2d1: {  	s10 =	sshrl.u32 s9, $0x2;
	[sflag:s14] =	ssyncadd.s32 $0xFFFFEC00  }
0x2d2: {  	v2 =	vld [tilespmem:s10+$0x14280];
	_ =	sdelay $0x7  }
0x2d3: {  	[tilespmem:v2+s28+$0x0] =	vst.idx.add.f32.msk $0xffff, v1  }
0x2d4: {  	v2 =	vld [tilespmem:s10+$0x14290];
	_ =	sdelay $0x7  }
0x2d5: {  	[tilespmem:v2+s28+$0x0] =	vst.idx.add.f32.msk $0xffff, v1  }
0x2d6: {  	v2 =	vld [tilespmem:s10+$0x142A0];
	_ =	sdelay $0x7  }
0x2d7: {  	[tilespmem:v2+s28+$0x0] =	vst.idx.add.f32.msk $0xffff, v1  }
0x2d8: {  	v2 =	vld [tilespmem:s10+$0x142B0];
	_ =	sdelay $0x7  }
0x2d9: {  	[tilespmem:v2+s28+$0x0] =	vst.idx.add.f32.msk $0xffff, v1  }
0x2da: {  	v2 =	vld [tilespmem:s10+$0x142C0];
	_ =	sdelay $0x6  }
0x2db: {  	s9 =	sadd.s32 $0xFFFFFFF9, s19  }
0x2dc: {  	s6 =	smin.u32 s9, $0x73;
	s10 =	sadd.s32 $0x14280, s10;
	[tilespmem:v2+s28+$0x0] =	vst.idx.add.f32.msk $0xffff, v1  }
0x2dd: {  	[spmem:s4] =	stream.indirect.scatter.add.f32 [tilespmem:s23], [sflag:$0x4], $0x80, s10, s15, $0xb8;
	[tilespmem:$0x1E900] =	vst v63  }
0x2de: {  	s10 =	sadd.s32 $0x9, s6  }
0x2df: {  	s11 =	smul.u32 $0x50, s10  }
0x2e0: {  	s10 =	sand.u32 $0x7, s10  }
0x2e1: {  	s10 =	smul.u32 $0x50, s10;
	s11 =	sadd.s32 s21, s11  }
0x2e2: {  	s11 =	sshrl.u32 s11, $0x3  }
0x2e3: {  	s6 =	sor.u32 $0x14000, s10;
	s11 =	sadd.s32 s2, s11  }
0x2e4: {  	[tilespmem:s6], [sflag:$0x7] =	stream.linear.gather [hbm4b:s11+s5], $0x50, $0x38;
	[tilespmem:$0x1E900] =	vst v63  }
0x2e5: {  	s10 =	sadd.s32 $0x14280, s10;
	s0 =	sadd.s32 $0x9C40, s11  }
0x2e6: {  	[tilespmem:s10], [sflag:$0x8] =	stream.linear.gather [hbm4b:s0+s5], $0x50, $0x38;
	[tilespmem:$0x1E900] =	vst v63  }
0x2e7: {  	_ =	swait.ge [sflag:s31], $0x50  }
0x2e8: {  	[sflag:s31] =	ssyncset.done $0x0  }
0x2e9: {  	[sflag:s31] =	ssyncadd.s32 $0xFFFFFFB0  }
0x2ea: {  	s10 =	sadd.s32 $0xFFFFFFFF, s19;
	_ =	swait.ge [sflag:s20], $0x50  }
0x2eb: {  	s6 =	sand.u32 $0x7, s10;
	[sflag:s20] =	ssyncset.done $0x0  }
0x2ec: {  	s6 =	smul.u32 $0x140, s6;
	[sflag:s20] =	ssyncadd.s32 $0xFFFFFFB0  }
0x2ed: {  	_ =	swait.ge [sflag:s29], $0x2800  }
0x2ee: {  	s6 =	sshrl.u32 s6, $0x2;
	[sflag:s29] =	ssyncset.done $0x0  }
0x2ef: {  	s11 =	sor.u32 $0x14000, s6;
	[sflag:s29] =	ssyncadd.s32 $0xFFFFD800  }
0x2f0: {  	[tilespmem:s23], [sflag:$0x1] =	stream.indirect.gather [hbm4b:s1+s22], $0x80, s11, s22, $0xb8;
	[tilespmem:$0x1E900] =	vst v63  }
0x2f1: {  	s6 =	sadd.s32 $0x14028, s6  }
0x2f2: {  	[tilespmem:s24], [sflag:$0x1] =	stream.indirect.gather [hbm4b:s1+s22], $0x80, s6, s22, $0xb8;
	[tilespmem:$0x1E900] =	vst v63  }
0x2f3: {  	_ =	swait.ge [sflag:s16], $0x1400  }
0x2f4: {  	s0 =	sand.u32 $0x7, s9;
	[sflag:s16] =	ssyncset.done $0x0  }
0x2f5: {  	s6 =	sxor.u32 $0x4, s0;
	[sflag:s16] =	ssyncadd.s32 $0xFFFFEC00  }
0x2f6: {  	s6 =	smul.u32 $0x140, s6;
	_ =	swait.ge [sflag:s16], $0x1400  }
0x2f7: {  	[sflag:s16] =	ssyncset.done $0x0  }
0x2f8: {  	s6 =	sshrl.u32 s6, $0x2;
	[sflag:s16] =	ssyncadd.s32 $0xFFFFEC00  }
0x2f9: {  	v2 =	vld [tilespmem:s6+$0x14280];
	_ =	sdelay $0x7  }
0x2fa: {  	[tilespmem:v2+s28+$0x0] =	vst.idx.add.f32.msk $0xffff, v1  }
0x2fb: {  	v2 =	vld [tilespmem:s6+$0x14290];
	_ =	sdelay $0x7  }
0x2fc: {  	[tilespmem:v2+s28+$0x0] =	vst.idx.add.f32.msk $0xffff, v1  }
0x2fd: {  	v2 =	vld [tilespmem:s6+$0x142A0];
	_ =	sdelay $0x7  }
0x2fe: {  	[tilespmem:v2+s28+$0x0] =	vst.idx.add.f32.msk $0xffff, v1  }
0x2ff: {  	v2 =	vld [tilespmem:s6+$0x142B0];
	_ =	sdelay $0x7  }
0x300: {  	[tilespmem:v2+s28+$0x0] =	vst.idx.add.f32.msk $0xffff, v1  }
0x301: {  	v2 =	vld [tilespmem:s6+$0x142C0];
	_ =	sdelay $0x7  }
0x302: {  	s10 =	smin.u32 s9, $0x72;
	s6 =	sadd.s32 $0x14280, s6;
	[tilespmem:v2+s28+$0x0] =	vst.idx.add.f32.msk $0xffff, v1  }
0x303: {  	[spmem:s4] =	stream.indirect.scatter.add.f32 [tilespmem:s12], [sflag:$0x5], $0x80, s6, s15, $0xb8;
	[tilespmem:$0x1E900] =	vst v63  }
0x304: {  	s6 =	sadd.s32 $0xA, s10  }
0x305: {  	s11 =	smul.u32 $0x50, s6  }
0x306: {  	s6 =	sand.u32 $0x7, s6  }
0x307: {  	s6 =	smul.u32 $0x50, s6;
	s10 =	sadd.s32 s21, s11  }
0x308: {  	s10 =	sshrl.u32 s10, $0x3  }
0x309: {  	s0 =	sor.u32 $0x14000, s6;
	s10 =	sadd.s32 s2, s10  }
0x30a: {  	[tilespmem:s0], [sflag:$0x7] =	stream.linear.gather [hbm4b:s10+s5], $0x50, $0x38;
	[tilespmem:$0x1E900] =	vst v63  }
0x30b: {  	s6 =	sadd.s32 $0x14280, s6;
	s10 =	sadd.s32 $0x9C40, s10  }
0x30c: {  	[tilespmem:s6], [sflag:$0x8] =	stream.linear.gather [hbm4b:s10+s5], $0x50, $0x38;
	[tilespmem:$0x1E900] =	vst v63  }
0x30d: {  	_ =	swait.ge [sflag:s31], $0x50  }
0x30e: {  	[sflag:s31] =	ssyncset.done $0x0  }
0x30f: {  	[sflag:s31] =	ssyncadd.s32 $0xFFFFFFB0  }
0x310: {  	_ =	swait.ge [sflag:s20], $0x50  }
0x311: {  	s11 =	sand.u32 $0x7, s19;
	[sflag:s20] =	ssyncset.done $0x0  }
0x312: {  	s6 =	smul.u32 $0x140, s11;
	[sflag:s20] =	ssyncadd.s32 $0xFFFFFFB0  }
0x313: {  	_ =	swait.ge [sflag:s30], $0x2800  }
0x314: {  	s6 =	sshrl.u32 s6, $0x2;
	[sflag:s30] =	ssyncset.done $0x0  }
0x315: {  	s0 =	sor.u32 $0x14000, s6;
	[sflag:s30] =	ssyncadd.s32 $0xFFFFD800  }
0x316: {  	[tilespmem:s12], [sflag:$0x2] =	stream.indirect.gather [hbm4b:s1+s22], $0x80, s0, s22, $0xb8;
	[tilespmem:$0x1E900] =	vst v63  }
0x317: {  	s6 =	sadd.s32 $0x14028, s6  }
0x318: {  	[tilespmem:s25], [sflag:$0x2] =	stream.indirect.gather [hbm4b:s1+s22], $0x80, s6, s22, $0xb8;
	[tilespmem:$0x1E900] =	vst v63  }
0x319: {  	_ =	swait.ge [sflag:s17], $0x1400  }
0x31a: {  	[sflag:s17] =	ssyncset.done $0x0  }
0x31b: {  	[sflag:s17] =	ssyncadd.s32 $0xFFFFEC00  }
0x31c: {  	_ =	swait.ge [sflag:s17], $0x1400  }
0x31d: {  	[sflag:s17] =	ssyncset.done $0x0  }
0x31e: {  	[sflag:s17] =	ssyncadd.s32 $0xFFFFEC00  }
0x31f: {  	v2 =	vld [tilespmem:s3+$0x14280];
	_ =	sdelay $0x7  }
0x320: {  	[tilespmem:v2+s28+$0x0] =	vst.idx.add.f32.msk $0xffff, v1  }
0x321: {  	v2 =	vld [tilespmem:s3+$0x14290];
	_ =	sdelay $0x7  }
0x322: {  	[tilespmem:v2+s28+$0x0] =	vst.idx.add.f32.msk $0xffff, v1  }
0x323: {  	v2 =	vld [tilespmem:s3+$0x142A0];
	_ =	sdelay $0x7  }
0x324: {  	[tilespmem:v2+s28+$0x0] =	vst.idx.add.f32.msk $0xffff, v1  }
0x325: {  	v2 =	vld [tilespmem:s3+$0x142B0];
	_ =	sdelay $0x7  }
0x326: {  	[tilespmem:v2+s28+$0x0] =	vst.idx.add.f32.msk $0xffff, v1  }
0x327: {  	v2 =	vld [tilespmem:s3+$0x142C0];
	_ =	sdelay $0x7  }
0x328: {  	s9 =	smin.u32 s9, $0x71;
	s3 =	sadd.s32 $0x14280, s3;
	[tilespmem:v2+s28+$0x0] =	vst.idx.add.f32.msk $0xffff, v1  }
0x329: {  	[spmem:s4] =	stream.indirect.scatter.add.f32 [tilespmem:s13], [sflag:$0x6], $0x80, s3, s15, $0xb8;
	[tilespmem:$0x1E900] =	vst v63  }
0x32a: {  	s3 =	sadd.s32 $0xB, s9  }
0x32b: {  	s10 =	smul.u32 $0x50, s3  }
0x32c: {  	s3 =	sand.u32 $0x7, s3  }
0x32d: {  	p0 =	sne.s32 s19, $0x7C;
	s3 =	smul.u32 $0x50, s3;
	s6 =	sadd.s32 s21, s10  }
.Ltmp1:
0x32e: {  	s6 =	sshrl.u32 s6, $0x3;
	(pc) =	sbr.rel @p0 .LBB2_4-.Ltmp1, $4  }
0x32f: {  	s11 =	sor.u32 $0x14000, s3;
	s6 =	sadd.s32 s2, s6  }
0x330: {  	[tilespmem:s11], [sflag:$0x7] =	stream.linear.gather [hbm4b:s6+s5], $0x50, $0x38;
	[tilespmem:$0x1E900] =	vst v63  }
0x331: {  	s19 =	sadd.s32 $0x3, s19;
	s3 =	sadd.s32 $0x14280, s3;
	s6 =	sadd.s32 $0x9C40, s6  }
0x332: {  	[tilespmem:s3], [sflag:$0x8] =	stream.linear.gather [hbm4b:s6+s5], $0x50, $0x38;
	[tilespmem:$0x1E900] =	vst v63  }
0x333: {  	_ =	swait.ge [sflag:s14], $0x1400  }
0x334: {  	[sflag:s14] =	ssyncset.done $0x0  }
0x335: {  	[sflag:s14] =	ssyncadd.s32 $0xFFFFEC00  }
0x336: {  	_ =	swait.ge [sflag:s14], $0x1400  }
0x337: {  	[sflag:s14] =	ssyncset.done $0x0  }
0x338: {  	[sflag:s14] =	ssyncadd.s32 $0xFFFFEC00  }
0x339: {  	v2 =	vld [tilespmem:$0x14370];
	_ =	sdelay $0x7  }
0x33a: {  	[tilespmem:v2+s28+$0x0] =	vst.idx.add.f32.msk $0xffff, v1  }
0x33b: {  	v2 =	vld [tilespmem:$0x14380];
	_ =	sdelay $0x7  }
0x33c: {  	[tilespmem:v2+s28+$0x0] =	vst.idx.add.f32.msk $0xffff, v1  }
0x33d: {  	v2 =	vld [tilespmem:$0x14390];
	_ =	sdelay $0x7  }
0x33e: {  	[tilespmem:v2+s28+$0x0] =	vst.idx.add.f32.msk $0xffff, v1  }
0x33f: {  	v2 =	vld [tilespmem:$0x143A0];
	_ =	sdelay $0x7  }
0x340: {  	[tilespmem:v2+s28+$0x0] =	vst.idx.add.f32.msk $0xffff, v1  }
0x341: {  	v2 =	vld [tilespmem:$0x143B0];
	_ =	sdelay $0x7  }
0x342: {  	s19 =	simm.s32 $0x14370;
	[tilespmem:v2+s28+$0x0] =	vst.idx.add.f32.msk $0xffff, v1  }
0x343: {  	[spmem:s4] =	stream.indirect.scatter.add.f32 [tilespmem:s23], [sflag:$0x4], $0x80, s19, s15, $0xb8;
	[tilespmem:$0x1E900] =	vst v63  }
0x344: {  	_ =	swait.ge [sflag:s16], $0x1400  }
0x345: {  	[sflag:s16] =	ssyncset.done $0x0  }
0x346: {  	[sflag:s16] =	ssyncadd.s32 $0xFFFFEC00  }
0x347: {  	_ =	swait.ge [sflag:s16], $0x1400  }
0x348: {  	[sflag:s16] =	ssyncset.done $0x0  }
0x349: {  	[sflag:s16] =	ssyncadd.s32 $0xFFFFEC00  }
0x34a: {  	v2 =	vld [tilespmem:$0x143C0];
	_ =	sdelay $0x7  }
0x34b: {  	[tilespmem:v2+s28+$0x0] =	vst.idx.add.f32.msk $0xffff, v1  }
0x34c: {  	v2 =	vld [tilespmem:$0x143D0];
	_ =	sdelay $0x7  }
0x34d: {  	[tilespmem:v2+s28+$0x0] =	vst.idx.add.f32.msk $0xffff, v1  }
0x34e: {  	v2 =	vld [tilespmem:$0x143E0];
	_ =	sdelay $0x7  }
0x34f: {  	[tilespmem:v2+s28+$0x0] =	vst.idx.add.f32.msk $0xffff, v1  }
0x350: {  	v2 =	vld [tilespmem:$0x143F0];
	_ =	sdelay $0x7  }
0x351: {  	[tilespmem:v2+s28+$0x0] =	vst.idx.add.f32.msk $0xffff, v1  }
0x352: {  	v2 =	vld [tilespmem:$0x14400];
	_ =	sdelay $0x7  }
0x353: {  	s0 =	simm.s32 $0x143C0;
	[tilespmem:v2+s28+$0x0] =	vst.idx.add.f32.msk $0xffff, v1  }
0x354: {  	[spmem:s4] =	stream.indirect.scatter.add.f32 [tilespmem:s12], [sflag:$0x5], $0x80, s0, s15, $0xb8;
	[tilespmem:$0x1E900] =	vst v63  }
0x355: {  	_ =	swait.ge [sflag:s18], $0x2800  }
0x356: {  	[sflag:s18] =	ssyncset.done $0x0  }
0x357: {  	[sflag:s18] =	ssyncadd.s32 $0xFFFFD800  }
0x358: {  	_ =	swait.ge [sflag:s29], $0x2800  }
0x359: {  	[sflag:s29] =	ssyncset.done $0x0  }
0x35a: {  	[sflag:s29] =	ssyncadd.s32 $0xFFFFD800  }
0x35b: {  	_ =	swait.ge [sflag:s30], $0x2800  }
0x35c: {  	[sflag:s30] =	ssyncset.done $0x0  }
0x35d: {  	[sflag:s30] =	ssyncadd.s32 $0xFFFFD800  }
0x35e: {  	_ =	swait.ge [sflag:s31], $0x50  }
0x35f: {  	[sflag:s31] =	ssyncset.done $0x0  }
0x360: {  	[sflag:s31] =	ssyncadd.s32 $0xFFFFFFB0  }
0x361: {  	_ =	swait.ge [sflag:s20], $0x50  }
0x362: {  	[sflag:s20] =	ssyncset.done $0x0  }
0x363: {  	[sflag:s20] =	ssyncadd.s32 $0xFFFFFFB0  }
0x364: {  	_ =	swait.ge [sflag:s31], $0x50  }
0x365: {  	[sflag:s31] =	ssyncset.done $0x0  }
0x366: {  	[sflag:s31] =	ssyncadd.s32 $0xFFFFFFB0  }
0x367: {  	_ =	swait.ge [sflag:s20], $0x50  }
0x368: {  	[sflag:s20] =	ssyncset.done $0x0  }
0x369: {  	[sflag:s20] =	ssyncadd.s32 $0xFFFFFFB0  }
0x36a: {  	_ =	swait.ge [sflag:s31], $0x50  }
0x36b: {  	[sflag:s31] =	ssyncset.done $0x0  }
0x36c: {  	[sflag:s31] =	ssyncadd.s32 $0xFFFFFFB0  }
0x36d: {  	_ =	swait.ge [sflag:s20], $0x50  }
0x36e: {  	[sflag:s20] =	ssyncset.done $0x0  }
0x36f: {  	[sflag:s20] =	ssyncadd.s32 $0xFFFFFFB0  }
0x370: {  	_ =	swait.ge [sflag:s31], $0x50  }
0x371: {  	[sflag:s31] =	ssyncset.done $0x0  }
0x372: {  	[sflag:s31] =	ssyncadd.s32 $0xFFFFFFB0  }
0x373: {  	_ =	swait.ge [sflag:s20], $0x50  }
0x374: {  	[sflag:s20] =	ssyncset.done $0x0  }
0x375: {  	[sflag:s20] =	ssyncadd.s32 $0xFFFFFFB0  }
0x376: {  	[bflag:$0x0] =	sbarrier.arrive $0xFFFF  }
0x377: {  	s3 =	stileid.u32;
	s9 =	sld [smem:$0x7E9]  }
0x378: {  	s3 =	sshll.u32 s3, $0x6;
	s10 =	rddreg [dreg:$0x5]  }
0x379: {  	s3 =	sor.u32 $0x1C09, s3;
	s6 =	sshrl.u32 s10, $0x3  }
0x37a: {  	[hbm:s9], [sflag:s3] =	dma.local [spmem:s6], $0x2800  }
0x37b: {  	_ =	swait.ge [sflag:s8], $0x2800  }
0x37c: {  	s6 =	sld [smem:$0x7EA]  }
0x37d: {  	[sflag:s8] =	ssyncset.done $0x0  }
0x37e: {  	[sflag:s8] =	ssyncadd.s32 $0xFFFFD800  }
0x37f: {  	[hbm4b:s6+s5] =	stream.linear.scatter [tilespmem:s28], [sflag:$0x9], $0x2800, $0x38;
	[tilespmem:$0x1E900] =	vst v63  }
0x380: {  	_ =	swait.ge [sflag:s8], $0x2800  }
0x381: {  	s9 =	sld [smem:$0x7B3]  }
0x382: {  	s11 =	sld [smem:$0x7EB];
	_ =	sdelay $0x1  }
0x383: {  	s0 =	sadd.s32 $0x1, s9  }
0x384: {  	p0 =	sne.s32 s0, s11  }
.Ltmp2:
0x385: {  	_ = 	snop;
	(pc) =	sbr.rel @p0 .LBB2_1-.Ltmp2, $3  }
0x386: {  	_ =	sdelay $0x1  }
0x387: {  	[sflag:s8] =	ssyncset.done $0x0  }
0x388: {  	[sflag:s8] =	ssyncadd.s32 $0xFFFFD800  }
0x389: {  	_ =	sfence.sel $0x180000  }
0x38a: {  	[bflag:$0x0] =	sbarrier.arrive $0xFFFF  }
0x38b: {  	_ =	strace $0x90000047  }
0x38c: {  	s0 =	stileid.u32;
	[bflag:$0x2] =	sbarrier.arrive $0xFFFF  }
0x38d: {  	p0 =	sne.s32 s0, $0x0;
	s0 =	rddreg [dreg:$0x4]  }
0x38e: {  	s0 =	sadd.s32 @!p0 $0x100000, s0  }
0x38f: {  	[sflag:s0] =	ssyncadd.tile.s32 @!p0 $0x1;
	_ =	shalt  }
.Lfunc_end2:
_tile_overlayer_lowered:
.L_overlay_start_2:
0x390: {  	(tag) =	ssettag $0x2  }
0x391: {  	s0 =	rddreg [dreg:$0x0];
	s2 =	stileid.u32  }
0x392: {  	s1 =	rddreg [dreg:$0x1];
	p0 =	sne.s32 s2, $0x0  }
0x393: {  	s3 =	rddreg [dreg:$0x2];
	[bflag:$0x3] =	sbarrier.arrive $0xFFFF;
	s2 =	simm.s32 @!p0 $0x1C09  }
0x394: {  	[timem:s3], [sflag:s2] =	dma.local @!p0 [hbm:s0], s1  }
0x395: {  	s0 =	simm.s32 @!p0 $0x9  }
0x396: {  	_ =	swait.ge @!p0 [sflag:s0], s1  }
0x397: {  	s1 =	ssub.s32 @!p0 $0x0, s1;
	[sflag:s0] =	ssyncset.done @!p0 $0x0  }
0x398: {  	[sflag:s0] =	ssyncadd.s32 @!p0 s1  }
0x399: {  	[bflag:$0x3] =	sbarrier.arrive $0xFFFF  }
0x39a: {  	_ =	shalt  }

</sc_bundles>
